<compile_context>
chip_gen: v7x
topology: tpu7x:2x2x1
jax: 0.10.2.dev20260603
libtpu: 0.0.44.dev20260713+nightly
codegen_flags: <defaults>
</compile_context>

<pallas_src>
import functools

import jax
import jax.numpy as jnp
from jax import lax
from jax.experimental import pallas as pl
from jax.experimental.pallas import tpu as pltpu
from jax.experimental.pallas import tpu_sc as plsc

N = 10000
E = 160000
H = 2
D = 128
L = 4

BN = 1000
K = 80
NT = N // 16
DUMP = NT
EPAD = E + 2 * K



def _proj_body(x_ref, w_ref, o0, o1, o2, o3):
    xb = x_ref[...]
    y = jnp.dot(xb, w_ref[...], preferred_element_type=jnp.float32)
    o0[...] = y[:, 0 * D:1 * D]
    o1[...] = y[:, 1 * D:2 * D]
    o2[...] = y[:, 2 * D:3 * D]
    o3[...] = y[:, 3 * D:4 * D]


def _proj(x, w_cat):
    out = jax.ShapeDtypeStruct((N, D), jnp.float32)
    return pl.pallas_call(
        _proj_body,
        grid=(N // BN,),
        in_specs=[
            pl.BlockSpec((BN, D), lambda i: (i, 0)),
            pl.BlockSpec((D, 4 * D), lambda i: (0, 0)),
        ],
        out_specs=[pl.BlockSpec((BN, D), lambda i: (i, 0))] * 4,
        out_shape=[out] * 4,
    )(x, w_cat)


def _epilogue_body(o0_ref, o1_ref, b_ref, o_ref):
    x = (o0_ref[...] + o1_ref[...]) * 0.5 + b_ref[...]
    o_ref[...] = jnp.maximum(x, 0.01 * x)


def _epilogue(h0, h1, b_row):
    return pl.pallas_call(
        _epilogue_body,
        grid=(N // BN,),
        in_specs=[
            pl.BlockSpec((BN, D), lambda i: (i, 0)),
            pl.BlockSpec((BN, D), lambda i: (i, 0)),
            pl.BlockSpec((1, D), lambda i: (0, 0)),
        ],
        out_specs=pl.BlockSpec((BN, D), lambda i: (i, 0)),
        out_shape=jax.ShapeDtypeStruct((N, D), jnp.float32),
    )(h0, h1, b_row)


def _final_body(x_ref, w_ref, b_ref, o_ref):
    y = jnp.dot(x_ref[...], w_ref[...], preferred_element_type=jnp.float32)
    y = y + b_ref[...]
    o_ref[...] = jnp.maximum(y, 0.01 * y)


def _final(x, wo, bo_row):
    return pl.pallas_call(
        _final_body,
        grid=(N // BN,),
        in_specs=[
            pl.BlockSpec((BN, D), lambda i: (i, 0)),
            pl.BlockSpec((D, D), lambda i: (0, 0)),
            pl.BlockSpec((1, D), lambda i: (0, 0)),
        ],
        out_specs=pl.BlockSpec((BN, D), lambda i: (i, 0)),
        out_shape=jax.ShapeDtypeStruct((N, D), jnp.float32),
    )(x, wo, bo_row)



def _edge_body(xl0, xl1, xr0, xr1, src_hbm, dst_hbm, att0, att1,
               starts_hbm, ends_hbm,
               out0, out1,
               src_v, dst_v, xl_rows, xr_rows, att_v, bnd_s, bnd_e,
               obuf, s_loc, wbuf, sem):
    c = lax.axis_index("c")
    s = lax.axis_index("s")

    z16 = jnp.zeros((16,), jnp.float32)
    NJ = D // 16

    def zrow(i, _):
        def zcol(j, _):
            obuf[i, pl.ds(pl.multiple_of(j * 16, 16), 16)] = z16
            return 0
        return lax.fori_loop(0, NJ, zcol, 0)

    lax.fori_loop(0, NT + 1, zrow, 0)

    for g in range((NT + 15) // 16):
        s_loc[pl.ds(16 * g, 16)] = z16
    s_loc[pl.ds(624, 16)] = z16

    @pl.when(c == 0)
    def _():
        pltpu.sync_copy(att0, att_v)

    @pl.when(c == 1)
    def _():
        pltpu.sync_copy(att1, att_v)

    pltpu.sync_copy(starts_hbm, bnd_s)
    pltpu.sync_copy(ends_hbm, bnd_e)

    att_regs = [att_v[pl.ds(16 * j, 16)] for j in range(NJ)]
    lane = lax.iota(jnp.int32, 16)
    lane0 = lane == 0

    sel = jnp.where(lane == s, jnp.int32(1), jnp.int32(0))
    start = jnp.sum(sel * bnd_s[pl.ds(0, 16)])
    end = jnp.sum(sel * bnd_e[pl.ds(0, 16)])
    start_al = start & jnp.int32(-8)
    nch = (end - start_al + (K - 1)) // K
    base_v = jnp.full((16,), s * NT, jnp.int32)
    start_v = jnp.full((16,), start, jnp.int32)
    end_v = jnp.full((16,), end, jnp.int32)
    dump_v = jnp.full((16,), DUMP, jnp.int32)

    def chunk(k, _):
        cb = pl.multiple_of(start_al + k * K, 8)
        pltpu.sync_copy(src_hbm.at[pl.ds(cb, K)], src_v)
        pltpu.sync_copy(dst_hbm.at[pl.ds(cb, K)], dst_v)

        @pl.when(c == 0)
        def _():
            cp1 = pltpu.async_copy(xl0.at[src_v], xl_rows, sem)
            cp2 = pltpu.async_copy(xr0.at[dst_v], xr_rows, sem)
            cp1.wait()
            cp2.wait()

        @pl.when(c == 1)
        def _():
            cp1 = pltpu.async_copy(xl1.at[src_v], xl_rows, sem)
            cp2 = pltpu.async_copy(xr1.at[dst_v], xr_rows, sem)
            cp1.wait()
            cp2.wait()

        cb_v = jnp.full((16,), cb, jnp.int32)

        def edge(e, _):
            acc = z16
            xv = []
            for j in range(NJ):
                xj = xl_rows[e, pl.ds(16 * j, 16)]
                rj = xr_rows[e, pl.ds(16 * j, 16)]
                xv.append(xj)
                t = xj + rj
                t = jnp.maximum(t, 0.2 * t)
                acc = acc + t * att_regs[j]
            logit = jnp.sum(acc)
            av = jnp.exp(jnp.full((16,), logit, jnp.float32))
            p_v = cb_v + e
            valid_v = (p_v >= start_v) & (p_v < end_v)
            de = plsc.load_gather(dst_v, [jnp.full((16,), e, jnp.int32)])
            dloc_v = jnp.where(valid_v, de - base_v, dump_v)
            for j in range(NJ):
                plsc.addupdate_scatter(
                    obuf, [dloc_v, lane + (16 * j)], av * xv[j])
            plsc.addupdate_scatter(s_loc, [dloc_v], av, mask=lane0)
            return 0

        lax.fori_loop(0, K, edge, 0)
        return 0

    lax.fori_loop(0, nch, chunk, 0)

    def block(q, _):
        r0 = q * 125

        def nrow(r, _):
            row = r0 + r
            dv = plsc.load_gather(
                s_loc, [jnp.full((16,), row, jnp.int32)]) + 1e-16
            rb = r * D

            def ncol(j, _):
                i = pl.ds(pl.multiple_of(j * 16, 16), 16)
                wbuf[pl.ds(pl.multiple_of(rb + j * 16, 16), 16)] = (
                    obuf[row, i] / dv)
                return 0

            return lax.fori_loop(0, NJ, ncol, 0)

        lax.fori_loop(0, 125, nrow, 0)

        ob = pl.multiple_of((s * NT + r0) * D, 8)

        @pl.when(c == 0)
        def _():
            pltpu.sync_copy(wbuf, out0.at[pl.ds(ob, 125 * D)])

        @pl.when(c == 1)
        def _():
            pltpu.sync_copy(wbuf, out1.at[pl.ds(ob, 125 * D)])

        return 0

    lax.fori_loop(0, 5, block, 0)


_edge_kernel = functools.partial(
    pl.kernel,
    out_type=[jax.ShapeDtypeStruct((N * D,), jnp.float32)] * 2,
    mesh=plsc.VectorSubcoreMesh(core_axis_name="c", subcore_axis_name="s",
                                num_cores=2, num_subcores=16),
    compiler_params=pltpu.CompilerParams(needs_layout_passes=False),
    scratch_types=[
        pltpu.VMEM((K,), jnp.int32),
        pltpu.VMEM((K,), jnp.int32),
        pltpu.VMEM((K, D), jnp.float32),
        pltpu.VMEM((K, D), jnp.float32),
        pltpu.VMEM((D,), jnp.float32),
        pltpu.VMEM((16,), jnp.int32),
        pltpu.VMEM((16,), jnp.int32),
        pltpu.VMEM((NT + 1, D), jnp.float32),
        pltpu.VMEM((NT + 15,), jnp.float32),
        pltpu.VMEM((125 * D,), jnp.float32),
        pltpu.SemaphoreType.DMA,
    ],
)(_edge_body)



def kernel(edge_index, edge_weight, emb, Wl, Wr, att, b, Wo, bo):
    src = edge_index[0]
    dst = edge_index[1]
    perm = jnp.argsort(dst)
    srcs = jnp.concatenate([src[perm], jnp.zeros((2 * K,), jnp.int32)])
    dsts_s = dst[perm]
    dsts = jnp.concatenate([dsts_s, jnp.zeros((2 * K,), jnp.int32)])
    tick = jnp.arange(16, dtype=jnp.int32) * NT
    starts = jnp.searchsorted(dsts_s, tick).astype(jnp.int32)
    ends = jnp.searchsorted(dsts_s, tick + NT).astype(jnp.int32)

    w_cat = jnp.concatenate([Wl, Wr], axis=2)
    b_rows = b.reshape(L, 1, D)
    bo_row = bo.reshape(1, D)

    x = emb
    for l in range(L):
        xl0, xl1, xr0, xr1 = _proj(x, w_cat[l])
        h0, h1 = _edge_kernel(xl0, xl1, xr0, xr1, srcs, dsts,
                              att[l, 0], att[l, 1], starts, ends)
        x = _epilogue(h0.reshape(N, D), h1.reshape(N, D), b_rows[l])
    return _final(x, Wo, bo_row)

# --- scband reference (transcript-rebuilt; emitter-appended) ---
"""Pipeline reference for scband-gnn-438086664596 (READ-ONLY COPY).

The authoritative reference and input builder live on the scoring server;
editing this copy changes nothing except your own understanding.
"""

import jax, jax.numpy as jnp
import numpy as np

N = 10000   # num_perts (nodes)
E = 160000  # edges
H = 2       # heads
D = 128     # hidden_dim = out_dim per head
L = 4       # num_layers


def setup_inputs(seed: int = 0) -> dict:
    key = jax.random.key(seed)
    ks = jax.random.split(key, 10)
    edge_index = jax.random.randint(ks[0], (2, E), 0, N, dtype=jnp.int32)
    edge_weight = jax.random.uniform(ks[1], (E, 1), dtype=jnp.float32)
    # learned params
    emb = jax.random.normal(ks[2], (N, D), dtype=jnp.float32) * 0.02  # pert_embeddings table
    Wl = jax.random.normal(ks[3], (L, D, H * D), dtype=jnp.float32) * (1.0 / np.sqrt(D))  # GATv2 lin_l per layer
    Wr = jax.random.normal(ks[4], (L, D, H * D), dtype=jnp.float32) * (1.0 / np.sqrt(D))  # GATv2 lin_r per layer
    att = jax.random.normal(ks[5], (L, H, D), dtype=jnp.float32) * 0.1  # attention vector per layer
    b = jnp.zeros((L, D), dtype=jnp.float32)  # GATv2 bias per layer (concat=False -> out dim D)
    Wo = jax.random.normal(ks[6], (D, D), dtype=jnp.float32) * (1.0 / np.sqrt(D))  # out_nn
    bo = jnp.zeros((D,), dtype=jnp.float32)
    return {"edge_index": edge_index, "edge_weight": edge_weight, "emb": emb,
            "Wl": Wl, "Wr": Wr, "att": att, "b": b, "Wo": Wo, "bo": bo}


def _gatv2_layer(x, src, dst, Wl_, Wr_, att_, b_):
    # PyG GATv2Conv: concat=False, add_self_loops=False, negative_slope=0.2
    xl = (x @ Wl_).reshape(N, H, D)
    xr = (x @ Wr_).reshape(N, H, D)
    e = jax.nn.leaky_relu(xl[src] + xr[dst], negative_slope=0.2)      # [E,H,D]
    logits = jnp.einsum('ehd,hd->eh', e, att_)                        # [E,H]
    m = jax.ops.segment_max(logits, dst, num_segments=N)              # [N,H]
    m = jnp.where(jnp.isfinite(m), m, 0.0)
    a = jnp.exp(logits - m[dst])                                      # [E,H]
    s = jax.ops.segment_sum(a, dst, num_segments=N)                   # [N,H]
    alpha = a / (s[dst] + 1e-16)                                      # softmax over incoming edges
    out = jax.ops.segment_sum(xl[src] * alpha[:, :, None], dst, num_segments=N)  # [N,H,D]
    return out.mean(axis=1) + b_                                      # concat=False -> mean over heads


def reference(edge_index, edge_weight, emb, Wl, Wr, att, b, Wo, bo):
    # use_edge_weight=False -> edge_weight ignored (set to None in torch forward)
    src = edge_index[0]
    dst = edge_index[1]
    x = emb  # pert_embeddings(arange(num_perts)) == full table
    for l in range(L):
        x = _gatv2_layer(x, src, dst, Wl[l], Wr[l], att[l], b[l])
        x = jax.nn.leaky_relu(x, negative_slope=0.01)  # F.leaky_relu default
        # dropout p=0.0 -> identity
    x = x @ Wo + bo
    x = jax.nn.leaky_relu(x, negative_slope=0.01)
    return x

if __name__ == "__main__":
    import jax
    _d = setup_inputs()
    print(jax.jit(kernel)(*tuple(_d.values())))

</pallas_src>

<mosaic_0001>
#map = affine_map<(d0, d1) -> (0, 0)>
#map1 = affine_map<(d0, d1) -> (0)>
module attributes {stable_mosaic.version = 14 : i64} {
  func.func @_edge_body(%arg0: i32, %arg1: i32, %arg2: memref<10000x128xf32, #tpu.memory_space<hbm>>, %arg3: memref<10000x128xf32, #tpu.memory_space<hbm>>, %arg4: memref<10000x128xf32, #tpu.memory_space<hbm>>, %arg5: memref<10000x128xf32, #tpu.memory_space<hbm>>, %arg6: memref<160160xi32, #tpu.memory_space<hbm>>, %arg7: memref<160160xi32, #tpu.memory_space<hbm>>, %arg8: memref<128xf32, #tpu.memory_space<hbm>>, %arg9: memref<128xf32, #tpu.memory_space<hbm>>, %arg10: memref<16xi32, #tpu.memory_space<hbm>>, %arg11: memref<16xi32, #tpu.memory_space<hbm>>, %arg12: memref<1280000xf32, #tpu.memory_space<hbm>>, %arg13: memref<1280000xf32, #tpu.memory_space<hbm>>, %arg14: memref<80xi32, #tpu.memory_space<vmem>>, %arg15: memref<80xi32, #tpu.memory_space<vmem>>, %arg16: memref<80x128xf32, #tpu.memory_space<vmem>>, %arg17: memref<80x128xf32, #tpu.memory_space<vmem>>, %arg18: memref<128xf32, #tpu.memory_space<vmem>>, %arg19: memref<16xi32, #tpu.memory_space<vmem>>, %arg20: memref<16xi32, #tpu.memory_space<vmem>>, %arg21: memref<626x128xf32, #tpu.memory_space<vmem>>, %arg22: memref<640xf32, #tpu.memory_space<vmem>>, %arg23: memref<16000xf32, #tpu.memory_space<vmem>>, %arg24: memref<!tpu.dma_semaphore, #tpu.memory_space<semaphore_mem>>) attributes {dimension_semantics = [#tpu.dimension_semantics<core_parallel>, #tpu.dimension_semantics<subcore_parallel>], iteration_bounds = array<i64: 2, 16>, scalar_prefetch = 0 : i64, scratch_operands = 11 : i64, tpu.core_type = #tpu.core_type<sc_vector_subcore>, window_params = [{transform_indices = #map}, {transform_indices = #map}, {transform_indices = #map}, {transform_indices = #map}, {transform_indices = #map1}, {transform_indices = #map1}, {transform_indices = #map1}, {transform_indices = #map1}, {transform_indices = #map1}, {transform_indices = #map1}, {transform_indices = #map1}, {transform_indices = #map1}]} {
    %broadcast_in_dim3A = arith.constant 0.000000e+00 : f32
    %broadcast_in_dim3A_0 = vector.broadcast %broadcast_in_dim3A : f32 to vector<16xf32>
    %scan3A = arith.constant 0 : i32
    %scan3A_1 = arith.constant 0 : i32
    %scan3A_2 = arith.constant 626 : i32
    %scan3A_3 = arith.addi %scan3A_1, %scan3A_2 : i32
    %scan3A_4 = arith.constant 1 : i32
    %scan3A_5 = scf.for %scan3A_177 = %scan3A_1 to %scan3A_3 step %scan3A_4 iter_args(%scan3A_178 = %scan3A) -> (i32)  : i32 {
      %scan3A_179 = arith.constant 0 : i32
      %scan3A_180 = arith.constant 0 : i32
      %scan3A_181 = arith.constant 8 : i32
      %scan3A_182 = arith.addi %scan3A_180, %scan3A_181 : i32
      %scan3A_183 = arith.constant 1 : i32
      %scan3A_184 = scf.for %scan3A_186 = %scan3A_180 to %scan3A_182 step %scan3A_183 iter_args(%scan3A_187 = %scan3A_179) -> (i32)  : i32 {
        %mul3A_188 = arith.constant 16 : i32
        %mul3A_189 = arith.muli %scan3A_186, %mul3A_188 : i32
        %multiple_of3A = tpu.assume_multiple %mul3A_189, 16 : i32
        %swap3A_190 = arith.index_cast %scan3A_177 : i32 to index
        %swap3A_191 = arith.index_cast %multiple_of3A : i32 to index
        %swap3A_192 = tpu.vector_load %arg21[%swap3A_190, %swap3A_191] {strides = array<i32>} : memref<626x128xf32, #tpu.memory_space<vmem>>, vector<16xf32>,
        tpu.vector_store %arg21[%swap3A_190, %swap3A_191], %broadcast_in_dim3A_0 {strides = array<i32>} : memref<626x128xf32, #tpu.memory_space<vmem>>, vector<16xf32>,
        %scan3A_193 = arith.constant 0 : i32
        scf.yield %scan3A_193 : i32
      }
      %scan3A_185 = arith.constant 8 : i32
      scf.yield %scan3A_184 : i32
    }
    %scan3A_6 = arith.constant 626 : i32
    %swap3A = arith.constant 0 : index
    %swap3A_7 = tpu.vector_load %arg22[%swap3A] {strides = array<i32>} : memref<640xf32, #tpu.memory_space<vmem>>, vector<16xf32>,
    tpu.vector_store %arg22[%swap3A], %broadcast_in_dim3A_0 {strides = array<i32>} : memref<640xf32, #tpu.memory_space<vmem>>, vector<16xf32>,
    %swap3A_8 = arith.constant 16 : index
    %swap3A_9 = tpu.vector_load %arg22[%swap3A_8] {strides = array<i32>} : memref<640xf32, #tpu.memory_space<vmem>>, vector<16xf32>,
    tpu.vector_store %arg22[%swap3A_8], %broadcast_in_dim3A_0 {strides = array<i32>} : memref<640xf32, #tpu.memory_space<vmem>>, vector<16xf32>,
    %swap3A_10 = arith.constant 32 : index
    %swap3A_11 = tpu.vector_load %arg22[%swap3A_10] {strides = array<i32>} : memref<640xf32, #tpu.memory_space<vmem>>, vector<16xf32>,
    tpu.vector_store %arg22[%swap3A_10], %broadcast_in_dim3A_0 {strides = array<i32>} : memref<640xf32, #tpu.memory_space<vmem>>, vector<16xf32>,
    %swap3A_12 = arith.constant 48 : index
    %swap3A_13 = tpu.vector_load %arg22[%swap3A_12] {strides = array<i32>} : memref<640xf32, #tpu.memory_space<vmem>>, vector<16xf32>,
    tpu.vector_store %arg22[%swap3A_12], %broadcast_in_dim3A_0 {strides = array<i32>} : memref<640xf32, #tpu.memory_space<vmem>>, vector<16xf32>,
    %swap3A_14 = arith.constant 64 : index
    %swap3A_15 = tpu.vector_load %arg22[%swap3A_14] {strides = array<i32>} : memref<640xf32, #tpu.memory_space<vmem>>, vector<16xf32>,
    tpu.vector_store %arg22[%swap3A_14], %broadcast_in_dim3A_0 {strides = array<i32>} : memref<640xf32, #tpu.memory_space<vmem>>, vector<16xf32>,
    %swap3A_16 = arith.constant 80 : index
    %swap3A_17 = tpu.vector_load %arg22[%swap3A_16] {strides = array<i32>} : memref<640xf32, #tpu.memory_space<vmem>>, vector<16xf32>,
    tpu.vector_store %arg22[%swap3A_16], %broadcast_in_dim3A_0 {strides = array<i32>} : memref<640xf32, #tpu.memory_space<vmem>>, vector<16xf32>,
    %swap3A_18 = arith.constant 96 : index
    %swap3A_19 = tpu.vector_load %arg22[%swap3A_18] {strides = array<i32>} : memref<640xf32, #tpu.memory_space<vmem>>, vector<16xf32>,
    tpu.vector_store %arg22[%swap3A_18], %broadcast_in_dim3A_0 {strides = array<i32>} : memref<640xf32, #tpu.memory_space<vmem>>, vector<16xf32>,
    %swap3A_20 = arith.constant 112 : index
    %swap3A_21 = tpu.vector_load %arg22[%swap3A_20] {strides = array<i32>} : memref<640xf32, #tpu.memory_space<vmem>>, vector<16xf32>,
    tpu.vector_store %arg22[%swap3A_20], %broadcast_in_dim3A_0 {strides = array<i32>} : memref<640xf32, #tpu.memory_space<vmem>>, vector<16xf32>,
    %swap3A_22 = arith.constant 128 : index
    %swap3A_23 = tpu.vector_load %arg22[%swap3A_22] {strides = array<i32>} : memref<640xf32, #tpu.memory_space<vmem>>, vector<16xf32>,
    tpu.vector_store %arg22[%swap3A_22], %broadcast_in_dim3A_0 {strides = array<i32>} : memref<640xf32, #tpu.memory_space<vmem>>, vector<16xf32>,
    %swap3A_24 = arith.constant 144 : index
    %swap3A_25 = tpu.vector_load %arg22[%swap3A_24] {strides = array<i32>} : memref<640xf32, #tpu.memory_space<vmem>>, vector<16xf32>,
    tpu.vector_store %arg22[%swap3A_24], %broadcast_in_dim3A_0 {strides = array<i32>} : memref<640xf32, #tpu.memory_space<vmem>>, vector<16xf32>,
    %swap3A_26 = arith.constant 160 : index
    %swap3A_27 = tpu.vector_load %arg22[%swap3A_26] {strides = array<i32>} : memref<640xf32, #tpu.memory_space<vmem>>, vector<16xf32>,
    tpu.vector_store %arg22[%swap3A_26], %broadcast_in_dim3A_0 {strides = array<i32>} : memref<640xf32, #tpu.memory_space<vmem>>, vector<16xf32>,
    %swap3A_28 = arith.constant 176 : index
    %swap3A_29 = tpu.vector_load %arg22[%swap3A_28] {strides = array<i32>} : memref<640xf32, #tpu.memory_space<vmem>>, vector<16xf32>,
    tpu.vector_store %arg22[%swap3A_28], %broadcast_in_dim3A_0 {strides = array<i32>} : memref<640xf32, #tpu.memory_space<vmem>>, vector<16xf32>,
    %swap3A_30 = arith.constant 192 : index
    %swap3A_31 = tpu.vector_load %arg22[%swap3A_30] {strides = array<i32>} : memref<640xf32, #tpu.memory_space<vmem>>, vector<16xf32>,
    tpu.vector_store %arg22[%swap3A_30], %broadcast_in_dim3A_0 {strides = array<i32>} : memref<640xf32, #tpu.memory_space<vmem>>, vector<16xf32>,
    %swap3A_32 = arith.constant 208 : index
    %swap3A_33 = tpu.vector_load %arg22[%swap3A_32] {strides = array<i32>} : memref<640xf32, #tpu.memory_space<vmem>>, vector<16xf32>,
    tpu.vector_store %arg22[%swap3A_32], %broadcast_in_dim3A_0 {strides = array<i32>} : memref<640xf32, #tpu.memory_space<vmem>>, vector<16xf32>,
    %swap3A_34 = arith.constant 224 : index
    %swap3A_35 = tpu.vector_load %arg22[%swap3A_34] {strides = array<i32>} : memref<640xf32, #tpu.memory_space<vmem>>, vector<16xf32>,
    tpu.vector_store %arg22[%swap3A_34], %broadcast_in_dim3A_0 {strides = array<i32>} : memref<640xf32, #tpu.memory_space<vmem>>, vector<16xf32>,
    %swap3A_36 = arith.constant 240 : index
    %swap3A_37 = tpu.vector_load %arg22[%swap3A_36] {strides = array<i32>} : memref<640xf32, #tpu.memory_space<vmem>>, vector<16xf32>,
    tpu.vector_store %arg22[%swap3A_36], %broadcast_in_dim3A_0 {strides = array<i32>} : memref<640xf32, #tpu.memory_space<vmem>>, vector<16xf32>,
    %swap3A_38 = arith.constant 256 : index
    %swap3A_39 = tpu.vector_load %arg22[%swap3A_38] {strides = array<i32>} : memref<640xf32, #tpu.memory_space<vmem>>, vector<16xf32>,
    tpu.vector_store %arg22[%swap3A_38], %broadcast_in_dim3A_0 {strides = array<i32>} : memref<640xf32, #tpu.memory_space<vmem>>, vector<16xf32>,
    %swap3A_40 = arith.constant 272 : index
    %swap3A_41 = tpu.vector_load %arg22[%swap3A_40] {strides = array<i32>} : memref<640xf32, #tpu.memory_space<vmem>>, vector<16xf32>,
    tpu.vector_store %arg22[%swap3A_40], %broadcast_in_dim3A_0 {strides = array<i32>} : memref<640xf32, #tpu.memory_space<vmem>>, vector<16xf32>,
    %swap3A_42 = arith.constant 288 : index
    %swap3A_43 = tpu.vector_load %arg22[%swap3A_42] {strides = array<i32>} : memref<640xf32, #tpu.memory_space<vmem>>, vector<16xf32>,
    tpu.vector_store %arg22[%swap3A_42], %broadcast_in_dim3A_0 {strides = array<i32>} : memref<640xf32, #tpu.memory_space<vmem>>, vector<16xf32>,
    %swap3A_44 = arith.constant 304 : index
    %swap3A_45 = tpu.vector_load %arg22[%swap3A_44] {strides = array<i32>} : memref<640xf32, #tpu.memory_space<vmem>>, vector<16xf32>,
    tpu.vector_store %arg22[%swap3A_44], %broadcast_in_dim3A_0 {strides = array<i32>} : memref<640xf32, #tpu.memory_space<vmem>>, vector<16xf32>,
    %swap3A_46 = arith.constant 320 : index
    %swap3A_47 = tpu.vector_load %arg22[%swap3A_46] {strides = array<i32>} : memref<640xf32, #tpu.memory_space<vmem>>, vector<16xf32>,
    tpu.vector_store %arg22[%swap3A_46], %broadcast_in_dim3A_0 {strides = array<i32>} : memref<640xf32, #tpu.memory_space<vmem>>, vector<16xf32>,
    %swap3A_48 = arith.constant 336 : index
    %swap3A_49 = tpu.vector_load %arg22[%swap3A_48] {strides = array<i32>} : memref<640xf32, #tpu.memory_space<vmem>>, vector<16xf32>,
    tpu.vector_store %arg22[%swap3A_48], %broadcast_in_dim3A_0 {strides = array<i32>} : memref<640xf32, #tpu.memory_space<vmem>>, vector<16xf32>,
    %swap3A_50 = arith.constant 352 : index
    %swap3A_51 = tpu.vector_load %arg22[%swap3A_50] {strides = array<i32>} : memref<640xf32, #tpu.memory_space<vmem>>, vector<16xf32>,
    tpu.vector_store %arg22[%swap3A_50], %broadcast_in_dim3A_0 {strides = array<i32>} : memref<640xf32, #tpu.memory_space<vmem>>, vector<16xf32>,
    %swap3A_52 = arith.constant 368 : index
    %swap3A_53 = tpu.vector_load %arg22[%swap3A_52] {strides = array<i32>} : memref<640xf32, #tpu.memory_space<vmem>>, vector<16xf32>,
    tpu.vector_store %arg22[%swap3A_52], %broadcast_in_dim3A_0 {strides = array<i32>} : memref<640xf32, #tpu.memory_space<vmem>>, vector<16xf32>,
    %swap3A_54 = arith.constant 384 : index
    %swap3A_55 = tpu.vector_load %arg22[%swap3A_54] {strides = array<i32>} : memref<640xf32, #tpu.memory_space<vmem>>, vector<16xf32>,
    tpu.vector_store %arg22[%swap3A_54], %broadcast_in_dim3A_0 {strides = array<i32>} : memref<640xf32, #tpu.memory_space<vmem>>, vector<16xf32>,
    %swap3A_56 = arith.constant 400 : index
    %swap3A_57 = tpu.vector_load %arg22[%swap3A_56] {strides = array<i32>} : memref<640xf32, #tpu.memory_space<vmem>>, vector<16xf32>,
    tpu.vector_store %arg22[%swap3A_56], %broadcast_in_dim3A_0 {strides = array<i32>} : memref<640xf32, #tpu.memory_space<vmem>>, vector<16xf32>,
    %swap3A_58 = arith.constant 416 : index
    %swap3A_59 = tpu.vector_load %arg22[%swap3A_58] {strides = array<i32>} : memref<640xf32, #tpu.memory_space<vmem>>, vector<16xf32>,
    tpu.vector_store %arg22[%swap3A_58], %broadcast_in_dim3A_0 {strides = array<i32>} : memref<640xf32, #tpu.memory_space<vmem>>, vector<16xf32>,
    %swap3A_60 = arith.constant 432 : index
    %swap3A_61 = tpu.vector_load %arg22[%swap3A_60] {strides = array<i32>} : memref<640xf32, #tpu.memory_space<vmem>>, vector<16xf32>,
    tpu.vector_store %arg22[%swap3A_60], %broadcast_in_dim3A_0 {strides = array<i32>} : memref<640xf32, #tpu.memory_space<vmem>>, vector<16xf32>,
    %swap3A_62 = arith.constant 448 : index
    %swap3A_63 = tpu.vector_load %arg22[%swap3A_62] {strides = array<i32>} : memref<640xf32, #tpu.memory_space<vmem>>, vector<16xf32>,
    tpu.vector_store %arg22[%swap3A_62], %broadcast_in_dim3A_0 {strides = array<i32>} : memref<640xf32, #tpu.memory_space<vmem>>, vector<16xf32>,
    %swap3A_64 = arith.constant 464 : index
    %swap3A_65 = tpu.vector_load %arg22[%swap3A_64] {strides = array<i32>} : memref<640xf32, #tpu.memory_space<vmem>>, vector<16xf32>,
    tpu.vector_store %arg22[%swap3A_64], %broadcast_in_dim3A_0 {strides = array<i32>} : memref<640xf32, #tpu.memory_space<vmem>>, vector<16xf32>,
    %swap3A_66 = arith.constant 480 : index
    %swap3A_67 = tpu.vector_load %arg22[%swap3A_66] {strides = array<i32>} : memref<640xf32, #tpu.memory_space<vmem>>, vector<16xf32>,
    tpu.vector_store %arg22[%swap3A_66], %broadcast_in_dim3A_0 {strides = array<i32>} : memref<640xf32, #tpu.memory_space<vmem>>, vector<16xf32>,
    %swap3A_68 = arith.constant 496 : index
    %swap3A_69 = tpu.vector_load %arg22[%swap3A_68] {strides = array<i32>} : memref<640xf32, #tpu.memory_space<vmem>>, vector<16xf32>,
    tpu.vector_store %arg22[%swap3A_68], %broadcast_in_dim3A_0 {strides = array<i32>} : memref<640xf32, #tpu.memory_space<vmem>>, vector<16xf32>,
    %swap3A_70 = arith.constant 512 : index
    %swap3A_71 = tpu.vector_load %arg22[%swap3A_70] {strides = array<i32>} : memref<640xf32, #tpu.memory_space<vmem>>, vector<16xf32>,
    tpu.vector_store %arg22[%swap3A_70], %broadcast_in_dim3A_0 {strides = array<i32>} : memref<640xf32, #tpu.memory_space<vmem>>, vector<16xf32>,
    %swap3A_72 = arith.constant 528 : index
    %swap3A_73 = tpu.vector_load %arg22[%swap3A_72] {strides = array<i32>} : memref<640xf32, #tpu.memory_space<vmem>>, vector<16xf32>,
    tpu.vector_store %arg22[%swap3A_72], %broadcast_in_dim3A_0 {strides = array<i32>} : memref<640xf32, #tpu.memory_space<vmem>>, vector<16xf32>,
    %swap3A_74 = arith.constant 544 : index
    %swap3A_75 = tpu.vector_load %arg22[%swap3A_74] {strides = array<i32>} : memref<640xf32, #tpu.memory_space<vmem>>, vector<16xf32>,
    tpu.vector_store %arg22[%swap3A_74], %broadcast_in_dim3A_0 {strides = array<i32>} : memref<640xf32, #tpu.memory_space<vmem>>, vector<16xf32>,
    %swap3A_76 = arith.constant 560 : index
    %swap3A_77 = tpu.vector_load %arg22[%swap3A_76] {strides = array<i32>} : memref<640xf32, #tpu.memory_space<vmem>>, vector<16xf32>,
    tpu.vector_store %arg22[%swap3A_76], %broadcast_in_dim3A_0 {strides = array<i32>} : memref<640xf32, #tpu.memory_space<vmem>>, vector<16xf32>,
    %swap3A_78 = arith.constant 576 : index
    %swap3A_79 = tpu.vector_load %arg22[%swap3A_78] {strides = array<i32>} : memref<640xf32, #tpu.memory_space<vmem>>, vector<16xf32>,
    tpu.vector_store %arg22[%swap3A_78], %broadcast_in_dim3A_0 {strides = array<i32>} : memref<640xf32, #tpu.memory_space<vmem>>, vector<16xf32>,
    %swap3A_80 = arith.constant 592 : index
    %swap3A_81 = tpu.vector_load %arg22[%swap3A_80] {strides = array<i32>} : memref<640xf32, #tpu.memory_space<vmem>>, vector<16xf32>,
    tpu.vector_store %arg22[%swap3A_80], %broadcast_in_dim3A_0 {strides = array<i32>} : memref<640xf32, #tpu.memory_space<vmem>>, vector<16xf32>,
    %swap3A_82 = arith.constant 608 : index
    %swap3A_83 = tpu.vector_load %arg22[%swap3A_82] {strides = array<i32>} : memref<640xf32, #tpu.memory_space<vmem>>, vector<16xf32>,
    tpu.vector_store %arg22[%swap3A_82], %broadcast_in_dim3A_0 {strides = array<i32>} : memref<640xf32, #tpu.memory_space<vmem>>, vector<16xf32>,
    %swap3A_84 = arith.constant 624 : index
    %swap3A_85 = tpu.vector_load %arg22[%swap3A_84] {strides = array<i32>} : memref<640xf32, #tpu.memory_space<vmem>>, vector<16xf32>,
    tpu.vector_store %arg22[%swap3A_84], %broadcast_in_dim3A_0 {strides = array<i32>} : memref<640xf32, #tpu.memory_space<vmem>>, vector<16xf32>,
    %swap3A_86 = arith.constant 624 : index
    %swap3A_87 = tpu.vector_load %arg22[%swap3A_86] {strides = array<i32>} : memref<640xf32, #tpu.memory_space<vmem>>, vector<16xf32>,
    tpu.vector_store %arg22[%swap3A_86], %broadcast_in_dim3A_0 {strides = array<i32>} : memref<640xf32, #tpu.memory_space<vmem>>, vector<16xf32>,
    %eq3A = arith.constant 0 : i32
    %eq3A_88 = arith.cmpi eq, %arg0, %eq3A : i32
    %convert_element_type3A = arith.extui %eq3A_88 : i1 to i32
    %cond3A = arith.constant 0 : i32
    %cond3A_89 = arith.cmpi ne, %convert_element_type3A, %cond3A : i32
    scf.if %cond3A_89 {
      "tpu.region"() ({
        %run_scoped3A = tpu.sem_alloc : memref<!tpu.dma_semaphore, #tpu.memory_space<semaphore_mem>>
        tpu.enqueue_dma source(%arg8 : memref<128xf32, #tpu.memory_space<hbm>>) target(%arg18 : memref<128xf32, #tpu.memory_space<vmem>>) target_semaphore(%run_scoped3A : memref<!tpu.dma_semaphore, #tpu.memory_space<semaphore_mem>>)
        tpu.wait_dma2 semaphore(%run_scoped3A : memref<!tpu.dma_semaphore, #tpu.memory_space<semaphore_mem>>) src(%arg8 : memref<128xf32, #tpu.memory_space<hbm>>) dst(%arg18 : memref<128xf32, #tpu.memory_space<vmem>>)
        tpu.yield
      }) : () -> ()
    } else {
    }
    %eq3A_90 = arith.constant 1 : i32
    %eq3A_91 = arith.cmpi eq, %arg0, %eq3A_90 : i32
    %convert_element_type3A_92 = arith.extui %eq3A_91 : i1 to i32
    %cond3A_93 = arith.constant 0 : i32
    %cond3A_94 = arith.cmpi ne, %convert_element_type3A_92, %cond3A_93 : i32
    scf.if %cond3A_94 {
      "tpu.region"() ({
        %run_scoped3A = tpu.sem_alloc : memref<!tpu.dma_semaphore, #tpu.memory_space<semaphore_mem>>
        tpu.enqueue_dma source(%arg9 : memref<128xf32, #tpu.memory_space<hbm>>) target(%arg18 : memref<128xf32, #tpu.memory_space<vmem>>) target_semaphore(%run_scoped3A : memref<!tpu.dma_semaphore, #tpu.memory_space<semaphore_mem>>)
        tpu.wait_dma2 semaphore(%run_scoped3A : memref<!tpu.dma_semaphore, #tpu.memory_space<semaphore_mem>>) src(%arg9 : memref<128xf32, #tpu.memory_space<hbm>>) dst(%arg18 : memref<128xf32, #tpu.memory_space<vmem>>)
        tpu.yield
      }) : () -> ()
    } else {
    }
    "tpu.region"() ({
      %run_scoped3A = tpu.sem_alloc : memref<!tpu.dma_semaphore, #tpu.memory_space<semaphore_mem>>
      tpu.enqueue_dma source(%arg10 : memref<16xi32, #tpu.memory_space<hbm>>) target(%arg19 : memref<16xi32, #tpu.memory_space<vmem>>) target_semaphore(%run_scoped3A : memref<!tpu.dma_semaphore, #tpu.memory_space<semaphore_mem>>)
      tpu.wait_dma2 semaphore(%run_scoped3A : memref<!tpu.dma_semaphore, #tpu.memory_space<semaphore_mem>>) src(%arg10 : memref<16xi32, #tpu.memory_space<hbm>>) dst(%arg19 : memref<16xi32, #tpu.memory_space<vmem>>)
      tpu.yield
    }) : () -> ()
    "tpu.region"() ({
      %run_scoped3A = tpu.sem_alloc : memref<!tpu.dma_semaphore, #tpu.memory_space<semaphore_mem>>
      tpu.enqueue_dma source(%arg11 : memref<16xi32, #tpu.memory_space<hbm>>) target(%arg20 : memref<16xi32, #tpu.memory_space<vmem>>) target_semaphore(%run_scoped3A : memref<!tpu.dma_semaphore, #tpu.memory_space<semaphore_mem>>)
      tpu.wait_dma2 semaphore(%run_scoped3A : memref<!tpu.dma_semaphore, #tpu.memory_space<semaphore_mem>>) src(%arg11 : memref<16xi32, #tpu.memory_space<hbm>>) dst(%arg20 : memref<16xi32, #tpu.memory_space<vmem>>)
      tpu.yield
    }) : () -> ()
    %get3A = arith.constant 0 : index
    %get3A_95 = tpu.vector_load %arg18[%get3A] {strides = array<i32>} : memref<128xf32, #tpu.memory_space<vmem>>, vector<16xf32>,
    %get3A_96 = arith.constant 16 : index
    %get3A_97 = tpu.vector_load %arg18[%get3A_96] {strides = array<i32>} : memref<128xf32, #tpu.memory_space<vmem>>, vector<16xf32>,
    %get3A_98 = arith.constant 32 : index
    %get3A_99 = tpu.vector_load %arg18[%get3A_98] {strides = array<i32>} : memref<128xf32, #tpu.memory_space<vmem>>, vector<16xf32>,
    %get3A_100 = arith.constant 48 : index
    %get3A_101 = tpu.vector_load %arg18[%get3A_100] {strides = array<i32>} : memref<128xf32, #tpu.memory_space<vmem>>, vector<16xf32>,
    %get3A_102 = arith.constant 64 : index
    %get3A_103 = tpu.vector_load %arg18[%get3A_102] {strides = array<i32>} : memref<128xf32, #tpu.memory_space<vmem>>, vector<16xf32>,
    %get3A_104 = arith.constant 80 : index
    %get3A_105 = tpu.vector_load %arg18[%get3A_104] {strides = array<i32>} : memref<128xf32, #tpu.memory_space<vmem>>, vector<16xf32>,
    %get3A_106 = arith.constant 96 : index
    %get3A_107 = tpu.vector_load %arg18[%get3A_106] {strides = array<i32>} : memref<128xf32, #tpu.memory_space<vmem>>, vector<16xf32>,
    %get3A_108 = arith.constant 112 : index
    %get3A_109 = tpu.vector_load %arg18[%get3A_108] {strides = array<i32>} : memref<128xf32, #tpu.memory_space<vmem>>, vector<16xf32>,
    %iota3A = tpu.iota {dimensions = array<i32: 0>} : vector<16xi32>
    %eq3A_110 = arith.constant 0 : i32
    %eq3A_111 = vector.broadcast %eq3A_110 : i32 to vector<16xi32>
    %eq3A_112 = arith.cmpi eq, %iota3A, %eq3A_111 : vector<16xi32>
    %eq3A_113 = vector.broadcast %arg1 : i32 to vector<16xi32>
    %eq3A_114 = arith.cmpi eq, %iota3A, %eq3A_113 : vector<16xi32>
    %jit3A = arith.constant 1 : i32
    %jit3A_115 = arith.constant 0 : i32
    %broadcast_in_dim3A_116 = vector.broadcast %jit3A : i32 to vector<16xi32>
    %broadcast_in_dim3A_117 = vector.broadcast %jit3A_115 : i32 to vector<16xi32>
    %select_n3A = arith.select %eq3A_114, %broadcast_in_dim3A_116, %broadcast_in_dim3A_117 : vector<16xi1>, vector<16xi32>
    %get3A_118 = arith.constant 0 : index
    %get3A_119 = tpu.vector_load %arg19[%get3A_118] {strides = array<i32>} : memref<16xi32, #tpu.memory_space<vmem>>, vector<16xi32>,
    %mul3A = arith.muli %select_n3A, %get3A_119 : vector<16xi32>
    %reduce_sum3A = arith.constant true
    %reduce_sum3A_120 = vector.broadcast %reduce_sum3A : i1 to vector<16xi1>
    %reduce_sum3A_121 = tpu.scan <sum>, %mul3A masked %reduce_sum3A_120 : vector<16xi32>, vector<16xi1> -> vector<16xi32>
    %reduce_sum3A_122 = vector.extract %reduce_sum3A_121[15] : i32 from vector<16xi32>
    %get3A_123 = arith.constant 0 : index
    %get3A_124 = tpu.vector_load %arg20[%get3A_123] {strides = array<i32>} : memref<16xi32, #tpu.memory_space<vmem>>, vector<16xi32>,
    %mul3A_125 = arith.muli %select_n3A, %get3A_124 : vector<16xi32>
    %reduce_sum3A_126 = arith.constant true
    %reduce_sum3A_127 = vector.broadcast %reduce_sum3A_126 : i1 to vector<16xi1>
    %reduce_sum3A_128 = tpu.scan <sum>, %mul3A_125 masked %reduce_sum3A_127 : vector<16xi32>, vector<16xi1> -> vector<16xi32>
    %reduce_sum3A_129 = vector.extract %reduce_sum3A_128[15] : i32 from vector<16xi32>
    %and3A = arith.constant -8 : i32
    %and3A_130 = arith.andi %reduce_sum3A_122, %and3A : i32
    %sub3A = arith.subi %reduce_sum3A_129, %and3A_130 : i32
    %add3A = arith.constant 79 : i32
    %add3A_131 = arith.addi %sub3A, %add3A : i32
    %jit3A_132 = arith.constant 80 : i32
    %div3A = arith.divsi %add3A_131, %jit3A_132 : i32
    %sign3A = arith.constant 0 : i32
    %sign3A_133 = arith.cmpi sgt, %add3A_131, %sign3A : i32
    %sign3A_134 = arith.extui %sign3A_133 : i1 to i32
    %sign3A_135 = arith.constant 0 : i32
    %sign3A_136 = arith.cmpi slt, %add3A_131, %sign3A_135 : i32
    %sign3A_137 = arith.extui %sign3A_136 : i1 to i32
    %sign3A_138 = arith.subi %sign3A_134, %sign3A_137 : i32
    %sign3A_139 = arith.constant 0 : i32
    %sign3A_140 = arith.cmpi sgt, %jit3A_132, %sign3A_139 : i32
    %sign3A_141 = arith.extui %sign3A_140 : i1 to i32
    %sign3A_142 = arith.constant 0 : i32
    %sign3A_143 = arith.cmpi slt, %jit3A_132, %sign3A_142 : i32
    %sign3A_144 = arith.extui %sign3A_143 : i1 to i32
    %sign3A_145 = arith.subi %sign3A_141, %sign3A_144 : i32
    %ne3A = arith.cmpi ne, %sign3A_138, %sign3A_145 : i32
    %rem3A = arith.remsi %add3A_131, %jit3A_132 : i32
    %ne3A_146 = arith.constant 0 : i32
    %ne3A_147 = arith.cmpi ne, %rem3A, %ne3A_146 : i32
    %and3A_148 = arith.andi %ne3A, %ne3A_147 : i1
    %sub3A_149 = arith.constant 1 : i32
    %sub3A_150 = arith.subi %div3A, %sub3A_149 : i32
    %select_n3A_151 = arith.select %and3A_148, %sub3A_150, %div3A : i32
    %mul3A_152 = arith.constant 625 : i32
    %mul3A_153 = arith.muli %arg1, %mul3A_152 : i32
    %broadcast_in_dim3A_154 = vector.broadcast %mul3A_153 : i32 to vector<16xi32>
    %broadcast_in_dim3A_155 = vector.broadcast %reduce_sum3A_122 : i32 to vector<16xi32>
    %broadcast_in_dim3A_156 = vector.broadcast %reduce_sum3A_129 : i32 to vector<16xi32>
    %broadcast_in_dim3A_157 = arith.constant 625 : i32
    %broadcast_in_dim3A_158 = vector.broadcast %broadcast_in_dim3A_157 : i32 to vector<16xi32>
    %while3A = arith.constant 0 : i32
    %while3A_159 = arith.constant 0 : i32
    %while3A_160 = arith.subi %select_n3A_151, %while3A : i32
    %while3A_161 = arith.addi %while3A, %while3A_160 : i32
    %while3A_162 = arith.constant 1 : i32
    %while3A_163 = arith.divsi %while3A_160, %while3A_162 : i32
    %while3A_164 = arith.muli %while3A_163, %while3A_162 : i32
    %while3A_165 = arith.addi %while3A, %while3A_164 : i32
    %while3A_166 = arith.constant 1 : i32
    %while3A_167 = scf.for %while3A_177 = %while3A to %while3A_165 step %while3A_166 iter_args(%while3A_178 = %while3A_159) -> (i32)  : i32 {
      %mul3A_179 = arith.constant 80 : i32
      %mul3A_180 = arith.muli %while3A_177, %mul3A_179 : i32
      %add3A_181 = arith.addi %and3A_130, %mul3A_180 : i32
      %multiple_of3A = tpu.assume_multiple %add3A_181, 8 : i32
      "tpu.region"() ({
        %run_scoped3A = tpu.sem_alloc : memref<!tpu.dma_semaphore, #tpu.memory_space<semaphore_mem>>
        %dma_start3A = tpu.memref_slice %arg6[%multiple_of3A] : memref<160160xi32, #tpu.memory_space<hbm>> -> memref<80xi32, #tpu.memory_space<hbm>>
        %dma_start3A_201 = tpu.memref_slice %arg6[%multiple_of3A] : memref<160160xi32, #tpu.memory_space<hbm>> -> memref<80xi32, #tpu.memory_space<hbm>>
        tpu.enqueue_dma source(%dma_start3A_201 : memref<80xi32, #tpu.memory_space<hbm>>) target(%arg14 : memref<80xi32, #tpu.memory_space<vmem>>) target_semaphore(%run_scoped3A : memref<!tpu.dma_semaphore, #tpu.memory_space<semaphore_mem>>)
        %dma_wait3A = tpu.memref_slice %arg6[%multiple_of3A] : memref<160160xi32, #tpu.memory_space<hbm>> -> memref<80xi32, #tpu.memory_space<hbm>>
        %dma_wait3A_202 = tpu.memref_slice %arg6[%multiple_of3A] : memref<160160xi32, #tpu.memory_space<hbm>> -> memref<80xi32, #tpu.memory_space<hbm>>
        tpu.wait_dma2 semaphore(%run_scoped3A : memref<!tpu.dma_semaphore, #tpu.memory_space<semaphore_mem>>) src(%dma_wait3A_202 : memref<80xi32, #tpu.memory_space<hbm>>) dst(%arg14 : memref<80xi32, #tpu.memory_space<vmem>>)
        tpu.yield
      }) : () -> ()
      "tpu.region"() ({
        %run_scoped3A = tpu.sem_alloc : memref<!tpu.dma_semaphore, #tpu.memory_space<semaphore_mem>>
        %dma_start3A = tpu.memref_slice %arg7[%multiple_of3A] : memref<160160xi32, #tpu.memory_space<hbm>> -> memref<80xi32, #tpu.memory_space<hbm>>
        %dma_start3A_201 = tpu.memref_slice %arg7[%multiple_of3A] : memref<160160xi32, #tpu.memory_space<hbm>> -> memref<80xi32, #tpu.memory_space<hbm>>
        tpu.enqueue_dma source(%dma_start3A_201 : memref<80xi32, #tpu.memory_space<hbm>>) target(%arg15 : memref<80xi32, #tpu.memory_space<vmem>>) target_semaphore(%run_scoped3A : memref<!tpu.dma_semaphore, #tpu.memory_space<semaphore_mem>>)
        %dma_wait3A = tpu.memref_slice %arg7[%multiple_of3A] : memref<160160xi32, #tpu.memory_space<hbm>> -> memref<80xi32, #tpu.memory_space<hbm>>
        %dma_wait3A_202 = tpu.memref_slice %arg7[%multiple_of3A] : memref<160160xi32, #tpu.memory_space<hbm>> -> memref<80xi32, #tpu.memory_space<hbm>>
        tpu.wait_dma2 semaphore(%run_scoped3A : memref<!tpu.dma_semaphore, #tpu.memory_space<semaphore_mem>>) src(%dma_wait3A_202 : memref<80xi32, #tpu.memory_space<hbm>>) dst(%arg15 : memref<80xi32, #tpu.memory_space<vmem>>)
        tpu.yield
      }) : () -> ()
      %eq3A_182 = arith.constant 0 : i32
      %eq3A_183 = arith.cmpi eq, %arg0, %eq3A_182 : i32
      %convert_element_type3A_184 = arith.extui %eq3A_183 : i1 to i32
      %cond3A_185 = arith.constant 0 : i32
      %cond3A_186 = arith.cmpi ne, %convert_element_type3A_184, %cond3A_185 : i32
      scf.if %cond3A_186 {
        %dma_start3A = arith.constant 0 : i32
        %dma_start3A_201 = arith.constant 0 : i32
        %dma_start3A_202 = tpu.memref_slice %arg2[%dma_start3A, %dma_start3A_201] : memref<10000x128xf32, #tpu.memory_space<hbm>> -> memref<10000x128xf32, #tpu.memory_space<hbm>>
        tpu.enqueue_indirect_dma source(%dma_start3A_202 : memref<10000x128xf32, #tpu.memory_space<hbm>>) target(%arg16 : memref<80x128xf32, #tpu.memory_space<vmem>>) offsets(%arg14 : memref<80xi32, #tpu.memory_space<vmem>>) semaphore(%arg24 : memref<!tpu.dma_semaphore, #tpu.memory_space<semaphore_mem>>)
        %dma_start3A_203 = arith.constant 0 : i32
        %dma_start3A_204 = arith.constant 0 : i32
        %dma_start3A_205 = tpu.memref_slice %arg4[%dma_start3A_203, %dma_start3A_204] : memref<10000x128xf32, #tpu.memory_space<hbm>> -> memref<10000x128xf32, #tpu.memory_space<hbm>>
        tpu.enqueue_indirect_dma source(%dma_start3A_205 : memref<10000x128xf32, #tpu.memory_space<hbm>>) target(%arg17 : memref<80x128xf32, #tpu.memory_space<vmem>>) offsets(%arg15 : memref<80xi32, #tpu.memory_space<vmem>>) semaphore(%arg24 : memref<!tpu.dma_semaphore, #tpu.memory_space<semaphore_mem>>)
        %dma_wait3A = arith.constant 0 : i32
        %dma_wait3A_206 = arith.constant 0 : i32
        %dma_wait3A_207 = tpu.memref_slice %arg2[%dma_wait3A, %dma_wait3A_206] : memref<10000x128xf32, #tpu.memory_space<hbm>> -> memref<10000x128xf32, #tpu.memory_space<hbm>>
        tpu.wait_indirect_dma semaphore(%arg24 : memref<!tpu.dma_semaphore, #tpu.memory_space<semaphore_mem>>) src(%dma_wait3A_207 : memref<10000x128xf32, #tpu.memory_space<hbm>>) dst(%arg16 : memref<80x128xf32, #tpu.memory_space<vmem>>)
        %dma_wait3A_208 = arith.constant 0 : i32
        %dma_wait3A_209 = arith.constant 0 : i32
        %dma_wait3A_210 = tpu.memref_slice %arg4[%dma_wait3A_208, %dma_wait3A_209] : memref<10000x128xf32, #tpu.memory_space<hbm>> -> memref<10000x128xf32, #tpu.memory_space<hbm>>
        tpu.wait_indirect_dma semaphore(%arg24 : memref<!tpu.dma_semaphore, #tpu.memory_space<semaphore_mem>>) src(%dma_wait3A_210 : memref<10000x128xf32, #tpu.memory_space<hbm>>) dst(%arg17 : memref<80x128xf32, #tpu.memory_space<vmem>>)
      } else {
      }
      %eq3A_187 = arith.constant 1 : i32
      %eq3A_188 = arith.cmpi eq, %arg0, %eq3A_187 : i32
      %convert_element_type3A_189 = arith.extui %eq3A_188 : i1 to i32
      %cond3A_190 = arith.constant 0 : i32
      %cond3A_191 = arith.cmpi ne, %convert_element_type3A_189, %cond3A_190 : i32
      scf.if %cond3A_191 {
        %dma_start3A = arith.constant 0 : i32
        %dma_start3A_201 = arith.constant 0 : i32
        %dma_start3A_202 = tpu.memref_slice %arg3[%dma_start3A, %dma_start3A_201] : memref<10000x128xf32, #tpu.memory_space<hbm>> -> memref<10000x128xf32, #tpu.memory_space<hbm>>
        tpu.enqueue_indirect_dma source(%dma_start3A_202 : memref<10000x128xf32, #tpu.memory_space<hbm>>) target(%arg16 : memref<80x128xf32, #tpu.memory_space<vmem>>) offsets(%arg14 : memref<80xi32, #tpu.memory_space<vmem>>) semaphore(%arg24 : memref<!tpu.dma_semaphore, #tpu.memory_space<semaphore_mem>>)
        %dma_start3A_203 = arith.constant 0 : i32
        %dma_start3A_204 = arith.constant 0 : i32
        %dma_start3A_205 = tpu.memref_slice %arg5[%dma_start3A_203, %dma_start3A_204] : memref<10000x128xf32, #tpu.memory_space<hbm>> -> memref<10000x128xf32, #tpu.memory_space<hbm>>
        tpu.enqueue_indirect_dma source(%dma_start3A_205 : memref<10000x128xf32, #tpu.memory_space<hbm>>) target(%arg17 : memref<80x128xf32, #tpu.memory_space<vmem>>) offsets(%arg15 : memref<80xi32, #tpu.memory_space<vmem>>) semaphore(%arg24 : memref<!tpu.dma_semaphore, #tpu.memory_space<semaphore_mem>>)
        %dma_wait3A = arith.constant 0 : i32
        %dma_wait3A_206 = arith.constant 0 : i32
        %dma_wait3A_207 = tpu.memref_slice %arg3[%dma_wait3A, %dma_wait3A_206] : memref<10000x128xf32, #tpu.memory_space<hbm>> -> memref<10000x128xf32, #tpu.memory_space<hbm>>
        tpu.wait_indirect_dma semaphore(%arg24 : memref<!tpu.dma_semaphore, #tpu.memory_space<semaphore_mem>>) src(%dma_wait3A_207 : memref<10000x128xf32, #tpu.memory_space<hbm>>) dst(%arg16 : memref<80x128xf32, #tpu.memory_space<vmem>>)
        %dma_wait3A_208 = arith.constant 0 : i32
        %dma_wait3A_209 = arith.constant 0 : i32
        %dma_wait3A_210 = tpu.memref_slice %arg5[%dma_wait3A_208, %dma_wait3A_209] : memref<10000x128xf32, #tpu.memory_space<hbm>> -> memref<10000x128xf32, #tpu.memory_space<hbm>>
        tpu.wait_indirect_dma semaphore(%arg24 : memref<!tpu.dma_semaphore, #tpu.memory_space<semaphore_mem>>) src(%dma_wait3A_210 : memref<10000x128xf32, #tpu.memory_space<hbm>>) dst(%arg17 : memref<80x128xf32, #tpu.memory_space<vmem>>)
      } else {
      }
      %broadcast_in_dim3A_192 = vector.broadcast %multiple_of3A : i32 to vector<16xi32>
      %scan3A_193 = arith.constant 0 : i32
      %scan3A_194 = arith.constant 0 : i32
      %scan3A_195 = arith.constant 80 : i32
      %scan3A_196 = arith.addi %scan3A_194, %scan3A_195 : i32
      %scan3A_197 = arith.constant 1 : i32
      %scan3A_198 = scf.for %scan3A_201 = %scan3A_194 to %scan3A_196 step %scan3A_197 iter_args(%scan3A_202 = %scan3A_193) -> (i32)  : i32 {
        %get3A_203 = arith.index_cast %scan3A_201 : i32 to index
        %get3A_204 = arith.constant 0 : index
        %get3A_205 = tpu.vector_load %arg16[%get3A_203, %get3A_204] {strides = array<i32>} : memref<80x128xf32, #tpu.memory_space<vmem>>, vector<16xf32>,
        %get3A_206 = arith.index_cast %scan3A_201 : i32 to index
        %get3A_207 = arith.constant 0 : index
        %get3A_208 = tpu.vector_load %arg17[%get3A_206, %get3A_207] {strides = array<i32>} : memref<80x128xf32, #tpu.memory_space<vmem>>, vector<16xf32>,
        %add3A_209 = arith.addf %get3A_205, %get3A_208 : vector<16xf32>
        %mul3A_210 = arith.constant 2.000000e-01 : f32
        %mul3A_211 = vector.broadcast %mul3A_210 : f32 to vector<16xf32>
        %mul3A_212 = arith.mulf %mul3A_211, %add3A_209 : vector<16xf32>
        %max3A = arith.maximumf %add3A_209, %mul3A_212 : vector<16xf32>
        %mul3A_213 = arith.mulf %max3A, %get3A_95 : vector<16xf32>
        %add3A_214 = arith.addf %broadcast_in_dim3A_0, %mul3A_213 : vector<16xf32>
        %get3A_215 = arith.index_cast %scan3A_201 : i32 to index
        %get3A_216 = arith.constant 16 : index
        %get3A_217 = tpu.vector_load %arg16[%get3A_215, %get3A_216] {strides = array<i32>} : memref<80x128xf32, #tpu.memory_space<vmem>>, vector<16xf32>,
        %get3A_218 = arith.index_cast %scan3A_201 : i32 to index
        %get3A_219 = arith.constant 16 : index
        %get3A_220 = tpu.vector_load %arg17[%get3A_218, %get3A_219] {strides = array<i32>} : memref<80x128xf32, #tpu.memory_space<vmem>>, vector<16xf32>,
        %add3A_221 = arith.addf %get3A_217, %get3A_220 : vector<16xf32>
        %mul3A_222 = arith.constant 2.000000e-01 : f32
        %mul3A_223 = vector.broadcast %mul3A_222 : f32 to vector<16xf32>
        %mul3A_224 = arith.mulf %mul3A_223, %add3A_221 : vector<16xf32>
        %max3A_225 = arith.maximumf %add3A_221, %mul3A_224 : vector<16xf32>
        %mul3A_226 = arith.mulf %max3A_225, %get3A_97 : vector<16xf32>
        %add3A_227 = arith.addf %add3A_214, %mul3A_226 : vector<16xf32>
        %get3A_228 = arith.index_cast %scan3A_201 : i32 to index
        %get3A_229 = arith.constant 32 : index
        %get3A_230 = tpu.vector_load %arg16[%get3A_228, %get3A_229] {strides = array<i32>} : memref<80x128xf32, #tpu.memory_space<vmem>>, vector<16xf32>,
        %get3A_231 = arith.index_cast %scan3A_201 : i32 to index
        %get3A_232 = arith.constant 32 : index
        %get3A_233 = tpu.vector_load %arg17[%get3A_231, %get3A_232] {strides = array<i32>} : memref<80x128xf32, #tpu.memory_space<vmem>>, vector<16xf32>,
        %add3A_234 = arith.addf %get3A_230, %get3A_233 : vector<16xf32>
        %mul3A_235 = arith.constant 2.000000e-01 : f32
        %mul3A_236 = vector.broadcast %mul3A_235 : f32 to vector<16xf32>
        %mul3A_237 = arith.mulf %mul3A_236, %add3A_234 : vector<16xf32>
        %max3A_238 = arith.maximumf %add3A_234, %mul3A_237 : vector<16xf32>
        %mul3A_239 = arith.mulf %max3A_238, %get3A_99 : vector<16xf32>
        %add3A_240 = arith.addf %add3A_227, %mul3A_239 : vector<16xf32>
        %get3A_241 = arith.index_cast %scan3A_201 : i32 to index
        %get3A_242 = arith.constant 48 : index
        %get3A_243 = tpu.vector_load %arg16[%get3A_241, %get3A_242] {strides = array<i32>} : memref<80x128xf32, #tpu.memory_space<vmem>>, vector<16xf32>,
        %get3A_244 = arith.index_cast %scan3A_201 : i32 to index
        %get3A_245 = arith.constant 48 : index
        %get3A_246 = tpu.vector_load %arg17[%get3A_244, %get3A_245] {strides = array<i32>} : memref<80x128xf32, #tpu.memory_space<vmem>>, vector<16xf32>,
        %add3A_247 = arith.addf %get3A_243, %get3A_246 : vector<16xf32>
        %mul3A_248 = arith.constant 2.000000e-01 : f32
        %mul3A_249 = vector.broadcast %mul3A_248 : f32 to vector<16xf32>
        %mul3A_250 = arith.mulf %mul3A_249, %add3A_247 : vector<16xf32>
        %max3A_251 = arith.maximumf %add3A_247, %mul3A_250 : vector<16xf32>
        %mul3A_252 = arith.mulf %max3A_251, %get3A_101 : vector<16xf32>
        %add3A_253 = arith.addf %add3A_240, %mul3A_252 : vector<16xf32>
        %get3A_254 = arith.index_cast %scan3A_201 : i32 to index
        %get3A_255 = arith.constant 64 : index
        %get3A_256 = tpu.vector_load %arg16[%get3A_254, %get3A_255] {strides = array<i32>} : memref<80x128xf32, #tpu.memory_space<vmem>>, vector<16xf32>,
        %get3A_257 = arith.index_cast %scan3A_201 : i32 to index
        %get3A_258 = arith.constant 64 : index
        %get3A_259 = tpu.vector_load %arg17[%get3A_257, %get3A_258] {strides = array<i32>} : memref<80x128xf32, #tpu.memory_space<vmem>>, vector<16xf32>,
        %add3A_260 = arith.addf %get3A_256, %get3A_259 : vector<16xf32>
        %mul3A_261 = arith.constant 2.000000e-01 : f32
        %mul3A_262 = vector.broadcast %mul3A_261 : f32 to vector<16xf32>
        %mul3A_263 = arith.mulf %mul3A_262, %add3A_260 : vector<16xf32>
        %max3A_264 = arith.maximumf %add3A_260, %mul3A_263 : vector<16xf32>
        %mul3A_265 = arith.mulf %max3A_264, %get3A_103 : vector<16xf32>
        %add3A_266 = arith.addf %add3A_253, %mul3A_265 : vector<16xf32>
        %get3A_267 = arith.index_cast %scan3A_201 : i32 to index
        %get3A_268 = arith.constant 80 : index
        %get3A_269 = tpu.vector_load %arg16[%get3A_267, %get3A_268] {strides = array<i32>} : memref<80x128xf32, #tpu.memory_space<vmem>>, vector<16xf32>,
        %get3A_270 = arith.index_cast %scan3A_201 : i32 to index
        %get3A_271 = arith.constant 80 : index
        %get3A_272 = tpu.vector_load %arg17[%get3A_270, %get3A_271] {strides = array<i32>} : memref<80x128xf32, #tpu.memory_space<vmem>>, vector<16xf32>,
        %add3A_273 = arith.addf %get3A_269, %get3A_272 : vector<16xf32>
        %mul3A_274 = arith.constant 2.000000e-01 : f32
        %mul3A_275 = vector.broadcast %mul3A_274 : f32 to vector<16xf32>
        %mul3A_276 = arith.mulf %mul3A_275, %add3A_273 : vector<16xf32>
        %max3A_277 = arith.maximumf %add3A_273, %mul3A_276 : vector<16xf32>
        %mul3A_278 = arith.mulf %max3A_277, %get3A_105 : vector<16xf32>
        %add3A_279 = arith.addf %add3A_266, %mul3A_278 : vector<16xf32>
        %get3A_280 = arith.index_cast %scan3A_201 : i32 to index
        %get3A_281 = arith.constant 96 : index
        %get3A_282 = tpu.vector_load %arg16[%get3A_280, %get3A_281] {strides = array<i32>} : memref<80x128xf32, #tpu.memory_space<vmem>>, vector<16xf32>,
        %get3A_283 = arith.index_cast %scan3A_201 : i32 to index
        %get3A_284 = arith.constant 96 : index
        %get3A_285 = tpu.vector_load %arg17[%get3A_283, %get3A_284] {strides = array<i32>} : memref<80x128xf32, #tpu.memory_space<vmem>>, vector<16xf32>,
        %add3A_286 = arith.addf %get3A_282, %get3A_285 : vector<16xf32>
        %mul3A_287 = arith.constant 2.000000e-01 : f32
        %mul3A_288 = vector.broadcast %mul3A_287 : f32 to vector<16xf32>
        %mul3A_289 = arith.mulf %mul3A_288, %add3A_286 : vector<16xf32>
        %max3A_290 = arith.maximumf %add3A_286, %mul3A_289 : vector<16xf32>
        %mul3A_291 = arith.mulf %max3A_290, %get3A_107 : vector<16xf32>
        %add3A_292 = arith.addf %add3A_279, %mul3A_291 : vector<16xf32>
        %get3A_293 = arith.index_cast %scan3A_201 : i32 to index
        %get3A_294 = arith.constant 112 : index
        %get3A_295 = tpu.vector_load %arg16[%get3A_293, %get3A_294] {strides = array<i32>} : memref<80x128xf32, #tpu.memory_space<vmem>>, vector<16xf32>,
        %get3A_296 = arith.index_cast %scan3A_201 : i32 to index
        %get3A_297 = arith.constant 112 : index
        %get3A_298 = tpu.vector_load %arg17[%get3A_296, %get3A_297] {strides = array<i32>} : memref<80x128xf32, #tpu.memory_space<vmem>>, vector<16xf32>,
        %add3A_299 = arith.addf %get3A_295, %get3A_298 : vector<16xf32>
        %mul3A_300 = arith.constant 2.000000e-01 : f32
        %mul3A_301 = vector.broadcast %mul3A_300 : f32 to vector<16xf32>
        %mul3A_302 = arith.mulf %mul3A_301, %add3A_299 : vector<16xf32>
        %max3A_303 = arith.maximumf %add3A_299, %mul3A_302 : vector<16xf32>
        %mul3A_304 = arith.mulf %max3A_303, %get3A_109 : vector<16xf32>
        %add3A_305 = arith.addf %add3A_292, %mul3A_304 : vector<16xf32>
        %reduce_sum3A_306 = arith.constant true
        %reduce_sum3A_307 = vector.broadcast %reduce_sum3A_306 : i1 to vector<16xi1>
        %reduce_sum3A_308 = tpu.scan <sum>, %add3A_305 masked %reduce_sum3A_307 : vector<16xf32>, vector<16xi1> -> vector<16xf32>
        %reduce_sum3A_309 = vector.extract %reduce_sum3A_308[15] : f32 from vector<16xf32>
        %broadcast_in_dim3A_310 = vector.broadcast %reduce_sum3A_309 : f32 to vector<16xf32>
        %exp3A = math.exp %broadcast_in_dim3A_310 : vector<16xf32>
        %add3A_311 = vector.broadcast %scan3A_201 : i32 to vector<16xi32>
        %add3A_312 = arith.addi %broadcast_in_dim3A_192, %add3A_311 : vector<16xi32>
        %ge3A = arith.cmpi sge, %add3A_312, %broadcast_in_dim3A_155 : vector<16xi32>
        %lt3A = arith.cmpi slt, %add3A_312, %broadcast_in_dim3A_156 : vector<16xi32>
        %and3A_313 = arith.andi %ge3A, %lt3A : vector<16xi1>
        %broadcast_in_dim3A_314 = vector.broadcast %scan3A_201 : i32 to vector<16xi32>
        %gather3A = tpu.vector_load_idx %arg15[%broadcast_in_dim3A_314] : memref<80xi32, #tpu.memory_space<vmem>>[vector<16xi32>], vector<16xi32>,
        %sub3A_315 = arith.subi %gather3A, %broadcast_in_dim3A_154 : vector<16xi32>
        %select_n3A_316 = arith.select %and3A_313, %sub3A_315, %broadcast_in_dim3A_158 : vector<16xi1>, vector<16xi32>
        %add3A_317 = arith.constant 0 : i32
        %add3A_318 = vector.broadcast %add3A_317 : i32 to vector<16xi32>
        %add3A_319 = arith.addi %iota3A, %add3A_318 : vector<16xi32>
        %mul3A_320 = arith.mulf %exp3A, %get3A_205 : vector<16xf32>
        tpu.vector_store_idx %arg21[%select_n3A_316, %add3A_319], %mul3A_320 {add = true} : memref<626x128xf32, #tpu.memory_space<vmem>>[vector<16xi32>, vector<16xi32>], vector<16xf32>,
        %add3A_321 = arith.constant 16 : i32
        %add3A_322 = vector.broadcast %add3A_321 : i32 to vector<16xi32>
        %add3A_323 = arith.addi %iota3A, %add3A_322 : vector<16xi32>
        %mul3A_324 = arith.mulf %exp3A, %get3A_217 : vector<16xf32>
        tpu.vector_store_idx %arg21[%select_n3A_316, %add3A_323], %mul3A_324 {add = true} : memref<626x128xf32, #tpu.memory_space<vmem>>[vector<16xi32>, vector<16xi32>], vector<16xf32>,
        %add3A_325 = arith.constant 32 : i32
        %add3A_326 = vector.broadcast %add3A_325 : i32 to vector<16xi32>
        %add3A_327 = arith.addi %iota3A, %add3A_326 : vector<16xi32>
        %mul3A_328 = arith.mulf %exp3A, %get3A_230 : vector<16xf32>
        tpu.vector_store_idx %arg21[%select_n3A_316, %add3A_327], %mul3A_328 {add = true} : memref<626x128xf32, #tpu.memory_space<vmem>>[vector<16xi32>, vector<16xi32>], vector<16xf32>,
        %add3A_329 = arith.constant 48 : i32
        %add3A_330 = vector.broadcast %add3A_329 : i32 to vector<16xi32>
        %add3A_331 = arith.addi %iota3A, %add3A_330 : vector<16xi32>
        %mul3A_332 = arith.mulf %exp3A, %get3A_243 : vector<16xf32>
        tpu.vector_store_idx %arg21[%select_n3A_316, %add3A_331], %mul3A_332 {add = true} : memref<626x128xf32, #tpu.memory_space<vmem>>[vector<16xi32>, vector<16xi32>], vector<16xf32>,
        %add3A_333 = arith.constant 64 : i32
        %add3A_334 = vector.broadcast %add3A_333 : i32 to vector<16xi32>
        %add3A_335 = arith.addi %iota3A, %add3A_334 : vector<16xi32>
        %mul3A_336 = arith.mulf %exp3A, %get3A_256 : vector<16xf32>
        tpu.vector_store_idx %arg21[%select_n3A_316, %add3A_335], %mul3A_336 {add = true} : memref<626x128xf32, #tpu.memory_space<vmem>>[vector<16xi32>, vector<16xi32>], vector<16xf32>,
        %add3A_337 = arith.constant 80 : i32
        %add3A_338 = vector.broadcast %add3A_337 : i32 to vector<16xi32>
        %add3A_339 = arith.addi %iota3A, %add3A_338 : vector<16xi32>
        %mul3A_340 = arith.mulf %exp3A, %get3A_269 : vector<16xf32>
        tpu.vector_store_idx %arg21[%select_n3A_316, %add3A_339], %mul3A_340 {add = true} : memref<626x128xf32, #tpu.memory_space<vmem>>[vector<16xi32>, vector<16xi32>], vector<16xf32>,
        %add3A_341 = arith.constant 96 : i32
        %add3A_342 = vector.broadcast %add3A_341 : i32 to vector<16xi32>
        %add3A_343 = arith.addi %iota3A, %add3A_342 : vector<16xi32>
        %mul3A_344 = arith.mulf %exp3A, %get3A_282 : vector<16xf32>
        tpu.vector_store_idx %arg21[%select_n3A_316, %add3A_343], %mul3A_344 {add = true} : memref<626x128xf32, #tpu.memory_space<vmem>>[vector<16xi32>, vector<16xi32>], vector<16xf32>,
        %add3A_345 = arith.constant 112 : i32
        %add3A_346 = vector.broadcast %add3A_345 : i32 to vector<16xi32>
        %add3A_347 = arith.addi %iota3A, %add3A_346 : vector<16xi32>
        %mul3A_348 = arith.mulf %exp3A, %get3A_295 : vector<16xf32>
        tpu.vector_store_idx %arg21[%select_n3A_316, %add3A_347], %mul3A_348 {add = true} : memref<626x128xf32, #tpu.memory_space<vmem>>[vector<16xi32>, vector<16xi32>], vector<16xf32>,
        tpu.vector_store_idx %arg22[%select_n3A_316], %exp3A masked %eq3A_112 {add = true} : memref<640xf32, #tpu.memory_space<vmem>>[vector<16xi32>], vector<16xf32>, vector<16xi1>
        %scan3A_349 = arith.constant 0 : i32
        scf.yield %scan3A_349 : i32
      }
      %scan3A_199 = arith.constant 80 : i32
      %while3A_200 = arith.constant 0 : i32
      scf.yield %while3A_200 : i32
    }
    %while3A_168 = arith.constant 1 : i32
    %while3A_169 = scf.for %while3A_177 = %while3A_165 to %while3A_161 step %while3A_168 iter_args(%while3A_178 = %while3A_167) -> (i32)  : i32 {
      %mul3A_179 = arith.constant 80 : i32
      %mul3A_180 = arith.muli %while3A_177, %mul3A_179 : i32
      %add3A_181 = arith.addi %and3A_130, %mul3A_180 : i32
      %multiple_of3A = tpu.assume_multiple %add3A_181, 8 : i32
      "tpu.region"() ({
        %run_scoped3A = tpu.sem_alloc : memref<!tpu.dma_semaphore, #tpu.memory_space<semaphore_mem>>
        %dma_start3A = tpu.memref_slice %arg6[%multiple_of3A] : memref<160160xi32, #tpu.memory_space<hbm>> -> memref<80xi32, #tpu.memory_space<hbm>>
        %dma_start3A_201 = tpu.memref_slice %arg6[%multiple_of3A] : memref<160160xi32, #tpu.memory_space<hbm>> -> memref<80xi32, #tpu.memory_space<hbm>>
        tpu.enqueue_dma source(%dma_start3A_201 : memref<80xi32, #tpu.memory_space<hbm>>) target(%arg14 : memref<80xi32, #tpu.memory_space<vmem>>) target_semaphore(%run_scoped3A : memref<!tpu.dma_semaphore, #tpu.memory_space<semaphore_mem>>)
        %dma_wait3A = tpu.memref_slice %arg6[%multiple_of3A] : memref<160160xi32, #tpu.memory_space<hbm>> -> memref<80xi32, #tpu.memory_space<hbm>>
        %dma_wait3A_202 = tpu.memref_slice %arg6[%multiple_of3A] : memref<160160xi32, #tpu.memory_space<hbm>> -> memref<80xi32, #tpu.memory_space<hbm>>
        tpu.wait_dma2 semaphore(%run_scoped3A : memref<!tpu.dma_semaphore, #tpu.memory_space<semaphore_mem>>) src(%dma_wait3A_202 : memref<80xi32, #tpu.memory_space<hbm>>) dst(%arg14 : memref<80xi32, #tpu.memory_space<vmem>>)
        tpu.yield
      }) : () -> ()
      "tpu.region"() ({
        %run_scoped3A = tpu.sem_alloc : memref<!tpu.dma_semaphore, #tpu.memory_space<semaphore_mem>>
        %dma_start3A = tpu.memref_slice %arg7[%multiple_of3A] : memref<160160xi32, #tpu.memory_space<hbm>> -> memref<80xi32, #tpu.memory_space<hbm>>
        %dma_start3A_201 = tpu.memref_slice %arg7[%multiple_of3A] : memref<160160xi32, #tpu.memory_space<hbm>> -> memref<80xi32, #tpu.memory_space<hbm>>
        tpu.enqueue_dma source(%dma_start3A_201 : memref<80xi32, #tpu.memory_space<hbm>>) target(%arg15 : memref<80xi32, #tpu.memory_space<vmem>>) target_semaphore(%run_scoped3A : memref<!tpu.dma_semaphore, #tpu.memory_space<semaphore_mem>>)
        %dma_wait3A = tpu.memref_slice %arg7[%multiple_of3A] : memref<160160xi32, #tpu.memory_space<hbm>> -> memref<80xi32, #tpu.memory_space<hbm>>
        %dma_wait3A_202 = tpu.memref_slice %arg7[%multiple_of3A] : memref<160160xi32, #tpu.memory_space<hbm>> -> memref<80xi32, #tpu.memory_space<hbm>>
        tpu.wait_dma2 semaphore(%run_scoped3A : memref<!tpu.dma_semaphore, #tpu.memory_space<semaphore_mem>>) src(%dma_wait3A_202 : memref<80xi32, #tpu.memory_space<hbm>>) dst(%arg15 : memref<80xi32, #tpu.memory_space<vmem>>)
        tpu.yield
      }) : () -> ()
      %eq3A_182 = arith.constant 0 : i32
      %eq3A_183 = arith.cmpi eq, %arg0, %eq3A_182 : i32
      %convert_element_type3A_184 = arith.extui %eq3A_183 : i1 to i32
      %cond3A_185 = arith.constant 0 : i32
      %cond3A_186 = arith.cmpi ne, %convert_element_type3A_184, %cond3A_185 : i32
      scf.if %cond3A_186 {
        %dma_start3A = arith.constant 0 : i32
        %dma_start3A_201 = arith.constant 0 : i32
        %dma_start3A_202 = tpu.memref_slice %arg2[%dma_start3A, %dma_start3A_201] : memref<10000x128xf32, #tpu.memory_space<hbm>> -> memref<10000x128xf32, #tpu.memory_space<hbm>>
        tpu.enqueue_indirect_dma source(%dma_start3A_202 : memref<10000x128xf32, #tpu.memory_space<hbm>>) target(%arg16 : memref<80x128xf32, #tpu.memory_space<vmem>>) offsets(%arg14 : memref<80xi32, #tpu.memory_space<vmem>>) semaphore(%arg24 : memref<!tpu.dma_semaphore, #tpu.memory_space<semaphore_mem>>)
        %dma_start3A_203 = arith.constant 0 : i32
        %dma_start3A_204 = arith.constant 0 : i32
        %dma_start3A_205 = tpu.memref_slice %arg4[%dma_start3A_203, %dma_start3A_204] : memref<10000x128xf32, #tpu.memory_space<hbm>> -> memref<10000x128xf32, #tpu.memory_space<hbm>>
        tpu.enqueue_indirect_dma source(%dma_start3A_205 : memref<10000x128xf32, #tpu.memory_space<hbm>>) target(%arg17 : memref<80x128xf32, #tpu.memory_space<vmem>>) offsets(%arg15 : memref<80xi32, #tpu.memory_space<vmem>>) semaphore(%arg24 : memref<!tpu.dma_semaphore, #tpu.memory_space<semaphore_mem>>)
        %dma_wait3A = arith.constant 0 : i32
        %dma_wait3A_206 = arith.constant 0 : i32
        %dma_wait3A_207 = tpu.memref_slice %arg2[%dma_wait3A, %dma_wait3A_206] : memref<10000x128xf32, #tpu.memory_space<hbm>> -> memref<10000x128xf32, #tpu.memory_space<hbm>>
        tpu.wait_indirect_dma semaphore(%arg24 : memref<!tpu.dma_semaphore, #tpu.memory_space<semaphore_mem>>) src(%dma_wait3A_207 : memref<10000x128xf32, #tpu.memory_space<hbm>>) dst(%arg16 : memref<80x128xf32, #tpu.memory_space<vmem>>)
        %dma_wait3A_208 = arith.constant 0 : i32
        %dma_wait3A_209 = arith.constant 0 : i32
        %dma_wait3A_210 = tpu.memref_slice %arg4[%dma_wait3A_208, %dma_wait3A_209] : memref<10000x128xf32, #tpu.memory_space<hbm>> -> memref<10000x128xf32, #tpu.memory_space<hbm>>
        tpu.wait_indirect_dma semaphore(%arg24 : memref<!tpu.dma_semaphore, #tpu.memory_space<semaphore_mem>>) src(%dma_wait3A_210 : memref<10000x128xf32, #tpu.memory_space<hbm>>) dst(%arg17 : memref<80x128xf32, #tpu.memory_space<vmem>>)
      } else {
      }
      %eq3A_187 = arith.constant 1 : i32
      %eq3A_188 = arith.cmpi eq, %arg0, %eq3A_187 : i32
      %convert_element_type3A_189 = arith.extui %eq3A_188 : i1 to i32
      %cond3A_190 = arith.constant 0 : i32
      %cond3A_191 = arith.cmpi ne, %convert_element_type3A_189, %cond3A_190 : i32
      scf.if %cond3A_191 {
        %dma_start3A = arith.constant 0 : i32
        %dma_start3A_201 = arith.constant 0 : i32
        %dma_start3A_202 = tpu.memref_slice %arg3[%dma_start3A, %dma_start3A_201] : memref<10000x128xf32, #tpu.memory_space<hbm>> -> memref<10000x128xf32, #tpu.memory_space<hbm>>
        tpu.enqueue_indirect_dma source(%dma_start3A_202 : memref<10000x128xf32, #tpu.memory_space<hbm>>) target(%arg16 : memref<80x128xf32, #tpu.memory_space<vmem>>) offsets(%arg14 : memref<80xi32, #tpu.memory_space<vmem>>) semaphore(%arg24 : memref<!tpu.dma_semaphore, #tpu.memory_space<semaphore_mem>>)
        %dma_start3A_203 = arith.constant 0 : i32
        %dma_start3A_204 = arith.constant 0 : i32
        %dma_start3A_205 = tpu.memref_slice %arg5[%dma_start3A_203, %dma_start3A_204] : memref<10000x128xf32, #tpu.memory_space<hbm>> -> memref<10000x128xf32, #tpu.memory_space<hbm>>
        tpu.enqueue_indirect_dma source(%dma_start3A_205 : memref<10000x128xf32, #tpu.memory_space<hbm>>) target(%arg17 : memref<80x128xf32, #tpu.memory_space<vmem>>) offsets(%arg15 : memref<80xi32, #tpu.memory_space<vmem>>) semaphore(%arg24 : memref<!tpu.dma_semaphore, #tpu.memory_space<semaphore_mem>>)
        %dma_wait3A = arith.constant 0 : i32
        %dma_wait3A_206 = arith.constant 0 : i32
        %dma_wait3A_207 = tpu.memref_slice %arg3[%dma_wait3A, %dma_wait3A_206] : memref<10000x128xf32, #tpu.memory_space<hbm>> -> memref<10000x128xf32, #tpu.memory_space<hbm>>
        tpu.wait_indirect_dma semaphore(%arg24 : memref<!tpu.dma_semaphore, #tpu.memory_space<semaphore_mem>>) src(%dma_wait3A_207 : memref<10000x128xf32, #tpu.memory_space<hbm>>) dst(%arg16 : memref<80x128xf32, #tpu.memory_space<vmem>>)
        %dma_wait3A_208 = arith.constant 0 : i32
        %dma_wait3A_209 = arith.constant 0 : i32
        %dma_wait3A_210 = tpu.memref_slice %arg5[%dma_wait3A_208, %dma_wait3A_209] : memref<10000x128xf32, #tpu.memory_space<hbm>> -> memref<10000x128xf32, #tpu.memory_space<hbm>>
        tpu.wait_indirect_dma semaphore(%arg24 : memref<!tpu.dma_semaphore, #tpu.memory_space<semaphore_mem>>) src(%dma_wait3A_210 : memref<10000x128xf32, #tpu.memory_space<hbm>>) dst(%arg17 : memref<80x128xf32, #tpu.memory_space<vmem>>)
      } else {
      }
      %broadcast_in_dim3A_192 = vector.broadcast %multiple_of3A : i32 to vector<16xi32>
      %scan3A_193 = arith.constant 0 : i32
      %scan3A_194 = arith.constant 0 : i32
      %scan3A_195 = arith.constant 80 : i32
      %scan3A_196 = arith.addi %scan3A_194, %scan3A_195 : i32
      %scan3A_197 = arith.constant 1 : i32
      %scan3A_198 = scf.for %scan3A_201 = %scan3A_194 to %scan3A_196 step %scan3A_197 iter_args(%scan3A_202 = %scan3A_193) -> (i32)  : i32 {
        %get3A_203 = arith.index_cast %scan3A_201 : i32 to index
        %get3A_204 = arith.constant 0 : index
        %get3A_205 = tpu.vector_load %arg16[%get3A_203, %get3A_204] {strides = array<i32>} : memref<80x128xf32, #tpu.memory_space<vmem>>, vector<16xf32>,
        %get3A_206 = arith.index_cast %scan3A_201 : i32 to index
        %get3A_207 = arith.constant 0 : index
        %get3A_208 = tpu.vector_load %arg17[%get3A_206, %get3A_207] {strides = array<i32>} : memref<80x128xf32, #tpu.memory_space<vmem>>, vector<16xf32>,
        %add3A_209 = arith.addf %get3A_205, %get3A_208 : vector<16xf32>
        %mul3A_210 = arith.constant 2.000000e-01 : f32
        %mul3A_211 = vector.broadcast %mul3A_210 : f32 to vector<16xf32>
        %mul3A_212 = arith.mulf %mul3A_211, %add3A_209 : vector<16xf32>
        %max3A = arith.maximumf %add3A_209, %mul3A_212 : vector<16xf32>
        %mul3A_213 = arith.mulf %max3A, %get3A_95 : vector<16xf32>
        %add3A_214 = arith.addf %broadcast_in_dim3A_0, %mul3A_213 : vector<16xf32>
        %get3A_215 = arith.index_cast %scan3A_201 : i32 to index
        %get3A_216 = arith.constant 16 : index
        %get3A_217 = tpu.vector_load %arg16[%get3A_215, %get3A_216] {strides = array<i32>} : memref<80x128xf32, #tpu.memory_space<vmem>>, vector<16xf32>,
        %get3A_218 = arith.index_cast %scan3A_201 : i32 to index
        %get3A_219 = arith.constant 16 : index
        %get3A_220 = tpu.vector_load %arg17[%get3A_218, %get3A_219] {strides = array<i32>} : memref<80x128xf32, #tpu.memory_space<vmem>>, vector<16xf32>,
        %add3A_221 = arith.addf %get3A_217, %get3A_220 : vector<16xf32>
        %mul3A_222 = arith.constant 2.000000e-01 : f32
        %mul3A_223 = vector.broadcast %mul3A_222 : f32 to vector<16xf32>
        %mul3A_224 = arith.mulf %mul3A_223, %add3A_221 : vector<16xf32>
        %max3A_225 = arith.maximumf %add3A_221, %mul3A_224 : vector<16xf32>
        %mul3A_226 = arith.mulf %max3A_225, %get3A_97 : vector<16xf32>
        %add3A_227 = arith.addf %add3A_214, %mul3A_226 : vector<16xf32>
        %get3A_228 = arith.index_cast %scan3A_201 : i32 to index
        %get3A_229 = arith.constant 32 : index
        %get3A_230 = tpu.vector_load %arg16[%get3A_228, %get3A_229] {strides = array<i32>} : memref<80x128xf32, #tpu.memory_space<vmem>>, vector<16xf32>,
        %get3A_231 = arith.index_cast %scan3A_201 : i32 to index
        %get3A_232 = arith.constant 32 : index
        %get3A_233 = tpu.vector_load %arg17[%get3A_231, %get3A_232] {strides = array<i32>} : memref<80x128xf32, #tpu.memory_space<vmem>>, vector<16xf32>,
        %add3A_234 = arith.addf %get3A_230, %get3A_233 : vector<16xf32>
        %mul3A_235 = arith.constant 2.000000e-01 : f32
        %mul3A_236 = vector.broadcast %mul3A_235 : f32 to vector<16xf32>
        %mul3A_237 = arith.mulf %mul3A_236, %add3A_234 : vector<16xf32>
        %max3A_238 = arith.maximumf %add3A_234, %mul3A_237 : vector<16xf32>
        %mul3A_239 = arith.mulf %max3A_238, %get3A_99 : vector<16xf32>
        %add3A_240 = arith.addf %add3A_227, %mul3A_239 : vector<16xf32>
        %get3A_241 = arith.index_cast %scan3A_201 : i32 to index
        %get3A_242 = arith.constant 48 : index
        %get3A_243 = tpu.vector_load %arg16[%get3A_241, %get3A_242] {strides = array<i32>} : memref<80x128xf32, #tpu.memory_space<vmem>>, vector<16xf32>,
        %get3A_244 = arith.index_cast %scan3A_201 : i32 to index
        %get3A_245 = arith.constant 48 : index
        %get3A_246 = tpu.vector_load %arg17[%get3A_244, %get3A_245] {strides = array<i32>} : memref<80x128xf32, #tpu.memory_space<vmem>>, vector<16xf32>,
        %add3A_247 = arith.addf %get3A_243, %get3A_246 : vector<16xf32>
        %mul3A_248 = arith.constant 2.000000e-01 : f32
        %mul3A_249 = vector.broadcast %mul3A_248 : f32 to vector<16xf32>
        %mul3A_250 = arith.mulf %mul3A_249, %add3A_247 : vector<16xf32>
        %max3A_251 = arith.maximumf %add3A_247, %mul3A_250 : vector<16xf32>
        %mul3A_252 = arith.mulf %max3A_251, %get3A_101 : vector<16xf32>
        %add3A_253 = arith.addf %add3A_240, %mul3A_252 : vector<16xf32>
        %get3A_254 = arith.index_cast %scan3A_201 : i32 to index
        %get3A_255 = arith.constant 64 : index
        %get3A_256 = tpu.vector_load %arg16[%get3A_254, %get3A_255] {strides = array<i32>} : memref<80x128xf32, #tpu.memory_space<vmem>>, vector<16xf32>,
        %get3A_257 = arith.index_cast %scan3A_201 : i32 to index
        %get3A_258 = arith.constant 64 : index
        %get3A_259 = tpu.vector_load %arg17[%get3A_257, %get3A_258] {strides = array<i32>} : memref<80x128xf32, #tpu.memory_space<vmem>>, vector<16xf32>,
        %add3A_260 = arith.addf %get3A_256, %get3A_259 : vector<16xf32>
        %mul3A_261 = arith.constant 2.000000e-01 : f32
        %mul3A_262 = vector.broadcast %mul3A_261 : f32 to vector<16xf32>
        %mul3A_263 = arith.mulf %mul3A_262, %add3A_260 : vector<16xf32>
        %max3A_264 = arith.maximumf %add3A_260, %mul3A_263 : vector<16xf32>
        %mul3A_265 = arith.mulf %max3A_264, %get3A_103 : vector<16xf32>
        %add3A_266 = arith.addf %add3A_253, %mul3A_265 : vector<16xf32>
        %get3A_267 = arith.index_cast %scan3A_201 : i32 to index
        %get3A_268 = arith.constant 80 : index
        %get3A_269 = tpu.vector_load %arg16[%get3A_267, %get3A_268] {strides = array<i32>} : memref<80x128xf32, #tpu.memory_space<vmem>>, vector<16xf32>,
        %get3A_270 = arith.index_cast %scan3A_201 : i32 to index
        %get3A_271 = arith.constant 80 : index
        %get3A_272 = tpu.vector_load %arg17[%get3A_270, %get3A_271] {strides = array<i32>} : memref<80x128xf32, #tpu.memory_space<vmem>>, vector<16xf32>,
        %add3A_273 = arith.addf %get3A_269, %get3A_272 : vector<16xf32>
        %mul3A_274 = arith.constant 2.000000e-01 : f32
        %mul3A_275 = vector.broadcast %mul3A_274 : f32 to vector<16xf32>
        %mul3A_276 = arith.mulf %mul3A_275, %add3A_273 : vector<16xf32>
        %max3A_277 = arith.maximumf %add3A_273, %mul3A_276 : vector<16xf32>
        %mul3A_278 = arith.mulf %max3A_277, %get3A_105 : vector<16xf32>
        %add3A_279 = arith.addf %add3A_266, %mul3A_278 : vector<16xf32>
        %get3A_280 = arith.index_cast %scan3A_201 : i32 to index
        %get3A_281 = arith.constant 96 : index
        %get3A_282 = tpu.vector_load %arg16[%get3A_280, %get3A_281] {strides = array<i32>} : memref<80x128xf32, #tpu.memory_space<vmem>>, vector<16xf32>,
        %get3A_283 = arith.index_cast %scan3A_201 : i32 to index
        %get3A_284 = arith.constant 96 : index
        %get3A_285 = tpu.vector_load %arg17[%get3A_283, %get3A_284] {strides = array<i32>} : memref<80x128xf32, #tpu.memory_space<vmem>>, vector<16xf32>,
        %add3A_286 = arith.addf %get3A_282, %get3A_285 : vector<16xf32>
        %mul3A_287 = arith.constant 2.000000e-01 : f32
        %mul3A_288 = vector.broadcast %mul3A_287 : f32 to vector<16xf32>
        %mul3A_289 = arith.mulf %mul3A_288, %add3A_286 : vector<16xf32>
        %max3A_290 = arith.maximumf %add3A_286, %mul3A_289 : vector<16xf32>
        %mul3A_291 = arith.mulf %max3A_290, %get3A_107 : vector<16xf32>
        %add3A_292 = arith.addf %add3A_279, %mul3A_291 : vector<16xf32>
        %get3A_293 = arith.index_cast %scan3A_201 : i32 to index
        %get3A_294 = arith.constant 112 : index
        %get3A_295 = tpu.vector_load %arg16[%get3A_293, %get3A_294] {strides = array<i32>} : memref<80x128xf32, #tpu.memory_space<vmem>>, vector<16xf32>,
        %get3A_296 = arith.index_cast %scan3A_201 : i32 to index
        %get3A_297 = arith.constant 112 : index
        %get3A_298 = tpu.vector_load %arg17[%get3A_296, %get3A_297] {strides = array<i32>} : memref<80x128xf32, #tpu.memory_space<vmem>>, vector<16xf32>,
        %add3A_299 = arith.addf %get3A_295, %get3A_298 : vector<16xf32>
        %mul3A_300 = arith.constant 2.000000e-01 : f32
        %mul3A_301 = vector.broadcast %mul3A_300 : f32 to vector<16xf32>
        %mul3A_302 = arith.mulf %mul3A_301, %add3A_299 : vector<16xf32>
        %max3A_303 = arith.maximumf %add3A_299, %mul3A_302 : vector<16xf32>
        %mul3A_304 = arith.mulf %max3A_303, %get3A_109 : vector<16xf32>
        %add3A_305 = arith.addf %add3A_292, %mul3A_304 : vector<16xf32>
        %reduce_sum3A_306 = arith.constant true
        %reduce_sum3A_307 = vector.broadcast %reduce_sum3A_306 : i1 to vector<16xi1>
        %reduce_sum3A_308 = tpu.scan <sum>, %add3A_305 masked %reduce_sum3A_307 : vector<16xf32>, vector<16xi1> -> vector<16xf32>
        %reduce_sum3A_309 = vector.extract %reduce_sum3A_308[15] : f32 from vector<16xf32>
        %broadcast_in_dim3A_310 = vector.broadcast %reduce_sum3A_309 : f32 to vector<16xf32>
        %exp3A = math.exp %broadcast_in_dim3A_310 : vector<16xf32>
        %add3A_311 = vector.broadcast %scan3A_201 : i32 to vector<16xi32>
        %add3A_312 = arith.addi %broadcast_in_dim3A_192, %add3A_311 : vector<16xi32>
        %ge3A = arith.cmpi sge, %add3A_312, %broadcast_in_dim3A_155 : vector<16xi32>
        %lt3A = arith.cmpi slt, %add3A_312, %broadcast_in_dim3A_156 : vector<16xi32>
        %and3A_313 = arith.andi %ge3A, %lt3A : vector<16xi1>
        %broadcast_in_dim3A_314 = vector.broadcast %scan3A_201 : i32 to vector<16xi32>
        %gather3A = tpu.vector_load_idx %arg15[%broadcast_in_dim3A_314] : memref<80xi32, #tpu.memory_space<vmem>>[vector<16xi32>], vector<16xi32>,
        %sub3A_315 = arith.subi %gather3A, %broadcast_in_dim3A_154 : vector<16xi32>
        %select_n3A_316 = arith.select %and3A_313, %sub3A_315, %broadcast_in_dim3A_158 : vector<16xi1>, vector<16xi32>
        %add3A_317 = arith.constant 0 : i32
        %add3A_318 = vector.broadcast %add3A_317 : i32 to vector<16xi32>
        %add3A_319 = arith.addi %iota3A, %add3A_318 : vector<16xi32>
        %mul3A_320 = arith.mulf %exp3A, %get3A_205 : vector<16xf32>
        tpu.vector_store_idx %arg21[%select_n3A_316, %add3A_319], %mul3A_320 {add = true} : memref<626x128xf32, #tpu.memory_space<vmem>>[vector<16xi32>, vector<16xi32>], vector<16xf32>,
        %add3A_321 = arith.constant 16 : i32
        %add3A_322 = vector.broadcast %add3A_321 : i32 to vector<16xi32>
        %add3A_323 = arith.addi %iota3A, %add3A_322 : vector<16xi32>
        %mul3A_324 = arith.mulf %exp3A, %get3A_217 : vector<16xf32>
        tpu.vector_store_idx %arg21[%select_n3A_316, %add3A_323], %mul3A_324 {add = true} : memref<626x128xf32, #tpu.memory_space<vmem>>[vector<16xi32>, vector<16xi32>], vector<16xf32>,
        %add3A_325 = arith.constant 32 : i32
        %add3A_326 = vector.broadcast %add3A_325 : i32 to vector<16xi32>
        %add3A_327 = arith.addi %iota3A, %add3A_326 : vector<16xi32>
        %mul3A_328 = arith.mulf %exp3A, %get3A_230 : vector<16xf32>
        tpu.vector_store_idx %arg21[%select_n3A_316, %add3A_327], %mul3A_328 {add = true} : memref<626x128xf32, #tpu.memory_space<vmem>>[vector<16xi32>, vector<16xi32>], vector<16xf32>,
        %add3A_329 = arith.constant 48 : i32
        %add3A_330 = vector.broadcast %add3A_329 : i32 to vector<16xi32>
        %add3A_331 = arith.addi %iota3A, %add3A_330 : vector<16xi32>
        %mul3A_332 = arith.mulf %exp3A, %get3A_243 : vector<16xf32>
        tpu.vector_store_idx %arg21[%select_n3A_316, %add3A_331], %mul3A_332 {add = true} : memref<626x128xf32, #tpu.memory_space<vmem>>[vector<16xi32>, vector<16xi32>], vector<16xf32>,
        %add3A_333 = arith.constant 64 : i32
        %add3A_334 = vector.broadcast %add3A_333 : i32 to vector<16xi32>
        %add3A_335 = arith.addi %iota3A, %add3A_334 : vector<16xi32>
        %mul3A_336 = arith.mulf %exp3A, %get3A_256 : vector<16xf32>
        tpu.vector_store_idx %arg21[%select_n3A_316, %add3A_335], %mul3A_336 {add = true} : memref<626x128xf32, #tpu.memory_space<vmem>>[vector<16xi32>, vector<16xi32>], vector<16xf32>,
        %add3A_337 = arith.constant 80 : i32
        %add3A_338 = vector.broadcast %add3A_337 : i32 to vector<16xi32>
        %add3A_339 = arith.addi %iota3A, %add3A_338 : vector<16xi32>
        %mul3A_340 = arith.mulf %exp3A, %get3A_269 : vector<16xf32>
        tpu.vector_store_idx %arg21[%select_n3A_316, %add3A_339], %mul3A_340 {add = true} : memref<626x128xf32, #tpu.memory_space<vmem>>[vector<16xi32>, vector<16xi32>], vector<16xf32>,
        %add3A_341 = arith.constant 96 : i32
        %add3A_342 = vector.broadcast %add3A_341 : i32 to vector<16xi32>
        %add3A_343 = arith.addi %iota3A, %add3A_342 : vector<16xi32>
        %mul3A_344 = arith.mulf %exp3A, %get3A_282 : vector<16xf32>
        tpu.vector_store_idx %arg21[%select_n3A_316, %add3A_343], %mul3A_344 {add = true} : memref<626x128xf32, #tpu.memory_space<vmem>>[vector<16xi32>, vector<16xi32>], vector<16xf32>,
        %add3A_345 = arith.constant 112 : i32
        %add3A_346 = vector.broadcast %add3A_345 : i32 to vector<16xi32>
        %add3A_347 = arith.addi %iota3A, %add3A_346 : vector<16xi32>
        %mul3A_348 = arith.mulf %exp3A, %get3A_295 : vector<16xf32>
        tpu.vector_store_idx %arg21[%select_n3A_316, %add3A_347], %mul3A_348 {add = true} : memref<626x128xf32, #tpu.memory_space<vmem>>[vector<16xi32>, vector<16xi32>], vector<16xf32>,
        tpu.vector_store_idx %arg22[%select_n3A_316], %exp3A masked %eq3A_112 {add = true} : memref<640xf32, #tpu.memory_space<vmem>>[vector<16xi32>], vector<16xf32>, vector<16xi1>
        %scan3A_349 = arith.constant 0 : i32
        scf.yield %scan3A_349 : i32
      }
      %scan3A_199 = arith.constant 80 : i32
      %while3A_200 = arith.constant 0 : i32
      scf.yield %while3A_200 : i32
    }
    %scan3A_170 = arith.constant 0 : i32
    %scan3A_171 = arith.constant 0 : i32
    %scan3A_172 = arith.constant 5 : i32
    %scan3A_173 = arith.addi %scan3A_171, %scan3A_172 : i32
    %scan3A_174 = arith.constant 1 : i32
    %scan3A_175 = scf.for %scan3A_177 = %scan3A_171 to %scan3A_173 step %scan3A_174 iter_args(%scan3A_178 = %scan3A_170) -> (i32)  : i32 {
      %mul3A_179 = arith.constant 125 : i32
      %mul3A_180 = arith.muli %scan3A_177, %mul3A_179 : i32
      %scan3A_181 = arith.constant 0 : i32
      %scan3A_182 = arith.constant 0 : i32
      %scan3A_183 = arith.constant 125 : i32
      %scan3A_184 = arith.addi %scan3A_182, %scan3A_183 : i32
      %scan3A_185 = arith.constant 1 : i32
      %scan3A_186 = scf.for %scan3A_204 = %scan3A_182 to %scan3A_184 step %scan3A_185 iter_args(%scan3A_205 = %scan3A_181) -> (i32)  : i32 {
        %add3A_206 = arith.addi %mul3A_180, %scan3A_204 : i32
        %broadcast_in_dim3A_207 = vector.broadcast %add3A_206 : i32 to vector<16xi32>
        %gather3A = tpu.vector_load_idx %arg22[%broadcast_in_dim3A_207] : memref<640xf32, #tpu.memory_space<vmem>>[vector<16xi32>], vector<16xf32>,
        %add3A_208 = arith.constant 1.000000e-16 : f32
        %add3A_209 = vector.broadcast %add3A_208 : f32 to vector<16xf32>
        %add3A_210 = arith.addf %gather3A, %add3A_209 : vector<16xf32>
        %mul3A_211 = arith.constant 128 : i32
        %mul3A_212 = arith.muli %scan3A_204, %mul3A_211 : i32
        %scan3A_213 = arith.constant 0 : i32
        %scan3A_214 = arith.constant 0 : i32
        %scan3A_215 = arith.constant 8 : i32
        %scan3A_216 = arith.addi %scan3A_214, %scan3A_215 : i32
        %scan3A_217 = arith.constant 1 : i32
        %scan3A_218 = scf.for %scan3A_220 = %scan3A_214 to %scan3A_216 step %scan3A_217 iter_args(%scan3A_221 = %scan3A_213) -> (i32)  : i32 {
          %mul3A_222 = arith.constant 16 : i32
          %mul3A_223 = arith.muli %scan3A_220, %mul3A_222 : i32
          %multiple_of3A_224 = tpu.assume_multiple %mul3A_223, 16 : i32
          %get3A_225 = arith.index_cast %add3A_206 : i32 to index
          %get3A_226 = arith.index_cast %multiple_of3A_224 : i32 to index
          %get3A_227 = tpu.vector_load %arg21[%get3A_225, %get3A_226] {strides = array<i32>} : memref<626x128xf32, #tpu.memory_space<vmem>>, vector<16xf32>,
          %div3A_228 = arith.divf %get3A_227, %add3A_210 : vector<16xf32>
          %mul3A_229 = arith.constant 16 : i32
          %mul3A_230 = arith.muli %scan3A_220, %mul3A_229 : i32
          %add3A_231 = arith.addi %mul3A_212, %mul3A_230 : i32
          %multiple_of3A_232 = tpu.assume_multiple %add3A_231, 16 : i32
          %swap3A_233 = arith.index_cast %multiple_of3A_232 : i32 to index
          %swap3A_234 = tpu.vector_load %arg23[%swap3A_233] {strides = array<i32>} : memref<16000xf32, #tpu.memory_space<vmem>>, vector<16xf32>,
          tpu.vector_store %arg23[%swap3A_233], %div3A_228 {strides = array<i32>} : memref<16000xf32, #tpu.memory_space<vmem>>, vector<16xf32>,
          %scan3A_235 = arith.constant 0 : i32
          scf.yield %scan3A_235 : i32
        }
        %scan3A_219 = arith.constant 8 : i32
        scf.yield %scan3A_218 : i32
      }
      %scan3A_187 = arith.constant 125 : i32
      %mul3A_188 = arith.constant 625 : i32
      %mul3A_189 = arith.muli %arg1, %mul3A_188 : i32
      %add3A_190 = arith.addi %mul3A_189, %mul3A_180 : i32
      %mul3A_191 = arith.constant 128 : i32
      %mul3A_192 = arith.muli %add3A_190, %mul3A_191 : i32
      %multiple_of3A = tpu.assume_multiple %mul3A_192, 8 : i32
      %eq3A_193 = arith.constant 0 : i32
      %eq3A_194 = arith.cmpi eq, %arg0, %eq3A_193 : i32
      %convert_element_type3A_195 = arith.extui %eq3A_194 : i1 to i32
      %cond3A_196 = arith.constant 0 : i32
      %cond3A_197 = arith.cmpi ne, %convert_element_type3A_195, %cond3A_196 : i32
      scf.if %cond3A_197 {
        "tpu.region"() ({
          %run_scoped3A = tpu.sem_alloc : memref<!tpu.dma_semaphore, #tpu.memory_space<semaphore_mem>>
          %dma_start3A = tpu.memref_slice %arg12[%multiple_of3A] : memref<1280000xf32, #tpu.memory_space<hbm>> -> memref<16000xf32, #tpu.memory_space<hbm>>
          %dma_start3A_204 = tpu.memref_slice %arg12[%multiple_of3A] : memref<1280000xf32, #tpu.memory_space<hbm>> -> memref<16000xf32, #tpu.memory_space<hbm>>
          tpu.enqueue_dma source(%arg23 : memref<16000xf32, #tpu.memory_space<vmem>>) target(%dma_start3A_204 : memref<16000xf32, #tpu.memory_space<hbm>>) target_semaphore(%run_scoped3A : memref<!tpu.dma_semaphore, #tpu.memory_space<semaphore_mem>>)
          %dma_wait3A = tpu.memref_slice %arg12[%multiple_of3A] : memref<1280000xf32, #tpu.memory_space<hbm>> -> memref<16000xf32, #tpu.memory_space<hbm>>
          %dma_wait3A_205 = tpu.memref_slice %arg12[%multiple_of3A] : memref<1280000xf32, #tpu.memory_space<hbm>> -> memref<16000xf32, #tpu.memory_space<hbm>>
          tpu.wait_dma2 semaphore(%run_scoped3A : memref<!tpu.dma_semaphore, #tpu.memory_space<semaphore_mem>>) src(%arg23 : memref<16000xf32, #tpu.memory_space<vmem>>) dst(%dma_wait3A_205 : memref<16000xf32, #tpu.memory_space<hbm>>)
          tpu.yield
        }) : () -> ()
      } else {
      }
      %eq3A_198 = arith.constant 1 : i32
      %eq3A_199 = arith.cmpi eq, %arg0, %eq3A_198 : i32
      %convert_element_type3A_200 = arith.extui %eq3A_199 : i1 to i32
      %cond3A_201 = arith.constant 0 : i32
      %cond3A_202 = arith.cmpi ne, %convert_element_type3A_200, %cond3A_201 : i32
      scf.if %cond3A_202 {
        "tpu.region"() ({
          %run_scoped3A = tpu.sem_alloc : memref<!tpu.dma_semaphore, #tpu.memory_space<semaphore_mem>>
          %dma_start3A = tpu.memref_slice %arg13[%multiple_of3A] : memref<1280000xf32, #tpu.memory_space<hbm>> -> memref<16000xf32, #tpu.memory_space<hbm>>
          %dma_start3A_204 = tpu.memref_slice %arg13[%multiple_of3A] : memref<1280000xf32, #tpu.memory_space<hbm>> -> memref<16000xf32, #tpu.memory_space<hbm>>
          tpu.enqueue_dma source(%arg23 : memref<16000xf32, #tpu.memory_space<vmem>>) target(%dma_start3A_204 : memref<16000xf32, #tpu.memory_space<hbm>>) target_semaphore(%run_scoped3A : memref<!tpu.dma_semaphore, #tpu.memory_space<semaphore_mem>>)
          %dma_wait3A = tpu.memref_slice %arg13[%multiple_of3A] : memref<1280000xf32, #tpu.memory_space<hbm>> -> memref<16000xf32, #tpu.memory_space<hbm>>
          %dma_wait3A_205 = tpu.memref_slice %arg13[%multiple_of3A] : memref<1280000xf32, #tpu.memory_space<hbm>> -> memref<16000xf32, #tpu.memory_space<hbm>>
          tpu.wait_dma2 semaphore(%run_scoped3A : memref<!tpu.dma_semaphore, #tpu.memory_space<semaphore_mem>>) src(%arg23 : memref<16000xf32, #tpu.memory_space<vmem>>) dst(%dma_wait3A_205 : memref<16000xf32, #tpu.memory_space<hbm>>)
          tpu.yield
        }) : () -> ()
      } else {
      }
      %scan3A_203 = arith.constant 0 : i32
      scf.yield %scan3A_203 : i32
    }
    %scan3A_176 = arith.constant 5 : i32
    return
  }
}

#map = affine_map<(d0, d1) -> (0, 0)>
#map1 = affine_map<(d0, d1) -> (0)>
module attributes {stable_mosaic.version = 14 : i64} {
  func.func @_edge_body(%arg0: i32, %arg1: i32, %arg2: memref<10000x128xf32, #tpu.memory_space<hbm>>, %arg3: memref<10000x128xf32, #tpu.memory_space<hbm>>, %arg4: memref<10000x128xf32, #tpu.memory_space<hbm>>, %arg5: memref<10000x128xf32, #tpu.memory_space<hbm>>, %arg6: memref<160160xi32, #tpu.memory_space<hbm>>, %arg7: memref<160160xi32, #tpu.memory_space<hbm>>, %arg8: memref<128xf32, #tpu.memory_space<hbm>>, %arg9: memref<128xf32, #tpu.memory_space<hbm>>, %arg10: memref<16xi32, #tpu.memory_space<hbm>>, %arg11: memref<16xi32, #tpu.memory_space<hbm>>, %arg12: memref<1280000xf32, #tpu.memory_space<hbm>>, %arg13: memref<1280000xf32, #tpu.memory_space<hbm>>, %arg14: memref<80xi32, #tpu.memory_space<vmem>>, %arg15: memref<80xi32, #tpu.memory_space<vmem>>, %arg16: memref<80x128xf32, #tpu.memory_space<vmem>>, %arg17: memref<80x128xf32, #tpu.memory_space<vmem>>, %arg18: memref<128xf32, #tpu.memory_space<vmem>>, %arg19: memref<16xi32, #tpu.memory_space<vmem>>, %arg20: memref<16xi32, #tpu.memory_space<vmem>>, %arg21: memref<626x128xf32, #tpu.memory_space<vmem>>, %arg22: memref<640xf32, #tpu.memory_space<vmem>>, %arg23: memref<16000xf32, #tpu.memory_space<vmem>>, %arg24: memref<!tpu.dma_semaphore, #tpu.memory_space<semaphore_mem>>) attributes {dimension_semantics = [#tpu.dimension_semantics<core_parallel>, #tpu.dimension_semantics<subcore_parallel>], iteration_bounds = array<i64: 2, 16>, scalar_prefetch = 0 : i64, scratch_operands = 11 : i64, tpu.core_type = #tpu.core_type<sc_vector_subcore>, window_params = [{transform_indices = #map}, {transform_indices = #map}, {transform_indices = #map}, {transform_indices = #map}, {transform_indices = #map1}, {transform_indices = #map1}, {transform_indices = #map1}, {transform_indices = #map1}, {transform_indices = #map1}, {transform_indices = #map1}, {transform_indices = #map1}, {transform_indices = #map1}]} {
    %broadcast_in_dim3A = arith.constant 0.000000e+00 : f32
    %broadcast_in_dim3A_0 = vector.broadcast %broadcast_in_dim3A : f32 to vector<16xf32>
    %scan3A = arith.constant 0 : i32
    %scan3A_1 = arith.constant 0 : i32
    %scan3A_2 = arith.constant 626 : i32
    %scan3A_3 = arith.addi %scan3A_1, %scan3A_2 : i32
    %scan3A_4 = arith.constant 1 : i32
    %scan3A_5 = scf.for %scan3A_177 = %scan3A_1 to %scan3A_3 step %scan3A_4 iter_args(%scan3A_178 = %scan3A) -> (i32)  : i32 {
      %scan3A_179 = arith.constant 0 : i32
      %scan3A_180 = arith.constant 0 : i32
      %scan3A_181 = arith.constant 8 : i32
      %scan3A_182 = arith.addi %scan3A_180, %scan3A_181 : i32
      %scan3A_183 = arith.constant 1 : i32
      %scan3A_184 = scf.for %scan3A_186 = %scan3A_180 to %scan3A_182 step %scan3A_183 iter_args(%scan3A_187 = %scan3A_179) -> (i32)  : i32 {
        %mul3A_188 = arith.constant 16 : i32
        %mul3A_189 = arith.muli %scan3A_186, %mul3A_188 : i32
        %multiple_of3A = tpu.assume_multiple %mul3A_189, 16 : i32
        %swap3A_190 = arith.index_cast %scan3A_177 : i32 to index
        %swap3A_191 = arith.index_cast %multiple_of3A : i32 to index
        %swap3A_192 = tpu.vector_load %arg21[%swap3A_190, %swap3A_191] {strides = array<i32>} : memref<626x128xf32, #tpu.memory_space<vmem>>, vector<16xf32>,
        tpu.vector_store %arg21[%swap3A_190, %swap3A_191], %broadcast_in_dim3A_0 {strides = array<i32>} : memref<626x128xf32, #tpu.memory_space<vmem>>, vector<16xf32>,
        %scan3A_193 = arith.constant 0 : i32
        scf.yield %scan3A_193 : i32
      }
      %scan3A_185 = arith.constant 8 : i32
      scf.yield %scan3A_184 : i32
    }
    %scan3A_6 = arith.constant 626 : i32
    %swap3A = arith.constant 0 : index
    %swap3A_7 = tpu.vector_load %arg22[%swap3A] {strides = array<i32>} : memref<640xf32, #tpu.memory_space<vmem>>, vector<16xf32>,
    tpu.vector_store %arg22[%swap3A], %broadcast_in_dim3A_0 {strides = array<i32>} : memref<640xf32, #tpu.memory_space<vmem>>, vector<16xf32>,
    %swap3A_8 = arith.constant 16 : index
    %swap3A_9 = tpu.vector_load %arg22[%swap3A_8] {strides = array<i32>} : memref<640xf32, #tpu.memory_space<vmem>>, vector<16xf32>,
    tpu.vector_store %arg22[%swap3A_8], %broadcast_in_dim3A_0 {strides = array<i32>} : memref<640xf32, #tpu.memory_space<vmem>>, vector<16xf32>,
    %swap3A_10 = arith.constant 32 : index
    %swap3A_11 = tpu.vector_load %arg22[%swap3A_10] {strides = array<i32>} : memref<640xf32, #tpu.memory_space<vmem>>, vector<16xf32>,
    tpu.vector_store %arg22[%swap3A_10], %broadcast_in_dim3A_0 {strides = array<i32>} : memref<640xf32, #tpu.memory_space<vmem>>, vector<16xf32>,
    %swap3A_12 = arith.constant 48 : index
    %swap3A_13 = tpu.vector_load %arg22[%swap3A_12] {strides = array<i32>} : memref<640xf32, #tpu.memory_space<vmem>>, vector<16xf32>,
    tpu.vector_store %arg22[%swap3A_12], %broadcast_in_dim3A_0 {strides = array<i32>} : memref<640xf32, #tpu.memory_space<vmem>>, vector<16xf32>,
    %swap3A_14 = arith.constant 64 : index
    %swap3A_15 = tpu.vector_load %arg22[%swap3A_14] {strides = array<i32>} : memref<640xf32, #tpu.memory_space<vmem>>, vector<16xf32>,
    tpu.vector_store %arg22[%swap3A_14], %broadcast_in_dim3A_0 {strides = array<i32>} : memref<640xf32, #tpu.memory_space<vmem>>, vector<16xf32>,
    %swap3A_16 = arith.constant 80 : index
    %swap3A_17 = tpu.vector_load %arg22[%swap3A_16] {strides = array<i32>} : memref<640xf32, #tpu.memory_space<vmem>>, vector<16xf32>,
    tpu.vector_store %arg22[%swap3A_16], %broadcast_in_dim3A_0 {strides = array<i32>} : memref<640xf32, #tpu.memory_space<vmem>>, vector<16xf32>,
    %swap3A_18 = arith.constant 96 : index
    %swap3A_19 = tpu.vector_load %arg22[%swap3A_18] {strides = array<i32>} : memref<640xf32, #tpu.memory_space<vmem>>, vector<16xf32>,
    tpu.vector_store %arg22[%swap3A_18], %broadcast_in_dim3A_0 {strides = array<i32>} : memref<640xf32, #tpu.memory_space<vmem>>, vector<16xf32>,
    %swap3A_20 = arith.constant 112 : index
    %swap3A_21 = tpu.vector_load %arg22[%swap3A_20] {strides = array<i32>} : memref<640xf32, #tpu.memory_space<vmem>>, vector<16xf32>,
    tpu.vector_store %arg22[%swap3A_20], %broadcast_in_dim3A_0 {strides = array<i32>} : memref<640xf32, #tpu.memory_space<vmem>>, vector<16xf32>,
    %swap3A_22 = arith.constant 128 : index
    %swap3A_23 = tpu.vector_load %arg22[%swap3A_22] {strides = array<i32>} : memref<640xf32, #tpu.memory_space<vmem>>, vector<16xf32>,
    tpu.vector_store %arg22[%swap3A_22], %broadcast_in_dim3A_0 {strides = array<i32>} : memref<640xf32, #tpu.memory_space<vmem>>, vector<16xf32>,
    %swap3A_24 = arith.constant 144 : index
    %swap3A_25 = tpu.vector_load %arg22[%swap3A_24] {strides = array<i32>} : memref<640xf32, #tpu.memory_space<vmem>>, vector<16xf32>,
    tpu.vector_store %arg22[%swap3A_24], %broadcast_in_dim3A_0 {strides = array<i32>} : memref<640xf32, #tpu.memory_space<vmem>>, vector<16xf32>,
    %swap3A_26 = arith.constant 160 : index
    %swap3A_27 = tpu.vector_load %arg22[%swap3A_26] {strides = array<i32>} : memref<640xf32, #tpu.memory_space<vmem>>, vector<16xf32>,
    tpu.vector_store %arg22[%swap3A_26], %broadcast_in_dim3A_0 {strides = array<i32>} : memref<640xf32, #tpu.memory_space<vmem>>, vector<16xf32>,
    %swap3A_28 = arith.constant 176 : index
    %swap3A_29 = tpu.vector_load %arg22[%swap3A_28] {strides = array<i32>} : memref<640xf32, #tpu.memory_space<vmem>>, vector<16xf32>,
    tpu.vector_store %arg22[%swap3A_28], %broadcast_in_dim3A_0 {strides = array<i32>} : memref<640xf32, #tpu.memory_space<vmem>>, vector<16xf32>,
    %swap3A_30 = arith.constant 192 : index
    %swap3A_31 = tpu.vector_load %arg22[%swap3A_30] {strides = array<i32>} : memref<640xf32, #tpu.memory_space<vmem>>, vector<16xf32>,
    tpu.vector_store %arg22[%swap3A_30], %broadcast_in_dim3A_0 {strides = array<i32>} : memref<640xf32, #tpu.memory_space<vmem>>, vector<16xf32>,
    %swap3A_32 = arith.constant 208 : index
    %swap3A_33 = tpu.vector_load %arg22[%swap3A_32] {strides = array<i32>} : memref<640xf32, #tpu.memory_space<vmem>>, vector<16xf32>,
    tpu.vector_store %arg22[%swap3A_32], %broadcast_in_dim3A_0 {strides = array<i32>} : memref<640xf32, #tpu.memory_space<vmem>>, vector<16xf32>,
    %swap3A_34 = arith.constant 224 : index
    %swap3A_35 = tpu.vector_load %arg22[%swap3A_34] {strides = array<i32>} : memref<640xf32, #tpu.memory_space<vmem>>, vector<16xf32>,
    tpu.vector_store %arg22[%swap3A_34], %broadcast_in_dim3A_0 {strides = array<i32>} : memref<640xf32, #tpu.memory_space<vmem>>, vector<16xf32>,
    %swap3A_36 = arith.constant 240 : index
    %swap3A_37 = tpu.vector_load %arg22[%swap3A_36] {strides = array<i32>} : memref<640xf32, #tpu.memory_space<vmem>>, vector<16xf32>,
    tpu.vector_store %arg22[%swap3A_36], %broadcast_in_dim3A_0 {strides = array<i32>} : memref<640xf32, #tpu.memory_space<vmem>>, vector<16xf32>,
    %swap3A_38 = arith.constant 256 : index
    %swap3A_39 = tpu.vector_load %arg22[%swap3A_38] {strides = array<i32>} : memref<640xf32, #tpu.memory_space<vmem>>, vector<16xf32>,
    tpu.vector_store %arg22[%swap3A_38], %broadcast_in_dim3A_0 {strides = array<i32>} : memref<640xf32, #tpu.memory_space<vmem>>, vector<16xf32>,
    %swap3A_40 = arith.constant 272 : index
    %swap3A_41 = tpu.vector_load %arg22[%swap3A_40] {strides = array<i32>} : memref<640xf32, #tpu.memory_space<vmem>>, vector<16xf32>,
    tpu.vector_store %arg22[%swap3A_40], %broadcast_in_dim3A_0 {strides = array<i32>} : memref<640xf32, #tpu.memory_space<vmem>>, vector<16xf32>,
    %swap3A_42 = arith.constant 288 : index
    %swap3A_43 = tpu.vector_load %arg22[%swap3A_42] {strides = array<i32>} : memref<640xf32, #tpu.memory_space<vmem>>, vector<16xf32>,
    tpu.vector_store %arg22[%swap3A_42], %broadcast_in_dim3A_0 {strides = array<i32>} : memref<640xf32, #tpu.memory_space<vmem>>, vector<16xf32>,
    %swap3A_44 = arith.constant 304 : index
    %swap3A_45 = tpu.vector_load %arg22[%swap3A_44] {strides = array<i32>} : memref<640xf32, #tpu.memory_space<vmem>>, vector<16xf32>,
    tpu.vector_store %arg22[%swap3A_44], %broadcast_in_dim3A_0 {strides = array<i32>} : memref<640xf32, #tpu.memory_space<vmem>>, vector<16xf32>,
    %swap3A_46 = arith.constant 320 : index
    %swap3A_47 = tpu.vector_load %arg22[%swap3A_46] {strides = array<i32>} : memref<640xf32, #tpu.memory_space<vmem>>, vector<16xf32>,
    tpu.vector_store %arg22[%swap3A_46], %broadcast_in_dim3A_0 {strides = array<i32>} : memref<640xf32, #tpu.memory_space<vmem>>, vector<16xf32>,
    %swap3A_48 = arith.constant 336 : index
    %swap3A_49 = tpu.vector_load %arg22[%swap3A_48] {strides = array<i32>} : memref<640xf32, #tpu.memory_space<vmem>>, vector<16xf32>,
    tpu.vector_store %arg22[%swap3A_48], %broadcast_in_dim3A_0 {strides = array<i32>} : memref<640xf32, #tpu.memory_space<vmem>>, vector<16xf32>,
    %swap3A_50 = arith.constant 352 : index
    %swap3A_51 = tpu.vector_load %arg22[%swap3A_50] {strides = array<i32>} : memref<640xf32, #tpu.memory_space<vmem>>, vector<16xf32>,
    tpu.vector_store %arg22[%swap3A_50], %broadcast_in_dim3A_0 {strides = array<i32>} : memref<640xf32, #tpu.memory_space<vmem>>, vector<16xf32>,
    %swap3A_52 = arith.constant 368 : index
    %swap3A_53 = tpu.vector_load %arg22[%swap3A_52] {strides = array<i32>} : memref<640xf32, #tpu.memory_space<vmem>>, vector<16xf32>,
    tpu.vector_store %arg22[%swap3A_52], %broadcast_in_dim3A_0 {strides = array<i32>} : memref<640xf32, #tpu.memory_space<vmem>>, vector<16xf32>,
    %swap3A_54 = arith.constant 384 : index
    %swap3A_55 = tpu.vector_load %arg22[%swap3A_54] {strides = array<i32>} : memref<640xf32, #tpu.memory_space<vmem>>, vector<16xf32>,
    tpu.vector_store %arg22[%swap3A_54], %broadcast_in_dim3A_0 {strides = array<i32>} : memref<640xf32, #tpu.memory_space<vmem>>, vector<16xf32>,
    %swap3A_56 = arith.constant 400 : index
    %swap3A_57 = tpu.vector_load %arg22[%swap3A_56] {strides = array<i32>} : memref<640xf32, #tpu.memory_space<vmem>>, vector<16xf32>,
    tpu.vector_store %arg22[%swap3A_56], %broadcast_in_dim3A_0 {strides = array<i32>} : memref<640xf32, #tpu.memory_space<vmem>>, vector<16xf32>,
    %swap3A_58 = arith.constant 416 : index
    %swap3A_59 = tpu.vector_load %arg22[%swap3A_58] {strides = array<i32>} : memref<640xf32, #tpu.memory_space<vmem>>, vector<16xf32>,
    tpu.vector_store %arg22[%swap3A_58], %broadcast_in_dim3A_0 {strides = array<i32>} : memref<640xf32, #tpu.memory_space<vmem>>, vector<16xf32>,
    %swap3A_60 = arith.constant 432 : index
    %swap3A_61 = tpu.vector_load %arg22[%swap3A_60] {strides = array<i32>} : memref<640xf32, #tpu.memory_space<vmem>>, vector<16xf32>,
    tpu.vector_store %arg22[%swap3A_60], %broadcast_in_dim3A_0 {strides = array<i32>} : memref<640xf32, #tpu.memory_space<vmem>>, vector<16xf32>,
    %swap3A_62 = arith.constant 448 : index
    %swap3A_63 = tpu.vector_load %arg22[%swap3A_62] {strides = array<i32>} : memref<640xf32, #tpu.memory_space<vmem>>, vector<16xf32>,
    tpu.vector_store %arg22[%swap3A_62], %broadcast_in_dim3A_0 {strides = array<i32>} : memref<640xf32, #tpu.memory_space<vmem>>, vector<16xf32>,
    %swap3A_64 = arith.constant 464 : index
    %swap3A_65 = tpu.vector_load %arg22[%swap3A_64] {strides = array<i32>} : memref<640xf32, #tpu.memory_space<vmem>>, vector<16xf32>,
    tpu.vector_store %arg22[%swap3A_64], %broadcast_in_dim3A_0 {strides = array<i32>} : memref<640xf32, #tpu.memory_space<vmem>>, vector<16xf32>,
    %swap3A_66 = arith.constant 480 : index
    %swap3A_67 = tpu.vector_load %arg22[%swap3A_66] {strides = array<i32>} : memref<640xf32, #tpu.memory_space<vmem>>, vector<16xf32>,
    tpu.vector_store %arg22[%swap3A_66], %broadcast_in_dim3A_0 {strides = array<i32>} : memref<640xf32, #tpu.memory_space<vmem>>, vector<16xf32>,
    %swap3A_68 = arith.constant 496 : index
    %swap3A_69 = tpu.vector_load %arg22[%swap3A_68] {strides = array<i32>} : memref<640xf32, #tpu.memory_space<vmem>>, vector<16xf32>,
    tpu.vector_store %arg22[%swap3A_68], %broadcast_in_dim3A_0 {strides = array<i32>} : memref<640xf32, #tpu.memory_space<vmem>>, vector<16xf32>,
    %swap3A_70 = arith.constant 512 : index
    %swap3A_71 = tpu.vector_load %arg22[%swap3A_70] {strides = array<i32>} : memref<640xf32, #tpu.memory_space<vmem>>, vector<16xf32>,
    tpu.vector_store %arg22[%swap3A_70], %broadcast_in_dim3A_0 {strides = array<i32>} : memref<640xf32, #tpu.memory_space<vmem>>, vector<16xf32>,
    %swap3A_72 = arith.constant 528 : index
    %swap3A_73 = tpu.vector_load %arg22[%swap3A_72] {strides = array<i32>} : memref<640xf32, #tpu.memory_space<vmem>>, vector<16xf32>,
    tpu.vector_store %arg22[%swap3A_72], %broadcast_in_dim3A_0 {strides = array<i32>} : memref<640xf32, #tpu.memory_space<vmem>>, vector<16xf32>,
    %swap3A_74 = arith.constant 544 : index
    %swap3A_75 = tpu.vector_load %arg22[%swap3A_74] {strides = array<i32>} : memref<640xf32, #tpu.memory_space<vmem>>, vector<16xf32>,
    tpu.vector_store %arg22[%swap3A_74], %broadcast_in_dim3A_0 {strides = array<i32>} : memref<640xf32, #tpu.memory_space<vmem>>, vector<16xf32>,
    %swap3A_76 = arith.constant 560 : index
    %swap3A_77 = tpu.vector_load %arg22[%swap3A_76] {strides = array<i32>} : memref<640xf32, #tpu.memory_space<vmem>>, vector<16xf32>,
    tpu.vector_store %arg22[%swap3A_76], %broadcast_in_dim3A_0 {strides = array<i32>} : memref<640xf32, #tpu.memory_space<vmem>>, vector<16xf32>,
    %swap3A_78 = arith.constant 576 : index
    %swap3A_79 = tpu.vector_load %arg22[%swap3A_78] {strides = array<i32>} : memref<640xf32, #tpu.memory_space<vmem>>, vector<16xf32>,
    tpu.vector_store %arg22[%swap3A_78], %broadcast_in_dim3A_0 {strides = array<i32>} : memref<640xf32, #tpu.memory_space<vmem>>, vector<16xf32>,
    %swap3A_80 = arith.constant 592 : index
    %swap3A_81 = tpu.vector_load %arg22[%swap3A_80] {strides = array<i32>} : memref<640xf32, #tpu.memory_space<vmem>>, vector<16xf32>,
    tpu.vector_store %arg22[%swap3A_80], %broadcast_in_dim3A_0 {strides = array<i32>} : memref<640xf32, #tpu.memory_space<vmem>>, vector<16xf32>,
    %swap3A_82 = arith.constant 608 : index
    %swap3A_83 = tpu.vector_load %arg22[%swap3A_82] {strides = array<i32>} : memref<640xf32, #tpu.memory_space<vmem>>, vector<16xf32>,
    tpu.vector_store %arg22[%swap3A_82], %broadcast_in_dim3A_0 {strides = array<i32>} : memref<640xf32, #tpu.memory_space<vmem>>, vector<16xf32>,
    %swap3A_84 = arith.constant 624 : index
    %swap3A_85 = tpu.vector_load %arg22[%swap3A_84] {strides = array<i32>} : memref<640xf32, #tpu.memory_space<vmem>>, vector<16xf32>,
    tpu.vector_store %arg22[%swap3A_84], %broadcast_in_dim3A_0 {strides = array<i32>} : memref<640xf32, #tpu.memory_space<vmem>>, vector<16xf32>,
    %swap3A_86 = arith.constant 624 : index
    %swap3A_87 = tpu.vector_load %arg22[%swap3A_86] {strides = array<i32>} : memref<640xf32, #tpu.memory_space<vmem>>, vector<16xf32>,
    tpu.vector_store %arg22[%swap3A_86], %broadcast_in_dim3A_0 {strides = array<i32>} : memref<640xf32, #tpu.memory_space<vmem>>, vector<16xf32>,
    %eq3A = arith.constant 0 : i32
    %eq3A_88 = arith.cmpi eq, %arg0, %eq3A : i32
    %convert_element_type3A = arith.extui %eq3A_88 : i1 to i32
    %cond3A = arith.constant 0 : i32
    %cond3A_89 = arith.cmpi ne, %convert_element_type3A, %cond3A : i32
    scf.if %cond3A_89 {
      "tpu.region"() ({
        %run_scoped3A = tpu.sem_alloc : memref<!tpu.dma_semaphore, #tpu.memory_space<semaphore_mem>>
        tpu.enqueue_dma source(%arg8 : memref<128xf32, #tpu.memory_space<hbm>>) target(%arg18 : memref<128xf32, #tpu.memory_space<vmem>>) target_semaphore(%run_scoped3A : memref<!tpu.dma_semaphore, #tpu.memory_space<semaphore_mem>>)
        tpu.wait_dma2 semaphore(%run_scoped3A : memref<!tpu.dma_semaphore, #tpu.memory_space<semaphore_mem>>) src(%arg8 : memref<128xf32, #tpu.memory_space<hbm>>) dst(%arg18 : memref<128xf32, #tpu.memory_space<vmem>>)
        tpu.yield
      }) : () -> ()
    } else {
    }
    %eq3A_90 = arith.constant 1 : i32
    %eq3A_91 = arith.cmpi eq, %arg0, %eq3A_90 : i32
    %convert_element_type3A_92 = arith.extui %eq3A_91 : i1 to i32
    %cond3A_93 = arith.constant 0 : i32
    %cond3A_94 = arith.cmpi ne, %convert_element_type3A_92, %cond3A_93 : i32
    scf.if %cond3A_94 {
      "tpu.region"() ({
        %run_scoped3A = tpu.sem_alloc : memref<!tpu.dma_semaphore, #tpu.memory_space<semaphore_mem>>
        tpu.enqueue_dma source(%arg9 : memref<128xf32, #tpu.memory_space<hbm>>) target(%arg18 : memref<128xf32, #tpu.memory_space<vmem>>) target_semaphore(%run_scoped3A : memref<!tpu.dma_semaphore, #tpu.memory_space<semaphore_mem>>)
        tpu.wait_dma2 semaphore(%run_scoped3A : memref<!tpu.dma_semaphore, #tpu.memory_space<semaphore_mem>>) src(%arg9 : memref<128xf32, #tpu.memory_space<hbm>>) dst(%arg18 : memref<128xf32, #tpu.memory_space<vmem>>)
        tpu.yield
      }) : () -> ()
    } else {
    }
    "tpu.region"() ({
      %run_scoped3A = tpu.sem_alloc : memref<!tpu.dma_semaphore, #tpu.memory_space<semaphore_mem>>
      tpu.enqueue_dma source(%arg10 : memref<16xi32, #tpu.memory_space<hbm>>) target(%arg19 : memref<16xi32, #tpu.memory_space<vmem>>) target_semaphore(%run_scoped3A : memref<!tpu.dma_semaphore, #tpu.memory_space<semaphore_mem>>)
      tpu.wait_dma2 semaphore(%run_scoped3A : memref<!tpu.dma_semaphore, #tpu.memory_space<semaphore_mem>>) src(%arg10 : memref<16xi32, #tpu.memory_space<hbm>>) dst(%arg19 : memref<16xi32, #tpu.memory_space<vmem>>)
      tpu.yield
    }) : () -> ()
    "tpu.region"() ({
      %run_scoped3A = tpu.sem_alloc : memref<!tpu.dma_semaphore, #tpu.memory_space<semaphore_mem>>
      tpu.enqueue_dma source(%arg11 : memref<16xi32, #tpu.memory_space<hbm>>) target(%arg20 : memref<16xi32, #tpu.memory_space<vmem>>) target_semaphore(%run_scoped3A : memref<!tpu.dma_semaphore, #tpu.memory_space<semaphore_mem>>)
      tpu.wait_dma2 semaphore(%run_scoped3A : memref<!tpu.dma_semaphore, #tpu.memory_space<semaphore_mem>>) src(%arg11 : memref<16xi32, #tpu.memory_space<hbm>>) dst(%arg20 : memref<16xi32, #tpu.memory_space<vmem>>)
      tpu.yield
    }) : () -> ()
    %get3A = arith.constant 0 : index
    %get3A_95 = tpu.vector_load %arg18[%get3A] {strides = array<i32>} : memref<128xf32, #tpu.memory_space<vmem>>, vector<16xf32>,
    %get3A_96 = arith.constant 16 : index
    %get3A_97 = tpu.vector_load %arg18[%get3A_96] {strides = array<i32>} : memref<128xf32, #tpu.memory_space<vmem>>, vector<16xf32>,
    %get3A_98 = arith.constant 32 : index
    %get3A_99 = tpu.vector_load %arg18[%get3A_98] {strides = array<i32>} : memref<128xf32, #tpu.memory_space<vmem>>, vector<16xf32>,
    %get3A_100 = arith.constant 48 : index
    %get3A_101 = tpu.vector_load %arg18[%get3A_100] {strides = array<i32>} : memref<128xf32, #tpu.memory_space<vmem>>, vector<16xf32>,
    %get3A_102 = arith.constant 64 : index
    %get3A_103 = tpu.vector_load %arg18[%get3A_102] {strides = array<i32>} : memref<128xf32, #tpu.memory_space<vmem>>, vector<16xf32>,
    %get3A_104 = arith.constant 80 : index
    %get3A_105 = tpu.vector_load %arg18[%get3A_104] {strides = array<i32>} : memref<128xf32, #tpu.memory_space<vmem>>, vector<16xf32>,
    %get3A_106 = arith.constant 96 : index
    %get3A_107 = tpu.vector_load %arg18[%get3A_106] {strides = array<i32>} : memref<128xf32, #tpu.memory_space<vmem>>, vector<16xf32>,
    %get3A_108 = arith.constant 112 : index
    %get3A_109 = tpu.vector_load %arg18[%get3A_108] {strides = array<i32>} : memref<128xf32, #tpu.memory_space<vmem>>, vector<16xf32>,
    %iota3A = tpu.iota {dimensions = array<i32: 0>} : vector<16xi32>
    %eq3A_110 = arith.constant 0 : i32
    %eq3A_111 = vector.broadcast %eq3A_110 : i32 to vector<16xi32>
    %eq3A_112 = arith.cmpi eq, %iota3A, %eq3A_111 : vector<16xi32>
    %eq3A_113 = vector.broadcast %arg1 : i32 to vector<16xi32>
    %eq3A_114 = arith.cmpi eq, %iota3A, %eq3A_113 : vector<16xi32>
    %jit3A = arith.constant 1 : i32
    %jit3A_115 = arith.constant 0 : i32
    %broadcast_in_dim3A_116 = vector.broadcast %jit3A : i32 to vector<16xi32>
    %broadcast_in_dim3A_117 = vector.broadcast %jit3A_115 : i32 to vector<16xi32>
    %select_n3A = arith.select %eq3A_114, %broadcast_in_dim3A_116, %broadcast_in_dim3A_117 : vector<16xi1>, vector<16xi32>
    %get3A_118 = arith.constant 0 : index
    %get3A_119 = tpu.vector_load %arg19[%get3A_118] {strides = array<i32>} : memref<16xi32, #tpu.memory_space<vmem>>, vector<16xi32>,
    %mul3A = arith.muli %select_n3A, %get3A_119 : vector<16xi32>
    %reduce_sum3A = arith.constant true
    %reduce_sum3A_120 = vector.broadcast %reduce_sum3A : i1 to vector<16xi1>
    %reduce_sum3A_121 = tpu.scan <sum>, %mul3A masked %reduce_sum3A_120 : vector<16xi32>, vector<16xi1> -> vector<16xi32>
    %reduce_sum3A_122 = vector.extract %reduce_sum3A_121[15] : i32 from vector<16xi32>
    %get3A_123 = arith.constant 0 : index
    %get3A_124 = tpu.vector_load %arg20[%get3A_123] {strides = array<i32>} : memref<16xi32, #tpu.memory_space<vmem>>, vector<16xi32>,
    %mul3A_125 = arith.muli %select_n3A, %get3A_124 : vector<16xi32>
    %reduce_sum3A_126 = arith.constant true
    %reduce_sum3A_127 = vector.broadcast %reduce_sum3A_126 : i1 to vector<16xi1>
    %reduce_sum3A_128 = tpu.scan <sum>, %mul3A_125 masked %reduce_sum3A_127 : vector<16xi32>, vector<16xi1> -> vector<16xi32>
    %reduce_sum3A_129 = vector.extract %reduce_sum3A_128[15] : i32 from vector<16xi32>
    %and3A = arith.constant -8 : i32
    %and3A_130 = arith.andi %reduce_sum3A_122, %and3A : i32
    %sub3A = arith.subi %reduce_sum3A_129, %and3A_130 : i32
    %add3A = arith.constant 79 : i32
    %add3A_131 = arith.addi %sub3A, %add3A : i32
    %jit3A_132 = arith.constant 80 : i32
    %div3A = arith.divsi %add3A_131, %jit3A_132 : i32
    %sign3A = arith.constant 0 : i32
    %sign3A_133 = arith.cmpi sgt, %add3A_131, %sign3A : i32
    %sign3A_134 = arith.extui %sign3A_133 : i1 to i32
    %sign3A_135 = arith.constant 0 : i32
    %sign3A_136 = arith.cmpi slt, %add3A_131, %sign3A_135 : i32
    %sign3A_137 = arith.extui %sign3A_136 : i1 to i32
    %sign3A_138 = arith.subi %sign3A_134, %sign3A_137 : i32
    %sign3A_139 = arith.constant 0 : i32
    %sign3A_140 = arith.cmpi sgt, %jit3A_132, %sign3A_139 : i32
    %sign3A_141 = arith.extui %sign3A_140 : i1 to i32
    %sign3A_142 = arith.constant 0 : i32
    %sign3A_143 = arith.cmpi slt, %jit3A_132, %sign3A_142 : i32
    %sign3A_144 = arith.extui %sign3A_143 : i1 to i32
    %sign3A_145 = arith.subi %sign3A_141, %sign3A_144 : i32
    %ne3A = arith.cmpi ne, %sign3A_138, %sign3A_145 : i32
    %rem3A = arith.remsi %add3A_131, %jit3A_132 : i32
    %ne3A_146 = arith.constant 0 : i32
    %ne3A_147 = arith.cmpi ne, %rem3A, %ne3A_146 : i32
    %and3A_148 = arith.andi %ne3A, %ne3A_147 : i1
    %sub3A_149 = arith.constant 1 : i32
    %sub3A_150 = arith.subi %div3A, %sub3A_149 : i32
    %select_n3A_151 = arith.select %and3A_148, %sub3A_150, %div3A : i32
    %mul3A_152 = arith.constant 625 : i32
    %mul3A_153 = arith.muli %arg1, %mul3A_152 : i32
    %broadcast_in_dim3A_154 = vector.broadcast %mul3A_153 : i32 to vector<16xi32>
    %broadcast_in_dim3A_155 = vector.broadcast %reduce_sum3A_122 : i32 to vector<16xi32>
    %broadcast_in_dim3A_156 = vector.broadcast %reduce_sum3A_129 : i32 to vector<16xi32>
    %broadcast_in_dim3A_157 = arith.constant 625 : i32
    %broadcast_in_dim3A_158 = vector.broadcast %broadcast_in_dim3A_157 : i32 to vector<16xi32>
    %while3A = arith.constant 0 : i32
    %while3A_159 = arith.constant 0 : i32
    %while3A_160 = arith.subi %select_n3A_151, %while3A : i32
    %while3A_161 = arith.addi %while3A, %while3A_160 : i32
    %while3A_162 = arith.constant 1 : i32
    %while3A_163 = arith.divsi %while3A_160, %while3A_162 : i32
    %while3A_164 = arith.muli %while3A_163, %while3A_162 : i32
    %while3A_165 = arith.addi %while3A, %while3A_164 : i32
    %while3A_166 = arith.constant 1 : i32
    %while3A_167 = scf.for %while3A_177 = %while3A to %while3A_165 step %while3A_166 iter_args(%while3A_178 = %while3A_159) -> (i32)  : i32 {
      %mul3A_179 = arith.constant 80 : i32
      %mul3A_180 = arith.muli %while3A_177, %mul3A_179 : i32
      %add3A_181 = arith.addi %and3A_130, %mul3A_180 : i32
      %multiple_of3A = tpu.assume_multiple %add3A_181, 8 : i32
      "tpu.region"() ({
        %run_scoped3A = tpu.sem_alloc : memref<!tpu.dma_semaphore, #tpu.memory_space<semaphore_mem>>
        %dma_start3A = tpu.memref_slice %arg6[%multiple_of3A] : memref<160160xi32, #tpu.memory_space<hbm>> -> memref<80xi32, #tpu.memory_space<hbm>>
        %dma_start3A_201 = tpu.memref_slice %arg6[%multiple_of3A] : memref<160160xi32, #tpu.memory_space<hbm>> -> memref<80xi32, #tpu.memory_space<hbm>>
        tpu.enqueue_dma source(%dma_start3A_201 : memref<80xi32, #tpu.memory_space<hbm>>) target(%arg14 : memref<80xi32, #tpu.memory_space<vmem>>) target_semaphore(%run_scoped3A : memref<!tpu.dma_semaphore, #tpu.memory_space<semaphore_mem>>)
        %dma_wait3A = tpu.memref_slice %arg6[%multiple_of3A] : memref<160160xi32, #tpu.memory_space<hbm>> -> memref<80xi32, #tpu.memory_space<hbm>>
        %dma_wait3A_202 = tpu.memref_slice %arg6[%multiple_of3A] : memref<160160xi32, #tpu.memory_space<hbm>> -> memref<80xi32, #tpu.memory_space<hbm>>
        tpu.wait_dma2 semaphore(%run_scoped3A : memref<!tpu.dma_semaphore, #tpu.memory_space<semaphore_mem>>) src(%dma_wait3A_202 : memref<80xi32, #tpu.memory_space<hbm>>) dst(%arg14 : memref<80xi32, #tpu.memory_space<vmem>>)
        tpu.yield
      }) : () -> ()
      "tpu.region"() ({
        %run_scoped3A = tpu.sem_alloc : memref<!tpu.dma_semaphore, #tpu.memory_space<semaphore_mem>>
        %dma_start3A = tpu.memref_slice %arg7[%multiple_of3A] : memref<160160xi32, #tpu.memory_space<hbm>> -> memref<80xi32, #tpu.memory_space<hbm>>
        %dma_start3A_201 = tpu.memref_slice %arg7[%multiple_of3A] : memref<160160xi32, #tpu.memory_space<hbm>> -> memref<80xi32, #tpu.memory_space<hbm>>
        tpu.enqueue_dma source(%dma_start3A_201 : memref<80xi32, #tpu.memory_space<hbm>>) target(%arg15 : memref<80xi32, #tpu.memory_space<vmem>>) target_semaphore(%run_scoped3A : memref<!tpu.dma_semaphore, #tpu.memory_space<semaphore_mem>>)
        %dma_wait3A = tpu.memref_slice %arg7[%multiple_of3A] : memref<160160xi32, #tpu.memory_space<hbm>> -> memref<80xi32, #tpu.memory_space<hbm>>
        %dma_wait3A_202 = tpu.memref_slice %arg7[%multiple_of3A] : memref<160160xi32, #tpu.memory_space<hbm>> -> memref<80xi32, #tpu.memory_space<hbm>>
        tpu.wait_dma2 semaphore(%run_scoped3A : memref<!tpu.dma_semaphore, #tpu.memory_space<semaphore_mem>>) src(%dma_wait3A_202 : memref<80xi32, #tpu.memory_space<hbm>>) dst(%arg15 : memref<80xi32, #tpu.memory_space<vmem>>)
        tpu.yield
      }) : () -> ()
      %eq3A_182 = arith.constant 0 : i32
      %eq3A_183 = arith.cmpi eq, %arg0, %eq3A_182 : i32
      %convert_element_type3A_184 = arith.extui %eq3A_183 : i1 to i32
      %cond3A_185 = arith.constant 0 : i32
      %cond3A_186 = arith.cmpi ne, %convert_element_type3A_184, %cond3A_185 : i32
      scf.if %cond3A_186 {
        %dma_start3A = arith.constant 0 : i32
        %dma_start3A_201 = arith.constant 0 : i32
        %dma_start3A_202 = tpu.memref_slice %arg2[%dma_start3A, %dma_start3A_201] : memref<10000x128xf32, #tpu.memory_space<hbm>> -> memref<10000x128xf32, #tpu.memory_space<hbm>>
        tpu.enqueue_indirect_dma source(%dma_start3A_202 : memref<10000x128xf32, #tpu.memory_space<hbm>>) target(%arg16 : memref<80x128xf32, #tpu.memory_space<vmem>>) offsets(%arg14 : memref<80xi32, #tpu.memory_space<vmem>>) semaphore(%arg24 : memref<!tpu.dma_semaphore, #tpu.memory_space<semaphore_mem>>)
        %dma_start3A_203 = arith.constant 0 : i32
        %dma_start3A_204 = arith.constant 0 : i32
        %dma_start3A_205 = tpu.memref_slice %arg4[%dma_start3A_203, %dma_start3A_204] : memref<10000x128xf32, #tpu.memory_space<hbm>> -> memref<10000x128xf32, #tpu.memory_space<hbm>>
        tpu.enqueue_indirect_dma source(%dma_start3A_205 : memref<10000x128xf32, #tpu.memory_space<hbm>>) target(%arg17 : memref<80x128xf32, #tpu.memory_space<vmem>>) offsets(%arg15 : memref<80xi32, #tpu.memory_space<vmem>>) semaphore(%arg24 : memref<!tpu.dma_semaphore, #tpu.memory_space<semaphore_mem>>)
        %dma_wait3A = arith.constant 0 : i32
        %dma_wait3A_206 = arith.constant 0 : i32
        %dma_wait3A_207 = tpu.memref_slice %arg2[%dma_wait3A, %dma_wait3A_206] : memref<10000x128xf32, #tpu.memory_space<hbm>> -> memref<10000x128xf32, #tpu.memory_space<hbm>>
        tpu.wait_indirect_dma semaphore(%arg24 : memref<!tpu.dma_semaphore, #tpu.memory_space<semaphore_mem>>) src(%dma_wait3A_207 : memref<10000x128xf32, #tpu.memory_space<hbm>>) dst(%arg16 : memref<80x128xf32, #tpu.memory_space<vmem>>)
        %dma_wait3A_208 = arith.constant 0 : i32
        %dma_wait3A_209 = arith.constant 0 : i32
        %dma_wait3A_210 = tpu.memref_slice %arg4[%dma_wait3A_208, %dma_wait3A_209] : memref<10000x128xf32, #tpu.memory_space<hbm>> -> memref<10000x128xf32, #tpu.memory_space<hbm>>
        tpu.wait_indirect_dma semaphore(%arg24 : memref<!tpu.dma_semaphore, #tpu.memory_space<semaphore_mem>>) src(%dma_wait3A_210 : memref<10000x128xf32, #tpu.memory_space<hbm>>) dst(%arg17 : memref<80x128xf32, #tpu.memory_space<vmem>>)
      } else {
      }
      %eq3A_187 = arith.constant 1 : i32
      %eq3A_188 = arith.cmpi eq, %arg0, %eq3A_187 : i32
      %convert_element_type3A_189 = arith.extui %eq3A_188 : i1 to i32
      %cond3A_190 = arith.constant 0 : i32
      %cond3A_191 = arith.cmpi ne, %convert_element_type3A_189, %cond3A_190 : i32
      scf.if %cond3A_191 {
        %dma_start3A = arith.constant 0 : i32
        %dma_start3A_201 = arith.constant 0 : i32
        %dma_start3A_202 = tpu.memref_slice %arg3[%dma_start3A, %dma_start3A_201] : memref<10000x128xf32, #tpu.memory_space<hbm>> -> memref<10000x128xf32, #tpu.memory_space<hbm>>
        tpu.enqueue_indirect_dma source(%dma_start3A_202 : memref<10000x128xf32, #tpu.memory_space<hbm>>) target(%arg16 : memref<80x128xf32, #tpu.memory_space<vmem>>) offsets(%arg14 : memref<80xi32, #tpu.memory_space<vmem>>) semaphore(%arg24 : memref<!tpu.dma_semaphore, #tpu.memory_space<semaphore_mem>>)
        %dma_start3A_203 = arith.constant 0 : i32
        %dma_start3A_204 = arith.constant 0 : i32
        %dma_start3A_205 = tpu.memref_slice %arg5[%dma_start3A_203, %dma_start3A_204] : memref<10000x128xf32, #tpu.memory_space<hbm>> -> memref<10000x128xf32, #tpu.memory_space<hbm>>
        tpu.enqueue_indirect_dma source(%dma_start3A_205 : memref<10000x128xf32, #tpu.memory_space<hbm>>) target(%arg17 : memref<80x128xf32, #tpu.memory_space<vmem>>) offsets(%arg15 : memref<80xi32, #tpu.memory_space<vmem>>) semaphore(%arg24 : memref<!tpu.dma_semaphore, #tpu.memory_space<semaphore_mem>>)
        %dma_wait3A = arith.constant 0 : i32
        %dma_wait3A_206 = arith.constant 0 : i32
        %dma_wait3A_207 = tpu.memref_slice %arg3[%dma_wait3A, %dma_wait3A_206] : memref<10000x128xf32, #tpu.memory_space<hbm>> -> memref<10000x128xf32, #tpu.memory_space<hbm>>
        tpu.wait_indirect_dma semaphore(%arg24 : memref<!tpu.dma_semaphore, #tpu.memory_space<semaphore_mem>>) src(%dma_wait3A_207 : memref<10000x128xf32, #tpu.memory_space<hbm>>) dst(%arg16 : memref<80x128xf32, #tpu.memory_space<vmem>>)
        %dma_wait3A_208 = arith.constant 0 : i32
        %dma_wait3A_209 = arith.constant 0 : i32
        %dma_wait3A_210 = tpu.memref_slice %arg5[%dma_wait3A_208, %dma_wait3A_209] : memref<10000x128xf32, #tpu.memory_space<hbm>> -> memref<10000x128xf32, #tpu.memory_space<hbm>>
        tpu.wait_indirect_dma semaphore(%arg24 : memref<!tpu.dma_semaphore, #tpu.memory_space<semaphore_mem>>) src(%dma_wait3A_210 : memref<10000x128xf32, #tpu.memory_space<hbm>>) dst(%arg17 : memref<80x128xf32, #tpu.memory_space<vmem>>)
      } else {
      }
      %broadcast_in_dim3A_192 = vector.broadcast %multiple_of3A : i32 to vector<16xi32>
      %scan3A_193 = arith.constant 0 : i32
      %scan3A_194 = arith.constant 0 : i32
      %scan3A_195 = arith.constant 80 : i32
      %scan3A_196 = arith.addi %scan3A_194, %scan3A_195 : i32
      %scan3A_197 = arith.constant 1 : i32
      %scan3A_198 = scf.for %scan3A_201 = %scan3A_194 to %scan3A_196 step %scan3A_197 iter_args(%scan3A_202 = %scan3A_193) -> (i32)  : i32 {
        %get3A_203 = arith.index_cast %scan3A_201 : i32 to index
        %get3A_204 = arith.constant 0 : index
        %get3A_205 = tpu.vector_load %arg16[%get3A_203, %get3A_204] {strides = array<i32>} : memref<80x128xf32, #tpu.memory_space<vmem>>, vector<16xf32>,
        %get3A_206 = arith.index_cast %scan3A_201 : i32 to index
        %get3A_207 = arith.constant 0 : index
        %get3A_208 = tpu.vector_load %arg17[%get3A_206, %get3A_207] {strides = array<i32>} : memref<80x128xf32, #tpu.memory_space<vmem>>, vector<16xf32>,
        %add3A_209 = arith.addf %get3A_205, %get3A_208 : vector<16xf32>
        %mul3A_210 = arith.constant 2.000000e-01 : f32
        %mul3A_211 = vector.broadcast %mul3A_210 : f32 to vector<16xf32>
        %mul3A_212 = arith.mulf %mul3A_211, %add3A_209 : vector<16xf32>
        %max3A = arith.maximumf %add3A_209, %mul3A_212 : vector<16xf32>
        %mul3A_213 = arith.mulf %max3A, %get3A_95 : vector<16xf32>
        %add3A_214 = arith.addf %broadcast_in_dim3A_0, %mul3A_213 : vector<16xf32>
        %get3A_215 = arith.index_cast %scan3A_201 : i32 to index
        %get3A_216 = arith.constant 16 : index
        %get3A_217 = tpu.vector_load %arg16[%get3A_215, %get3A_216] {strides = array<i32>} : memref<80x128xf32, #tpu.memory_space<vmem>>, vector<16xf32>,
        %get3A_218 = arith.index_cast %scan3A_201 : i32 to index
        %get3A_219 = arith.constant 16 : index
        %get3A_220 = tpu.vector_load %arg17[%get3A_218, %get3A_219] {strides = array<i32>} : memref<80x128xf32, #tpu.memory_space<vmem>>, vector<16xf32>,
        %add3A_221 = arith.addf %get3A_217, %get3A_220 : vector<16xf32>
        %mul3A_222 = arith.constant 2.000000e-01 : f32
        %mul3A_223 = vector.broadcast %mul3A_222 : f32 to vector<16xf32>
        %mul3A_224 = arith.mulf %mul3A_223, %add3A_221 : vector<16xf32>
        %max3A_225 = arith.maximumf %add3A_221, %mul3A_224 : vector<16xf32>
        %mul3A_226 = arith.mulf %max3A_225, %get3A_97 : vector<16xf32>
        %add3A_227 = arith.addf %add3A_214, %mul3A_226 : vector<16xf32>
        %get3A_228 = arith.index_cast %scan3A_201 : i32 to index
        %get3A_229 = arith.constant 32 : index
        %get3A_230 = tpu.vector_load %arg16[%get3A_228, %get3A_229] {strides = array<i32>} : memref<80x128xf32, #tpu.memory_space<vmem>>, vector<16xf32>,
        %get3A_231 = arith.index_cast %scan3A_201 : i32 to index
        %get3A_232 = arith.constant 32 : index
        %get3A_233 = tpu.vector_load %arg17[%get3A_231, %get3A_232] {strides = array<i32>} : memref<80x128xf32, #tpu.memory_space<vmem>>, vector<16xf32>,
        %add3A_234 = arith.addf %get3A_230, %get3A_233 : vector<16xf32>
        %mul3A_235 = arith.constant 2.000000e-01 : f32
        %mul3A_236 = vector.broadcast %mul3A_235 : f32 to vector<16xf32>
        %mul3A_237 = arith.mulf %mul3A_236, %add3A_234 : vector<16xf32>
        %max3A_238 = arith.maximumf %add3A_234, %mul3A_237 : vector<16xf32>
        %mul3A_239 = arith.mulf %max3A_238, %get3A_99 : vector<16xf32>
        %add3A_240 = arith.addf %add3A_227, %mul3A_239 : vector<16xf32>
        %get3A_241 = arith.index_cast %scan3A_201 : i32 to index
        %get3A_242 = arith.constant 48 : index
        %get3A_243 = tpu.vector_load %arg16[%get3A_241, %get3A_242] {strides = array<i32>} : memref<80x128xf32, #tpu.memory_space<vmem>>, vector<16xf32>,
        %get3A_244 = arith.index_cast %scan3A_201 : i32 to index
        %get3A_245 = arith.constant 48 : index
        %get3A_246 = tpu.vector_load %arg17[%get3A_244, %get3A_245] {strides = array<i32>} : memref<80x128xf32, #tpu.memory_space<vmem>>, vector<16xf32>,
        %add3A_247 = arith.addf %get3A_243, %get3A_246 : vector<16xf32>
        %mul3A_248 = arith.constant 2.000000e-01 : f32
        %mul3A_249 = vector.broadcast %mul3A_248 : f32 to vector<16xf32>
        %mul3A_250 = arith.mulf %mul3A_249, %add3A_247 : vector<16xf32>
        %max3A_251 = arith.maximumf %add3A_247, %mul3A_250 : vector<16xf32>
        %mul3A_252 = arith.mulf %max3A_251, %get3A_101 : vector<16xf32>
        %add3A_253 = arith.addf %add3A_240, %mul3A_252 : vector<16xf32>
        %get3A_254 = arith.index_cast %scan3A_201 : i32 to index
        %get3A_255 = arith.constant 64 : index
        %get3A_256 = tpu.vector_load %arg16[%get3A_254, %get3A_255] {strides = array<i32>} : memref<80x128xf32, #tpu.memory_space<vmem>>, vector<16xf32>,
        %get3A_257 = arith.index_cast %scan3A_201 : i32 to index
        %get3A_258 = arith.constant 64 : index
        %get3A_259 = tpu.vector_load %arg17[%get3A_257, %get3A_258] {strides = array<i32>} : memref<80x128xf32, #tpu.memory_space<vmem>>, vector<16xf32>,
        %add3A_260 = arith.addf %get3A_256, %get3A_259 : vector<16xf32>
        %mul3A_261 = arith.constant 2.000000e-01 : f32
        %mul3A_262 = vector.broadcast %mul3A_261 : f32 to vector<16xf32>
        %mul3A_263 = arith.mulf %mul3A_262, %add3A_260 : vector<16xf32>
        %max3A_264 = arith.maximumf %add3A_260, %mul3A_263 : vector<16xf32>
        %mul3A_265 = arith.mulf %max3A_264, %get3A_103 : vector<16xf32>
        %add3A_266 = arith.addf %add3A_253, %mul3A_265 : vector<16xf32>
        %get3A_267 = arith.index_cast %scan3A_201 : i32 to index
        %get3A_268 = arith.constant 80 : index
        %get3A_269 = tpu.vector_load %arg16[%get3A_267, %get3A_268] {strides = array<i32>} : memref<80x128xf32, #tpu.memory_space<vmem>>, vector<16xf32>,
        %get3A_270 = arith.index_cast %scan3A_201 : i32 to index
        %get3A_271 = arith.constant 80 : index
        %get3A_272 = tpu.vector_load %arg17[%get3A_270, %get3A_271] {strides = array<i32>} : memref<80x128xf32, #tpu.memory_space<vmem>>, vector<16xf32>,
        %add3A_273 = arith.addf %get3A_269, %get3A_272 : vector<16xf32>
        %mul3A_274 = arith.constant 2.000000e-01 : f32
        %mul3A_275 = vector.broadcast %mul3A_274 : f32 to vector<16xf32>
        %mul3A_276 = arith.mulf %mul3A_275, %add3A_273 : vector<16xf32>
        %max3A_277 = arith.maximumf %add3A_273, %mul3A_276 : vector<16xf32>
        %mul3A_278 = arith.mulf %max3A_277, %get3A_105 : vector<16xf32>
        %add3A_279 = arith.addf %add3A_266, %mul3A_278 : vector<16xf32>
        %get3A_280 = arith.index_cast %scan3A_201 : i32 to index
        %get3A_281 = arith.constant 96 : index
        %get3A_282 = tpu.vector_load %arg16[%get3A_280, %get3A_281] {strides = array<i32>} : memref<80x128xf32, #tpu.memory_space<vmem>>, vector<16xf32>,
        %get3A_283 = arith.index_cast %scan3A_201 : i32 to index
        %get3A_284 = arith.constant 96 : index
        %get3A_285 = tpu.vector_load %arg17[%get3A_283, %get3A_284] {strides = array<i32>} : memref<80x128xf32, #tpu.memory_space<vmem>>, vector<16xf32>,
        %add3A_286 = arith.addf %get3A_282, %get3A_285 : vector<16xf32>
        %mul3A_287 = arith.constant 2.000000e-01 : f32
        %mul3A_288 = vector.broadcast %mul3A_287 : f32 to vector<16xf32>
        %mul3A_289 = arith.mulf %mul3A_288, %add3A_286 : vector<16xf32>
        %max3A_290 = arith.maximumf %add3A_286, %mul3A_289 : vector<16xf32>
        %mul3A_291 = arith.mulf %max3A_290, %get3A_107 : vector<16xf32>
        %add3A_292 = arith.addf %add3A_279, %mul3A_291 : vector<16xf32>
        %get3A_293 = arith.index_cast %scan3A_201 : i32 to index
        %get3A_294 = arith.constant 112 : index
        %get3A_295 = tpu.vector_load %arg16[%get3A_293, %get3A_294] {strides = array<i32>} : memref<80x128xf32, #tpu.memory_space<vmem>>, vector<16xf32>,
        %get3A_296 = arith.index_cast %scan3A_201 : i32 to index
        %get3A_297 = arith.constant 112 : index
        %get3A_298 = tpu.vector_load %arg17[%get3A_296, %get3A_297] {strides = array<i32>} : memref<80x128xf32, #tpu.memory_space<vmem>>, vector<16xf32>,
        %add3A_299 = arith.addf %get3A_295, %get3A_298 : vector<16xf32>
        %mul3A_300 = arith.constant 2.000000e-01 : f32
        %mul3A_301 = vector.broadcast %mul3A_300 : f32 to vector<16xf32>
        %mul3A_302 = arith.mulf %mul3A_301, %add3A_299 : vector<16xf32>
        %max3A_303 = arith.maximumf %add3A_299, %mul3A_302 : vector<16xf32>
        %mul3A_304 = arith.mulf %max3A_303, %get3A_109 : vector<16xf32>
        %add3A_305 = arith.addf %add3A_292, %mul3A_304 : vector<16xf32>
        %reduce_sum3A_306 = arith.constant true
        %reduce_sum3A_307 = vector.broadcast %reduce_sum3A_306 : i1 to vector<16xi1>
        %reduce_sum3A_308 = tpu.scan <sum>, %add3A_305 masked %reduce_sum3A_307 : vector<16xf32>, vector<16xi1> -> vector<16xf32>
        %reduce_sum3A_309 = vector.extract %reduce_sum3A_308[15] : f32 from vector<16xf32>
        %broadcast_in_dim3A_310 = vector.broadcast %reduce_sum3A_309 : f32 to vector<16xf32>
        %exp3A = math.exp %broadcast_in_dim3A_310 : vector<16xf32>
        %add3A_311 = vector.broadcast %scan3A_201 : i32 to vector<16xi32>
        %add3A_312 = arith.addi %broadcast_in_dim3A_192, %add3A_311 : vector<16xi32>
        %ge3A = arith.cmpi sge, %add3A_312, %broadcast_in_dim3A_155 : vector<16xi32>
        %lt3A = arith.cmpi slt, %add3A_312, %broadcast_in_dim3A_156 : vector<16xi32>
        %and3A_313 = arith.andi %ge3A, %lt3A : vector<16xi1>
        %broadcast_in_dim3A_314 = vector.broadcast %scan3A_201 : i32 to vector<16xi32>
        %gather3A = tpu.vector_load_idx %arg15[%broadcast_in_dim3A_314] : memref<80xi32, #tpu.memory_space<vmem>>[vector<16xi32>], vector<16xi32>,
        %sub3A_315 = arith.subi %gather3A, %broadcast_in_dim3A_154 : vector<16xi32>
        %select_n3A_316 = arith.select %and3A_313, %sub3A_315, %broadcast_in_dim3A_158 : vector<16xi1>, vector<16xi32>
        %add3A_317 = arith.constant 0 : i32
        %add3A_318 = vector.broadcast %add3A_317 : i32 to vector<16xi32>
        %add3A_319 = arith.addi %iota3A, %add3A_318 : vector<16xi32>
        %mul3A_320 = arith.mulf %exp3A, %get3A_205 : vector<16xf32>
        tpu.vector_store_idx %arg21[%select_n3A_316, %add3A_319], %mul3A_320 {add = true} : memref<626x128xf32, #tpu.memory_space<vmem>>[vector<16xi32>, vector<16xi32>], vector<16xf32>,
        %add3A_321 = arith.constant 16 : i32
        %add3A_322 = vector.broadcast %add3A_321 : i32 to vector<16xi32>
        %add3A_323 = arith.addi %iota3A, %add3A_322 : vector<16xi32>
        %mul3A_324 = arith.mulf %exp3A, %get3A_217 : vector<16xf32>
        tpu.vector_store_idx %arg21[%select_n3A_316, %add3A_323], %mul3A_324 {add = true} : memref<626x128xf32, #tpu.memory_space<vmem>>[vector<16xi32>, vector<16xi32>], vector<16xf32>,
        %add3A_325 = arith.constant 32 : i32
        %add3A_326 = vector.broadcast %add3A_325 : i32 to vector<16xi32>
        %add3A_327 = arith.addi %iota3A, %add3A_326 : vector<16xi32>
        %mul3A_328 = arith.mulf %exp3A, %get3A_230 : vector<16xf32>
        tpu.vector_store_idx %arg21[%select_n3A_316, %add3A_327], %mul3A_328 {add = true} : memref<626x128xf32, #tpu.memory_space<vmem>>[vector<16xi32>, vector<16xi32>], vector<16xf32>,
        %add3A_329 = arith.constant 48 : i32
        %add3A_330 = vector.broadcast %add3A_329 : i32 to vector<16xi32>
        %add3A_331 = arith.addi %iota3A, %add3A_330 : vector<16xi32>
        %mul3A_332 = arith.mulf %exp3A, %get3A_243 : vector<16xf32>
        tpu.vector_store_idx %arg21[%select_n3A_316, %add3A_331], %mul3A_332 {add = true} : memref<626x128xf32, #tpu.memory_space<vmem>>[vector<16xi32>, vector<16xi32>], vector<16xf32>,
        %add3A_333 = arith.constant 64 : i32
        %add3A_334 = vector.broadcast %add3A_333 : i32 to vector<16xi32>
        %add3A_335 = arith.addi %iota3A, %add3A_334 : vector<16xi32>
        %mul3A_336 = arith.mulf %exp3A, %get3A_256 : vector<16xf32>
        tpu.vector_store_idx %arg21[%select_n3A_316, %add3A_335], %mul3A_336 {add = true} : memref<626x128xf32, #tpu.memory_space<vmem>>[vector<16xi32>, vector<16xi32>], vector<16xf32>,
        %add3A_337 = arith.constant 80 : i32
        %add3A_338 = vector.broadcast %add3A_337 : i32 to vector<16xi32>
        %add3A_339 = arith.addi %iota3A, %add3A_338 : vector<16xi32>
        %mul3A_340 = arith.mulf %exp3A, %get3A_269 : vector<16xf32>
        tpu.vector_store_idx %arg21[%select_n3A_316, %add3A_339], %mul3A_340 {add = true} : memref<626x128xf32, #tpu.memory_space<vmem>>[vector<16xi32>, vector<16xi32>], vector<16xf32>,
        %add3A_341 = arith.constant 96 : i32
        %add3A_342 = vector.broadcast %add3A_341 : i32 to vector<16xi32>
        %add3A_343 = arith.addi %iota3A, %add3A_342 : vector<16xi32>
        %mul3A_344 = arith.mulf %exp3A, %get3A_282 : vector<16xf32>
        tpu.vector_store_idx %arg21[%select_n3A_316, %add3A_343], %mul3A_344 {add = true} : memref<626x128xf32, #tpu.memory_space<vmem>>[vector<16xi32>, vector<16xi32>], vector<16xf32>,
        %add3A_345 = arith.constant 112 : i32
        %add3A_346 = vector.broadcast %add3A_345 : i32 to vector<16xi32>
        %add3A_347 = arith.addi %iota3A, %add3A_346 : vector<16xi32>
        %mul3A_348 = arith.mulf %exp3A, %get3A_295 : vector<16xf32>
        tpu.vector_store_idx %arg21[%select_n3A_316, %add3A_347], %mul3A_348 {add = true} : memref<626x128xf32, #tpu.memory_space<vmem>>[vector<16xi32>, vector<16xi32>], vector<16xf32>,
        tpu.vector_store_idx %arg22[%select_n3A_316], %exp3A masked %eq3A_112 {add = true} : memref<640xf32, #tpu.memory_space<vmem>>[vector<16xi32>], vector<16xf32>, vector<16xi1>
        %scan3A_349 = arith.constant 0 : i32
        scf.yield %scan3A_349 : i32
      }
      %scan3A_199 = arith.constant 80 : i32
      %while3A_200 = arith.constant 0 : i32
      scf.yield %while3A_200 : i32
    }
    %while3A_168 = arith.constant 1 : i32
    %while3A_169 = scf.for %while3A_177 = %while3A_165 to %while3A_161 step %while3A_168 iter_args(%while3A_178 = %while3A_167) -> (i32)  : i32 {
      %mul3A_179 = arith.constant 80 : i32
      %mul3A_180 = arith.muli %while3A_177, %mul3A_179 : i32
      %add3A_181 = arith.addi %and3A_130, %mul3A_180 : i32
      %multiple_of3A = tpu.assume_multiple %add3A_181, 8 : i32
      "tpu.region"() ({
        %run_scoped3A = tpu.sem_alloc : memref<!tpu.dma_semaphore, #tpu.memory_space<semaphore_mem>>
        %dma_start3A = tpu.memref_slice %arg6[%multiple_of3A] : memref<160160xi32, #tpu.memory_space<hbm>> -> memref<80xi32, #tpu.memory_space<hbm>>
        %dma_start3A_201 = tpu.memref_slice %arg6[%multiple_of3A] : memref<160160xi32, #tpu.memory_space<hbm>> -> memref<80xi32, #tpu.memory_space<hbm>>
        tpu.enqueue_dma source(%dma_start3A_201 : memref<80xi32, #tpu.memory_space<hbm>>) target(%arg14 : memref<80xi32, #tpu.memory_space<vmem>>) target_semaphore(%run_scoped3A : memref<!tpu.dma_semaphore, #tpu.memory_space<semaphore_mem>>)
        %dma_wait3A = tpu.memref_slice %arg6[%multiple_of3A] : memref<160160xi32, #tpu.memory_space<hbm>> -> memref<80xi32, #tpu.memory_space<hbm>>
        %dma_wait3A_202 = tpu.memref_slice %arg6[%multiple_of3A] : memref<160160xi32, #tpu.memory_space<hbm>> -> memref<80xi32, #tpu.memory_space<hbm>>
        tpu.wait_dma2 semaphore(%run_scoped3A : memref<!tpu.dma_semaphore, #tpu.memory_space<semaphore_mem>>) src(%dma_wait3A_202 : memref<80xi32, #tpu.memory_space<hbm>>) dst(%arg14 : memref<80xi32, #tpu.memory_space<vmem>>)
        tpu.yield
      }) : () -> ()
      "tpu.region"() ({
        %run_scoped3A = tpu.sem_alloc : memref<!tpu.dma_semaphore, #tpu.memory_space<semaphore_mem>>
        %dma_start3A = tpu.memref_slice %arg7[%multiple_of3A] : memref<160160xi32, #tpu.memory_space<hbm>> -> memref<80xi32, #tpu.memory_space<hbm>>
        %dma_start3A_201 = tpu.memref_slice %arg7[%multiple_of3A] : memref<160160xi32, #tpu.memory_space<hbm>> -> memref<80xi32, #tpu.memory_space<hbm>>
        tpu.enqueue_dma source(%dma_start3A_201 : memref<80xi32, #tpu.memory_space<hbm>>) target(%arg15 : memref<80xi32, #tpu.memory_space<vmem>>) target_semaphore(%run_scoped3A : memref<!tpu.dma_semaphore, #tpu.memory_space<semaphore_mem>>)
        %dma_wait3A = tpu.memref_slice %arg7[%multiple_of3A] : memref<160160xi32, #tpu.memory_space<hbm>> -> memref<80xi32, #tpu.memory_space<hbm>>
        %dma_wait3A_202 = tpu.memref_slice %arg7[%multiple_of3A] : memref<160160xi32, #tpu.memory_space<hbm>> -> memref<80xi32, #tpu.memory_space<hbm>>
        tpu.wait_dma2 semaphore(%run_scoped3A : memref<!tpu.dma_semaphore, #tpu.memory_space<semaphore_mem>>) src(%dma_wait3A_202 : memref<80xi32, #tpu.memory_space<hbm>>) dst(%arg15 : memref<80xi32, #tpu.memory_space<vmem>>)
        tpu.yield
      }) : () -> ()
      %eq3A_182 = arith.constant 0 : i32
      %eq3A_183 = arith.cmpi eq, %arg0, %eq3A_182 : i32
      %convert_element_type3A_184 = arith.extui %eq3A_183 : i1 to i32
      %cond3A_185 = arith.constant 0 : i32
      %cond3A_186 = arith.cmpi ne, %convert_element_type3A_184, %cond3A_185 : i32
      scf.if %cond3A_186 {
        %dma_start3A = arith.constant 0 : i32
        %dma_start3A_201 = arith.constant 0 : i32
        %dma_start3A_202 = tpu.memref_slice %arg2[%dma_start3A, %dma_start3A_201] : memref<10000x128xf32, #tpu.memory_space<hbm>> -> memref<10000x128xf32, #tpu.memory_space<hbm>>
        tpu.enqueue_indirect_dma source(%dma_start3A_202 : memref<10000x128xf32, #tpu.memory_space<hbm>>) target(%arg16 : memref<80x128xf32, #tpu.memory_space<vmem>>) offsets(%arg14 : memref<80xi32, #tpu.memory_space<vmem>>) semaphore(%arg24 : memref<!tpu.dma_semaphore, #tpu.memory_space<semaphore_mem>>)
        %dma_start3A_203 = arith.constant 0 : i32
        %dma_start3A_204 = arith.constant 0 : i32
        %dma_start3A_205 = tpu.memref_slice %arg4[%dma_start3A_203, %dma_start3A_204] : memref<10000x128xf32, #tpu.memory_space<hbm>> -> memref<10000x128xf32, #tpu.memory_space<hbm>>
        tpu.enqueue_indirect_dma source(%dma_start3A_205 : memref<10000x128xf32, #tpu.memory_space<hbm>>) target(%arg17 : memref<80x128xf32, #tpu.memory_space<vmem>>) offsets(%arg15 : memref<80xi32, #tpu.memory_space<vmem>>) semaphore(%arg24 : memref<!tpu.dma_semaphore, #tpu.memory_space<semaphore_mem>>)
        %dma_wait3A = arith.constant 0 : i32
        %dma_wait3A_206 = arith.constant 0 : i32
        %dma_wait3A_207 = tpu.memref_slice %arg2[%dma_wait3A, %dma_wait3A_206] : memref<10000x128xf32, #tpu.memory_space<hbm>> -> memref<10000x128xf32, #tpu.memory_space<hbm>>
        tpu.wait_indirect_dma semaphore(%arg24 : memref<!tpu.dma_semaphore, #tpu.memory_space<semaphore_mem>>) src(%dma_wait3A_207 : memref<10000x128xf32, #tpu.memory_space<hbm>>) dst(%arg16 : memref<80x128xf32, #tpu.memory_space<vmem>>)
        %dma_wait3A_208 = arith.constant 0 : i32
        %dma_wait3A_209 = arith.constant 0 : i32
        %dma_wait3A_210 = tpu.memref_slice %arg4[%dma_wait3A_208, %dma_wait3A_209] : memref<10000x128xf32, #tpu.memory_space<hbm>> -> memref<10000x128xf32, #tpu.memory_space<hbm>>
        tpu.wait_indirect_dma semaphore(%arg24 : memref<!tpu.dma_semaphore, #tpu.memory_space<semaphore_mem>>) src(%dma_wait3A_210 : memref<10000x128xf32, #tpu.memory_space<hbm>>) dst(%arg17 : memref<80x128xf32, #tpu.memory_space<vmem>>)
      } else {
      }
      %eq3A_187 = arith.constant 1 : i32
      %eq3A_188 = arith.cmpi eq, %arg0, %eq3A_187 : i32
      %convert_element_type3A_189 = arith.extui %eq3A_188 : i1 to i32
      %cond3A_190 = arith.constant 0 : i32
      %cond3A_191 = arith.cmpi ne, %convert_element_type3A_189, %cond3A_190 : i32
      scf.if %cond3A_191 {
        %dma_start3A = arith.constant 0 : i32
        %dma_start3A_201 = arith.constant 0 : i32
        %dma_start3A_202 = tpu.memref_slice %arg3[%dma_start3A, %dma_start3A_201] : memref<10000x128xf32, #tpu.memory_space<hbm>> -> memref<10000x128xf32, #tpu.memory_space<hbm>>
        tpu.enqueue_indirect_dma source(%dma_start3A_202 : memref<10000x128xf32, #tpu.memory_space<hbm>>) target(%arg16 : memref<80x128xf32, #tpu.memory_space<vmem>>) offsets(%arg14 : memref<80xi32, #tpu.memory_space<vmem>>) semaphore(%arg24 : memref<!tpu.dma_semaphore, #tpu.memory_space<semaphore_mem>>)
        %dma_start3A_203 = arith.constant 0 : i32
        %dma_start3A_204 = arith.constant 0 : i32
        %dma_start3A_205 = tpu.memref_slice %arg5[%dma_start3A_203, %dma_start3A_204] : memref<10000x128xf32, #tpu.memory_space<hbm>> -> memref<10000x128xf32, #tpu.memory_space<hbm>>
        tpu.enqueue_indirect_dma source(%dma_start3A_205 : memref<10000x128xf32, #tpu.memory_space<hbm>>) target(%arg17 : memref<80x128xf32, #tpu.memory_space<vmem>>) offsets(%arg15 : memref<80xi32, #tpu.memory_space<vmem>>) semaphore(%arg24 : memref<!tpu.dma_semaphore, #tpu.memory_space<semaphore_mem>>)
        %dma_wait3A = arith.constant 0 : i32
        %dma_wait3A_206 = arith.constant 0 : i32
        %dma_wait3A_207 = tpu.memref_slice %arg3[%dma_wait3A, %dma_wait3A_206] : memref<10000x128xf32, #tpu.memory_space<hbm>> -> memref<10000x128xf32, #tpu.memory_space<hbm>>
        tpu.wait_indirect_dma semaphore(%arg24 : memref<!tpu.dma_semaphore, #tpu.memory_space<semaphore_mem>>) src(%dma_wait3A_207 : memref<10000x128xf32, #tpu.memory_space<hbm>>) dst(%arg16 : memref<80x128xf32, #tpu.memory_space<vmem>>)
        %dma_wait3A_208 = arith.constant 0 : i32
        %dma_wait3A_209 = arith.constant 0 : i32
        %dma_wait3A_210 = tpu.memref_slice %arg5[%dma_wait3A_208, %dma_wait3A_209] : memref<10000x128xf32, #tpu.memory_space<hbm>> -> memref<10000x128xf32, #tpu.memory_space<hbm>>
        tpu.wait_indirect_dma semaphore(%arg24 : memref<!tpu.dma_semaphore, #tpu.memory_space<semaphore_mem>>) src(%dma_wait3A_210 : memref<10000x128xf32, #tpu.memory_space<hbm>>) dst(%arg17 : memref<80x128xf32, #tpu.memory_space<vmem>>)
      } else {
      }
      %broadcast_in_dim3A_192 = vector.broadcast %multiple_of3A : i32 to vector<16xi32>
      %scan3A_193 = arith.constant 0 : i32
      %scan3A_194 = arith.constant 0 : i32
      %scan3A_195 = arith.constant 80 : i32
      %scan3A_196 = arith.addi %scan3A_194, %scan3A_195 : i32
      %scan3A_197 = arith.constant 1 : i32
      %scan3A_198 = scf.for %scan3A_201 = %scan3A_194 to %scan3A_196 step %scan3A_197 iter_args(%scan3A_202 = %scan3A_193) -> (i32)  : i32 {
        %get3A_203 = arith.index_cast %scan3A_201 : i32 to index
        %get3A_204 = arith.constant 0 : index
        %get3A_205 = tpu.vector_load %arg16[%get3A_203, %get3A_204] {strides = array<i32>} : memref<80x128xf32, #tpu.memory_space<vmem>>, vector<16xf32>,
        %get3A_206 = arith.index_cast %scan3A_201 : i32 to index
        %get3A_207 = arith.constant 0 : index
        %get3A_208 = tpu.vector_load %arg17[%get3A_206, %get3A_207] {strides = array<i32>} : memref<80x128xf32, #tpu.memory_space<vmem>>, vector<16xf32>,
        %add3A_209 = arith.addf %get3A_205, %get3A_208 : vector<16xf32>
        %mul3A_210 = arith.constant 2.000000e-01 : f32
        %mul3A_211 = vector.broadcast %mul3A_210 : f32 to vector<16xf32>
        %mul3A_212 = arith.mulf %mul3A_211, %add3A_209 : vector<16xf32>
        %max3A = arith.maximumf %add3A_209, %mul3A_212 : vector<16xf32>
        %mul3A_213 = arith.mulf %max3A, %get3A_95 : vector<16xf32>
        %add3A_214 = arith.addf %broadcast_in_dim3A_0, %mul3A_213 : vector<16xf32>
        %get3A_215 = arith.index_cast %scan3A_201 : i32 to index
        %get3A_216 = arith.constant 16 : index
        %get3A_217 = tpu.vector_load %arg16[%get3A_215, %get3A_216] {strides = array<i32>} : memref<80x128xf32, #tpu.memory_space<vmem>>, vector<16xf32>,
        %get3A_218 = arith.index_cast %scan3A_201 : i32 to index
        %get3A_219 = arith.constant 16 : index
        %get3A_220 = tpu.vector_load %arg17[%get3A_218, %get3A_219] {strides = array<i32>} : memref<80x128xf32, #tpu.memory_space<vmem>>, vector<16xf32>,
        %add3A_221 = arith.addf %get3A_217, %get3A_220 : vector<16xf32>
        %mul3A_222 = arith.constant 2.000000e-01 : f32
        %mul3A_223 = vector.broadcast %mul3A_222 : f32 to vector<16xf32>
        %mul3A_224 = arith.mulf %mul3A_223, %add3A_221 : vector<16xf32>
        %max3A_225 = arith.maximumf %add3A_221, %mul3A_224 : vector<16xf32>
        %mul3A_226 = arith.mulf %max3A_225, %get3A_97 : vector<16xf32>
        %add3A_227 = arith.addf %add3A_214, %mul3A_226 : vector<16xf32>
        %get3A_228 = arith.index_cast %scan3A_201 : i32 to index
        %get3A_229 = arith.constant 32 : index
        %get3A_230 = tpu.vector_load %arg16[%get3A_228, %get3A_229] {strides = array<i32>} : memref<80x128xf32, #tpu.memory_space<vmem>>, vector<16xf32>,
        %get3A_231 = arith.index_cast %scan3A_201 : i32 to index
        %get3A_232 = arith.constant 32 : index
        %get3A_233 = tpu.vector_load %arg17[%get3A_231, %get3A_232] {strides = array<i32>} : memref<80x128xf32, #tpu.memory_space<vmem>>, vector<16xf32>,
        %add3A_234 = arith.addf %get3A_230, %get3A_233 : vector<16xf32>
        %mul3A_235 = arith.constant 2.000000e-01 : f32
        %mul3A_236 = vector.broadcast %mul3A_235 : f32 to vector<16xf32>
        %mul3A_237 = arith.mulf %mul3A_236, %add3A_234 : vector<16xf32>
        %max3A_238 = arith.maximumf %add3A_234, %mul3A_237 : vector<16xf32>
        %mul3A_239 = arith.mulf %max3A_238, %get3A_99 : vector<16xf32>
        %add3A_240 = arith.addf %add3A_227, %mul3A_239 : vector<16xf32>
        %get3A_241 = arith.index_cast %scan3A_201 : i32 to index
        %get3A_242 = arith.constant 48 : index
        %get3A_243 = tpu.vector_load %arg16[%get3A_241, %get3A_242] {strides = array<i32>} : memref<80x128xf32, #tpu.memory_space<vmem>>, vector<16xf32>,
        %get3A_244 = arith.index_cast %scan3A_201 : i32 to index
        %get3A_245 = arith.constant 48 : index
        %get3A_246 = tpu.vector_load %arg17[%get3A_244, %get3A_245] {strides = array<i32>} : memref<80x128xf32, #tpu.memory_space<vmem>>, vector<16xf32>,
        %add3A_247 = arith.addf %get3A_243, %get3A_246 : vector<16xf32>
        %mul3A_248 = arith.constant 2.000000e-01 : f32
        %mul3A_249 = vector.broadcast %mul3A_248 : f32 to vector<16xf32>
        %mul3A_250 = arith.mulf %mul3A_249, %add3A_247 : vector<16xf32>
        %max3A_251 = arith.maximumf %add3A_247, %mul3A_250 : vector<16xf32>
        %mul3A_252 = arith.mulf %max3A_251, %get3A_101 : vector<16xf32>
        %add3A_253 = arith.addf %add3A_240, %mul3A_252 : vector<16xf32>
        %get3A_254 = arith.index_cast %scan3A_201 : i32 to index
        %get3A_255 = arith.constant 64 : index
        %get3A_256 = tpu.vector_load %arg16[%get3A_254, %get3A_255] {strides = array<i32>} : memref<80x128xf32, #tpu.memory_space<vmem>>, vector<16xf32>,
        %get3A_257 = arith.index_cast %scan3A_201 : i32 to index
        %get3A_258 = arith.constant 64 : index
        %get3A_259 = tpu.vector_load %arg17[%get3A_257, %get3A_258] {strides = array<i32>} : memref<80x128xf32, #tpu.memory_space<vmem>>, vector<16xf32>,
        %add3A_260 = arith.addf %get3A_256, %get3A_259 : vector<16xf32>
        %mul3A_261 = arith.constant 2.000000e-01 : f32
        %mul3A_262 = vector.broadcast %mul3A_261 : f32 to vector<16xf32>
        %mul3A_263 = arith.mulf %mul3A_262, %add3A_260 : vector<16xf32>
        %max3A_264 = arith.maximumf %add3A_260, %mul3A_263 : vector<16xf32>
        %mul3A_265 = arith.mulf %max3A_264, %get3A_103 : vector<16xf32>
        %add3A_266 = arith.addf %add3A_253, %mul3A_265 : vector<16xf32>
        %get3A_267 = arith.index_cast %scan3A_201 : i32 to index
        %get3A_268 = arith.constant 80 : index
        %get3A_269 = tpu.vector_load %arg16[%get3A_267, %get3A_268] {strides = array<i32>} : memref<80x128xf32, #tpu.memory_space<vmem>>, vector<16xf32>,
        %get3A_270 = arith.index_cast %scan3A_201 : i32 to index
        %get3A_271 = arith.constant 80 : index
        %get3A_272 = tpu.vector_load %arg17[%get3A_270, %get3A_271] {strides = array<i32>} : memref<80x128xf32, #tpu.memory_space<vmem>>, vector<16xf32>,
        %add3A_273 = arith.addf %get3A_269, %get3A_272 : vector<16xf32>
        %mul3A_274 = arith.constant 2.000000e-01 : f32
        %mul3A_275 = vector.broadcast %mul3A_274 : f32 to vector<16xf32>
        %mul3A_276 = arith.mulf %mul3A_275, %add3A_273 : vector<16xf32>
        %max3A_277 = arith.maximumf %add3A_273, %mul3A_276 : vector<16xf32>
        %mul3A_278 = arith.mulf %max3A_277, %get3A_105 : vector<16xf32>
        %add3A_279 = arith.addf %add3A_266, %mul3A_278 : vector<16xf32>
        %get3A_280 = arith.index_cast %scan3A_201 : i32 to index
        %get3A_281 = arith.constant 96 : index
        %get3A_282 = tpu.vector_load %arg16[%get3A_280, %get3A_281] {strides = array<i32>} : memref<80x128xf32, #tpu.memory_space<vmem>>, vector<16xf32>,
        %get3A_283 = arith.index_cast %scan3A_201 : i32 to index
        %get3A_284 = arith.constant 96 : index
        %get3A_285 = tpu.vector_load %arg17[%get3A_283, %get3A_284] {strides = array<i32>} : memref<80x128xf32, #tpu.memory_space<vmem>>, vector<16xf32>,
        %add3A_286 = arith.addf %get3A_282, %get3A_285 : vector<16xf32>
        %mul3A_287 = arith.constant 2.000000e-01 : f32
        %mul3A_288 = vector.broadcast %mul3A_287 : f32 to vector<16xf32>
        %mul3A_289 = arith.mulf %mul3A_288, %add3A_286 : vector<16xf32>
        %max3A_290 = arith.maximumf %add3A_286, %mul3A_289 : vector<16xf32>
        %mul3A_291 = arith.mulf %max3A_290, %get3A_107 : vector<16xf32>
        %add3A_292 = arith.addf %add3A_279, %mul3A_291 : vector<16xf32>
        %get3A_293 = arith.index_cast %scan3A_201 : i32 to index
        %get3A_294 = arith.constant 112 : index
        %get3A_295 = tpu.vector_load %arg16[%get3A_293, %get3A_294] {strides = array<i32>} : memref<80x128xf32, #tpu.memory_space<vmem>>, vector<16xf32>,
        %get3A_296 = arith.index_cast %scan3A_201 : i32 to index
        %get3A_297 = arith.constant 112 : index
        %get3A_298 = tpu.vector_load %arg17[%get3A_296, %get3A_297] {strides = array<i32>} : memref<80x128xf32, #tpu.memory_space<vmem>>, vector<16xf32>,
        %add3A_299 = arith.addf %get3A_295, %get3A_298 : vector<16xf32>
        %mul3A_300 = arith.constant 2.000000e-01 : f32
        %mul3A_301 = vector.broadcast %mul3A_300 : f32 to vector<16xf32>
        %mul3A_302 = arith.mulf %mul3A_301, %add3A_299 : vector<16xf32>
        %max3A_303 = arith.maximumf %add3A_299, %mul3A_302 : vector<16xf32>
        %mul3A_304 = arith.mulf %max3A_303, %get3A_109 : vector<16xf32>
        %add3A_305 = arith.addf %add3A_292, %mul3A_304 : vector<16xf32>
        %reduce_sum3A_306 = arith.constant true
        %reduce_sum3A_307 = vector.broadcast %reduce_sum3A_306 : i1 to vector<16xi1>
        %reduce_sum3A_308 = tpu.scan <sum>, %add3A_305 masked %reduce_sum3A_307 : vector<16xf32>, vector<16xi1> -> vector<16xf32>
        %reduce_sum3A_309 = vector.extract %reduce_sum3A_308[15] : f32 from vector<16xf32>
        %broadcast_in_dim3A_310 = vector.broadcast %reduce_sum3A_309 : f32 to vector<16xf32>
        %exp3A = math.exp %broadcast_in_dim3A_310 : vector<16xf32>
        %add3A_311 = vector.broadcast %scan3A_201 : i32 to vector<16xi32>
        %add3A_312 = arith.addi %broadcast_in_dim3A_192, %add3A_311 : vector<16xi32>
        %ge3A = arith.cmpi sge, %add3A_312, %broadcast_in_dim3A_155 : vector<16xi32>
        %lt3A = arith.cmpi slt, %add3A_312, %broadcast_in_dim3A_156 : vector<16xi32>
        %and3A_313 = arith.andi %ge3A, %lt3A : vector<16xi1>
        %broadcast_in_dim3A_314 = vector.broadcast %scan3A_201 : i32 to vector<16xi32>
        %gather3A = tpu.vector_load_idx %arg15[%broadcast_in_dim3A_314] : memref<80xi32, #tpu.memory_space<vmem>>[vector<16xi32>], vector<16xi32>,
        %sub3A_315 = arith.subi %gather3A, %broadcast_in_dim3A_154 : vector<16xi32>
        %select_n3A_316 = arith.select %and3A_313, %sub3A_315, %broadcast_in_dim3A_158 : vector<16xi1>, vector<16xi32>
        %add3A_317 = arith.constant 0 : i32
        %add3A_318 = vector.broadcast %add3A_317 : i32 to vector<16xi32>
        %add3A_319 = arith.addi %iota3A, %add3A_318 : vector<16xi32>
        %mul3A_320 = arith.mulf %exp3A, %get3A_205 : vector<16xf32>
        tpu.vector_store_idx %arg21[%select_n3A_316, %add3A_319], %mul3A_320 {add = true} : memref<626x128xf32, #tpu.memory_space<vmem>>[vector<16xi32>, vector<16xi32>], vector<16xf32>,
        %add3A_321 = arith.constant 16 : i32
        %add3A_322 = vector.broadcast %add3A_321 : i32 to vector<16xi32>
        %add3A_323 = arith.addi %iota3A, %add3A_322 : vector<16xi32>
        %mul3A_324 = arith.mulf %exp3A, %get3A_217 : vector<16xf32>
        tpu.vector_store_idx %arg21[%select_n3A_316, %add3A_323], %mul3A_324 {add = true} : memref<626x128xf32, #tpu.memory_space<vmem>>[vector<16xi32>, vector<16xi32>], vector<16xf32>,
        %add3A_325 = arith.constant 32 : i32
        %add3A_326 = vector.broadcast %add3A_325 : i32 to vector<16xi32>
        %add3A_327 = arith.addi %iota3A, %add3A_326 : vector<16xi32>
        %mul3A_328 = arith.mulf %exp3A, %get3A_230 : vector<16xf32>
        tpu.vector_store_idx %arg21[%select_n3A_316, %add3A_327], %mul3A_328 {add = true} : memref<626x128xf32, #tpu.memory_space<vmem>>[vector<16xi32>, vector<16xi32>], vector<16xf32>,
        %add3A_329 = arith.constant 48 : i32
        %add3A_330 = vector.broadcast %add3A_329 : i32 to vector<16xi32>
        %add3A_331 = arith.addi %iota3A, %add3A_330 : vector<16xi32>
        %mul3A_332 = arith.mulf %exp3A, %get3A_243 : vector<16xf32>
        tpu.vector_store_idx %arg21[%select_n3A_316, %add3A_331], %mul3A_332 {add = true} : memref<626x128xf32, #tpu.memory_space<vmem>>[vector<16xi32>, vector<16xi32>], vector<16xf32>,
        %add3A_333 = arith.constant 64 : i32
        %add3A_334 = vector.broadcast %add3A_333 : i32 to vector<16xi32>
        %add3A_335 = arith.addi %iota3A, %add3A_334 : vector<16xi32>
        %mul3A_336 = arith.mulf %exp3A, %get3A_256 : vector<16xf32>
        tpu.vector_store_idx %arg21[%select_n3A_316, %add3A_335], %mul3A_336 {add = true} : memref<626x128xf32, #tpu.memory_space<vmem>>[vector<16xi32>, vector<16xi32>], vector<16xf32>,
        %add3A_337 = arith.constant 80 : i32
        %add3A_338 = vector.broadcast %add3A_337 : i32 to vector<16xi32>
        %add3A_339 = arith.addi %iota3A, %add3A_338 : vector<16xi32>
        %mul3A_340 = arith.mulf %exp3A, %get3A_269 : vector<16xf32>
        tpu.vector_store_idx %arg21[%select_n3A_316, %add3A_339], %mul3A_340 {add = true} : memref<626x128xf32, #tpu.memory_space<vmem>>[vector<16xi32>, vector<16xi32>], vector<16xf32>,
        %add3A_341 = arith.constant 96 : i32
        %add3A_342 = vector.broadcast %add3A_341 : i32 to vector<16xi32>
        %add3A_343 = arith.addi %iota3A, %add3A_342 : vector<16xi32>
        %mul3A_344 = arith.mulf %exp3A, %get3A_282 : vector<16xf32>
        tpu.vector_store_idx %arg21[%select_n3A_316, %add3A_343], %mul3A_344 {add = true} : memref<626x128xf32, #tpu.memory_space<vmem>>[vector<16xi32>, vector<16xi32>], vector<16xf32>,
        %add3A_345 = arith.constant 112 : i32
        %add3A_346 = vector.broadcast %add3A_345 : i32 to vector<16xi32>
        %add3A_347 = arith.addi %iota3A, %add3A_346 : vector<16xi32>
        %mul3A_348 = arith.mulf %exp3A, %get3A_295 : vector<16xf32>
        tpu.vector_store_idx %arg21[%select_n3A_316, %add3A_347], %mul3A_348 {add = true} : memref<626x128xf32, #tpu.memory_space<vmem>>[vector<16xi32>, vector<16xi32>], vector<16xf32>,
        tpu.vector_store_idx %arg22[%select_n3A_316], %exp3A masked %eq3A_112 {add = true} : memref<640xf32, #tpu.memory_space<vmem>>[vector<16xi32>], vector<16xf32>, vector<16xi1>
        %scan3A_349 = arith.constant 0 : i32
        scf.yield %scan3A_349 : i32
      }
      %scan3A_199 = arith.constant 80 : i32
      %while3A_200 = arith.constant 0 : i32
      scf.yield %while3A_200 : i32
    }
    %scan3A_170 = arith.constant 0 : i32
    %scan3A_171 = arith.constant 0 : i32
    %scan3A_172 = arith.constant 5 : i32
    %scan3A_173 = arith.addi %scan3A_171, %scan3A_172 : i32
    %scan3A_174 = arith.constant 1 : i32
    %scan3A_175 = scf.for %scan3A_177 = %scan3A_171 to %scan3A_173 step %scan3A_174 iter_args(%scan3A_178 = %scan3A_170) -> (i32)  : i32 {
      %mul3A_179 = arith.constant 125 : i32
      %mul3A_180 = arith.muli %scan3A_177, %mul3A_179 : i32
      %scan3A_181 = arith.constant 0 : i32
      %scan3A_182 = arith.constant 0 : i32
      %scan3A_183 = arith.constant 125 : i32
      %scan3A_184 = arith.addi %scan3A_182, %scan3A_183 : i32
      %scan3A_185 = arith.constant 1 : i32
      %scan3A_186 = scf.for %scan3A_204 = %scan3A_182 to %scan3A_184 step %scan3A_185 iter_args(%scan3A_205 = %scan3A_181) -> (i32)  : i32 {
        %add3A_206 = arith.addi %mul3A_180, %scan3A_204 : i32
        %broadcast_in_dim3A_207 = vector.broadcast %add3A_206 : i32 to vector<16xi32>
        %gather3A = tpu.vector_load_idx %arg22[%broadcast_in_dim3A_207] : memref<640xf32, #tpu.memory_space<vmem>>[vector<16xi32>], vector<16xf32>,
        %add3A_208 = arith.constant 1.000000e-16 : f32
        %add3A_209 = vector.broadcast %add3A_208 : f32 to vector<16xf32>
        %add3A_210 = arith.addf %gather3A, %add3A_209 : vector<16xf32>
        %mul3A_211 = arith.constant 128 : i32
        %mul3A_212 = arith.muli %scan3A_204, %mul3A_211 : i32
        %scan3A_213 = arith.constant 0 : i32
        %scan3A_214 = arith.constant 0 : i32
        %scan3A_215 = arith.constant 8 : i32
        %scan3A_216 = arith.addi %scan3A_214, %scan3A_215 : i32
        %scan3A_217 = arith.constant 1 : i32
        %scan3A_218 = scf.for %scan3A_220 = %scan3A_214 to %scan3A_216 step %scan3A_217 iter_args(%scan3A_221 = %scan3A_213) -> (i32)  : i32 {
          %mul3A_222 = arith.constant 16 : i32
          %mul3A_223 = arith.muli %scan3A_220, %mul3A_222 : i32
          %multiple_of3A_224 = tpu.assume_multiple %mul3A_223, 16 : i32
          %get3A_225 = arith.index_cast %add3A_206 : i32 to index
          %get3A_226 = arith.index_cast %multiple_of3A_224 : i32 to index
          %get3A_227 = tpu.vector_load %arg21[%get3A_225, %get3A_226] {strides = array<i32>} : memref<626x128xf32, #tpu.memory_space<vmem>>, vector<16xf32>,
          %div3A_228 = arith.divf %get3A_227, %add3A_210 : vector<16xf32>
          %mul3A_229 = arith.constant 16 : i32
          %mul3A_230 = arith.muli %scan3A_220, %mul3A_229 : i32
          %add3A_231 = arith.addi %mul3A_212, %mul3A_230 : i32
          %multiple_of3A_232 = tpu.assume_multiple %add3A_231, 16 : i32
          %swap3A_233 = arith.index_cast %multiple_of3A_232 : i32 to index
          %swap3A_234 = tpu.vector_load %arg23[%swap3A_233] {strides = array<i32>} : memref<16000xf32, #tpu.memory_space<vmem>>, vector<16xf32>,
          tpu.vector_store %arg23[%swap3A_233], %div3A_228 {strides = array<i32>} : memref<16000xf32, #tpu.memory_space<vmem>>, vector<16xf32>,
          %scan3A_235 = arith.constant 0 : i32
          scf.yield %scan3A_235 : i32
        }
        %scan3A_219 = arith.constant 8 : i32
        scf.yield %scan3A_218 : i32
      }
      %scan3A_187 = arith.constant 125 : i32
      %mul3A_188 = arith.constant 625 : i32
      %mul3A_189 = arith.muli %arg1, %mul3A_188 : i32
      %add3A_190 = arith.addi %mul3A_189, %mul3A_180 : i32
      %mul3A_191 = arith.constant 128 : i32
      %mul3A_192 = arith.muli %add3A_190, %mul3A_191 : i32
      %multiple_of3A = tpu.assume_multiple %mul3A_192, 8 : i32
      %eq3A_193 = arith.constant 0 : i32
      %eq3A_194 = arith.cmpi eq, %arg0, %eq3A_193 : i32
      %convert_element_type3A_195 = arith.extui %eq3A_194 : i1 to i32
      %cond3A_196 = arith.constant 0 : i32
      %cond3A_197 = arith.cmpi ne, %convert_element_type3A_195, %cond3A_196 : i32
      scf.if %cond3A_197 {
        "tpu.region"() ({
          %run_scoped3A = tpu.sem_alloc : memref<!tpu.dma_semaphore, #tpu.memory_space<semaphore_mem>>
          %dma_start3A = tpu.memref_slice %arg12[%multiple_of3A] : memref<1280000xf32, #tpu.memory_space<hbm>> -> memref<16000xf32, #tpu.memory_space<hbm>>
          %dma_start3A_204 = tpu.memref_slice %arg12[%multiple_of3A] : memref<1280000xf32, #tpu.memory_space<hbm>> -> memref<16000xf32, #tpu.memory_space<hbm>>
          tpu.enqueue_dma source(%arg23 : memref<16000xf32, #tpu.memory_space<vmem>>) target(%dma_start3A_204 : memref<16000xf32, #tpu.memory_space<hbm>>) target_semaphore(%run_scoped3A : memref<!tpu.dma_semaphore, #tpu.memory_space<semaphore_mem>>)
          %dma_wait3A = tpu.memref_slice %arg12[%multiple_of3A] : memref<1280000xf32, #tpu.memory_space<hbm>> -> memref<16000xf32, #tpu.memory_space<hbm>>
          %dma_wait3A_205 = tpu.memref_slice %arg12[%multiple_of3A] : memref<1280000xf32, #tpu.memory_space<hbm>> -> memref<16000xf32, #tpu.memory_space<hbm>>
          tpu.wait_dma2 semaphore(%run_scoped3A : memref<!tpu.dma_semaphore, #tpu.memory_space<semaphore_mem>>) src(%arg23 : memref<16000xf32, #tpu.memory_space<vmem>>) dst(%dma_wait3A_205 : memref<16000xf32, #tpu.memory_space<hbm>>)
          tpu.yield
        }) : () -> ()
      } else {
      }
      %eq3A_198 = arith.constant 1 : i32
      %eq3A_199 = arith.cmpi eq, %arg0, %eq3A_198 : i32
      %convert_element_type3A_200 = arith.extui %eq3A_199 : i1 to i32
      %cond3A_201 = arith.constant 0 : i32
      %cond3A_202 = arith.cmpi ne, %convert_element_type3A_200, %cond3A_201 : i32
      scf.if %cond3A_202 {
        "tpu.region"() ({
          %run_scoped3A = tpu.sem_alloc : memref<!tpu.dma_semaphore, #tpu.memory_space<semaphore_mem>>
          %dma_start3A = tpu.memref_slice %arg13[%multiple_of3A] : memref<1280000xf32, #tpu.memory_space<hbm>> -> memref<16000xf32, #tpu.memory_space<hbm>>
          %dma_start3A_204 = tpu.memref_slice %arg13[%multiple_of3A] : memref<1280000xf32, #tpu.memory_space<hbm>> -> memref<16000xf32, #tpu.memory_space<hbm>>
          tpu.enqueue_dma source(%arg23 : memref<16000xf32, #tpu.memory_space<vmem>>) target(%dma_start3A_204 : memref<16000xf32, #tpu.memory_space<hbm>>) target_semaphore(%run_scoped3A : memref<!tpu.dma_semaphore, #tpu.memory_space<semaphore_mem>>)
          %dma_wait3A = tpu.memref_slice %arg13[%multiple_of3A] : memref<1280000xf32, #tpu.memory_space<hbm>> -> memref<16000xf32, #tpu.memory_space<hbm>>
          %dma_wait3A_205 = tpu.memref_slice %arg13[%multiple_of3A] : memref<1280000xf32, #tpu.memory_space<hbm>> -> memref<16000xf32, #tpu.memory_space<hbm>>
          tpu.wait_dma2 semaphore(%run_scoped3A : memref<!tpu.dma_semaphore, #tpu.memory_space<semaphore_mem>>) src(%arg23 : memref<16000xf32, #tpu.memory_space<vmem>>) dst(%dma_wait3A_205 : memref<16000xf32, #tpu.memory_space<hbm>>)
          tpu.yield
        }) : () -> ()
      } else {
      }
      %scan3A_203 = arith.constant 0 : i32
      scf.yield %scan3A_203 : i32
    }
    %scan3A_176 = arith.constant 5 : i32
    return
  }
}

#map = affine_map<(d0, d1) -> (0, 0)>
#map1 = affine_map<(d0, d1) -> (0)>
module attributes {stable_mosaic.version = 14 : i64} {
  func.func @_edge_body(%arg0: i32, %arg1: i32, %arg2: memref<10000x128xf32, #tpu.memory_space<hbm>>, %arg3: memref<10000x128xf32, #tpu.memory_space<hbm>>, %arg4: memref<10000x128xf32, #tpu.memory_space<hbm>>, %arg5: memref<10000x128xf32, #tpu.memory_space<hbm>>, %arg6: memref<160160xi32, #tpu.memory_space<hbm>>, %arg7: memref<160160xi32, #tpu.memory_space<hbm>>, %arg8: memref<128xf32, #tpu.memory_space<hbm>>, %arg9: memref<128xf32, #tpu.memory_space<hbm>>, %arg10: memref<16xi32, #tpu.memory_space<hbm>>, %arg11: memref<16xi32, #tpu.memory_space<hbm>>, %arg12: memref<1280000xf32, #tpu.memory_space<hbm>>, %arg13: memref<1280000xf32, #tpu.memory_space<hbm>>, %arg14: memref<80xi32, #tpu.memory_space<vmem>>, %arg15: memref<80xi32, #tpu.memory_space<vmem>>, %arg16: memref<80x128xf32, #tpu.memory_space<vmem>>, %arg17: memref<80x128xf32, #tpu.memory_space<vmem>>, %arg18: memref<128xf32, #tpu.memory_space<vmem>>, %arg19: memref<16xi32, #tpu.memory_space<vmem>>, %arg20: memref<16xi32, #tpu.memory_space<vmem>>, %arg21: memref<626x128xf32, #tpu.memory_space<vmem>>, %arg22: memref<640xf32, #tpu.memory_space<vmem>>, %arg23: memref<16000xf32, #tpu.memory_space<vmem>>, %arg24: memref<!tpu.dma_semaphore, #tpu.memory_space<semaphore_mem>>) attributes {dimension_semantics = [#tpu.dimension_semantics<core_parallel>, #tpu.dimension_semantics<subcore_parallel>], iteration_bounds = array<i64: 2, 16>, scalar_prefetch = 0 : i64, scratch_operands = 11 : i64, tpu.core_type = #tpu.core_type<sc_vector_subcore>, window_params = [{transform_indices = #map}, {transform_indices = #map}, {transform_indices = #map}, {transform_indices = #map}, {transform_indices = #map1}, {transform_indices = #map1}, {transform_indices = #map1}, {transform_indices = #map1}, {transform_indices = #map1}, {transform_indices = #map1}, {transform_indices = #map1}, {transform_indices = #map1}]} {
    %broadcast_in_dim3A = arith.constant 0.000000e+00 : f32
    %broadcast_in_dim3A_0 = vector.broadcast %broadcast_in_dim3A : f32 to vector<16xf32>
    %scan3A = arith.constant 0 : i32
    %scan3A_1 = arith.constant 0 : i32
    %scan3A_2 = arith.constant 626 : i32
    %scan3A_3 = arith.addi %scan3A_1, %scan3A_2 : i32
    %scan3A_4 = arith.constant 1 : i32
    %scan3A_5 = scf.for %scan3A_177 = %scan3A_1 to %scan3A_3 step %scan3A_4 iter_args(%scan3A_178 = %scan3A) -> (i32)  : i32 {
      %scan3A_179 = arith.constant 0 : i32
      %scan3A_180 = arith.constant 0 : i32
      %scan3A_181 = arith.constant 8 : i32
      %scan3A_182 = arith.addi %scan3A_180, %scan3A_181 : i32
      %scan3A_183 = arith.constant 1 : i32
      %scan3A_184 = scf.for %scan3A_186 = %scan3A_180 to %scan3A_182 step %scan3A_183 iter_args(%scan3A_187 = %scan3A_179) -> (i32)  : i32 {
        %mul3A_188 = arith.constant 16 : i32
        %mul3A_189 = arith.muli %scan3A_186, %mul3A_188 : i32
        %multiple_of3A = tpu.assume_multiple %mul3A_189, 16 : i32
        %swap3A_190 = arith.index_cast %scan3A_177 : i32 to index
        %swap3A_191 = arith.index_cast %multiple_of3A : i32 to index
        %swap3A_192 = tpu.vector_load %arg21[%swap3A_190, %swap3A_191] {strides = array<i32>} : memref<626x128xf32, #tpu.memory_space<vmem>>, vector<16xf32>,
        tpu.vector_store %arg21[%swap3A_190, %swap3A_191], %broadcast_in_dim3A_0 {strides = array<i32>} : memref<626x128xf32, #tpu.memory_space<vmem>>, vector<16xf32>,
        %scan3A_193 = arith.constant 0 : i32
        scf.yield %scan3A_193 : i32
      }
      %scan3A_185 = arith.constant 8 : i32
      scf.yield %scan3A_184 : i32
    }
    %scan3A_6 = arith.constant 626 : i32
    %swap3A = arith.constant 0 : index
    %swap3A_7 = tpu.vector_load %arg22[%swap3A] {strides = array<i32>} : memref<640xf32, #tpu.memory_space<vmem>>, vector<16xf32>,
    tpu.vector_store %arg22[%swap3A], %broadcast_in_dim3A_0 {strides = array<i32>} : memref<640xf32, #tpu.memory_space<vmem>>, vector<16xf32>,
    %swap3A_8 = arith.constant 16 : index
    %swap3A_9 = tpu.vector_load %arg22[%swap3A_8] {strides = array<i32>} : memref<640xf32, #tpu.memory_space<vmem>>, vector<16xf32>,
    tpu.vector_store %arg22[%swap3A_8], %broadcast_in_dim3A_0 {strides = array<i32>} : memref<640xf32, #tpu.memory_space<vmem>>, vector<16xf32>,
    %swap3A_10 = arith.constant 32 : index
    %swap3A_11 = tpu.vector_load %arg22[%swap3A_10] {strides = array<i32>} : memref<640xf32, #tpu.memory_space<vmem>>, vector<16xf32>,
    tpu.vector_store %arg22[%swap3A_10], %broadcast_in_dim3A_0 {strides = array<i32>} : memref<640xf32, #tpu.memory_space<vmem>>, vector<16xf32>,
    %swap3A_12 = arith.constant 48 : index
    %swap3A_13 = tpu.vector_load %arg22[%swap3A_12] {strides = array<i32>} : memref<640xf32, #tpu.memory_space<vmem>>, vector<16xf32>,
    tpu.vector_store %arg22[%swap3A_12], %broadcast_in_dim3A_0 {strides = array<i32>} : memref<640xf32, #tpu.memory_space<vmem>>, vector<16xf32>,
    %swap3A_14 = arith.constant 64 : index
    %swap3A_15 = tpu.vector_load %arg22[%swap3A_14] {strides = array<i32>} : memref<640xf32, #tpu.memory_space<vmem>>, vector<16xf32>,
    tpu.vector_store %arg22[%swap3A_14], %broadcast_in_dim3A_0 {strides = array<i32>} : memref<640xf32, #tpu.memory_space<vmem>>, vector<16xf32>,
    %swap3A_16 = arith.constant 80 : index
    %swap3A_17 = tpu.vector_load %arg22[%swap3A_16] {strides = array<i32>} : memref<640xf32, #tpu.memory_space<vmem>>, vector<16xf32>,
    tpu.vector_store %arg22[%swap3A_16], %broadcast_in_dim3A_0 {strides = array<i32>} : memref<640xf32, #tpu.memory_space<vmem>>, vector<16xf32>,
    %swap3A_18 = arith.constant 96 : index
    %swap3A_19 = tpu.vector_load %arg22[%swap3A_18] {strides = array<i32>} : memref<640xf32, #tpu.memory_space<vmem>>, vector<16xf32>,
    tpu.vector_store %arg22[%swap3A_18], %broadcast_in_dim3A_0 {strides = array<i32>} : memref<640xf32, #tpu.memory_space<vmem>>, vector<16xf32>,
    %swap3A_20 = arith.constant 112 : index
    %swap3A_21 = tpu.vector_load %arg22[%swap3A_20] {strides = array<i32>} : memref<640xf32, #tpu.memory_space<vmem>>, vector<16xf32>,
    tpu.vector_store %arg22[%swap3A_20], %broadcast_in_dim3A_0 {strides = array<i32>} : memref<640xf32, #tpu.memory_space<vmem>>, vector<16xf32>,
    %swap3A_22 = arith.constant 128 : index
    %swap3A_23 = tpu.vector_load %arg22[%swap3A_22] {strides = array<i32>} : memref<640xf32, #tpu.memory_space<vmem>>, vector<16xf32>,
    tpu.vector_store %arg22[%swap3A_22], %broadcast_in_dim3A_0 {strides = array<i32>} : memref<640xf32, #tpu.memory_space<vmem>>, vector<16xf32>,
    %swap3A_24 = arith.constant 144 : index
    %swap3A_25 = tpu.vector_load %arg22[%swap3A_24] {strides = array<i32>} : memref<640xf32, #tpu.memory_space<vmem>>, vector<16xf32>,
    tpu.vector_store %arg22[%swap3A_24], %broadcast_in_dim3A_0 {strides = array<i32>} : memref<640xf32, #tpu.memory_space<vmem>>, vector<16xf32>,
    %swap3A_26 = arith.constant 160 : index
    %swap3A_27 = tpu.vector_load %arg22[%swap3A_26] {strides = array<i32>} : memref<640xf32, #tpu.memory_space<vmem>>, vector<16xf32>,
    tpu.vector_store %arg22[%swap3A_26], %broadcast_in_dim3A_0 {strides = array<i32>} : memref<640xf32, #tpu.memory_space<vmem>>, vector<16xf32>,
    %swap3A_28 = arith.constant 176 : index
    %swap3A_29 = tpu.vector_load %arg22[%swap3A_28] {strides = array<i32>} : memref<640xf32, #tpu.memory_space<vmem>>, vector<16xf32>,
    tpu.vector_store %arg22[%swap3A_28], %broadcast_in_dim3A_0 {strides = array<i32>} : memref<640xf32, #tpu.memory_space<vmem>>, vector<16xf32>,
    %swap3A_30 = arith.constant 192 : index
    %swap3A_31 = tpu.vector_load %arg22[%swap3A_30] {strides = array<i32>} : memref<640xf32, #tpu.memory_space<vmem>>, vector<16xf32>,
    tpu.vector_store %arg22[%swap3A_30], %broadcast_in_dim3A_0 {strides = array<i32>} : memref<640xf32, #tpu.memory_space<vmem>>, vector<16xf32>,
    %swap3A_32 = arith.constant 208 : index
    %swap3A_33 = tpu.vector_load %arg22[%swap3A_32] {strides = array<i32>} : memref<640xf32, #tpu.memory_space<vmem>>, vector<16xf32>,
    tpu.vector_store %arg22[%swap3A_32], %broadcast_in_dim3A_0 {strides = array<i32>} : memref<640xf32, #tpu.memory_space<vmem>>, vector<16xf32>,
    %swap3A_34 = arith.constant 224 : index
    %swap3A_35 = tpu.vector_load %arg22[%swap3A_34] {strides = array<i32>} : memref<640xf32, #tpu.memory_space<vmem>>, vector<16xf32>,
    tpu.vector_store %arg22[%swap3A_34], %broadcast_in_dim3A_0 {strides = array<i32>} : memref<640xf32, #tpu.memory_space<vmem>>, vector<16xf32>,
    %swap3A_36 = arith.constant 240 : index
    %swap3A_37 = tpu.vector_load %arg22[%swap3A_36] {strides = array<i32>} : memref<640xf32, #tpu.memory_space<vmem>>, vector<16xf32>,
    tpu.vector_store %arg22[%swap3A_36], %broadcast_in_dim3A_0 {strides = array<i32>} : memref<640xf32, #tpu.memory_space<vmem>>, vector<16xf32>,
    %swap3A_38 = arith.constant 256 : index
    %swap3A_39 = tpu.vector_load %arg22[%swap3A_38] {strides = array<i32>} : memref<640xf32, #tpu.memory_space<vmem>>, vector<16xf32>,
    tpu.vector_store %arg22[%swap3A_38], %broadcast_in_dim3A_0 {strides = array<i32>} : memref<640xf32, #tpu.memory_space<vmem>>, vector<16xf32>,
    %swap3A_40 = arith.constant 272 : index
    %swap3A_41 = tpu.vector_load %arg22[%swap3A_40] {strides = array<i32>} : memref<640xf32, #tpu.memory_space<vmem>>, vector<16xf32>,
    tpu.vector_store %arg22[%swap3A_40], %broadcast_in_dim3A_0 {strides = array<i32>} : memref<640xf32, #tpu.memory_space<vmem>>, vector<16xf32>,
    %swap3A_42 = arith.constant 288 : index
    %swap3A_43 = tpu.vector_load %arg22[%swap3A_42] {strides = array<i32>} : memref<640xf32, #tpu.memory_space<vmem>>, vector<16xf32>,
    tpu.vector_store %arg22[%swap3A_42], %broadcast_in_dim3A_0 {strides = array<i32>} : memref<640xf32, #tpu.memory_space<vmem>>, vector<16xf32>,
    %swap3A_44 = arith.constant 304 : index
    %swap3A_45 = tpu.vector_load %arg22[%swap3A_44] {strides = array<i32>} : memref<640xf32, #tpu.memory_space<vmem>>, vector<16xf32>,
    tpu.vector_store %arg22[%swap3A_44], %broadcast_in_dim3A_0 {strides = array<i32>} : memref<640xf32, #tpu.memory_space<vmem>>, vector<16xf32>,
    %swap3A_46 = arith.constant 320 : index
    %swap3A_47 = tpu.vector_load %arg22[%swap3A_46] {strides = array<i32>} : memref<640xf32, #tpu.memory_space<vmem>>, vector<16xf32>,
    tpu.vector_store %arg22[%swap3A_46], %broadcast_in_dim3A_0 {strides = array<i32>} : memref<640xf32, #tpu.memory_space<vmem>>, vector<16xf32>,
    %swap3A_48 = arith.constant 336 : index
    %swap3A_49 = tpu.vector_load %arg22[%swap3A_48] {strides = array<i32>} : memref<640xf32, #tpu.memory_space<vmem>>, vector<16xf32>,
    tpu.vector_store %arg22[%swap3A_48], %broadcast_in_dim3A_0 {strides = array<i32>} : memref<640xf32, #tpu.memory_space<vmem>>, vector<16xf32>,
    %swap3A_50 = arith.constant 352 : index
    %swap3A_51 = tpu.vector_load %arg22[%swap3A_50] {strides = array<i32>} : memref<640xf32, #tpu.memory_space<vmem>>, vector<16xf32>,
    tpu.vector_store %arg22[%swap3A_50], %broadcast_in_dim3A_0 {strides = array<i32>} : memref<640xf32, #tpu.memory_space<vmem>>, vector<16xf32>,
    %swap3A_52 = arith.constant 368 : index
    %swap3A_53 = tpu.vector_load %arg22[%swap3A_52] {strides = array<i32>} : memref<640xf32, #tpu.memory_space<vmem>>, vector<16xf32>,
    tpu.vector_store %arg22[%swap3A_52], %broadcast_in_dim3A_0 {strides = array<i32>} : memref<640xf32, #tpu.memory_space<vmem>>, vector<16xf32>,
    %swap3A_54 = arith.constant 384 : index
    %swap3A_55 = tpu.vector_load %arg22[%swap3A_54] {strides = array<i32>} : memref<640xf32, #tpu.memory_space<vmem>>, vector<16xf32>,
    tpu.vector_store %arg22[%swap3A_54], %broadcast_in_dim3A_0 {strides = array<i32>} : memref<640xf32, #tpu.memory_space<vmem>>, vector<16xf32>,
    %swap3A_56 = arith.constant 400 : index
    %swap3A_57 = tpu.vector_load %arg22[%swap3A_56] {strides = array<i32>} : memref<640xf32, #tpu.memory_space<vmem>>, vector<16xf32>,
    tpu.vector_store %arg22[%swap3A_56], %broadcast_in_dim3A_0 {strides = array<i32>} : memref<640xf32, #tpu.memory_space<vmem>>, vector<16xf32>,
    %swap3A_58 = arith.constant 416 : index
    %swap3A_59 = tpu.vector_load %arg22[%swap3A_58] {strides = array<i32>} : memref<640xf32, #tpu.memory_space<vmem>>, vector<16xf32>,
    tpu.vector_store %arg22[%swap3A_58], %broadcast_in_dim3A_0 {strides = array<i32>} : memref<640xf32, #tpu.memory_space<vmem>>, vector<16xf32>,
    %swap3A_60 = arith.constant 432 : index
    %swap3A_61 = tpu.vector_load %arg22[%swap3A_60] {strides = array<i32>} : memref<640xf32, #tpu.memory_space<vmem>>, vector<16xf32>,
    tpu.vector_store %arg22[%swap3A_60], %broadcast_in_dim3A_0 {strides = array<i32>} : memref<640xf32, #tpu.memory_space<vmem>>, vector<16xf32>,
    %swap3A_62 = arith.constant 448 : index
    %swap3A_63 = tpu.vector_load %arg22[%swap3A_62] {strides = array<i32>} : memref<640xf32, #tpu.memory_space<vmem>>, vector<16xf32>,
    tpu.vector_store %arg22[%swap3A_62], %broadcast_in_dim3A_0 {strides = array<i32>} : memref<640xf32, #tpu.memory_space<vmem>>, vector<16xf32>,
    %swap3A_64 = arith.constant 464 : index
    %swap3A_65 = tpu.vector_load %arg22[%swap3A_64] {strides = array<i32>} : memref<640xf32, #tpu.memory_space<vmem>>, vector<16xf32>,
    tpu.vector_store %arg22[%swap3A_64], %broadcast_in_dim3A_0 {strides = array<i32>} : memref<640xf32, #tpu.memory_space<vmem>>, vector<16xf32>,
    %swap3A_66 = arith.constant 480 : index
    %swap3A_67 = tpu.vector_load %arg22[%swap3A_66] {strides = array<i32>} : memref<640xf32, #tpu.memory_space<vmem>>, vector<16xf32>,
    tpu.vector_store %arg22[%swap3A_66], %broadcast_in_dim3A_0 {strides = array<i32>} : memref<640xf32, #tpu.memory_space<vmem>>, vector<16xf32>,
    %swap3A_68 = arith.constant 496 : index
    %swap3A_69 = tpu.vector_load %arg22[%swap3A_68] {strides = array<i32>} : memref<640xf32, #tpu.memory_space<vmem>>, vector<16xf32>,
    tpu.vector_store %arg22[%swap3A_68], %broadcast_in_dim3A_0 {strides = array<i32>} : memref<640xf32, #tpu.memory_space<vmem>>, vector<16xf32>,
    %swap3A_70 = arith.constant 512 : index
    %swap3A_71 = tpu.vector_load %arg22[%swap3A_70] {strides = array<i32>} : memref<640xf32, #tpu.memory_space<vmem>>, vector<16xf32>,
    tpu.vector_store %arg22[%swap3A_70], %broadcast_in_dim3A_0 {strides = array<i32>} : memref<640xf32, #tpu.memory_space<vmem>>, vector<16xf32>,
    %swap3A_72 = arith.constant 528 : index
    %swap3A_73 = tpu.vector_load %arg22[%swap3A_72] {strides = array<i32>} : memref<640xf32, #tpu.memory_space<vmem>>, vector<16xf32>,
    tpu.vector_store %arg22[%swap3A_72], %broadcast_in_dim3A_0 {strides = array<i32>} : memref<640xf32, #tpu.memory_space<vmem>>, vector<16xf32>,
    %swap3A_74 = arith.constant 544 : index
    %swap3A_75 = tpu.vector_load %arg22[%swap3A_74] {strides = array<i32>} : memref<640xf32, #tpu.memory_space<vmem>>, vector<16xf32>,
    tpu.vector_store %arg22[%swap3A_74], %broadcast_in_dim3A_0 {strides = array<i32>} : memref<640xf32, #tpu.memory_space<vmem>>, vector<16xf32>,
    %swap3A_76 = arith.constant 560 : index
    %swap3A_77 = tpu.vector_load %arg22[%swap3A_76] {strides = array<i32>} : memref<640xf32, #tpu.memory_space<vmem>>, vector<16xf32>,
    tpu.vector_store %arg22[%swap3A_76], %broadcast_in_dim3A_0 {strides = array<i32>} : memref<640xf32, #tpu.memory_space<vmem>>, vector<16xf32>,
    %swap3A_78 = arith.constant 576 : index
    %swap3A_79 = tpu.vector_load %arg22[%swap3A_78] {strides = array<i32>} : memref<640xf32, #tpu.memory_space<vmem>>, vector<16xf32>,
    tpu.vector_store %arg22[%swap3A_78], %broadcast_in_dim3A_0 {strides = array<i32>} : memref<640xf32, #tpu.memory_space<vmem>>, vector<16xf32>,
    %swap3A_80 = arith.constant 592 : index
    %swap3A_81 = tpu.vector_load %arg22[%swap3A_80] {strides = array<i32>} : memref<640xf32, #tpu.memory_space<vmem>>, vector<16xf32>,
    tpu.vector_store %arg22[%swap3A_80], %broadcast_in_dim3A_0 {strides = array<i32>} : memref<640xf32, #tpu.memory_space<vmem>>, vector<16xf32>,
    %swap3A_82 = arith.constant 608 : index
    %swap3A_83 = tpu.vector_load %arg22[%swap3A_82] {strides = array<i32>} : memref<640xf32, #tpu.memory_space<vmem>>, vector<16xf32>,
    tpu.vector_store %arg22[%swap3A_82], %broadcast_in_dim3A_0 {strides = array<i32>} : memref<640xf32, #tpu.memory_space<vmem>>, vector<16xf32>,
    %swap3A_84 = arith.constant 624 : index
    %swap3A_85 = tpu.vector_load %arg22[%swap3A_84] {strides = array<i32>} : memref<640xf32, #tpu.memory_space<vmem>>, vector<16xf32>,
    tpu.vector_store %arg22[%swap3A_84], %broadcast_in_dim3A_0 {strides = array<i32>} : memref<640xf32, #tpu.memory_space<vmem>>, vector<16xf32>,
    %swap3A_86 = arith.constant 624 : index
    %swap3A_87 = tpu.vector_load %arg22[%swap3A_86] {strides = array<i32>} : memref<640xf32, #tpu.memory_space<vmem>>, vector<16xf32>,
    tpu.vector_store %arg22[%swap3A_86], %broadcast_in_dim3A_0 {strides = array<i32>} : memref<640xf32, #tpu.memory_space<vmem>>, vector<16xf32>,
    %eq3A = arith.constant 0 : i32
    %eq3A_88 = arith.cmpi eq, %arg0, %eq3A : i32
    %convert_element_type3A = arith.extui %eq3A_88 : i1 to i32
    %cond3A = arith.constant 0 : i32
    %cond3A_89 = arith.cmpi ne, %convert_element_type3A, %cond3A : i32
    scf.if %cond3A_89 {
      "tpu.region"() ({
        %run_scoped3A = tpu.sem_alloc : memref<!tpu.dma_semaphore, #tpu.memory_space<semaphore_mem>>
        tpu.enqueue_dma source(%arg8 : memref<128xf32, #tpu.memory_space<hbm>>) target(%arg18 : memref<128xf32, #tpu.memory_space<vmem>>) target_semaphore(%run_scoped3A : memref<!tpu.dma_semaphore, #tpu.memory_space<semaphore_mem>>)
        tpu.wait_dma2 semaphore(%run_scoped3A : memref<!tpu.dma_semaphore, #tpu.memory_space<semaphore_mem>>) src(%arg8 : memref<128xf32, #tpu.memory_space<hbm>>) dst(%arg18 : memref<128xf32, #tpu.memory_space<vmem>>)
        tpu.yield
      }) : () -> ()
    } else {
    }
    %eq3A_90 = arith.constant 1 : i32
    %eq3A_91 = arith.cmpi eq, %arg0, %eq3A_90 : i32
    %convert_element_type3A_92 = arith.extui %eq3A_91 : i1 to i32
    %cond3A_93 = arith.constant 0 : i32
    %cond3A_94 = arith.cmpi ne, %convert_element_type3A_92, %cond3A_93 : i32
    scf.if %cond3A_94 {
      "tpu.region"() ({
        %run_scoped3A = tpu.sem_alloc : memref<!tpu.dma_semaphore, #tpu.memory_space<semaphore_mem>>
        tpu.enqueue_dma source(%arg9 : memref<128xf32, #tpu.memory_space<hbm>>) target(%arg18 : memref<128xf32, #tpu.memory_space<vmem>>) target_semaphore(%run_scoped3A : memref<!tpu.dma_semaphore, #tpu.memory_space<semaphore_mem>>)
        tpu.wait_dma2 semaphore(%run_scoped3A : memref<!tpu.dma_semaphore, #tpu.memory_space<semaphore_mem>>) src(%arg9 : memref<128xf32, #tpu.memory_space<hbm>>) dst(%arg18 : memref<128xf32, #tpu.memory_space<vmem>>)
        tpu.yield
      }) : () -> ()
    } else {
    }
    "tpu.region"() ({
      %run_scoped3A = tpu.sem_alloc : memref<!tpu.dma_semaphore, #tpu.memory_space<semaphore_mem>>
      tpu.enqueue_dma source(%arg10 : memref<16xi32, #tpu.memory_space<hbm>>) target(%arg19 : memref<16xi32, #tpu.memory_space<vmem>>) target_semaphore(%run_scoped3A : memref<!tpu.dma_semaphore, #tpu.memory_space<semaphore_mem>>)
      tpu.wait_dma2 semaphore(%run_scoped3A : memref<!tpu.dma_semaphore, #tpu.memory_space<semaphore_mem>>) src(%arg10 : memref<16xi32, #tpu.memory_space<hbm>>) dst(%arg19 : memref<16xi32, #tpu.memory_space<vmem>>)
      tpu.yield
    }) : () -> ()
    "tpu.region"() ({
      %run_scoped3A = tpu.sem_alloc : memref<!tpu.dma_semaphore, #tpu.memory_space<semaphore_mem>>
      tpu.enqueue_dma source(%arg11 : memref<16xi32, #tpu.memory_space<hbm>>) target(%arg20 : memref<16xi32, #tpu.memory_space<vmem>>) target_semaphore(%run_scoped3A : memref<!tpu.dma_semaphore, #tpu.memory_space<semaphore_mem>>)
      tpu.wait_dma2 semaphore(%run_scoped3A : memref<!tpu.dma_semaphore, #tpu.memory_space<semaphore_mem>>) src(%arg11 : memref<16xi32, #tpu.memory_space<hbm>>) dst(%arg20 : memref<16xi32, #tpu.memory_space<vmem>>)
      tpu.yield
    }) : () -> ()
    %get3A = arith.constant 0 : index
    %get3A_95 = tpu.vector_load %arg18[%get3A] {strides = array<i32>} : memref<128xf32, #tpu.memory_space<vmem>>, vector<16xf32>,
    %get3A_96 = arith.constant 16 : index
    %get3A_97 = tpu.vector_load %arg18[%get3A_96] {strides = array<i32>} : memref<128xf32, #tpu.memory_space<vmem>>, vector<16xf32>,
    %get3A_98 = arith.constant 32 : index
    %get3A_99 = tpu.vector_load %arg18[%get3A_98] {strides = array<i32>} : memref<128xf32, #tpu.memory_space<vmem>>, vector<16xf32>,
    %get3A_100 = arith.constant 48 : index
    %get3A_101 = tpu.vector_load %arg18[%get3A_100] {strides = array<i32>} : memref<128xf32, #tpu.memory_space<vmem>>, vector<16xf32>,
    %get3A_102 = arith.constant 64 : index
    %get3A_103 = tpu.vector_load %arg18[%get3A_102] {strides = array<i32>} : memref<128xf32, #tpu.memory_space<vmem>>, vector<16xf32>,
    %get3A_104 = arith.constant 80 : index
    %get3A_105 = tpu.vector_load %arg18[%get3A_104] {strides = array<i32>} : memref<128xf32, #tpu.memory_space<vmem>>, vector<16xf32>,
    %get3A_106 = arith.constant 96 : index
    %get3A_107 = tpu.vector_load %arg18[%get3A_106] {strides = array<i32>} : memref<128xf32, #tpu.memory_space<vmem>>, vector<16xf32>,
    %get3A_108 = arith.constant 112 : index
    %get3A_109 = tpu.vector_load %arg18[%get3A_108] {strides = array<i32>} : memref<128xf32, #tpu.memory_space<vmem>>, vector<16xf32>,
    %iota3A = tpu.iota {dimensions = array<i32: 0>} : vector<16xi32>
    %eq3A_110 = arith.constant 0 : i32
    %eq3A_111 = vector.broadcast %eq3A_110 : i32 to vector<16xi32>
    %eq3A_112 = arith.cmpi eq, %iota3A, %eq3A_111 : vector<16xi32>
    %eq3A_113 = vector.broadcast %arg1 : i32 to vector<16xi32>
    %eq3A_114 = arith.cmpi eq, %iota3A, %eq3A_113 : vector<16xi32>
    %jit3A = arith.constant 1 : i32
    %jit3A_115 = arith.constant 0 : i32
    %broadcast_in_dim3A_116 = vector.broadcast %jit3A : i32 to vector<16xi32>
    %broadcast_in_dim3A_117 = vector.broadcast %jit3A_115 : i32 to vector<16xi32>
    %select_n3A = arith.select %eq3A_114, %broadcast_in_dim3A_116, %broadcast_in_dim3A_117 : vector<16xi1>, vector<16xi32>
    %get3A_118 = arith.constant 0 : index
    %get3A_119 = tpu.vector_load %arg19[%get3A_118] {strides = array<i32>} : memref<16xi32, #tpu.memory_space<vmem>>, vector<16xi32>,
    %mul3A = arith.muli %select_n3A, %get3A_119 : vector<16xi32>
    %reduce_sum3A = arith.constant true
    %reduce_sum3A_120 = vector.broadcast %reduce_sum3A : i1 to vector<16xi1>
    %reduce_sum3A_121 = tpu.scan <sum>, %mul3A masked %reduce_sum3A_120 : vector<16xi32>, vector<16xi1> -> vector<16xi32>
    %reduce_sum3A_122 = vector.extract %reduce_sum3A_121[15] : i32 from vector<16xi32>
    %get3A_123 = arith.constant 0 : index
    %get3A_124 = tpu.vector_load %arg20[%get3A_123] {strides = array<i32>} : memref<16xi32, #tpu.memory_space<vmem>>, vector<16xi32>,
    %mul3A_125 = arith.muli %select_n3A, %get3A_124 : vector<16xi32>
    %reduce_sum3A_126 = arith.constant true
    %reduce_sum3A_127 = vector.broadcast %reduce_sum3A_126 : i1 to vector<16xi1>
    %reduce_sum3A_128 = tpu.scan <sum>, %mul3A_125 masked %reduce_sum3A_127 : vector<16xi32>, vector<16xi1> -> vector<16xi32>
    %reduce_sum3A_129 = vector.extract %reduce_sum3A_128[15] : i32 from vector<16xi32>
    %and3A = arith.constant -8 : i32
    %and3A_130 = arith.andi %reduce_sum3A_122, %and3A : i32
    %sub3A = arith.subi %reduce_sum3A_129, %and3A_130 : i32
    %add3A = arith.constant 79 : i32
    %add3A_131 = arith.addi %sub3A, %add3A : i32
    %jit3A_132 = arith.constant 80 : i32
    %div3A = arith.divsi %add3A_131, %jit3A_132 : i32
    %sign3A = arith.constant 0 : i32
    %sign3A_133 = arith.cmpi sgt, %add3A_131, %sign3A : i32
    %sign3A_134 = arith.extui %sign3A_133 : i1 to i32
    %sign3A_135 = arith.constant 0 : i32
    %sign3A_136 = arith.cmpi slt, %add3A_131, %sign3A_135 : i32
    %sign3A_137 = arith.extui %sign3A_136 : i1 to i32
    %sign3A_138 = arith.subi %sign3A_134, %sign3A_137 : i32
    %sign3A_139 = arith.constant 0 : i32
    %sign3A_140 = arith.cmpi sgt, %jit3A_132, %sign3A_139 : i32
    %sign3A_141 = arith.extui %sign3A_140 : i1 to i32
    %sign3A_142 = arith.constant 0 : i32
    %sign3A_143 = arith.cmpi slt, %jit3A_132, %sign3A_142 : i32
    %sign3A_144 = arith.extui %sign3A_143 : i1 to i32
    %sign3A_145 = arith.subi %sign3A_141, %sign3A_144 : i32
    %ne3A = arith.cmpi ne, %sign3A_138, %sign3A_145 : i32
    %rem3A = arith.remsi %add3A_131, %jit3A_132 : i32
    %ne3A_146 = arith.constant 0 : i32
    %ne3A_147 = arith.cmpi ne, %rem3A, %ne3A_146 : i32
    %and3A_148 = arith.andi %ne3A, %ne3A_147 : i1
    %sub3A_149 = arith.constant 1 : i32
    %sub3A_150 = arith.subi %div3A, %sub3A_149 : i32
    %select_n3A_151 = arith.select %and3A_148, %sub3A_150, %div3A : i32
    %mul3A_152 = arith.constant 625 : i32
    %mul3A_153 = arith.muli %arg1, %mul3A_152 : i32
    %broadcast_in_dim3A_154 = vector.broadcast %mul3A_153 : i32 to vector<16xi32>
    %broadcast_in_dim3A_155 = vector.broadcast %reduce_sum3A_122 : i32 to vector<16xi32>
    %broadcast_in_dim3A_156 = vector.broadcast %reduce_sum3A_129 : i32 to vector<16xi32>
    %broadcast_in_dim3A_157 = arith.constant 625 : i32
    %broadcast_in_dim3A_158 = vector.broadcast %broadcast_in_dim3A_157 : i32 to vector<16xi32>
    %while3A = arith.constant 0 : i32
    %while3A_159 = arith.constant 0 : i32
    %while3A_160 = arith.subi %select_n3A_151, %while3A : i32
    %while3A_161 = arith.addi %while3A, %while3A_160 : i32
    %while3A_162 = arith.constant 1 : i32
    %while3A_163 = arith.divsi %while3A_160, %while3A_162 : i32
    %while3A_164 = arith.muli %while3A_163, %while3A_162 : i32
    %while3A_165 = arith.addi %while3A, %while3A_164 : i32
    %while3A_166 = arith.constant 1 : i32
    %while3A_167 = scf.for %while3A_177 = %while3A to %while3A_165 step %while3A_166 iter_args(%while3A_178 = %while3A_159) -> (i32)  : i32 {
      %mul3A_179 = arith.constant 80 : i32
      %mul3A_180 = arith.muli %while3A_177, %mul3A_179 : i32
      %add3A_181 = arith.addi %and3A_130, %mul3A_180 : i32
      %multiple_of3A = tpu.assume_multiple %add3A_181, 8 : i32
      "tpu.region"() ({
        %run_scoped3A = tpu.sem_alloc : memref<!tpu.dma_semaphore, #tpu.memory_space<semaphore_mem>>
        %dma_start3A = tpu.memref_slice %arg6[%multiple_of3A] : memref<160160xi32, #tpu.memory_space<hbm>> -> memref<80xi32, #tpu.memory_space<hbm>>
        %dma_start3A_201 = tpu.memref_slice %arg6[%multiple_of3A] : memref<160160xi32, #tpu.memory_space<hbm>> -> memref<80xi32, #tpu.memory_space<hbm>>
        tpu.enqueue_dma source(%dma_start3A_201 : memref<80xi32, #tpu.memory_space<hbm>>) target(%arg14 : memref<80xi32, #tpu.memory_space<vmem>>) target_semaphore(%run_scoped3A : memref<!tpu.dma_semaphore, #tpu.memory_space<semaphore_mem>>)
        %dma_wait3A = tpu.memref_slice %arg6[%multiple_of3A] : memref<160160xi32, #tpu.memory_space<hbm>> -> memref<80xi32, #tpu.memory_space<hbm>>
        %dma_wait3A_202 = tpu.memref_slice %arg6[%multiple_of3A] : memref<160160xi32, #tpu.memory_space<hbm>> -> memref<80xi32, #tpu.memory_space<hbm>>
        tpu.wait_dma2 semaphore(%run_scoped3A : memref<!tpu.dma_semaphore, #tpu.memory_space<semaphore_mem>>) src(%dma_wait3A_202 : memref<80xi32, #tpu.memory_space<hbm>>) dst(%arg14 : memref<80xi32, #tpu.memory_space<vmem>>)
        tpu.yield
      }) : () -> ()
      "tpu.region"() ({
        %run_scoped3A = tpu.sem_alloc : memref<!tpu.dma_semaphore, #tpu.memory_space<semaphore_mem>>
        %dma_start3A = tpu.memref_slice %arg7[%multiple_of3A] : memref<160160xi32, #tpu.memory_space<hbm>> -> memref<80xi32, #tpu.memory_space<hbm>>
        %dma_start3A_201 = tpu.memref_slice %arg7[%multiple_of3A] : memref<160160xi32, #tpu.memory_space<hbm>> -> memref<80xi32, #tpu.memory_space<hbm>>
        tpu.enqueue_dma source(%dma_start3A_201 : memref<80xi32, #tpu.memory_space<hbm>>) target(%arg15 : memref<80xi32, #tpu.memory_space<vmem>>) target_semaphore(%run_scoped3A : memref<!tpu.dma_semaphore, #tpu.memory_space<semaphore_mem>>)
        %dma_wait3A = tpu.memref_slice %arg7[%multiple_of3A] : memref<160160xi32, #tpu.memory_space<hbm>> -> memref<80xi32, #tpu.memory_space<hbm>>
        %dma_wait3A_202 = tpu.memref_slice %arg7[%multiple_of3A] : memref<160160xi32, #tpu.memory_space<hbm>> -> memref<80xi32, #tpu.memory_space<hbm>>
        tpu.wait_dma2 semaphore(%run_scoped3A : memref<!tpu.dma_semaphore, #tpu.memory_space<semaphore_mem>>) src(%dma_wait3A_202 : memref<80xi32, #tpu.memory_space<hbm>>) dst(%arg15 : memref<80xi32, #tpu.memory_space<vmem>>)
        tpu.yield
      }) : () -> ()
      %eq3A_182 = arith.constant 0 : i32
      %eq3A_183 = arith.cmpi eq, %arg0, %eq3A_182 : i32
      %convert_element_type3A_184 = arith.extui %eq3A_183 : i1 to i32
      %cond3A_185 = arith.constant 0 : i32
      %cond3A_186 = arith.cmpi ne, %convert_element_type3A_184, %cond3A_185 : i32
      scf.if %cond3A_186 {
        %dma_start3A = arith.constant 0 : i32
        %dma_start3A_201 = arith.constant 0 : i32
        %dma_start3A_202 = tpu.memref_slice %arg2[%dma_start3A, %dma_start3A_201] : memref<10000x128xf32, #tpu.memory_space<hbm>> -> memref<10000x128xf32, #tpu.memory_space<hbm>>
        tpu.enqueue_indirect_dma source(%dma_start3A_202 : memref<10000x128xf32, #tpu.memory_space<hbm>>) target(%arg16 : memref<80x128xf32, #tpu.memory_space<vmem>>) offsets(%arg14 : memref<80xi32, #tpu.memory_space<vmem>>) semaphore(%arg24 : memref<!tpu.dma_semaphore, #tpu.memory_space<semaphore_mem>>)
        %dma_start3A_203 = arith.constant 0 : i32
        %dma_start3A_204 = arith.constant 0 : i32
        %dma_start3A_205 = tpu.memref_slice %arg4[%dma_start3A_203, %dma_start3A_204] : memref<10000x128xf32, #tpu.memory_space<hbm>> -> memref<10000x128xf32, #tpu.memory_space<hbm>>
        tpu.enqueue_indirect_dma source(%dma_start3A_205 : memref<10000x128xf32, #tpu.memory_space<hbm>>) target(%arg17 : memref<80x128xf32, #tpu.memory_space<vmem>>) offsets(%arg15 : memref<80xi32, #tpu.memory_space<vmem>>) semaphore(%arg24 : memref<!tpu.dma_semaphore, #tpu.memory_space<semaphore_mem>>)
        %dma_wait3A = arith.constant 0 : i32
        %dma_wait3A_206 = arith.constant 0 : i32
        %dma_wait3A_207 = tpu.memref_slice %arg2[%dma_wait3A, %dma_wait3A_206] : memref<10000x128xf32, #tpu.memory_space<hbm>> -> memref<10000x128xf32, #tpu.memory_space<hbm>>
        tpu.wait_indirect_dma semaphore(%arg24 : memref<!tpu.dma_semaphore, #tpu.memory_space<semaphore_mem>>) src(%dma_wait3A_207 : memref<10000x128xf32, #tpu.memory_space<hbm>>) dst(%arg16 : memref<80x128xf32, #tpu.memory_space<vmem>>)
        %dma_wait3A_208 = arith.constant 0 : i32
        %dma_wait3A_209 = arith.constant 0 : i32
        %dma_wait3A_210 = tpu.memref_slice %arg4[%dma_wait3A_208, %dma_wait3A_209] : memref<10000x128xf32, #tpu.memory_space<hbm>> -> memref<10000x128xf32, #tpu.memory_space<hbm>>
        tpu.wait_indirect_dma semaphore(%arg24 : memref<!tpu.dma_semaphore, #tpu.memory_space<semaphore_mem>>) src(%dma_wait3A_210 : memref<10000x128xf32, #tpu.memory_space<hbm>>) dst(%arg17 : memref<80x128xf32, #tpu.memory_space<vmem>>)
      } else {
      }
      %eq3A_187 = arith.constant 1 : i32
      %eq3A_188 = arith.cmpi eq, %arg0, %eq3A_187 : i32
      %convert_element_type3A_189 = arith.extui %eq3A_188 : i1 to i32
      %cond3A_190 = arith.constant 0 : i32
      %cond3A_191 = arith.cmpi ne, %convert_element_type3A_189, %cond3A_190 : i32
      scf.if %cond3A_191 {
        %dma_start3A = arith.constant 0 : i32
        %dma_start3A_201 = arith.constant 0 : i32
        %dma_start3A_202 = tpu.memref_slice %arg3[%dma_start3A, %dma_start3A_201] : memref<10000x128xf32, #tpu.memory_space<hbm>> -> memref<10000x128xf32, #tpu.memory_space<hbm>>
        tpu.enqueue_indirect_dma source(%dma_start3A_202 : memref<10000x128xf32, #tpu.memory_space<hbm>>) target(%arg16 : memref<80x128xf32, #tpu.memory_space<vmem>>) offsets(%arg14 : memref<80xi32, #tpu.memory_space<vmem>>) semaphore(%arg24 : memref<!tpu.dma_semaphore, #tpu.memory_space<semaphore_mem>>)
        %dma_start3A_203 = arith.constant 0 : i32
        %dma_start3A_204 = arith.constant 0 : i32
        %dma_start3A_205 = tpu.memref_slice %arg5[%dma_start3A_203, %dma_start3A_204] : memref<10000x128xf32, #tpu.memory_space<hbm>> -> memref<10000x128xf32, #tpu.memory_space<hbm>>
        tpu.enqueue_indirect_dma source(%dma_start3A_205 : memref<10000x128xf32, #tpu.memory_space<hbm>>) target(%arg17 : memref<80x128xf32, #tpu.memory_space<vmem>>) offsets(%arg15 : memref<80xi32, #tpu.memory_space<vmem>>) semaphore(%arg24 : memref<!tpu.dma_semaphore, #tpu.memory_space<semaphore_mem>>)
        %dma_wait3A = arith.constant 0 : i32
        %dma_wait3A_206 = arith.constant 0 : i32
        %dma_wait3A_207 = tpu.memref_slice %arg3[%dma_wait3A, %dma_wait3A_206] : memref<10000x128xf32, #tpu.memory_space<hbm>> -> memref<10000x128xf32, #tpu.memory_space<hbm>>
        tpu.wait_indirect_dma semaphore(%arg24 : memref<!tpu.dma_semaphore, #tpu.memory_space<semaphore_mem>>) src(%dma_wait3A_207 : memref<10000x128xf32, #tpu.memory_space<hbm>>) dst(%arg16 : memref<80x128xf32, #tpu.memory_space<vmem>>)
        %dma_wait3A_208 = arith.constant 0 : i32
        %dma_wait3A_209 = arith.constant 0 : i32
        %dma_wait3A_210 = tpu.memref_slice %arg5[%dma_wait3A_208, %dma_wait3A_209] : memref<10000x128xf32, #tpu.memory_space<hbm>> -> memref<10000x128xf32, #tpu.memory_space<hbm>>
        tpu.wait_indirect_dma semaphore(%arg24 : memref<!tpu.dma_semaphore, #tpu.memory_space<semaphore_mem>>) src(%dma_wait3A_210 : memref<10000x128xf32, #tpu.memory_space<hbm>>) dst(%arg17 : memref<80x128xf32, #tpu.memory_space<vmem>>)
      } else {
      }
      %broadcast_in_dim3A_192 = vector.broadcast %multiple_of3A : i32 to vector<16xi32>
      %scan3A_193 = arith.constant 0 : i32
      %scan3A_194 = arith.constant 0 : i32
      %scan3A_195 = arith.constant 80 : i32
      %scan3A_196 = arith.addi %scan3A_194, %scan3A_195 : i32
      %scan3A_197 = arith.constant 1 : i32
      %scan3A_198 = scf.for %scan3A_201 = %scan3A_194 to %scan3A_196 step %scan3A_197 iter_args(%scan3A_202 = %scan3A_193) -> (i32)  : i32 {
        %get3A_203 = arith.index_cast %scan3A_201 : i32 to index
        %get3A_204 = arith.constant 0 : index
        %get3A_205 = tpu.vector_load %arg16[%get3A_203, %get3A_204] {strides = array<i32>} : memref<80x128xf32, #tpu.memory_space<vmem>>, vector<16xf32>,
        %get3A_206 = arith.index_cast %scan3A_201 : i32 to index
        %get3A_207 = arith.constant 0 : index
        %get3A_208 = tpu.vector_load %arg17[%get3A_206, %get3A_207] {strides = array<i32>} : memref<80x128xf32, #tpu.memory_space<vmem>>, vector<16xf32>,
        %add3A_209 = arith.addf %get3A_205, %get3A_208 : vector<16xf32>
        %mul3A_210 = arith.constant 2.000000e-01 : f32
        %mul3A_211 = vector.broadcast %mul3A_210 : f32 to vector<16xf32>
        %mul3A_212 = arith.mulf %mul3A_211, %add3A_209 : vector<16xf32>
        %max3A = arith.maximumf %add3A_209, %mul3A_212 : vector<16xf32>
        %mul3A_213 = arith.mulf %max3A, %get3A_95 : vector<16xf32>
        %add3A_214 = arith.addf %broadcast_in_dim3A_0, %mul3A_213 : vector<16xf32>
        %get3A_215 = arith.index_cast %scan3A_201 : i32 to index
        %get3A_216 = arith.constant 16 : index
        %get3A_217 = tpu.vector_load %arg16[%get3A_215, %get3A_216] {strides = array<i32>} : memref<80x128xf32, #tpu.memory_space<vmem>>, vector<16xf32>,
        %get3A_218 = arith.index_cast %scan3A_201 : i32 to index
        %get3A_219 = arith.constant 16 : index
        %get3A_220 = tpu.vector_load %arg17[%get3A_218, %get3A_219] {strides = array<i32>} : memref<80x128xf32, #tpu.memory_space<vmem>>, vector<16xf32>,
        %add3A_221 = arith.addf %get3A_217, %get3A_220 : vector<16xf32>
        %mul3A_222 = arith.constant 2.000000e-01 : f32
        %mul3A_223 = vector.broadcast %mul3A_222 : f32 to vector<16xf32>
        %mul3A_224 = arith.mulf %mul3A_223, %add3A_221 : vector<16xf32>
        %max3A_225 = arith.maximumf %add3A_221, %mul3A_224 : vector<16xf32>
        %mul3A_226 = arith.mulf %max3A_225, %get3A_97 : vector<16xf32>
        %add3A_227 = arith.addf %add3A_214, %mul3A_226 : vector<16xf32>
        %get3A_228 = arith.index_cast %scan3A_201 : i32 to index
        %get3A_229 = arith.constant 32 : index
        %get3A_230 = tpu.vector_load %arg16[%get3A_228, %get3A_229] {strides = array<i32>} : memref<80x128xf32, #tpu.memory_space<vmem>>, vector<16xf32>,
        %get3A_231 = arith.index_cast %scan3A_201 : i32 to index
        %get3A_232 = arith.constant 32 : index
        %get3A_233 = tpu.vector_load %arg17[%get3A_231, %get3A_232] {strides = array<i32>} : memref<80x128xf32, #tpu.memory_space<vmem>>, vector<16xf32>,
        %add3A_234 = arith.addf %get3A_230, %get3A_233 : vector<16xf32>
        %mul3A_235 = arith.constant 2.000000e-01 : f32
        %mul3A_236 = vector.broadcast %mul3A_235 : f32 to vector<16xf32>
        %mul3A_237 = arith.mulf %mul3A_236, %add3A_234 : vector<16xf32>
        %max3A_238 = arith.maximumf %add3A_234, %mul3A_237 : vector<16xf32>
        %mul3A_239 = arith.mulf %max3A_238, %get3A_99 : vector<16xf32>
        %add3A_240 = arith.addf %add3A_227, %mul3A_239 : vector<16xf32>
        %get3A_241 = arith.index_cast %scan3A_201 : i32 to index
        %get3A_242 = arith.constant 48 : index
        %get3A_243 = tpu.vector_load %arg16[%get3A_241, %get3A_242] {strides = array<i32>} : memref<80x128xf32, #tpu.memory_space<vmem>>, vector<16xf32>,
        %get3A_244 = arith.index_cast %scan3A_201 : i32 to index
        %get3A_245 = arith.constant 48 : index
        %get3A_246 = tpu.vector_load %arg17[%get3A_244, %get3A_245] {strides = array<i32>} : memref<80x128xf32, #tpu.memory_space<vmem>>, vector<16xf32>,
        %add3A_247 = arith.addf %get3A_243, %get3A_246 : vector<16xf32>
        %mul3A_248 = arith.constant 2.000000e-01 : f32
        %mul3A_249 = vector.broadcast %mul3A_248 : f32 to vector<16xf32>
        %mul3A_250 = arith.mulf %mul3A_249, %add3A_247 : vector<16xf32>
        %max3A_251 = arith.maximumf %add3A_247, %mul3A_250 : vector<16xf32>
        %mul3A_252 = arith.mulf %max3A_251, %get3A_101 : vector<16xf32>
        %add3A_253 = arith.addf %add3A_240, %mul3A_252 : vector<16xf32>
        %get3A_254 = arith.index_cast %scan3A_201 : i32 to index
        %get3A_255 = arith.constant 64 : index
        %get3A_256 = tpu.vector_load %arg16[%get3A_254, %get3A_255] {strides = array<i32>} : memref<80x128xf32, #tpu.memory_space<vmem>>, vector<16xf32>,
        %get3A_257 = arith.index_cast %scan3A_201 : i32 to index
        %get3A_258 = arith.constant 64 : index
        %get3A_259 = tpu.vector_load %arg17[%get3A_257, %get3A_258] {strides = array<i32>} : memref<80x128xf32, #tpu.memory_space<vmem>>, vector<16xf32>,
        %add3A_260 = arith.addf %get3A_256, %get3A_259 : vector<16xf32>
        %mul3A_261 = arith.constant 2.000000e-01 : f32
        %mul3A_262 = vector.broadcast %mul3A_261 : f32 to vector<16xf32>
        %mul3A_263 = arith.mulf %mul3A_262, %add3A_260 : vector<16xf32>
        %max3A_264 = arith.maximumf %add3A_260, %mul3A_263 : vector<16xf32>
        %mul3A_265 = arith.mulf %max3A_264, %get3A_103 : vector<16xf32>
        %add3A_266 = arith.addf %add3A_253, %mul3A_265 : vector<16xf32>
        %get3A_267 = arith.index_cast %scan3A_201 : i32 to index
        %get3A_268 = arith.constant 80 : index
        %get3A_269 = tpu.vector_load %arg16[%get3A_267, %get3A_268] {strides = array<i32>} : memref<80x128xf32, #tpu.memory_space<vmem>>, vector<16xf32>,
        %get3A_270 = arith.index_cast %scan3A_201 : i32 to index
        %get3A_271 = arith.constant 80 : index
        %get3A_272 = tpu.vector_load %arg17[%get3A_270, %get3A_271] {strides = array<i32>} : memref<80x128xf32, #tpu.memory_space<vmem>>, vector<16xf32>,
        %add3A_273 = arith.addf %get3A_269, %get3A_272 : vector<16xf32>
        %mul3A_274 = arith.constant 2.000000e-01 : f32
        %mul3A_275 = vector.broadcast %mul3A_274 : f32 to vector<16xf32>
        %mul3A_276 = arith.mulf %mul3A_275, %add3A_273 : vector<16xf32>
        %max3A_277 = arith.maximumf %add3A_273, %mul3A_276 : vector<16xf32>
        %mul3A_278 = arith.mulf %max3A_277, %get3A_105 : vector<16xf32>
        %add3A_279 = arith.addf %add3A_266, %mul3A_278 : vector<16xf32>
        %get3A_280 = arith.index_cast %scan3A_201 : i32 to index
        %get3A_281 = arith.constant 96 : index
        %get3A_282 = tpu.vector_load %arg16[%get3A_280, %get3A_281] {strides = array<i32>} : memref<80x128xf32, #tpu.memory_space<vmem>>, vector<16xf32>,
        %get3A_283 = arith.index_cast %scan3A_201 : i32 to index
        %get3A_284 = arith.constant 96 : index
        %get3A_285 = tpu.vector_load %arg17[%get3A_283, %get3A_284] {strides = array<i32>} : memref<80x128xf32, #tpu.memory_space<vmem>>, vector<16xf32>,
        %add3A_286 = arith.addf %get3A_282, %get3A_285 : vector<16xf32>
        %mul3A_287 = arith.constant 2.000000e-01 : f32
        %mul3A_288 = vector.broadcast %mul3A_287 : f32 to vector<16xf32>
        %mul3A_289 = arith.mulf %mul3A_288, %add3A_286 : vector<16xf32>
        %max3A_290 = arith.maximumf %add3A_286, %mul3A_289 : vector<16xf32>
        %mul3A_291 = arith.mulf %max3A_290, %get3A_107 : vector<16xf32>
        %add3A_292 = arith.addf %add3A_279, %mul3A_291 : vector<16xf32>
        %get3A_293 = arith.index_cast %scan3A_201 : i32 to index
        %get3A_294 = arith.constant 112 : index
        %get3A_295 = tpu.vector_load %arg16[%get3A_293, %get3A_294] {strides = array<i32>} : memref<80x128xf32, #tpu.memory_space<vmem>>, vector<16xf32>,
        %get3A_296 = arith.index_cast %scan3A_201 : i32 to index
        %get3A_297 = arith.constant 112 : index
        %get3A_298 = tpu.vector_load %arg17[%get3A_296, %get3A_297] {strides = array<i32>} : memref<80x128xf32, #tpu.memory_space<vmem>>, vector<16xf32>,
        %add3A_299 = arith.addf %get3A_295, %get3A_298 : vector<16xf32>
        %mul3A_300 = arith.constant 2.000000e-01 : f32
        %mul3A_301 = vector.broadcast %mul3A_300 : f32 to vector<16xf32>
        %mul3A_302 = arith.mulf %mul3A_301, %add3A_299 : vector<16xf32>
        %max3A_303 = arith.maximumf %add3A_299, %mul3A_302 : vector<16xf32>
        %mul3A_304 = arith.mulf %max3A_303, %get3A_109 : vector<16xf32>
        %add3A_305 = arith.addf %add3A_292, %mul3A_304 : vector<16xf32>
        %reduce_sum3A_306 = arith.constant true
        %reduce_sum3A_307 = vector.broadcast %reduce_sum3A_306 : i1 to vector<16xi1>
        %reduce_sum3A_308 = tpu.scan <sum>, %add3A_305 masked %reduce_sum3A_307 : vector<16xf32>, vector<16xi1> -> vector<16xf32>
        %reduce_sum3A_309 = vector.extract %reduce_sum3A_308[15] : f32 from vector<16xf32>
        %broadcast_in_dim3A_310 = vector.broadcast %reduce_sum3A_309 : f32 to vector<16xf32>
        %exp3A = math.exp %broadcast_in_dim3A_310 : vector<16xf32>
        %add3A_311 = vector.broadcast %scan3A_201 : i32 to vector<16xi32>
        %add3A_312 = arith.addi %broadcast_in_dim3A_192, %add3A_311 : vector<16xi32>
        %ge3A = arith.cmpi sge, %add3A_312, %broadcast_in_dim3A_155 : vector<16xi32>
        %lt3A = arith.cmpi slt, %add3A_312, %broadcast_in_dim3A_156 : vector<16xi32>
        %and3A_313 = arith.andi %ge3A, %lt3A : vector<16xi1>
        %broadcast_in_dim3A_314 = vector.broadcast %scan3A_201 : i32 to vector<16xi32>
        %gather3A = tpu.vector_load_idx %arg15[%broadcast_in_dim3A_314] : memref<80xi32, #tpu.memory_space<vmem>>[vector<16xi32>], vector<16xi32>,
        %sub3A_315 = arith.subi %gather3A, %broadcast_in_dim3A_154 : vector<16xi32>
        %select_n3A_316 = arith.select %and3A_313, %sub3A_315, %broadcast_in_dim3A_158 : vector<16xi1>, vector<16xi32>
        %add3A_317 = arith.constant 0 : i32
        %add3A_318 = vector.broadcast %add3A_317 : i32 to vector<16xi32>
        %add3A_319 = arith.addi %iota3A, %add3A_318 : vector<16xi32>
        %mul3A_320 = arith.mulf %exp3A, %get3A_205 : vector<16xf32>
        tpu.vector_store_idx %arg21[%select_n3A_316, %add3A_319], %mul3A_320 {add = true} : memref<626x128xf32, #tpu.memory_space<vmem>>[vector<16xi32>, vector<16xi32>], vector<16xf32>,
        %add3A_321 = arith.constant 16 : i32
        %add3A_322 = vector.broadcast %add3A_321 : i32 to vector<16xi32>
        %add3A_323 = arith.addi %iota3A, %add3A_322 : vector<16xi32>
        %mul3A_324 = arith.mulf %exp3A, %get3A_217 : vector<16xf32>
        tpu.vector_store_idx %arg21[%select_n3A_316, %add3A_323], %mul3A_324 {add = true} : memref<626x128xf32, #tpu.memory_space<vmem>>[vector<16xi32>, vector<16xi32>], vector<16xf32>,
        %add3A_325 = arith.constant 32 : i32
        %add3A_326 = vector.broadcast %add3A_325 : i32 to vector<16xi32>
        %add3A_327 = arith.addi %iota3A, %add3A_326 : vector<16xi32>
        %mul3A_328 = arith.mulf %exp3A, %get3A_230 : vector<16xf32>
        tpu.vector_store_idx %arg21[%select_n3A_316, %add3A_327], %mul3A_328 {add = true} : memref<626x128xf32, #tpu.memory_space<vmem>>[vector<16xi32>, vector<16xi32>], vector<16xf32>,
        %add3A_329 = arith.constant 48 : i32
        %add3A_330 = vector.broadcast %add3A_329 : i32 to vector<16xi32>
        %add3A_331 = arith.addi %iota3A, %add3A_330 : vector<16xi32>
        %mul3A_332 = arith.mulf %exp3A, %get3A_243 : vector<16xf32>
        tpu.vector_store_idx %arg21[%select_n3A_316, %add3A_331], %mul3A_332 {add = true} : memref<626x128xf32, #tpu.memory_space<vmem>>[vector<16xi32>, vector<16xi32>], vector<16xf32>,
        %add3A_333 = arith.constant 64 : i32
        %add3A_334 = vector.broadcast %add3A_333 : i32 to vector<16xi32>
        %add3A_335 = arith.addi %iota3A, %add3A_334 : vector<16xi32>
        %mul3A_336 = arith.mulf %exp3A, %get3A_256 : vector<16xf32>
        tpu.vector_store_idx %arg21[%select_n3A_316, %add3A_335], %mul3A_336 {add = true} : memref<626x128xf32, #tpu.memory_space<vmem>>[vector<16xi32>, vector<16xi32>], vector<16xf32>,
        %add3A_337 = arith.constant 80 : i32
        %add3A_338 = vector.broadcast %add3A_337 : i32 to vector<16xi32>
        %add3A_339 = arith.addi %iota3A, %add3A_338 : vector<16xi32>
        %mul3A_340 = arith.mulf %exp3A, %get3A_269 : vector<16xf32>
        tpu.vector_store_idx %arg21[%select_n3A_316, %add3A_339], %mul3A_340 {add = true} : memref<626x128xf32, #tpu.memory_space<vmem>>[vector<16xi32>, vector<16xi32>], vector<16xf32>,
        %add3A_341 = arith.constant 96 : i32
        %add3A_342 = vector.broadcast %add3A_341 : i32 to vector<16xi32>
        %add3A_343 = arith.addi %iota3A, %add3A_342 : vector<16xi32>
        %mul3A_344 = arith.mulf %exp3A, %get3A_282 : vector<16xf32>
        tpu.vector_store_idx %arg21[%select_n3A_316, %add3A_343], %mul3A_344 {add = true} : memref<626x128xf32, #tpu.memory_space<vmem>>[vector<16xi32>, vector<16xi32>], vector<16xf32>,
        %add3A_345 = arith.constant 112 : i32
        %add3A_346 = vector.broadcast %add3A_345 : i32 to vector<16xi32>
        %add3A_347 = arith.addi %iota3A, %add3A_346 : vector<16xi32>
        %mul3A_348 = arith.mulf %exp3A, %get3A_295 : vector<16xf32>
        tpu.vector_store_idx %arg21[%select_n3A_316, %add3A_347], %mul3A_348 {add = true} : memref<626x128xf32, #tpu.memory_space<vmem>>[vector<16xi32>, vector<16xi32>], vector<16xf32>,
        tpu.vector_store_idx %arg22[%select_n3A_316], %exp3A masked %eq3A_112 {add = true} : memref<640xf32, #tpu.memory_space<vmem>>[vector<16xi32>], vector<16xf32>, vector<16xi1>
        %scan3A_349 = arith.constant 0 : i32
        scf.yield %scan3A_349 : i32
      }
      %scan3A_199 = arith.constant 80 : i32
      %while3A_200 = arith.constant 0 : i32
      scf.yield %while3A_200 : i32
    }
    %while3A_168 = arith.constant 1 : i32
    %while3A_169 = scf.for %while3A_177 = %while3A_165 to %while3A_161 step %while3A_168 iter_args(%while3A_178 = %while3A_167) -> (i32)  : i32 {
      %mul3A_179 = arith.constant 80 : i32
      %mul3A_180 = arith.muli %while3A_177, %mul3A_179 : i32
      %add3A_181 = arith.addi %and3A_130, %mul3A_180 : i32
      %multiple_of3A = tpu.assume_multiple %add3A_181, 8 : i32
      "tpu.region"() ({
        %run_scoped3A = tpu.sem_alloc : memref<!tpu.dma_semaphore, #tpu.memory_space<semaphore_mem>>
        %dma_start3A = tpu.memref_slice %arg6[%multiple_of3A] : memref<160160xi32, #tpu.memory_space<hbm>> -> memref<80xi32, #tpu.memory_space<hbm>>
        %dma_start3A_201 = tpu.memref_slice %arg6[%multiple_of3A] : memref<160160xi32, #tpu.memory_space<hbm>> -> memref<80xi32, #tpu.memory_space<hbm>>
        tpu.enqueue_dma source(%dma_start3A_201 : memref<80xi32, #tpu.memory_space<hbm>>) target(%arg14 : memref<80xi32, #tpu.memory_space<vmem>>) target_semaphore(%run_scoped3A : memref<!tpu.dma_semaphore, #tpu.memory_space<semaphore_mem>>)
        %dma_wait3A = tpu.memref_slice %arg6[%multiple_of3A] : memref<160160xi32, #tpu.memory_space<hbm>> -> memref<80xi32, #tpu.memory_space<hbm>>
        %dma_wait3A_202 = tpu.memref_slice %arg6[%multiple_of3A] : memref<160160xi32, #tpu.memory_space<hbm>> -> memref<80xi32, #tpu.memory_space<hbm>>
        tpu.wait_dma2 semaphore(%run_scoped3A : memref<!tpu.dma_semaphore, #tpu.memory_space<semaphore_mem>>) src(%dma_wait3A_202 : memref<80xi32, #tpu.memory_space<hbm>>) dst(%arg14 : memref<80xi32, #tpu.memory_space<vmem>>)
        tpu.yield
      }) : () -> ()
      "tpu.region"() ({
        %run_scoped3A = tpu.sem_alloc : memref<!tpu.dma_semaphore, #tpu.memory_space<semaphore_mem>>
        %dma_start3A = tpu.memref_slice %arg7[%multiple_of3A] : memref<160160xi32, #tpu.memory_space<hbm>> -> memref<80xi32, #tpu.memory_space<hbm>>
        %dma_start3A_201 = tpu.memref_slice %arg7[%multiple_of3A] : memref<160160xi32, #tpu.memory_space<hbm>> -> memref<80xi32, #tpu.memory_space<hbm>>
        tpu.enqueue_dma source(%dma_start3A_201 : memref<80xi32, #tpu.memory_space<hbm>>) target(%arg15 : memref<80xi32, #tpu.memory_space<vmem>>) target_semaphore(%run_scoped3A : memref<!tpu.dma_semaphore, #tpu.memory_space<semaphore_mem>>)
        %dma_wait3A = tpu.memref_slice %arg7[%multiple_of3A] : memref<160160xi32, #tpu.memory_space<hbm>> -> memref<80xi32, #tpu.memory_space<hbm>>
        %dma_wait3A_202 = tpu.memref_slice %arg7[%multiple_of3A] : memref<160160xi32, #tpu.memory_space<hbm>> -> memref<80xi32, #tpu.memory_space<hbm>>
        tpu.wait_dma2 semaphore(%run_scoped3A : memref<!tpu.dma_semaphore, #tpu.memory_space<semaphore_mem>>) src(%dma_wait3A_202 : memref<80xi32, #tpu.memory_space<hbm>>) dst(%arg15 : memref<80xi32, #tpu.memory_space<vmem>>)
        tpu.yield
      }) : () -> ()
      %eq3A_182 = arith.constant 0 : i32
      %eq3A_183 = arith.cmpi eq, %arg0, %eq3A_182 : i32
      %convert_element_type3A_184 = arith.extui %eq3A_183 : i1 to i32
      %cond3A_185 = arith.constant 0 : i32
      %cond3A_186 = arith.cmpi ne, %convert_element_type3A_184, %cond3A_185 : i32
      scf.if %cond3A_186 {
        %dma_start3A = arith.constant 0 : i32
        %dma_start3A_201 = arith.constant 0 : i32
        %dma_start3A_202 = tpu.memref_slice %arg2[%dma_start3A, %dma_start3A_201] : memref<10000x128xf32, #tpu.memory_space<hbm>> -> memref<10000x128xf32, #tpu.memory_space<hbm>>
        tpu.enqueue_indirect_dma source(%dma_start3A_202 : memref<10000x128xf32, #tpu.memory_space<hbm>>) target(%arg16 : memref<80x128xf32, #tpu.memory_space<vmem>>) offsets(%arg14 : memref<80xi32, #tpu.memory_space<vmem>>) semaphore(%arg24 : memref<!tpu.dma_semaphore, #tpu.memory_space<semaphore_mem>>)
        %dma_start3A_203 = arith.constant 0 : i32
        %dma_start3A_204 = arith.constant 0 : i32
        %dma_start3A_205 = tpu.memref_slice %arg4[%dma_start3A_203, %dma_start3A_204] : memref<10000x128xf32, #tpu.memory_space<hbm>> -> memref<10000x128xf32, #tpu.memory_space<hbm>>
        tpu.enqueue_indirect_dma source(%dma_start3A_205 : memref<10000x128xf32, #tpu.memory_space<hbm>>) target(%arg17 : memref<80x128xf32, #tpu.memory_space<vmem>>) offsets(%arg15 : memref<80xi32, #tpu.memory_space<vmem>>) semaphore(%arg24 : memref<!tpu.dma_semaphore, #tpu.memory_space<semaphore_mem>>)
        %dma_wait3A = arith.constant 0 : i32
        %dma_wait3A_206 = arith.constant 0 : i32
        %dma_wait3A_207 = tpu.memref_slice %arg2[%dma_wait3A, %dma_wait3A_206] : memref<10000x128xf32, #tpu.memory_space<hbm>> -> memref<10000x128xf32, #tpu.memory_space<hbm>>
        tpu.wait_indirect_dma semaphore(%arg24 : memref<!tpu.dma_semaphore, #tpu.memory_space<semaphore_mem>>) src(%dma_wait3A_207 : memref<10000x128xf32, #tpu.memory_space<hbm>>) dst(%arg16 : memref<80x128xf32, #tpu.memory_space<vmem>>)
        %dma_wait3A_208 = arith.constant 0 : i32
        %dma_wait3A_209 = arith.constant 0 : i32
        %dma_wait3A_210 = tpu.memref_slice %arg4[%dma_wait3A_208, %dma_wait3A_209] : memref<10000x128xf32, #tpu.memory_space<hbm>> -> memref<10000x128xf32, #tpu.memory_space<hbm>>
        tpu.wait_indirect_dma semaphore(%arg24 : memref<!tpu.dma_semaphore, #tpu.memory_space<semaphore_mem>>) src(%dma_wait3A_210 : memref<10000x128xf32, #tpu.memory_space<hbm>>) dst(%arg17 : memref<80x128xf32, #tpu.memory_space<vmem>>)
      } else {
      }
      %eq3A_187 = arith.constant 1 : i32
      %eq3A_188 = arith.cmpi eq, %arg0, %eq3A_187 : i32
      %convert_element_type3A_189 = arith.extui %eq3A_188 : i1 to i32
      %cond3A_190 = arith.constant 0 : i32
      %cond3A_191 = arith.cmpi ne, %convert_element_type3A_189, %cond3A_190 : i32
      scf.if %cond3A_191 {
        %dma_start3A = arith.constant 0 : i32
        %dma_start3A_201 = arith.constant 0 : i32
        %dma_start3A_202 = tpu.memref_slice %arg3[%dma_start3A, %dma_start3A_201] : memref<10000x128xf32, #tpu.memory_space<hbm>> -> memref<10000x128xf32, #tpu.memory_space<hbm>>
        tpu.enqueue_indirect_dma source(%dma_start3A_202 : memref<10000x128xf32, #tpu.memory_space<hbm>>) target(%arg16 : memref<80x128xf32, #tpu.memory_space<vmem>>) offsets(%arg14 : memref<80xi32, #tpu.memory_space<vmem>>) semaphore(%arg24 : memref<!tpu.dma_semaphore, #tpu.memory_space<semaphore_mem>>)
        %dma_start3A_203 = arith.constant 0 : i32
        %dma_start3A_204 = arith.constant 0 : i32
        %dma_start3A_205 = tpu.memref_slice %arg5[%dma_start3A_203, %dma_start3A_204] : memref<10000x128xf32, #tpu.memory_space<hbm>> -> memref<10000x128xf32, #tpu.memory_space<hbm>>
        tpu.enqueue_indirect_dma source(%dma_start3A_205 : memref<10000x128xf32, #tpu.memory_space<hbm>>) target(%arg17 : memref<80x128xf32, #tpu.memory_space<vmem>>) offsets(%arg15 : memref<80xi32, #tpu.memory_space<vmem>>) semaphore(%arg24 : memref<!tpu.dma_semaphore, #tpu.memory_space<semaphore_mem>>)
        %dma_wait3A = arith.constant 0 : i32
        %dma_wait3A_206 = arith.constant 0 : i32
        %dma_wait3A_207 = tpu.memref_slice %arg3[%dma_wait3A, %dma_wait3A_206] : memref<10000x128xf32, #tpu.memory_space<hbm>> -> memref<10000x128xf32, #tpu.memory_space<hbm>>
        tpu.wait_indirect_dma semaphore(%arg24 : memref<!tpu.dma_semaphore, #tpu.memory_space<semaphore_mem>>) src(%dma_wait3A_207 : memref<10000x128xf32, #tpu.memory_space<hbm>>) dst(%arg16 : memref<80x128xf32, #tpu.memory_space<vmem>>)
        %dma_wait3A_208 = arith.constant 0 : i32
        %dma_wait3A_209 = arith.constant 0 : i32
        %dma_wait3A_210 = tpu.memref_slice %arg5[%dma_wait3A_208, %dma_wait3A_209] : memref<10000x128xf32, #tpu.memory_space<hbm>> -> memref<10000x128xf32, #tpu.memory_space<hbm>>
        tpu.wait_indirect_dma semaphore(%arg24 : memref<!tpu.dma_semaphore, #tpu.memory_space<semaphore_mem>>) src(%dma_wait3A_210 : memref<10000x128xf32, #tpu.memory_space<hbm>>) dst(%arg17 : memref<80x128xf32, #tpu.memory_space<vmem>>)
      } else {
      }
      %broadcast_in_dim3A_192 = vector.broadcast %multiple_of3A : i32 to vector<16xi32>
      %scan3A_193 = arith.constant 0 : i32
      %scan3A_194 = arith.constant 0 : i32
      %scan3A_195 = arith.constant 80 : i32
      %scan3A_196 = arith.addi %scan3A_194, %scan3A_195 : i32
      %scan3A_197 = arith.constant 1 : i32
      %scan3A_198 = scf.for %scan3A_201 = %scan3A_194 to %scan3A_196 step %scan3A_197 iter_args(%scan3A_202 = %scan3A_193) -> (i32)  : i32 {
        %get3A_203 = arith.index_cast %scan3A_201 : i32 to index
        %get3A_204 = arith.constant 0 : index
        %get3A_205 = tpu.vector_load %arg16[%get3A_203, %get3A_204] {strides = array<i32>} : memref<80x128xf32, #tpu.memory_space<vmem>>, vector<16xf32>,
        %get3A_206 = arith.index_cast %scan3A_201 : i32 to index
        %get3A_207 = arith.constant 0 : index
        %get3A_208 = tpu.vector_load %arg17[%get3A_206, %get3A_207] {strides = array<i32>} : memref<80x128xf32, #tpu.memory_space<vmem>>, vector<16xf32>,
        %add3A_209 = arith.addf %get3A_205, %get3A_208 : vector<16xf32>
        %mul3A_210 = arith.constant 2.000000e-01 : f32
        %mul3A_211 = vector.broadcast %mul3A_210 : f32 to vector<16xf32>
        %mul3A_212 = arith.mulf %mul3A_211, %add3A_209 : vector<16xf32>
        %max3A = arith.maximumf %add3A_209, %mul3A_212 : vector<16xf32>
        %mul3A_213 = arith.mulf %max3A, %get3A_95 : vector<16xf32>
        %add3A_214 = arith.addf %broadcast_in_dim3A_0, %mul3A_213 : vector<16xf32>
        %get3A_215 = arith.index_cast %scan3A_201 : i32 to index
        %get3A_216 = arith.constant 16 : index
        %get3A_217 = tpu.vector_load %arg16[%get3A_215, %get3A_216] {strides = array<i32>} : memref<80x128xf32, #tpu.memory_space<vmem>>, vector<16xf32>,
        %get3A_218 = arith.index_cast %scan3A_201 : i32 to index
        %get3A_219 = arith.constant 16 : index
        %get3A_220 = tpu.vector_load %arg17[%get3A_218, %get3A_219] {strides = array<i32>} : memref<80x128xf32, #tpu.memory_space<vmem>>, vector<16xf32>,
        %add3A_221 = arith.addf %get3A_217, %get3A_220 : vector<16xf32>
        %mul3A_222 = arith.constant 2.000000e-01 : f32
        %mul3A_223 = vector.broadcast %mul3A_222 : f32 to vector<16xf32>
        %mul3A_224 = arith.mulf %mul3A_223, %add3A_221 : vector<16xf32>
        %max3A_225 = arith.maximumf %add3A_221, %mul3A_224 : vector<16xf32>
        %mul3A_226 = arith.mulf %max3A_225, %get3A_97 : vector<16xf32>
        %add3A_227 = arith.addf %add3A_214, %mul3A_226 : vector<16xf32>
        %get3A_228 = arith.index_cast %scan3A_201 : i32 to index
        %get3A_229 = arith.constant 32 : index
        %get3A_230 = tpu.vector_load %arg16[%get3A_228, %get3A_229] {strides = array<i32>} : memref<80x128xf32, #tpu.memory_space<vmem>>, vector<16xf32>,
        %get3A_231 = arith.index_cast %scan3A_201 : i32 to index
        %get3A_232 = arith.constant 32 : index
        %get3A_233 = tpu.vector_load %arg17[%get3A_231, %get3A_232] {strides = array<i32>} : memref<80x128xf32, #tpu.memory_space<vmem>>, vector<16xf32>,
        %add3A_234 = arith.addf %get3A_230, %get3A_233 : vector<16xf32>
        %mul3A_235 = arith.constant 2.000000e-01 : f32
        %mul3A_236 = vector.broadcast %mul3A_235 : f32 to vector<16xf32>
        %mul3A_237 = arith.mulf %mul3A_236, %add3A_234 : vector<16xf32>
        %max3A_238 = arith.maximumf %add3A_234, %mul3A_237 : vector<16xf32>
        %mul3A_239 = arith.mulf %max3A_238, %get3A_99 : vector<16xf32>
        %add3A_240 = arith.addf %add3A_227, %mul3A_239 : vector<16xf32>
        %get3A_241 = arith.index_cast %scan3A_201 : i32 to index
        %get3A_242 = arith.constant 48 : index
        %get3A_243 = tpu.vector_load %arg16[%get3A_241, %get3A_242] {strides = array<i32>} : memref<80x128xf32, #tpu.memory_space<vmem>>, vector<16xf32>,
        %get3A_244 = arith.index_cast %scan3A_201 : i32 to index
        %get3A_245 = arith.constant 48 : index
        %get3A_246 = tpu.vector_load %arg17[%get3A_244, %get3A_245] {strides = array<i32>} : memref<80x128xf32, #tpu.memory_space<vmem>>, vector<16xf32>,
        %add3A_247 = arith.addf %get3A_243, %get3A_246 : vector<16xf32>
        %mul3A_248 = arith.constant 2.000000e-01 : f32
        %mul3A_249 = vector.broadcast %mul3A_248 : f32 to vector<16xf32>
        %mul3A_250 = arith.mulf %mul3A_249, %add3A_247 : vector<16xf32>
        %max3A_251 = arith.maximumf %add3A_247, %mul3A_250 : vector<16xf32>
        %mul3A_252 = arith.mulf %max3A_251, %get3A_101 : vector<16xf32>
        %add3A_253 = arith.addf %add3A_240, %mul3A_252 : vector<16xf32>
        %get3A_254 = arith.index_cast %scan3A_201 : i32 to index
        %get3A_255 = arith.constant 64 : index
        %get3A_256 = tpu.vector_load %arg16[%get3A_254, %get3A_255] {strides = array<i32>} : memref<80x128xf32, #tpu.memory_space<vmem>>, vector<16xf32>,
        %get3A_257 = arith.index_cast %scan3A_201 : i32 to index
        %get3A_258 = arith.constant 64 : index
        %get3A_259 = tpu.vector_load %arg17[%get3A_257, %get3A_258] {strides = array<i32>} : memref<80x128xf32, #tpu.memory_space<vmem>>, vector<16xf32>,
        %add3A_260 = arith.addf %get3A_256, %get3A_259 : vector<16xf32>
        %mul3A_261 = arith.constant 2.000000e-01 : f32
        %mul3A_262 = vector.broadcast %mul3A_261 : f32 to vector<16xf32>
        %mul3A_263 = arith.mulf %mul3A_262, %add3A_260 : vector<16xf32>
        %max3A_264 = arith.maximumf %add3A_260, %mul3A_263 : vector<16xf32>
        %mul3A_265 = arith.mulf %max3A_264, %get3A_103 : vector<16xf32>
        %add3A_266 = arith.addf %add3A_253, %mul3A_265 : vector<16xf32>
        %get3A_267 = arith.index_cast %scan3A_201 : i32 to index
        %get3A_268 = arith.constant 80 : index
        %get3A_269 = tpu.vector_load %arg16[%get3A_267, %get3A_268] {strides = array<i32>} : memref<80x128xf32, #tpu.memory_space<vmem>>, vector<16xf32>,
        %get3A_270 = arith.index_cast %scan3A_201 : i32 to index
        %get3A_271 = arith.constant 80 : index
        %get3A_272 = tpu.vector_load %arg17[%get3A_270, %get3A_271] {strides = array<i32>} : memref<80x128xf32, #tpu.memory_space<vmem>>, vector<16xf32>,
        %add3A_273 = arith.addf %get3A_269, %get3A_272 : vector<16xf32>
        %mul3A_274 = arith.constant 2.000000e-01 : f32
        %mul3A_275 = vector.broadcast %mul3A_274 : f32 to vector<16xf32>
        %mul3A_276 = arith.mulf %mul3A_275, %add3A_273 : vector<16xf32>
        %max3A_277 = arith.maximumf %add3A_273, %mul3A_276 : vector<16xf32>
        %mul3A_278 = arith.mulf %max3A_277, %get3A_105 : vector<16xf32>
        %add3A_279 = arith.addf %add3A_266, %mul3A_278 : vector<16xf32>
        %get3A_280 = arith.index_cast %scan3A_201 : i32 to index
        %get3A_281 = arith.constant 96 : index
        %get3A_282 = tpu.vector_load %arg16[%get3A_280, %get3A_281] {strides = array<i32>} : memref<80x128xf32, #tpu.memory_space<vmem>>, vector<16xf32>,
        %get3A_283 = arith.index_cast %scan3A_201 : i32 to index
        %get3A_284 = arith.constant 96 : index
        %get3A_285 = tpu.vector_load %arg17[%get3A_283, %get3A_284] {strides = array<i32>} : memref<80x128xf32, #tpu.memory_space<vmem>>, vector<16xf32>,
        %add3A_286 = arith.addf %get3A_282, %get3A_285 : vector<16xf32>
        %mul3A_287 = arith.constant 2.000000e-01 : f32
        %mul3A_288 = vector.broadcast %mul3A_287 : f32 to vector<16xf32>
        %mul3A_289 = arith.mulf %mul3A_288, %add3A_286 : vector<16xf32>
        %max3A_290 = arith.maximumf %add3A_286, %mul3A_289 : vector<16xf32>
        %mul3A_291 = arith.mulf %max3A_290, %get3A_107 : vector<16xf32>
        %add3A_292 = arith.addf %add3A_279, %mul3A_291 : vector<16xf32>
        %get3A_293 = arith.index_cast %scan3A_201 : i32 to index
        %get3A_294 = arith.constant 112 : index
        %get3A_295 = tpu.vector_load %arg16[%get3A_293, %get3A_294] {strides = array<i32>} : memref<80x128xf32, #tpu.memory_space<vmem>>, vector<16xf32>,
        %get3A_296 = arith.index_cast %scan3A_201 : i32 to index
        %get3A_297 = arith.constant 112 : index
        %get3A_298 = tpu.vector_load %arg17[%get3A_296, %get3A_297] {strides = array<i32>} : memref<80x128xf32, #tpu.memory_space<vmem>>, vector<16xf32>,
        %add3A_299 = arith.addf %get3A_295, %get3A_298 : vector<16xf32>
        %mul3A_300 = arith.constant 2.000000e-01 : f32
        %mul3A_301 = vector.broadcast %mul3A_300 : f32 to vector<16xf32>
        %mul3A_302 = arith.mulf %mul3A_301, %add3A_299 : vector<16xf32>
        %max3A_303 = arith.maximumf %add3A_299, %mul3A_302 : vector<16xf32>
        %mul3A_304 = arith.mulf %max3A_303, %get3A_109 : vector<16xf32>
        %add3A_305 = arith.addf %add3A_292, %mul3A_304 : vector<16xf32>
        %reduce_sum3A_306 = arith.constant true
        %reduce_sum3A_307 = vector.broadcast %reduce_sum3A_306 : i1 to vector<16xi1>
        %reduce_sum3A_308 = tpu.scan <sum>, %add3A_305 masked %reduce_sum3A_307 : vector<16xf32>, vector<16xi1> -> vector<16xf32>
        %reduce_sum3A_309 = vector.extract %reduce_sum3A_308[15] : f32 from vector<16xf32>
        %broadcast_in_dim3A_310 = vector.broadcast %reduce_sum3A_309 : f32 to vector<16xf32>
        %exp3A = math.exp %broadcast_in_dim3A_310 : vector<16xf32>
        %add3A_311 = vector.broadcast %scan3A_201 : i32 to vector<16xi32>
        %add3A_312 = arith.addi %broadcast_in_dim3A_192, %add3A_311 : vector<16xi32>
        %ge3A = arith.cmpi sge, %add3A_312, %broadcast_in_dim3A_155 : vector<16xi32>
        %lt3A = arith.cmpi slt, %add3A_312, %broadcast_in_dim3A_156 : vector<16xi32>
        %and3A_313 = arith.andi %ge3A, %lt3A : vector<16xi1>
        %broadcast_in_dim3A_314 = vector.broadcast %scan3A_201 : i32 to vector<16xi32>
        %gather3A = tpu.vector_load_idx %arg15[%broadcast_in_dim3A_314] : memref<80xi32, #tpu.memory_space<vmem>>[vector<16xi32>], vector<16xi32>,
        %sub3A_315 = arith.subi %gather3A, %broadcast_in_dim3A_154 : vector<16xi32>
        %select_n3A_316 = arith.select %and3A_313, %sub3A_315, %broadcast_in_dim3A_158 : vector<16xi1>, vector<16xi32>
        %add3A_317 = arith.constant 0 : i32
        %add3A_318 = vector.broadcast %add3A_317 : i32 to vector<16xi32>
        %add3A_319 = arith.addi %iota3A, %add3A_318 : vector<16xi32>
        %mul3A_320 = arith.mulf %exp3A, %get3A_205 : vector<16xf32>
        tpu.vector_store_idx %arg21[%select_n3A_316, %add3A_319], %mul3A_320 {add = true} : memref<626x128xf32, #tpu.memory_space<vmem>>[vector<16xi32>, vector<16xi32>], vector<16xf32>,
        %add3A_321 = arith.constant 16 : i32
        %add3A_322 = vector.broadcast %add3A_321 : i32 to vector<16xi32>
        %add3A_323 = arith.addi %iota3A, %add3A_322 : vector<16xi32>
        %mul3A_324 = arith.mulf %exp3A, %get3A_217 : vector<16xf32>
        tpu.vector_store_idx %arg21[%select_n3A_316, %add3A_323], %mul3A_324 {add = true} : memref<626x128xf32, #tpu.memory_space<vmem>>[vector<16xi32>, vector<16xi32>], vector<16xf32>,
        %add3A_325 = arith.constant 32 : i32
        %add3A_326 = vector.broadcast %add3A_325 : i32 to vector<16xi32>
        %add3A_327 = arith.addi %iota3A, %add3A_326 : vector<16xi32>
        %mul3A_328 = arith.mulf %exp3A, %get3A_230 : vector<16xf32>
        tpu.vector_store_idx %arg21[%select_n3A_316, %add3A_327], %mul3A_328 {add = true} : memref<626x128xf32, #tpu.memory_space<vmem>>[vector<16xi32>, vector<16xi32>], vector<16xf32>,
        %add3A_329 = arith.constant 48 : i32
        %add3A_330 = vector.broadcast %add3A_329 : i32 to vector<16xi32>
        %add3A_331 = arith.addi %iota3A, %add3A_330 : vector<16xi32>
        %mul3A_332 = arith.mulf %exp3A, %get3A_243 : vector<16xf32>
        tpu.vector_store_idx %arg21[%select_n3A_316, %add3A_331], %mul3A_332 {add = true} : memref<626x128xf32, #tpu.memory_space<vmem>>[vector<16xi32>, vector<16xi32>], vector<16xf32>,
        %add3A_333 = arith.constant 64 : i32
        %add3A_334 = vector.broadcast %add3A_333 : i32 to vector<16xi32>
        %add3A_335 = arith.addi %iota3A, %add3A_334 : vector<16xi32>
        %mul3A_336 = arith.mulf %exp3A, %get3A_256 : vector<16xf32>
        tpu.vector_store_idx %arg21[%select_n3A_316, %add3A_335], %mul3A_336 {add = true} : memref<626x128xf32, #tpu.memory_space<vmem>>[vector<16xi32>, vector<16xi32>], vector<16xf32>,
        %add3A_337 = arith.constant 80 : i32
        %add3A_338 = vector.broadcast %add3A_337 : i32 to vector<16xi32>
        %add3A_339 = arith.addi %iota3A, %add3A_338 : vector<16xi32>
        %mul3A_340 = arith.mulf %exp3A, %get3A_269 : vector<16xf32>
        tpu.vector_store_idx %arg21[%select_n3A_316, %add3A_339], %mul3A_340 {add = true} : memref<626x128xf32, #tpu.memory_space<vmem>>[vector<16xi32>, vector<16xi32>], vector<16xf32>,
        %add3A_341 = arith.constant 96 : i32
        %add3A_342 = vector.broadcast %add3A_341 : i32 to vector<16xi32>
        %add3A_343 = arith.addi %iota3A, %add3A_342 : vector<16xi32>
        %mul3A_344 = arith.mulf %exp3A, %get3A_282 : vector<16xf32>
        tpu.vector_store_idx %arg21[%select_n3A_316, %add3A_343], %mul3A_344 {add = true} : memref<626x128xf32, #tpu.memory_space<vmem>>[vector<16xi32>, vector<16xi32>], vector<16xf32>,
        %add3A_345 = arith.constant 112 : i32
        %add3A_346 = vector.broadcast %add3A_345 : i32 to vector<16xi32>
        %add3A_347 = arith.addi %iota3A, %add3A_346 : vector<16xi32>
        %mul3A_348 = arith.mulf %exp3A, %get3A_295 : vector<16xf32>
        tpu.vector_store_idx %arg21[%select_n3A_316, %add3A_347], %mul3A_348 {add = true} : memref<626x128xf32, #tpu.memory_space<vmem>>[vector<16xi32>, vector<16xi32>], vector<16xf32>,
        tpu.vector_store_idx %arg22[%select_n3A_316], %exp3A masked %eq3A_112 {add = true} : memref<640xf32, #tpu.memory_space<vmem>>[vector<16xi32>], vector<16xf32>, vector<16xi1>
        %scan3A_349 = arith.constant 0 : i32
        scf.yield %scan3A_349 : i32
      }
      %scan3A_199 = arith.constant 80 : i32
      %while3A_200 = arith.constant 0 : i32
      scf.yield %while3A_200 : i32
    }
    %scan3A_170 = arith.constant 0 : i32
    %scan3A_171 = arith.constant 0 : i32
    %scan3A_172 = arith.constant 5 : i32
    %scan3A_173 = arith.addi %scan3A_171, %scan3A_172 : i32
    %scan3A_174 = arith.constant 1 : i32
    %scan3A_175 = scf.for %scan3A_177 = %scan3A_171 to %scan3A_173 step %scan3A_174 iter_args(%scan3A_178 = %scan3A_170) -> (i32)  : i32 {
      %mul3A_179 = arith.constant 125 : i32
      %mul3A_180 = arith.muli %scan3A_177, %mul3A_179 : i32
      %scan3A_181 = arith.constant 0 : i32
      %scan3A_182 = arith.constant 0 : i32
      %scan3A_183 = arith.constant 125 : i32
      %scan3A_184 = arith.addi %scan3A_182, %scan3A_183 : i32
      %scan3A_185 = arith.constant 1 : i32
      %scan3A_186 = scf.for %scan3A_204 = %scan3A_182 to %scan3A_184 step %scan3A_185 iter_args(%scan3A_205 = %scan3A_181) -> (i32)  : i32 {
        %add3A_206 = arith.addi %mul3A_180, %scan3A_204 : i32
        %broadcast_in_dim3A_207 = vector.broadcast %add3A_206 : i32 to vector<16xi32>
        %gather3A = tpu.vector_load_idx %arg22[%broadcast_in_dim3A_207] : memref<640xf32, #tpu.memory_space<vmem>>[vector<16xi32>], vector<16xf32>,
        %add3A_208 = arith.constant 1.000000e-16 : f32
        %add3A_209 = vector.broadcast %add3A_208 : f32 to vector<16xf32>
        %add3A_210 = arith.addf %gather3A, %add3A_209 : vector<16xf32>
        %mul3A_211 = arith.constant 128 : i32
        %mul3A_212 = arith.muli %scan3A_204, %mul3A_211 : i32
        %scan3A_213 = arith.constant 0 : i32
        %scan3A_214 = arith.constant 0 : i32
        %scan3A_215 = arith.constant 8 : i32
        %scan3A_216 = arith.addi %scan3A_214, %scan3A_215 : i32
        %scan3A_217 = arith.constant 1 : i32
        %scan3A_218 = scf.for %scan3A_220 = %scan3A_214 to %scan3A_216 step %scan3A_217 iter_args(%scan3A_221 = %scan3A_213) -> (i32)  : i32 {
          %mul3A_222 = arith.constant 16 : i32
          %mul3A_223 = arith.muli %scan3A_220, %mul3A_222 : i32
          %multiple_of3A_224 = tpu.assume_multiple %mul3A_223, 16 : i32
          %get3A_225 = arith.index_cast %add3A_206 : i32 to index
          %get3A_226 = arith.index_cast %multiple_of3A_224 : i32 to index
          %get3A_227 = tpu.vector_load %arg21[%get3A_225, %get3A_226] {strides = array<i32>} : memref<626x128xf32, #tpu.memory_space<vmem>>, vector<16xf32>,
          %div3A_228 = arith.divf %get3A_227, %add3A_210 : vector<16xf32>
          %mul3A_229 = arith.constant 16 : i32
          %mul3A_230 = arith.muli %scan3A_220, %mul3A_229 : i32
          %add3A_231 = arith.addi %mul3A_212, %mul3A_230 : i32
          %multiple_of3A_232 = tpu.assume_multiple %add3A_231, 16 : i32
          %swap3A_233 = arith.index_cast %multiple_of3A_232 : i32 to index
          %swap3A_234 = tpu.vector_load %arg23[%swap3A_233] {strides = array<i32>} : memref<16000xf32, #tpu.memory_space<vmem>>, vector<16xf32>,
          tpu.vector_store %arg23[%swap3A_233], %div3A_228 {strides = array<i32>} : memref<16000xf32, #tpu.memory_space<vmem>>, vector<16xf32>,
          %scan3A_235 = arith.constant 0 : i32
          scf.yield %scan3A_235 : i32
        }
        %scan3A_219 = arith.constant 8 : i32
        scf.yield %scan3A_218 : i32
      }
      %scan3A_187 = arith.constant 125 : i32
      %mul3A_188 = arith.constant 625 : i32
      %mul3A_189 = arith.muli %arg1, %mul3A_188 : i32
      %add3A_190 = arith.addi %mul3A_189, %mul3A_180 : i32
      %mul3A_191 = arith.constant 128 : i32
      %mul3A_192 = arith.muli %add3A_190, %mul3A_191 : i32
      %multiple_of3A = tpu.assume_multiple %mul3A_192, 8 : i32
      %eq3A_193 = arith.constant 0 : i32
      %eq3A_194 = arith.cmpi eq, %arg0, %eq3A_193 : i32
      %convert_element_type3A_195 = arith.extui %eq3A_194 : i1 to i32
      %cond3A_196 = arith.constant 0 : i32
      %cond3A_197 = arith.cmpi ne, %convert_element_type3A_195, %cond3A_196 : i32
      scf.if %cond3A_197 {
        "tpu.region"() ({
          %run_scoped3A = tpu.sem_alloc : memref<!tpu.dma_semaphore, #tpu.memory_space<semaphore_mem>>
          %dma_start3A = tpu.memref_slice %arg12[%multiple_of3A] : memref<1280000xf32, #tpu.memory_space<hbm>> -> memref<16000xf32, #tpu.memory_space<hbm>>
          %dma_start3A_204 = tpu.memref_slice %arg12[%multiple_of3A] : memref<1280000xf32, #tpu.memory_space<hbm>> -> memref<16000xf32, #tpu.memory_space<hbm>>
          tpu.enqueue_dma source(%arg23 : memref<16000xf32, #tpu.memory_space<vmem>>) target(%dma_start3A_204 : memref<16000xf32, #tpu.memory_space<hbm>>) target_semaphore(%run_scoped3A : memref<!tpu.dma_semaphore, #tpu.memory_space<semaphore_mem>>)
          %dma_wait3A = tpu.memref_slice %arg12[%multiple_of3A] : memref<1280000xf32, #tpu.memory_space<hbm>> -> memref<16000xf32, #tpu.memory_space<hbm>>
          %dma_wait3A_205 = tpu.memref_slice %arg12[%multiple_of3A] : memref<1280000xf32, #tpu.memory_space<hbm>> -> memref<16000xf32, #tpu.memory_space<hbm>>
          tpu.wait_dma2 semaphore(%run_scoped3A : memref<!tpu.dma_semaphore, #tpu.memory_space<semaphore_mem>>) src(%arg23 : memref<16000xf32, #tpu.memory_space<vmem>>) dst(%dma_wait3A_205 : memref<16000xf32, #tpu.memory_space<hbm>>)
          tpu.yield
        }) : () -> ()
      } else {
      }
      %eq3A_198 = arith.constant 1 : i32
      %eq3A_199 = arith.cmpi eq, %arg0, %eq3A_198 : i32
      %convert_element_type3A_200 = arith.extui %eq3A_199 : i1 to i32
      %cond3A_201 = arith.constant 0 : i32
      %cond3A_202 = arith.cmpi ne, %convert_element_type3A_200, %cond3A_201 : i32
      scf.if %cond3A_202 {
        "tpu.region"() ({
          %run_scoped3A = tpu.sem_alloc : memref<!tpu.dma_semaphore, #tpu.memory_space<semaphore_mem>>
          %dma_start3A = tpu.memref_slice %arg13[%multiple_of3A] : memref<1280000xf32, #tpu.memory_space<hbm>> -> memref<16000xf32, #tpu.memory_space<hbm>>
          %dma_start3A_204 = tpu.memref_slice %arg13[%multiple_of3A] : memref<1280000xf32, #tpu.memory_space<hbm>> -> memref<16000xf32, #tpu.memory_space<hbm>>
          tpu.enqueue_dma source(%arg23 : memref<16000xf32, #tpu.memory_space<vmem>>) target(%dma_start3A_204 : memref<16000xf32, #tpu.memory_space<hbm>>) target_semaphore(%run_scoped3A : memref<!tpu.dma_semaphore, #tpu.memory_space<semaphore_mem>>)
          %dma_wait3A = tpu.memref_slice %arg13[%multiple_of3A] : memref<1280000xf32, #tpu.memory_space<hbm>> -> memref<16000xf32, #tpu.memory_space<hbm>>
          %dma_wait3A_205 = tpu.memref_slice %arg13[%multiple_of3A] : memref<1280000xf32, #tpu.memory_space<hbm>> -> memref<16000xf32, #tpu.memory_space<hbm>>
          tpu.wait_dma2 semaphore(%run_scoped3A : memref<!tpu.dma_semaphore, #tpu.memory_space<semaphore_mem>>) src(%arg23 : memref<16000xf32, #tpu.memory_space<vmem>>) dst(%dma_wait3A_205 : memref<16000xf32, #tpu.memory_space<hbm>>)
          tpu.yield
        }) : () -> ()
      } else {
      }
      %scan3A_203 = arith.constant 0 : i32
      scf.yield %scan3A_203 : i32
    }
    %scan3A_176 = arith.constant 5 : i32
    return
  }
}

#map = affine_map<(d0, d1) -> (0, 0)>
#map1 = affine_map<(d0, d1) -> (0)>
module attributes {stable_mosaic.version = 14 : i64} {
  func.func @_edge_body(%arg0: i32, %arg1: i32, %arg2: memref<10000x128xf32, #tpu.memory_space<hbm>>, %arg3: memref<10000x128xf32, #tpu.memory_space<hbm>>, %arg4: memref<10000x128xf32, #tpu.memory_space<hbm>>, %arg5: memref<10000x128xf32, #tpu.memory_space<hbm>>, %arg6: memref<160160xi32, #tpu.memory_space<hbm>>, %arg7: memref<160160xi32, #tpu.memory_space<hbm>>, %arg8: memref<128xf32, #tpu.memory_space<hbm>>, %arg9: memref<128xf32, #tpu.memory_space<hbm>>, %arg10: memref<16xi32, #tpu.memory_space<hbm>>, %arg11: memref<16xi32, #tpu.memory_space<hbm>>, %arg12: memref<1280000xf32, #tpu.memory_space<hbm>>, %arg13: memref<1280000xf32, #tpu.memory_space<hbm>>, %arg14: memref<80xi32, #tpu.memory_space<vmem>>, %arg15: memref<80xi32, #tpu.memory_space<vmem>>, %arg16: memref<80x128xf32, #tpu.memory_space<vmem>>, %arg17: memref<80x128xf32, #tpu.memory_space<vmem>>, %arg18: memref<128xf32, #tpu.memory_space<vmem>>, %arg19: memref<16xi32, #tpu.memory_space<vmem>>, %arg20: memref<16xi32, #tpu.memory_space<vmem>>, %arg21: memref<626x128xf32, #tpu.memory_space<vmem>>, %arg22: memref<640xf32, #tpu.memory_space<vmem>>, %arg23: memref<16000xf32, #tpu.memory_space<vmem>>, %arg24: memref<!tpu.dma_semaphore, #tpu.memory_space<semaphore_mem>>) attributes {dimension_semantics = [#tpu.dimension_semantics<core_parallel>, #tpu.dimension_semantics<subcore_parallel>], iteration_bounds = array<i64: 2, 16>, scalar_prefetch = 0 : i64, scratch_operands = 11 : i64, tpu.core_type = #tpu.core_type<sc_vector_subcore>, window_params = [{transform_indices = #map}, {transform_indices = #map}, {transform_indices = #map}, {transform_indices = #map}, {transform_indices = #map1}, {transform_indices = #map1}, {transform_indices = #map1}, {transform_indices = #map1}, {transform_indices = #map1}, {transform_indices = #map1}, {transform_indices = #map1}, {transform_indices = #map1}]} {
    %broadcast_in_dim3A = arith.constant 0.000000e+00 : f32
    %broadcast_in_dim3A_0 = vector.broadcast %broadcast_in_dim3A : f32 to vector<16xf32>
    %scan3A = arith.constant 0 : i32
    %scan3A_1 = arith.constant 0 : i32
    %scan3A_2 = arith.constant 626 : i32
    %scan3A_3 = arith.addi %scan3A_1, %scan3A_2 : i32
    %scan3A_4 = arith.constant 1 : i32
    %scan3A_5 = scf.for %scan3A_177 = %scan3A_1 to %scan3A_3 step %scan3A_4 iter_args(%scan3A_178 = %scan3A) -> (i32)  : i32 {
      %scan3A_179 = arith.constant 0 : i32
      %scan3A_180 = arith.constant 0 : i32
      %scan3A_181 = arith.constant 8 : i32
      %scan3A_182 = arith.addi %scan3A_180, %scan3A_181 : i32
      %scan3A_183 = arith.constant 1 : i32
      %scan3A_184 = scf.for %scan3A_186 = %scan3A_180 to %scan3A_182 step %scan3A_183 iter_args(%scan3A_187 = %scan3A_179) -> (i32)  : i32 {
        %mul3A_188 = arith.constant 16 : i32
        %mul3A_189 = arith.muli %scan3A_186, %mul3A_188 : i32
        %multiple_of3A = tpu.assume_multiple %mul3A_189, 16 : i32
        %swap3A_190 = arith.index_cast %scan3A_177 : i32 to index
        %swap3A_191 = arith.index_cast %multiple_of3A : i32 to index
        %swap3A_192 = tpu.vector_load %arg21[%swap3A_190, %swap3A_191] {strides = array<i32>} : memref<626x128xf32, #tpu.memory_space<vmem>>, vector<16xf32>,
        tpu.vector_store %arg21[%swap3A_190, %swap3A_191], %broadcast_in_dim3A_0 {strides = array<i32>} : memref<626x128xf32, #tpu.memory_space<vmem>>, vector<16xf32>,
        %scan3A_193 = arith.constant 0 : i32
        scf.yield %scan3A_193 : i32
      }
      %scan3A_185 = arith.constant 8 : i32
      scf.yield %scan3A_184 : i32
    }
    %scan3A_6 = arith.constant 626 : i32
    %swap3A = arith.constant 0 : index
    %swap3A_7 = tpu.vector_load %arg22[%swap3A] {strides = array<i32>} : memref<640xf32, #tpu.memory_space<vmem>>, vector<16xf32>,
    tpu.vector_store %arg22[%swap3A], %broadcast_in_dim3A_0 {strides = array<i32>} : memref<640xf32, #tpu.memory_space<vmem>>, vector<16xf32>,
    %swap3A_8 = arith.constant 16 : index
    %swap3A_9 = tpu.vector_load %arg22[%swap3A_8] {strides = array<i32>} : memref<640xf32, #tpu.memory_space<vmem>>, vector<16xf32>,
    tpu.vector_store %arg22[%swap3A_8], %broadcast_in_dim3A_0 {strides = array<i32>} : memref<640xf32, #tpu.memory_space<vmem>>, vector<16xf32>,
    %swap3A_10 = arith.constant 32 : index
    %swap3A_11 = tpu.vector_load %arg22[%swap3A_10] {strides = array<i32>} : memref<640xf32, #tpu.memory_space<vmem>>, vector<16xf32>,
    tpu.vector_store %arg22[%swap3A_10], %broadcast_in_dim3A_0 {strides = array<i32>} : memref<640xf32, #tpu.memory_space<vmem>>, vector<16xf32>,
    %swap3A_12 = arith.constant 48 : index
    %swap3A_13 = tpu.vector_load %arg22[%swap3A_12] {strides = array<i32>} : memref<640xf32, #tpu.memory_space<vmem>>, vector<16xf32>,
    tpu.vector_store %arg22[%swap3A_12], %broadcast_in_dim3A_0 {strides = array<i32>} : memref<640xf32, #tpu.memory_space<vmem>>, vector<16xf32>,
    %swap3A_14 = arith.constant 64 : index
    %swap3A_15 = tpu.vector_load %arg22[%swap3A_14] {strides = array<i32>} : memref<640xf32, #tpu.memory_space<vmem>>, vector<16xf32>,
    tpu.vector_store %arg22[%swap3A_14], %broadcast_in_dim3A_0 {strides = array<i32>} : memref<640xf32, #tpu.memory_space<vmem>>, vector<16xf32>,
    %swap3A_16 = arith.constant 80 : index
    %swap3A_17 = tpu.vector_load %arg22[%swap3A_16] {strides = array<i32>} : memref<640xf32, #tpu.memory_space<vmem>>, vector<16xf32>,
    tpu.vector_store %arg22[%swap3A_16], %broadcast_in_dim3A_0 {strides = array<i32>} : memref<640xf32, #tpu.memory_space<vmem>>, vector<16xf32>,
    %swap3A_18 = arith.constant 96 : index
    %swap3A_19 = tpu.vector_load %arg22[%swap3A_18] {strides = array<i32>} : memref<640xf32, #tpu.memory_space<vmem>>, vector<16xf32>,
    tpu.vector_store %arg22[%swap3A_18], %broadcast_in_dim3A_0 {strides = array<i32>} : memref<640xf32, #tpu.memory_space<vmem>>, vector<16xf32>,
    %swap3A_20 = arith.constant 112 : index
    %swap3A_21 = tpu.vector_load %arg22[%swap3A_20] {strides = array<i32>} : memref<640xf32, #tpu.memory_space<vmem>>, vector<16xf32>,
    tpu.vector_store %arg22[%swap3A_20], %broadcast_in_dim3A_0 {strides = array<i32>} : memref<640xf32, #tpu.memory_space<vmem>>, vector<16xf32>,
    %swap3A_22 = arith.constant 128 : index
    %swap3A_23 = tpu.vector_load %arg22[%swap3A_22] {strides = array<i32>} : memref<640xf32, #tpu.memory_space<vmem>>, vector<16xf32>,
    tpu.vector_store %arg22[%swap3A_22], %broadcast_in_dim3A_0 {strides = array<i32>} : memref<640xf32, #tpu.memory_space<vmem>>, vector<16xf32>,
    %swap3A_24 = arith.constant 144 : index
    %swap3A_25 = tpu.vector_load %arg22[%swap3A_24] {strides = array<i32>} : memref<640xf32, #tpu.memory_space<vmem>>, vector<16xf32>,
    tpu.vector_store %arg22[%swap3A_24], %broadcast_in_dim3A_0 {strides = array<i32>} : memref<640xf32, #tpu.memory_space<vmem>>, vector<16xf32>,
    %swap3A_26 = arith.constant 160 : index
    %swap3A_27 = tpu.vector_load %arg22[%swap3A_26] {strides = array<i32>} : memref<640xf32, #tpu.memory_space<vmem>>, vector<16xf32>,
    tpu.vector_store %arg22[%swap3A_26], %broadcast_in_dim3A_0 {strides = array<i32>} : memref<640xf32, #tpu.memory_space<vmem>>, vector<16xf32>,
    %swap3A_28 = arith.constant 176 : index
    %swap3A_29 = tpu.vector_load %arg22[%swap3A_28] {strides = array<i32>} : memref<640xf32, #tpu.memory_space<vmem>>, vector<16xf32>,
    tpu.vector_store %arg22[%swap3A_28], %broadcast_in_dim3A_0 {strides = array<i32>} : memref<640xf32, #tpu.memory_space<vmem>>, vector<16xf32>,
    %swap3A_30 = arith.constant 192 : index
    %swap3A_31 = tpu.vector_load %arg22[%swap3A_30] {strides = array<i32>} : memref<640xf32, #tpu.memory_space<vmem>>, vector<16xf32>,
    tpu.vector_store %arg22[%swap3A_30], %broadcast_in_dim3A_0 {strides = array<i32>} : memref<640xf32, #tpu.memory_space<vmem>>, vector<16xf32>,
    %swap3A_32 = arith.constant 208 : index
    %swap3A_33 = tpu.vector_load %arg22[%swap3A_32] {strides = array<i32>} : memref<640xf32, #tpu.memory_space<vmem>>, vector<16xf32>,
    tpu.vector_store %arg22[%swap3A_32], %broadcast_in_dim3A_0 {strides = array<i32>} : memref<640xf32, #tpu.memory_space<vmem>>, vector<16xf32>,
    %swap3A_34 = arith.constant 224 : index
    %swap3A_35 = tpu.vector_load %arg22[%swap3A_34] {strides = array<i32>} : memref<640xf32, #tpu.memory_space<vmem>>, vector<16xf32>,
    tpu.vector_store %arg22[%swap3A_34], %broadcast_in_dim3A_0 {strides = array<i32>} : memref<640xf32, #tpu.memory_space<vmem>>, vector<16xf32>,
    %swap3A_36 = arith.constant 240 : index
    %swap3A_37 = tpu.vector_load %arg22[%swap3A_36] {strides = array<i32>} : memref<640xf32, #tpu.memory_space<vmem>>, vector<16xf32>,
    tpu.vector_store %arg22[%swap3A_36], %broadcast_in_dim3A_0 {strides = array<i32>} : memref<640xf32, #tpu.memory_space<vmem>>, vector<16xf32>,
    %swap3A_38 = arith.constant 256 : index
    %swap3A_39 = tpu.vector_load %arg22[%swap3A_38] {strides = array<i32>} : memref<640xf32, #tpu.memory_space<vmem>>, vector<16xf32>,
    tpu.vector_store %arg22[%swap3A_38], %broadcast_in_dim3A_0 {strides = array<i32>} : memref<640xf32, #tpu.memory_space<vmem>>, vector<16xf32>,
    %swap3A_40 = arith.constant 272 : index
    %swap3A_41 = tpu.vector_load %arg22[%swap3A_40] {strides = array<i32>} : memref<640xf32, #tpu.memory_space<vmem>>, vector<16xf32>,
    tpu.vector_store %arg22[%swap3A_40], %broadcast_in_dim3A_0 {strides = array<i32>} : memref<640xf32, #tpu.memory_space<vmem>>, vector<16xf32>,
    %swap3A_42 = arith.constant 288 : index
    %swap3A_43 = tpu.vector_load %arg22[%swap3A_42] {strides = array<i32>} : memref<640xf32, #tpu.memory_space<vmem>>, vector<16xf32>,
    tpu.vector_store %arg22[%swap3A_42], %broadcast_in_dim3A_0 {strides = array<i32>} : memref<640xf32, #tpu.memory_space<vmem>>, vector<16xf32>,
    %swap3A_44 = arith.constant 304 : index
    %swap3A_45 = tpu.vector_load %arg22[%swap3A_44] {strides = array<i32>} : memref<640xf32, #tpu.memory_space<vmem>>, vector<16xf32>,
    tpu.vector_store %arg22[%swap3A_44], %broadcast_in_dim3A_0 {strides = array<i32>} : memref<640xf32, #tpu.memory_space<vmem>>, vector<16xf32>,
    %swap3A_46 = arith.constant 320 : index
    %swap3A_47 = tpu.vector_load %arg22[%swap3A_46] {strides = array<i32>} : memref<640xf32, #tpu.memory_space<vmem>>, vector<16xf32>,
    tpu.vector_store %arg22[%swap3A_46], %broadcast_in_dim3A_0 {strides = array<i32>} : memref<640xf32, #tpu.memory_space<vmem>>, vector<16xf32>,
    %swap3A_48 = arith.constant 336 : index
    %swap3A_49 = tpu.vector_load %arg22[%swap3A_48] {strides = array<i32>} : memref<640xf32, #tpu.memory_space<vmem>>, vector<16xf32>,
    tpu.vector_store %arg22[%swap3A_48], %broadcast_in_dim3A_0 {strides = array<i32>} : memref<640xf32, #tpu.memory_space<vmem>>, vector<16xf32>,
    %swap3A_50 = arith.constant 352 : index
    %swap3A_51 = tpu.vector_load %arg22[%swap3A_50] {strides = array<i32>} : memref<640xf32, #tpu.memory_space<vmem>>, vector<16xf32>,
    tpu.vector_store %arg22[%swap3A_50], %broadcast_in_dim3A_0 {strides = array<i32>} : memref<640xf32, #tpu.memory_space<vmem>>, vector<16xf32>,
    %swap3A_52 = arith.constant 368 : index
    %swap3A_53 = tpu.vector_load %arg22[%swap3A_52] {strides = array<i32>} : memref<640xf32, #tpu.memory_space<vmem>>, vector<16xf32>,
    tpu.vector_store %arg22[%swap3A_52], %broadcast_in_dim3A_0 {strides = array<i32>} : memref<640xf32, #tpu.memory_space<vmem>>, vector<16xf32>,
    %swap3A_54 = arith.constant 384 : index
    %swap3A_55 = tpu.vector_load %arg22[%swap3A_54] {strides = array<i32>} : memref<640xf32, #tpu.memory_space<vmem>>, vector<16xf32>,
    tpu.vector_store %arg22[%swap3A_54], %broadcast_in_dim3A_0 {strides = array<i32>} : memref<640xf32, #tpu.memory_space<vmem>>, vector<16xf32>,
    %swap3A_56 = arith.constant 400 : index
    %swap3A_57 = tpu.vector_load %arg22[%swap3A_56] {strides = array<i32>} : memref<640xf32, #tpu.memory_space<vmem>>, vector<16xf32>,
    tpu.vector_store %arg22[%swap3A_56], %broadcast_in_dim3A_0 {strides = array<i32>} : memref<640xf32, #tpu.memory_space<vmem>>, vector<16xf32>,
    %swap3A_58 = arith.constant 416 : index
    %swap3A_59 = tpu.vector_load %arg22[%swap3A_58] {strides = array<i32>} : memref<640xf32, #tpu.memory_space<vmem>>, vector<16xf32>,
    tpu.vector_store %arg22[%swap3A_58], %broadcast_in_dim3A_0 {strides = array<i32>} : memref<640xf32, #tpu.memory_space<vmem>>, vector<16xf32>,
    %swap3A_60 = arith.constant 432 : index
    %swap3A_61 = tpu.vector_load %arg22[%swap3A_60] {strides = array<i32>} : memref<640xf32, #tpu.memory_space<vmem>>, vector<16xf32>,
    tpu.vector_store %arg22[%swap3A_60], %broadcast_in_dim3A_0 {strides = array<i32>} : memref<640xf32, #tpu.memory_space<vmem>>, vector<16xf32>,
    %swap3A_62 = arith.constant 448 : index
    %swap3A_63 = tpu.vector_load %arg22[%swap3A_62] {strides = array<i32>} : memref<640xf32, #tpu.memory_space<vmem>>, vector<16xf32>,
    tpu.vector_store %arg22[%swap3A_62], %broadcast_in_dim3A_0 {strides = array<i32>} : memref<640xf32, #tpu.memory_space<vmem>>, vector<16xf32>,
    %swap3A_64 = arith.constant 464 : index
    %swap3A_65 = tpu.vector_load %arg22[%swap3A_64] {strides = array<i32>} : memref<640xf32, #tpu.memory_space<vmem>>, vector<16xf32>,
    tpu.vector_store %arg22[%swap3A_64], %broadcast_in_dim3A_0 {strides = array<i32>} : memref<640xf32, #tpu.memory_space<vmem>>, vector<16xf32>,
    %swap3A_66 = arith.constant 480 : index
    %swap3A_67 = tpu.vector_load %arg22[%swap3A_66] {strides = array<i32>} : memref<640xf32, #tpu.memory_space<vmem>>, vector<16xf32>,
    tpu.vector_store %arg22[%swap3A_66], %broadcast_in_dim3A_0 {strides = array<i32>} : memref<640xf32, #tpu.memory_space<vmem>>, vector<16xf32>,
    %swap3A_68 = arith.constant 496 : index
    %swap3A_69 = tpu.vector_load %arg22[%swap3A_68] {strides = array<i32>} : memref<640xf32, #tpu.memory_space<vmem>>, vector<16xf32>,
    tpu.vector_store %arg22[%swap3A_68], %broadcast_in_dim3A_0 {strides = array<i32>} : memref<640xf32, #tpu.memory_space<vmem>>, vector<16xf32>,
    %swap3A_70 = arith.constant 512 : index
    %swap3A_71 = tpu.vector_load %arg22[%swap3A_70] {strides = array<i32>} : memref<640xf32, #tpu.memory_space<vmem>>, vector<16xf32>,
    tpu.vector_store %arg22[%swap3A_70], %broadcast_in_dim3A_0 {strides = array<i32>} : memref<640xf32, #tpu.memory_space<vmem>>, vector<16xf32>,
    %swap3A_72 = arith.constant 528 : index
    %swap3A_73 = tpu.vector_load %arg22[%swap3A_72] {strides = array<i32>} : memref<640xf32, #tpu.memory_space<vmem>>, vector<16xf32>,
    tpu.vector_store %arg22[%swap3A_72], %broadcast_in_dim3A_0 {strides = array<i32>} : memref<640xf32, #tpu.memory_space<vmem>>, vector<16xf32>,
    %swap3A_74 = arith.constant 544 : index
    %swap3A_75 = tpu.vector_load %arg22[%swap3A_74] {strides = array<i32>} : memref<640xf32, #tpu.memory_space<vmem>>, vector<16xf32>,
    tpu.vector_store %arg22[%swap3A_74], %broadcast_in_dim3A_0 {strides = array<i32>} : memref<640xf32, #tpu.memory_space<vmem>>, vector<16xf32>,
    %swap3A_76 = arith.constant 560 : index
    %swap3A_77 = tpu.vector_load %arg22[%swap3A_76] {strides = array<i32>} : memref<640xf32, #tpu.memory_space<vmem>>, vector<16xf32>,
    tpu.vector_store %arg22[%swap3A_76], %broadcast_in_dim3A_0 {strides = array<i32>} : memref<640xf32, #tpu.memory_space<vmem>>, vector<16xf32>,
    %swap3A_78 = arith.constant 576 : index
    %swap3A_79 = tpu.vector_load %arg22[%swap3A_78] {strides = array<i32>} : memref<640xf32, #tpu.memory_space<vmem>>, vector<16xf32>,
    tpu.vector_store %arg22[%swap3A_78], %broadcast_in_dim3A_0 {strides = array<i32>} : memref<640xf32, #tpu.memory_space<vmem>>, vector<16xf32>,
    %swap3A_80 = arith.constant 592 : index
    %swap3A_81 = tpu.vector_load %arg22[%swap3A_80] {strides = array<i32>} : memref<640xf32, #tpu.memory_space<vmem>>, vector<16xf32>,
    tpu.vector_store %arg22[%swap3A_80], %broadcast_in_dim3A_0 {strides = array<i32>} : memref<640xf32, #tpu.memory_space<vmem>>, vector<16xf32>,
    %swap3A_82 = arith.constant 608 : index
    %swap3A_83 = tpu.vector_load %arg22[%swap3A_82] {strides = array<i32>} : memref<640xf32, #tpu.memory_space<vmem>>, vector<16xf32>,
    tpu.vector_store %arg22[%swap3A_82], %broadcast_in_dim3A_0 {strides = array<i32>} : memref<640xf32, #tpu.memory_space<vmem>>, vector<16xf32>,
    %swap3A_84 = arith.constant 624 : index
    %swap3A_85 = tpu.vector_load %arg22[%swap3A_84] {strides = array<i32>} : memref<640xf32, #tpu.memory_space<vmem>>, vector<16xf32>,
    tpu.vector_store %arg22[%swap3A_84], %broadcast_in_dim3A_0 {strides = array<i32>} : memref<640xf32, #tpu.memory_space<vmem>>, vector<16xf32>,
    %swap3A_86 = arith.constant 624 : index
    %swap3A_87 = tpu.vector_load %arg22[%swap3A_86] {strides = array<i32>} : memref<640xf32, #tpu.memory_space<vmem>>, vector<16xf32>,
    tpu.vector_store %arg22[%swap3A_86], %broadcast_in_dim3A_0 {strides = array<i32>} : memref<640xf32, #tpu.memory_space<vmem>>, vector<16xf32>,
    %eq3A = arith.constant 0 : i32
    %eq3A_88 = arith.cmpi eq, %arg0, %eq3A : i32
    %convert_element_type3A = arith.extui %eq3A_88 : i1 to i32
    %cond3A = arith.constant 0 : i32
    %cond3A_89 = arith.cmpi ne, %convert_element_type3A, %cond3A : i32
    scf.if %cond3A_89 {
      "tpu.region"() ({
        %run_scoped3A = tpu.sem_alloc : memref<!tpu.dma_semaphore, #tpu.memory_space<semaphore_mem>>
        tpu.enqueue_dma source(%arg8 : memref<128xf32, #tpu.memory_space<hbm>>) target(%arg18 : memref<128xf32, #tpu.memory_space<vmem>>) target_semaphore(%run_scoped3A : memref<!tpu.dma_semaphore, #tpu.memory_space<semaphore_mem>>)
        tpu.wait_dma2 semaphore(%run_scoped3A : memref<!tpu.dma_semaphore, #tpu.memory_space<semaphore_mem>>) src(%arg8 : memref<128xf32, #tpu.memory_space<hbm>>) dst(%arg18 : memref<128xf32, #tpu.memory_space<vmem>>)
        tpu.yield
      }) : () -> ()
    } else {
    }
    %eq3A_90 = arith.constant 1 : i32
    %eq3A_91 = arith.cmpi eq, %arg0, %eq3A_90 : i32
    %convert_element_type3A_92 = arith.extui %eq3A_91 : i1 to i32
    %cond3A_93 = arith.constant 0 : i32
    %cond3A_94 = arith.cmpi ne, %convert_element_type3A_92, %cond3A_93 : i32
    scf.if %cond3A_94 {
      "tpu.region"() ({
        %run_scoped3A = tpu.sem_alloc : memref<!tpu.dma_semaphore, #tpu.memory_space<semaphore_mem>>
        tpu.enqueue_dma source(%arg9 : memref<128xf32, #tpu.memory_space<hbm>>) target(%arg18 : memref<128xf32, #tpu.memory_space<vmem>>) target_semaphore(%run_scoped3A : memref<!tpu.dma_semaphore, #tpu.memory_space<semaphore_mem>>)
        tpu.wait_dma2 semaphore(%run_scoped3A : memref<!tpu.dma_semaphore, #tpu.memory_space<semaphore_mem>>) src(%arg9 : memref<128xf32, #tpu.memory_space<hbm>>) dst(%arg18 : memref<128xf32, #tpu.memory_space<vmem>>)
        tpu.yield
      }) : () -> ()
    } else {
    }
    "tpu.region"() ({
      %run_scoped3A = tpu.sem_alloc : memref<!tpu.dma_semaphore, #tpu.memory_space<semaphore_mem>>
      tpu.enqueue_dma source(%arg10 : memref<16xi32, #tpu.memory_space<hbm>>) target(%arg19 : memref<16xi32, #tpu.memory_space<vmem>>) target_semaphore(%run_scoped3A : memref<!tpu.dma_semaphore, #tpu.memory_space<semaphore_mem>>)
      tpu.wait_dma2 semaphore(%run_scoped3A : memref<!tpu.dma_semaphore, #tpu.memory_space<semaphore_mem>>) src(%arg10 : memref<16xi32, #tpu.memory_space<hbm>>) dst(%arg19 : memref<16xi32, #tpu.memory_space<vmem>>)
      tpu.yield
    }) : () -> ()
    "tpu.region"() ({
      %run_scoped3A = tpu.sem_alloc : memref<!tpu.dma_semaphore, #tpu.memory_space<semaphore_mem>>
      tpu.enqueue_dma source(%arg11 : memref<16xi32, #tpu.memory_space<hbm>>) target(%arg20 : memref<16xi32, #tpu.memory_space<vmem>>) target_semaphore(%run_scoped3A : memref<!tpu.dma_semaphore, #tpu.memory_space<semaphore_mem>>)
      tpu.wait_dma2 semaphore(%run_scoped3A : memref<!tpu.dma_semaphore, #tpu.memory_space<semaphore_mem>>) src(%arg11 : memref<16xi32, #tpu.memory_space<hbm>>) dst(%arg20 : memref<16xi32, #tpu.memory_space<vmem>>)
      tpu.yield
    }) : () -> ()
    %get3A = arith.constant 0 : index
    %get3A_95 = tpu.vector_load %arg18[%get3A] {strides = array<i32>} : memref<128xf32, #tpu.memory_space<vmem>>, vector<16xf32>,
    %get3A_96 = arith.constant 16 : index
    %get3A_97 = tpu.vector_load %arg18[%get3A_96] {strides = array<i32>} : memref<128xf32, #tpu.memory_space<vmem>>, vector<16xf32>,
    %get3A_98 = arith.constant 32 : index
    %get3A_99 = tpu.vector_load %arg18[%get3A_98] {strides = array<i32>} : memref<128xf32, #tpu.memory_space<vmem>>, vector<16xf32>,
    %get3A_100 = arith.constant 48 : index
    %get3A_101 = tpu.vector_load %arg18[%get3A_100] {strides = array<i32>} : memref<128xf32, #tpu.memory_space<vmem>>, vector<16xf32>,
    %get3A_102 = arith.constant 64 : index
    %get3A_103 = tpu.vector_load %arg18[%get3A_102] {strides = array<i32>} : memref<128xf32, #tpu.memory_space<vmem>>, vector<16xf32>,
    %get3A_104 = arith.constant 80 : index
    %get3A_105 = tpu.vector_load %arg18[%get3A_104] {strides = array<i32>} : memref<128xf32, #tpu.memory_space<vmem>>, vector<16xf32>,
    %get3A_106 = arith.constant 96 : index
    %get3A_107 = tpu.vector_load %arg18[%get3A_106] {strides = array<i32>} : memref<128xf32, #tpu.memory_space<vmem>>, vector<16xf32>,
    %get3A_108 = arith.constant 112 : index
    %get3A_109 = tpu.vector_load %arg18[%get3A_108] {strides = array<i32>} : memref<128xf32, #tpu.memory_space<vmem>>, vector<16xf32>,
    %iota3A = tpu.iota {dimensions = array<i32: 0>} : vector<16xi32>
    %eq3A_110 = arith.constant 0 : i32
    %eq3A_111 = vector.broadcast %eq3A_110 : i32 to vector<16xi32>
    %eq3A_112 = arith.cmpi eq, %iota3A, %eq3A_111 : vector<16xi32>
    %eq3A_113 = vector.broadcast %arg1 : i32 to vector<16xi32>
    %eq3A_114 = arith.cmpi eq, %iota3A, %eq3A_113 : vector<16xi32>
    %jit3A = arith.constant 1 : i32
    %jit3A_115 = arith.constant 0 : i32
    %broadcast_in_dim3A_116 = vector.broadcast %jit3A : i32 to vector<16xi32>
    %broadcast_in_dim3A_117 = vector.broadcast %jit3A_115 : i32 to vector<16xi32>
    %select_n3A = arith.select %eq3A_114, %broadcast_in_dim3A_116, %broadcast_in_dim3A_117 : vector<16xi1>, vector<16xi32>
    %get3A_118 = arith.constant 0 : index
    %get3A_119 = tpu.vector_load %arg19[%get3A_118] {strides = array<i32>} : memref<16xi32, #tpu.memory_space<vmem>>, vector<16xi32>,
    %mul3A = arith.muli %select_n3A, %get3A_119 : vector<16xi32>
    %reduce_sum3A = arith.constant true
    %reduce_sum3A_120 = vector.broadcast %reduce_sum3A : i1 to vector<16xi1>
    %reduce_sum3A_121 = tpu.scan <sum>, %mul3A masked %reduce_sum3A_120 : vector<16xi32>, vector<16xi1> -> vector<16xi32>
    %reduce_sum3A_122 = vector.extract %reduce_sum3A_121[15] : i32 from vector<16xi32>
    %get3A_123 = arith.constant 0 : index
    %get3A_124 = tpu.vector_load %arg20[%get3A_123] {strides = array<i32>} : memref<16xi32, #tpu.memory_space<vmem>>, vector<16xi32>,
    %mul3A_125 = arith.muli %select_n3A, %get3A_124 : vector<16xi32>
    %reduce_sum3A_126 = arith.constant true
    %reduce_sum3A_127 = vector.broadcast %reduce_sum3A_126 : i1 to vector<16xi1>
    %reduce_sum3A_128 = tpu.scan <sum>, %mul3A_125 masked %reduce_sum3A_127 : vector<16xi32>, vector<16xi1> -> vector<16xi32>
    %reduce_sum3A_129 = vector.extract %reduce_sum3A_128[15] : i32 from vector<16xi32>
    %and3A = arith.constant -8 : i32
    %and3A_130 = arith.andi %reduce_sum3A_122, %and3A : i32
    %sub3A = arith.subi %reduce_sum3A_129, %and3A_130 : i32
    %add3A = arith.constant 79 : i32
    %add3A_131 = arith.addi %sub3A, %add3A : i32
    %jit3A_132 = arith.constant 80 : i32
    %div3A = arith.divsi %add3A_131, %jit3A_132 : i32
    %sign3A = arith.constant 0 : i32
    %sign3A_133 = arith.cmpi sgt, %add3A_131, %sign3A : i32
    %sign3A_134 = arith.extui %sign3A_133 : i1 to i32
    %sign3A_135 = arith.constant 0 : i32
    %sign3A_136 = arith.cmpi slt, %add3A_131, %sign3A_135 : i32
    %sign3A_137 = arith.extui %sign3A_136 : i1 to i32
    %sign3A_138 = arith.subi %sign3A_134, %sign3A_137 : i32
    %sign3A_139 = arith.constant 0 : i32
    %sign3A_140 = arith.cmpi sgt, %jit3A_132, %sign3A_139 : i32
    %sign3A_141 = arith.extui %sign3A_140 : i1 to i32
    %sign3A_142 = arith.constant 0 : i32
    %sign3A_143 = arith.cmpi slt, %jit3A_132, %sign3A_142 : i32
    %sign3A_144 = arith.extui %sign3A_143 : i1 to i32
    %sign3A_145 = arith.subi %sign3A_141, %sign3A_144 : i32
    %ne3A = arith.cmpi ne, %sign3A_138, %sign3A_145 : i32
    %rem3A = arith.remsi %add3A_131, %jit3A_132 : i32
    %ne3A_146 = arith.constant 0 : i32
    %ne3A_147 = arith.cmpi ne, %rem3A, %ne3A_146 : i32
    %and3A_148 = arith.andi %ne3A, %ne3A_147 : i1
    %sub3A_149 = arith.constant 1 : i32
    %sub3A_150 = arith.subi %div3A, %sub3A_149 : i32
    %select_n3A_151 = arith.select %and3A_148, %sub3A_150, %div3A : i32
    %mul3A_152 = arith.constant 625 : i32
    %mul3A_153 = arith.muli %arg1, %mul3A_152 : i32
    %broadcast_in_dim3A_154 = vector.broadcast %mul3A_153 : i32 to vector<16xi32>
    %broadcast_in_dim3A_155 = vector.broadcast %reduce_sum3A_122 : i32 to vector<16xi32>
    %broadcast_in_dim3A_156 = vector.broadcast %reduce_sum3A_129 : i32 to vector<16xi32>
    %broadcast_in_dim3A_157 = arith.constant 625 : i32
    %broadcast_in_dim3A_158 = vector.broadcast %broadcast_in_dim3A_157 : i32 to vector<16xi32>
    %while3A = arith.constant 0 : i32
    %while3A_159 = arith.constant 0 : i32
    %while3A_160 = arith.subi %select_n3A_151, %while3A : i32
    %while3A_161 = arith.addi %while3A, %while3A_160 : i32
    %while3A_162 = arith.constant 1 : i32
    %while3A_163 = arith.divsi %while3A_160, %while3A_162 : i32
    %while3A_164 = arith.muli %while3A_163, %while3A_162 : i32
    %while3A_165 = arith.addi %while3A, %while3A_164 : i32
    %while3A_166 = arith.constant 1 : i32
    %while3A_167 = scf.for %while3A_177 = %while3A to %while3A_165 step %while3A_166 iter_args(%while3A_178 = %while3A_159) -> (i32)  : i32 {
      %mul3A_179 = arith.constant 80 : i32
      %mul3A_180 = arith.muli %while3A_177, %mul3A_179 : i32
      %add3A_181 = arith.addi %and3A_130, %mul3A_180 : i32
      %multiple_of3A = tpu.assume_multiple %add3A_181, 8 : i32
      "tpu.region"() ({
        %run_scoped3A = tpu.sem_alloc : memref<!tpu.dma_semaphore, #tpu.memory_space<semaphore_mem>>
        %dma_start3A = tpu.memref_slice %arg6[%multiple_of3A] : memref<160160xi32, #tpu.memory_space<hbm>> -> memref<80xi32, #tpu.memory_space<hbm>>
        %dma_start3A_201 = tpu.memref_slice %arg6[%multiple_of3A] : memref<160160xi32, #tpu.memory_space<hbm>> -> memref<80xi32, #tpu.memory_space<hbm>>
        tpu.enqueue_dma source(%dma_start3A_201 : memref<80xi32, #tpu.memory_space<hbm>>) target(%arg14 : memref<80xi32, #tpu.memory_space<vmem>>) target_semaphore(%run_scoped3A : memref<!tpu.dma_semaphore, #tpu.memory_space<semaphore_mem>>)
        %dma_wait3A = tpu.memref_slice %arg6[%multiple_of3A] : memref<160160xi32, #tpu.memory_space<hbm>> -> memref<80xi32, #tpu.memory_space<hbm>>
        %dma_wait3A_202 = tpu.memref_slice %arg6[%multiple_of3A] : memref<160160xi32, #tpu.memory_space<hbm>> -> memref<80xi32, #tpu.memory_space<hbm>>
        tpu.wait_dma2 semaphore(%run_scoped3A : memref<!tpu.dma_semaphore, #tpu.memory_space<semaphore_mem>>) src(%dma_wait3A_202 : memref<80xi32, #tpu.memory_space<hbm>>) dst(%arg14 : memref<80xi32, #tpu.memory_space<vmem>>)
        tpu.yield
      }) : () -> ()
      "tpu.region"() ({
        %run_scoped3A = tpu.sem_alloc : memref<!tpu.dma_semaphore, #tpu.memory_space<semaphore_mem>>
        %dma_start3A = tpu.memref_slice %arg7[%multiple_of3A] : memref<160160xi32, #tpu.memory_space<hbm>> -> memref<80xi32, #tpu.memory_space<hbm>>
        %dma_start3A_201 = tpu.memref_slice %arg7[%multiple_of3A] : memref<160160xi32, #tpu.memory_space<hbm>> -> memref<80xi32, #tpu.memory_space<hbm>>
        tpu.enqueue_dma source(%dma_start3A_201 : memref<80xi32, #tpu.memory_space<hbm>>) target(%arg15 : memref<80xi32, #tpu.memory_space<vmem>>) target_semaphore(%run_scoped3A : memref<!tpu.dma_semaphore, #tpu.memory_space<semaphore_mem>>)
        %dma_wait3A = tpu.memref_slice %arg7[%multiple_of3A] : memref<160160xi32, #tpu.memory_space<hbm>> -> memref<80xi32, #tpu.memory_space<hbm>>
        %dma_wait3A_202 = tpu.memref_slice %arg7[%multiple_of3A] : memref<160160xi32, #tpu.memory_space<hbm>> -> memref<80xi32, #tpu.memory_space<hbm>>
        tpu.wait_dma2 semaphore(%run_scoped3A : memref<!tpu.dma_semaphore, #tpu.memory_space<semaphore_mem>>) src(%dma_wait3A_202 : memref<80xi32, #tpu.memory_space<hbm>>) dst(%arg15 : memref<80xi32, #tpu.memory_space<vmem>>)
        tpu.yield
      }) : () -> ()
      %eq3A_182 = arith.constant 0 : i32
      %eq3A_183 = arith.cmpi eq, %arg0, %eq3A_182 : i32
      %convert_element_type3A_184 = arith.extui %eq3A_183 : i1 to i32
      %cond3A_185 = arith.constant 0 : i32
      %cond3A_186 = arith.cmpi ne, %convert_element_type3A_184, %cond3A_185 : i32
      scf.if %cond3A_186 {
        %dma_start3A = arith.constant 0 : i32
        %dma_start3A_201 = arith.constant 0 : i32
        %dma_start3A_202 = tpu.memref_slice %arg2[%dma_start3A, %dma_start3A_201] : memref<10000x128xf32, #tpu.memory_space<hbm>> -> memref<10000x128xf32, #tpu.memory_space<hbm>>
        tpu.enqueue_indirect_dma source(%dma_start3A_202 : memref<10000x128xf32, #tpu.memory_space<hbm>>) target(%arg16 : memref<80x128xf32, #tpu.memory_space<vmem>>) offsets(%arg14 : memref<80xi32, #tpu.memory_space<vmem>>) semaphore(%arg24 : memref<!tpu.dma_semaphore, #tpu.memory_space<semaphore_mem>>)
        %dma_start3A_203 = arith.constant 0 : i32
        %dma_start3A_204 = arith.constant 0 : i32
        %dma_start3A_205 = tpu.memref_slice %arg4[%dma_start3A_203, %dma_start3A_204] : memref<10000x128xf32, #tpu.memory_space<hbm>> -> memref<10000x128xf32, #tpu.memory_space<hbm>>
        tpu.enqueue_indirect_dma source(%dma_start3A_205 : memref<10000x128xf32, #tpu.memory_space<hbm>>) target(%arg17 : memref<80x128xf32, #tpu.memory_space<vmem>>) offsets(%arg15 : memref<80xi32, #tpu.memory_space<vmem>>) semaphore(%arg24 : memref<!tpu.dma_semaphore, #tpu.memory_space<semaphore_mem>>)
        %dma_wait3A = arith.constant 0 : i32
        %dma_wait3A_206 = arith.constant 0 : i32
        %dma_wait3A_207 = tpu.memref_slice %arg2[%dma_wait3A, %dma_wait3A_206] : memref<10000x128xf32, #tpu.memory_space<hbm>> -> memref<10000x128xf32, #tpu.memory_space<hbm>>
        tpu.wait_indirect_dma semaphore(%arg24 : memref<!tpu.dma_semaphore, #tpu.memory_space<semaphore_mem>>) src(%dma_wait3A_207 : memref<10000x128xf32, #tpu.memory_space<hbm>>) dst(%arg16 : memref<80x128xf32, #tpu.memory_space<vmem>>)
        %dma_wait3A_208 = arith.constant 0 : i32
        %dma_wait3A_209 = arith.constant 0 : i32
        %dma_wait3A_210 = tpu.memref_slice %arg4[%dma_wait3A_208, %dma_wait3A_209] : memref<10000x128xf32, #tpu.memory_space<hbm>> -> memref<10000x128xf32, #tpu.memory_space<hbm>>
        tpu.wait_indirect_dma semaphore(%arg24 : memref<!tpu.dma_semaphore, #tpu.memory_space<semaphore_mem>>) src(%dma_wait3A_210 : memref<10000x128xf32, #tpu.memory_space<hbm>>) dst(%arg17 : memref<80x128xf32, #tpu.memory_space<vmem>>)
      } else {
      }
      %eq3A_187 = arith.constant 1 : i32
      %eq3A_188 = arith.cmpi eq, %arg0, %eq3A_187 : i32
      %convert_element_type3A_189 = arith.extui %eq3A_188 : i1 to i32
      %cond3A_190 = arith.constant 0 : i32
      %cond3A_191 = arith.cmpi ne, %convert_element_type3A_189, %cond3A_190 : i32
      scf.if %cond3A_191 {
        %dma_start3A = arith.constant 0 : i32
        %dma_start3A_201 = arith.constant 0 : i32
        %dma_start3A_202 = tpu.memref_slice %arg3[%dma_start3A, %dma_start3A_201] : memref<10000x128xf32, #tpu.memory_space<hbm>> -> memref<10000x128xf32, #tpu.memory_space<hbm>>
        tpu.enqueue_indirect_dma source(%dma_start3A_202 : memref<10000x128xf32, #tpu.memory_space<hbm>>) target(%arg16 : memref<80x128xf32, #tpu.memory_space<vmem>>) offsets(%arg14 : memref<80xi32, #tpu.memory_space<vmem>>) semaphore(%arg24 : memref<!tpu.dma_semaphore, #tpu.memory_space<semaphore_mem>>)
        %dma_start3A_203 = arith.constant 0 : i32
        %dma_start3A_204 = arith.constant 0 : i32
        %dma_start3A_205 = tpu.memref_slice %arg5[%dma_start3A_203, %dma_start3A_204] : memref<10000x128xf32, #tpu.memory_space<hbm>> -> memref<10000x128xf32, #tpu.memory_space<hbm>>
        tpu.enqueue_indirect_dma source(%dma_start3A_205 : memref<10000x128xf32, #tpu.memory_space<hbm>>) target(%arg17 : memref<80x128xf32, #tpu.memory_space<vmem>>) offsets(%arg15 : memref<80xi32, #tpu.memory_space<vmem>>) semaphore(%arg24 : memref<!tpu.dma_semaphore, #tpu.memory_space<semaphore_mem>>)
        %dma_wait3A = arith.constant 0 : i32
        %dma_wait3A_206 = arith.constant 0 : i32
        %dma_wait3A_207 = tpu.memref_slice %arg3[%dma_wait3A, %dma_wait3A_206] : memref<10000x128xf32, #tpu.memory_space<hbm>> -> memref<10000x128xf32, #tpu.memory_space<hbm>>
        tpu.wait_indirect_dma semaphore(%arg24 : memref<!tpu.dma_semaphore, #tpu.memory_space<semaphore_mem>>) src(%dma_wait3A_207 : memref<10000x128xf32, #tpu.memory_space<hbm>>) dst(%arg16 : memref<80x128xf32, #tpu.memory_space<vmem>>)
        %dma_wait3A_208 = arith.constant 0 : i32
        %dma_wait3A_209 = arith.constant 0 : i32
        %dma_wait3A_210 = tpu.memref_slice %arg5[%dma_wait3A_208, %dma_wait3A_209] : memref<10000x128xf32, #tpu.memory_space<hbm>> -> memref<10000x128xf32, #tpu.memory_space<hbm>>
        tpu.wait_indirect_dma semaphore(%arg24 : memref<!tpu.dma_semaphore, #tpu.memory_space<semaphore_mem>>) src(%dma_wait3A_210 : memref<10000x128xf32, #tpu.memory_space<hbm>>) dst(%arg17 : memref<80x128xf32, #tpu.memory_space<vmem>>)
      } else {
      }
      %broadcast_in_dim3A_192 = vector.broadcast %multiple_of3A : i32 to vector<16xi32>
      %scan3A_193 = arith.constant 0 : i32
      %scan3A_194 = arith.constant 0 : i32
      %scan3A_195 = arith.constant 80 : i32
      %scan3A_196 = arith.addi %scan3A_194, %scan3A_195 : i32
      %scan3A_197 = arith.constant 1 : i32
      %scan3A_198 = scf.for %scan3A_201 = %scan3A_194 to %scan3A_196 step %scan3A_197 iter_args(%scan3A_202 = %scan3A_193) -> (i32)  : i32 {
        %get3A_203 = arith.index_cast %scan3A_201 : i32 to index
        %get3A_204 = arith.constant 0 : index
        %get3A_205 = tpu.vector_load %arg16[%get3A_203, %get3A_204] {strides = array<i32>} : memref<80x128xf32, #tpu.memory_space<vmem>>, vector<16xf32>,
        %get3A_206 = arith.index_cast %scan3A_201 : i32 to index
        %get3A_207 = arith.constant 0 : index
        %get3A_208 = tpu.vector_load %arg17[%get3A_206, %get3A_207] {strides = array<i32>} : memref<80x128xf32, #tpu.memory_space<vmem>>, vector<16xf32>,
        %add3A_209 = arith.addf %get3A_205, %get3A_208 : vector<16xf32>
        %mul3A_210 = arith.constant 2.000000e-01 : f32
        %mul3A_211 = vector.broadcast %mul3A_210 : f32 to vector<16xf32>
        %mul3A_212 = arith.mulf %mul3A_211, %add3A_209 : vector<16xf32>
        %max3A = arith.maximumf %add3A_209, %mul3A_212 : vector<16xf32>
        %mul3A_213 = arith.mulf %max3A, %get3A_95 : vector<16xf32>
        %add3A_214 = arith.addf %broadcast_in_dim3A_0, %mul3A_213 : vector<16xf32>
        %get3A_215 = arith.index_cast %scan3A_201 : i32 to index
        %get3A_216 = arith.constant 16 : index
        %get3A_217 = tpu.vector_load %arg16[%get3A_215, %get3A_216] {strides = array<i32>} : memref<80x128xf32, #tpu.memory_space<vmem>>, vector<16xf32>,
        %get3A_218 = arith.index_cast %scan3A_201 : i32 to index
        %get3A_219 = arith.constant 16 : index
        %get3A_220 = tpu.vector_load %arg17[%get3A_218, %get3A_219] {strides = array<i32>} : memref<80x128xf32, #tpu.memory_space<vmem>>, vector<16xf32>,
        %add3A_221 = arith.addf %get3A_217, %get3A_220 : vector<16xf32>
        %mul3A_222 = arith.constant 2.000000e-01 : f32
        %mul3A_223 = vector.broadcast %mul3A_222 : f32 to vector<16xf32>
        %mul3A_224 = arith.mulf %mul3A_223, %add3A_221 : vector<16xf32>
        %max3A_225 = arith.maximumf %add3A_221, %mul3A_224 : vector<16xf32>
        %mul3A_226 = arith.mulf %max3A_225, %get3A_97 : vector<16xf32>
        %add3A_227 = arith.addf %add3A_214, %mul3A_226 : vector<16xf32>
        %get3A_228 = arith.index_cast %scan3A_201 : i32 to index
        %get3A_229 = arith.constant 32 : index
        %get3A_230 = tpu.vector_load %arg16[%get3A_228, %get3A_229] {strides = array<i32>} : memref<80x128xf32, #tpu.memory_space<vmem>>, vector<16xf32>,
        %get3A_231 = arith.index_cast %scan3A_201 : i32 to index
        %get3A_232 = arith.constant 32 : index
        %get3A_233 = tpu.vector_load %arg17[%get3A_231, %get3A_232] {strides = array<i32>} : memref<80x128xf32, #tpu.memory_space<vmem>>, vector<16xf32>,
        %add3A_234 = arith.addf %get3A_230, %get3A_233 : vector<16xf32>
        %mul3A_235 = arith.constant 2.000000e-01 : f32
        %mul3A_236 = vector.broadcast %mul3A_235 : f32 to vector<16xf32>
        %mul3A_237 = arith.mulf %mul3A_236, %add3A_234 : vector<16xf32>
        %max3A_238 = arith.maximumf %add3A_234, %mul3A_237 : vector<16xf32>
        %mul3A_239 = arith.mulf %max3A_238, %get3A_99 : vector<16xf32>
        %add3A_240 = arith.addf %add3A_227, %mul3A_239 : vector<16xf32>
        %get3A_241 = arith.index_cast %scan3A_201 : i32 to index
        %get3A_242 = arith.constant 48 : index
        %get3A_243 = tpu.vector_load %arg16[%get3A_241, %get3A_242] {strides = array<i32>} : memref<80x128xf32, #tpu.memory_space<vmem>>, vector<16xf32>,
        %get3A_244 = arith.index_cast %scan3A_201 : i32 to index
        %get3A_245 = arith.constant 48 : index
        %get3A_246 = tpu.vector_load %arg17[%get3A_244, %get3A_245] {strides = array<i32>} : memref<80x128xf32, #tpu.memory_space<vmem>>, vector<16xf32>,
        %add3A_247 = arith.addf %get3A_243, %get3A_246 : vector<16xf32>
        %mul3A_248 = arith.constant 2.000000e-01 : f32
        %mul3A_249 = vector.broadcast %mul3A_248 : f32 to vector<16xf32>
        %mul3A_250 = arith.mulf %mul3A_249, %add3A_247 : vector<16xf32>
        %max3A_251 = arith.maximumf %add3A_247, %mul3A_250 : vector<16xf32>
        %mul3A_252 = arith.mulf %max3A_251, %get3A_101 : vector<16xf32>
        %add3A_253 = arith.addf %add3A_240, %mul3A_252 : vector<16xf32>
        %get3A_254 = arith.index_cast %scan3A_201 : i32 to index
        %get3A_255 = arith.constant 64 : index
        %get3A_256 = tpu.vector_load %arg16[%get3A_254, %get3A_255] {strides = array<i32>} : memref<80x128xf32, #tpu.memory_space<vmem>>, vector<16xf32>,
        %get3A_257 = arith.index_cast %scan3A_201 : i32 to index
        %get3A_258 = arith.constant 64 : index
        %get3A_259 = tpu.vector_load %arg17[%get3A_257, %get3A_258] {strides = array<i32>} : memref<80x128xf32, #tpu.memory_space<vmem>>, vector<16xf32>,
        %add3A_260 = arith.addf %get3A_256, %get3A_259 : vector<16xf32>
        %mul3A_261 = arith.constant 2.000000e-01 : f32
        %mul3A_262 = vector.broadcast %mul3A_261 : f32 to vector<16xf32>
        %mul3A_263 = arith.mulf %mul3A_262, %add3A_260 : vector<16xf32>
        %max3A_264 = arith.maximumf %add3A_260, %mul3A_263 : vector<16xf32>
        %mul3A_265 = arith.mulf %max3A_264, %get3A_103 : vector<16xf32>
        %add3A_266 = arith.addf %add3A_253, %mul3A_265 : vector<16xf32>
        %get3A_267 = arith.index_cast %scan3A_201 : i32 to index
        %get3A_268 = arith.constant 80 : index
        %get3A_269 = tpu.vector_load %arg16[%get3A_267, %get3A_268] {strides = array<i32>} : memref<80x128xf32, #tpu.memory_space<vmem>>, vector<16xf32>,
        %get3A_270 = arith.index_cast %scan3A_201 : i32 to index
        %get3A_271 = arith.constant 80 : index
        %get3A_272 = tpu.vector_load %arg17[%get3A_270, %get3A_271] {strides = array<i32>} : memref<80x128xf32, #tpu.memory_space<vmem>>, vector<16xf32>,
        %add3A_273 = arith.addf %get3A_269, %get3A_272 : vector<16xf32>
        %mul3A_274 = arith.constant 2.000000e-01 : f32
        %mul3A_275 = vector.broadcast %mul3A_274 : f32 to vector<16xf32>
        %mul3A_276 = arith.mulf %mul3A_275, %add3A_273 : vector<16xf32>
        %max3A_277 = arith.maximumf %add3A_273, %mul3A_276 : vector<16xf32>
        %mul3A_278 = arith.mulf %max3A_277, %get3A_105 : vector<16xf32>
        %add3A_279 = arith.addf %add3A_266, %mul3A_278 : vector<16xf32>
        %get3A_280 = arith.index_cast %scan3A_201 : i32 to index
        %get3A_281 = arith.constant 96 : index
        %get3A_282 = tpu.vector_load %arg16[%get3A_280, %get3A_281] {strides = array<i32>} : memref<80x128xf32, #tpu.memory_space<vmem>>, vector<16xf32>,
        %get3A_283 = arith.index_cast %scan3A_201 : i32 to index
        %get3A_284 = arith.constant 96 : index
        %get3A_285 = tpu.vector_load %arg17[%get3A_283, %get3A_284] {strides = array<i32>} : memref<80x128xf32, #tpu.memory_space<vmem>>, vector<16xf32>,
        %add3A_286 = arith.addf %get3A_282, %get3A_285 : vector<16xf32>
        %mul3A_287 = arith.constant 2.000000e-01 : f32
        %mul3A_288 = vector.broadcast %mul3A_287 : f32 to vector<16xf32>
        %mul3A_289 = arith.mulf %mul3A_288, %add3A_286 : vector<16xf32>
        %max3A_290 = arith.maximumf %add3A_286, %mul3A_289 : vector<16xf32>
        %mul3A_291 = arith.mulf %max3A_290, %get3A_107 : vector<16xf32>
        %add3A_292 = arith.addf %add3A_279, %mul3A_291 : vector<16xf32>
        %get3A_293 = arith.index_cast %scan3A_201 : i32 to index
        %get3A_294 = arith.constant 112 : index
        %get3A_295 = tpu.vector_load %arg16[%get3A_293, %get3A_294] {strides = array<i32>} : memref<80x128xf32, #tpu.memory_space<vmem>>, vector<16xf32>,
        %get3A_296 = arith.index_cast %scan3A_201 : i32 to index
        %get3A_297 = arith.constant 112 : index
        %get3A_298 = tpu.vector_load %arg17[%get3A_296, %get3A_297] {strides = array<i32>} : memref<80x128xf32, #tpu.memory_space<vmem>>, vector<16xf32>,
        %add3A_299 = arith.addf %get3A_295, %get3A_298 : vector<16xf32>
        %mul3A_300 = arith.constant 2.000000e-01 : f32
        %mul3A_301 = vector.broadcast %mul3A_300 : f32 to vector<16xf32>
        %mul3A_302 = arith.mulf %mul3A_301, %add3A_299 : vector<16xf32>
        %max3A_303 = arith.maximumf %add3A_299, %mul3A_302 : vector<16xf32>
        %mul3A_304 = arith.mulf %max3A_303, %get3A_109 : vector<16xf32>
        %add3A_305 = arith.addf %add3A_292, %mul3A_304 : vector<16xf32>
        %reduce_sum3A_306 = arith.constant true
        %reduce_sum3A_307 = vector.broadcast %reduce_sum3A_306 : i1 to vector<16xi1>
        %reduce_sum3A_308 = tpu.scan <sum>, %add3A_305 masked %reduce_sum3A_307 : vector<16xf32>, vector<16xi1> -> vector<16xf32>
        %reduce_sum3A_309 = vector.extract %reduce_sum3A_308[15] : f32 from vector<16xf32>
        %broadcast_in_dim3A_310 = vector.broadcast %reduce_sum3A_309 : f32 to vector<16xf32>
        %exp3A = math.exp %broadcast_in_dim3A_310 : vector<16xf32>
        %add3A_311 = vector.broadcast %scan3A_201 : i32 to vector<16xi32>
        %add3A_312 = arith.addi %broadcast_in_dim3A_192, %add3A_311 : vector<16xi32>
        %ge3A = arith.cmpi sge, %add3A_312, %broadcast_in_dim3A_155 : vector<16xi32>
        %lt3A = arith.cmpi slt, %add3A_312, %broadcast_in_dim3A_156 : vector<16xi32>
        %and3A_313 = arith.andi %ge3A, %lt3A : vector<16xi1>
        %broadcast_in_dim3A_314 = vector.broadcast %scan3A_201 : i32 to vector<16xi32>
        %gather3A = tpu.vector_load_idx %arg15[%broadcast_in_dim3A_314] : memref<80xi32, #tpu.memory_space<vmem>>[vector<16xi32>], vector<16xi32>,
        %sub3A_315 = arith.subi %gather3A, %broadcast_in_dim3A_154 : vector<16xi32>
        %select_n3A_316 = arith.select %and3A_313, %sub3A_315, %broadcast_in_dim3A_158 : vector<16xi1>, vector<16xi32>
        %add3A_317 = arith.constant 0 : i32
        %add3A_318 = vector.broadcast %add3A_317 : i32 to vector<16xi32>
        %add3A_319 = arith.addi %iota3A, %add3A_318 : vector<16xi32>
        %mul3A_320 = arith.mulf %exp3A, %get3A_205 : vector<16xf32>
        tpu.vector_store_idx %arg21[%select_n3A_316, %add3A_319], %mul3A_320 {add = true} : memref<626x128xf32, #tpu.memory_space<vmem>>[vector<16xi32>, vector<16xi32>], vector<16xf32>,
        %add3A_321 = arith.constant 16 : i32
        %add3A_322 = vector.broadcast %add3A_321 : i32 to vector<16xi32>
        %add3A_323 = arith.addi %iota3A, %add3A_322 : vector<16xi32>
        %mul3A_324 = arith.mulf %exp3A, %get3A_217 : vector<16xf32>
        tpu.vector_store_idx %arg21[%select_n3A_316, %add3A_323], %mul3A_324 {add = true} : memref<626x128xf32, #tpu.memory_space<vmem>>[vector<16xi32>, vector<16xi32>], vector<16xf32>,
        %add3A_325 = arith.constant 32 : i32
        %add3A_326 = vector.broadcast %add3A_325 : i32 to vector<16xi32>
        %add3A_327 = arith.addi %iota3A, %add3A_326 : vector<16xi32>
        %mul3A_328 = arith.mulf %exp3A, %get3A_230 : vector<16xf32>
        tpu.vector_store_idx %arg21[%select_n3A_316, %add3A_327], %mul3A_328 {add = true} : memref<626x128xf32, #tpu.memory_space<vmem>>[vector<16xi32>, vector<16xi32>], vector<16xf32>,
        %add3A_329 = arith.constant 48 : i32
        %add3A_330 = vector.broadcast %add3A_329 : i32 to vector<16xi32>
        %add3A_331 = arith.addi %iota3A, %add3A_330 : vector<16xi32>
        %mul3A_332 = arith.mulf %exp3A, %get3A_243 : vector<16xf32>
        tpu.vector_store_idx %arg21[%select_n3A_316, %add3A_331], %mul3A_332 {add = true} : memref<626x128xf32, #tpu.memory_space<vmem>>[vector<16xi32>, vector<16xi32>], vector<16xf32>,
        %add3A_333 = arith.constant 64 : i32
        %add3A_334 = vector.broadcast %add3A_333 : i32 to vector<16xi32>
        %add3A_335 = arith.addi %iota3A, %add3A_334 : vector<16xi32>
        %mul3A_336 = arith.mulf %exp3A, %get3A_256 : vector<16xf32>
        tpu.vector_store_idx %arg21[%select_n3A_316, %add3A_335], %mul3A_336 {add = true} : memref<626x128xf32, #tpu.memory_space<vmem>>[vector<16xi32>, vector<16xi32>], vector<16xf32>,
        %add3A_337 = arith.constant 80 : i32
        %add3A_338 = vector.broadcast %add3A_337 : i32 to vector<16xi32>
        %add3A_339 = arith.addi %iota3A, %add3A_338 : vector<16xi32>
        %mul3A_340 = arith.mulf %exp3A, %get3A_269 : vector<16xf32>
        tpu.vector_store_idx %arg21[%select_n3A_316, %add3A_339], %mul3A_340 {add = true} : memref<626x128xf32, #tpu.memory_space<vmem>>[vector<16xi32>, vector<16xi32>], vector<16xf32>,
        %add3A_341 = arith.constant 96 : i32
        %add3A_342 = vector.broadcast %add3A_341 : i32 to vector<16xi32>
        %add3A_343 = arith.addi %iota3A, %add3A_342 : vector<16xi32>
        %mul3A_344 = arith.mulf %exp3A, %get3A_282 : vector<16xf32>
        tpu.vector_store_idx %arg21[%select_n3A_316, %add3A_343], %mul3A_344 {add = true} : memref<626x128xf32, #tpu.memory_space<vmem>>[vector<16xi32>, vector<16xi32>], vector<16xf32>,
        %add3A_345 = arith.constant 112 : i32
        %add3A_346 = vector.broadcast %add3A_345 : i32 to vector<16xi32>
        %add3A_347 = arith.addi %iota3A, %add3A_346 : vector<16xi32>
        %mul3A_348 = arith.mulf %exp3A, %get3A_295 : vector<16xf32>
        tpu.vector_store_idx %arg21[%select_n3A_316, %add3A_347], %mul3A_348 {add = true} : memref<626x128xf32, #tpu.memory_space<vmem>>[vector<16xi32>, vector<16xi32>], vector<16xf32>,
        tpu.vector_store_idx %arg22[%select_n3A_316], %exp3A masked %eq3A_112 {add = true} : memref<640xf32, #tpu.memory_space<vmem>>[vector<16xi32>], vector<16xf32>, vector<16xi1>
        %scan3A_349 = arith.constant 0 : i32
        scf.yield %scan3A_349 : i32
      }
      %scan3A_199 = arith.constant 80 : i32
      %while3A_200 = arith.constant 0 : i32
      scf.yield %while3A_200 : i32
    }
    %while3A_168 = arith.constant 1 : i32
    %while3A_169 = scf.for %while3A_177 = %while3A_165 to %while3A_161 step %while3A_168 iter_args(%while3A_178 = %while3A_167) -> (i32)  : i32 {
      %mul3A_179 = arith.constant 80 : i32
      %mul3A_180 = arith.muli %while3A_177, %mul3A_179 : i32
      %add3A_181 = arith.addi %and3A_130, %mul3A_180 : i32
      %multiple_of3A = tpu.assume_multiple %add3A_181, 8 : i32
      "tpu.region"() ({
        %run_scoped3A = tpu.sem_alloc : memref<!tpu.dma_semaphore, #tpu.memory_space<semaphore_mem>>
        %dma_start3A = tpu.memref_slice %arg6[%multiple_of3A] : memref<160160xi32, #tpu.memory_space<hbm>> -> memref<80xi32, #tpu.memory_space<hbm>>
        %dma_start3A_201 = tpu.memref_slice %arg6[%multiple_of3A] : memref<160160xi32, #tpu.memory_space<hbm>> -> memref<80xi32, #tpu.memory_space<hbm>>
        tpu.enqueue_dma source(%dma_start3A_201 : memref<80xi32, #tpu.memory_space<hbm>>) target(%arg14 : memref<80xi32, #tpu.memory_space<vmem>>) target_semaphore(%run_scoped3A : memref<!tpu.dma_semaphore, #tpu.memory_space<semaphore_mem>>)
        %dma_wait3A = tpu.memref_slice %arg6[%multiple_of3A] : memref<160160xi32, #tpu.memory_space<hbm>> -> memref<80xi32, #tpu.memory_space<hbm>>
        %dma_wait3A_202 = tpu.memref_slice %arg6[%multiple_of3A] : memref<160160xi32, #tpu.memory_space<hbm>> -> memref<80xi32, #tpu.memory_space<hbm>>
        tpu.wait_dma2 semaphore(%run_scoped3A : memref<!tpu.dma_semaphore, #tpu.memory_space<semaphore_mem>>) src(%dma_wait3A_202 : memref<80xi32, #tpu.memory_space<hbm>>) dst(%arg14 : memref<80xi32, #tpu.memory_space<vmem>>)
        tpu.yield
      }) : () -> ()
      "tpu.region"() ({
        %run_scoped3A = tpu.sem_alloc : memref<!tpu.dma_semaphore, #tpu.memory_space<semaphore_mem>>
        %dma_start3A = tpu.memref_slice %arg7[%multiple_of3A] : memref<160160xi32, #tpu.memory_space<hbm>> -> memref<80xi32, #tpu.memory_space<hbm>>
        %dma_start3A_201 = tpu.memref_slice %arg7[%multiple_of3A] : memref<160160xi32, #tpu.memory_space<hbm>> -> memref<80xi32, #tpu.memory_space<hbm>>
        tpu.enqueue_dma source(%dma_start3A_201 : memref<80xi32, #tpu.memory_space<hbm>>) target(%arg15 : memref<80xi32, #tpu.memory_space<vmem>>) target_semaphore(%run_scoped3A : memref<!tpu.dma_semaphore, #tpu.memory_space<semaphore_mem>>)
        %dma_wait3A = tpu.memref_slice %arg7[%multiple_of3A] : memref<160160xi32, #tpu.memory_space<hbm>> -> memref<80xi32, #tpu.memory_space<hbm>>
        %dma_wait3A_202 = tpu.memref_slice %arg7[%multiple_of3A] : memref<160160xi32, #tpu.memory_space<hbm>> -> memref<80xi32, #tpu.memory_space<hbm>>
        tpu.wait_dma2 semaphore(%run_scoped3A : memref<!tpu.dma_semaphore, #tpu.memory_space<semaphore_mem>>) src(%dma_wait3A_202 : memref<80xi32, #tpu.memory_space<hbm>>) dst(%arg15 : memref<80xi32, #tpu.memory_space<vmem>>)
        tpu.yield
      }) : () -> ()
      %eq3A_182 = arith.constant 0 : i32
      %eq3A_183 = arith.cmpi eq, %arg0, %eq3A_182 : i32
      %convert_element_type3A_184 = arith.extui %eq3A_183 : i1 to i32
      %cond3A_185 = arith.constant 0 : i32
      %cond3A_186 = arith.cmpi ne, %convert_element_type3A_184, %cond3A_185 : i32
      scf.if %cond3A_186 {
        %dma_start3A = arith.constant 0 : i32
        %dma_start3A_201 = arith.constant 0 : i32
        %dma_start3A_202 = tpu.memref_slice %arg2[%dma_start3A, %dma_start3A_201] : memref<10000x128xf32, #tpu.memory_space<hbm>> -> memref<10000x128xf32, #tpu.memory_space<hbm>>
        tpu.enqueue_indirect_dma source(%dma_start3A_202 : memref<10000x128xf32, #tpu.memory_space<hbm>>) target(%arg16 : memref<80x128xf32, #tpu.memory_space<vmem>>) offsets(%arg14 : memref<80xi32, #tpu.memory_space<vmem>>) semaphore(%arg24 : memref<!tpu.dma_semaphore, #tpu.memory_space<semaphore_mem>>)
        %dma_start3A_203 = arith.constant 0 : i32
        %dma_start3A_204 = arith.constant 0 : i32
        %dma_start3A_205 = tpu.memref_slice %arg4[%dma_start3A_203, %dma_start3A_204] : memref<10000x128xf32, #tpu.memory_space<hbm>> -> memref<10000x128xf32, #tpu.memory_space<hbm>>
        tpu.enqueue_indirect_dma source(%dma_start3A_205 : memref<10000x128xf32, #tpu.memory_space<hbm>>) target(%arg17 : memref<80x128xf32, #tpu.memory_space<vmem>>) offsets(%arg15 : memref<80xi32, #tpu.memory_space<vmem>>) semaphore(%arg24 : memref<!tpu.dma_semaphore, #tpu.memory_space<semaphore_mem>>)
        %dma_wait3A = arith.constant 0 : i32
        %dma_wait3A_206 = arith.constant 0 : i32
        %dma_wait3A_207 = tpu.memref_slice %arg2[%dma_wait3A, %dma_wait3A_206] : memref<10000x128xf32, #tpu.memory_space<hbm>> -> memref<10000x128xf32, #tpu.memory_space<hbm>>
        tpu.wait_indirect_dma semaphore(%arg24 : memref<!tpu.dma_semaphore, #tpu.memory_space<semaphore_mem>>) src(%dma_wait3A_207 : memref<10000x128xf32, #tpu.memory_space<hbm>>) dst(%arg16 : memref<80x128xf32, #tpu.memory_space<vmem>>)
        %dma_wait3A_208 = arith.constant 0 : i32
        %dma_wait3A_209 = arith.constant 0 : i32
        %dma_wait3A_210 = tpu.memref_slice %arg4[%dma_wait3A_208, %dma_wait3A_209] : memref<10000x128xf32, #tpu.memory_space<hbm>> -> memref<10000x128xf32, #tpu.memory_space<hbm>>
        tpu.wait_indirect_dma semaphore(%arg24 : memref<!tpu.dma_semaphore, #tpu.memory_space<semaphore_mem>>) src(%dma_wait3A_210 : memref<10000x128xf32, #tpu.memory_space<hbm>>) dst(%arg17 : memref<80x128xf32, #tpu.memory_space<vmem>>)
      } else {
      }
      %eq3A_187 = arith.constant 1 : i32
      %eq3A_188 = arith.cmpi eq, %arg0, %eq3A_187 : i32
      %convert_element_type3A_189 = arith.extui %eq3A_188 : i1 to i32
      %cond3A_190 = arith.constant 0 : i32
      %cond3A_191 = arith.cmpi ne, %convert_element_type3A_189, %cond3A_190 : i32
      scf.if %cond3A_191 {
        %dma_start3A = arith.constant 0 : i32
        %dma_start3A_201 = arith.constant 0 : i32
        %dma_start3A_202 = tpu.memref_slice %arg3[%dma_start3A, %dma_start3A_201] : memref<10000x128xf32, #tpu.memory_space<hbm>> -> memref<10000x128xf32, #tpu.memory_space<hbm>>
        tpu.enqueue_indirect_dma source(%dma_start3A_202 : memref<10000x128xf32, #tpu.memory_space<hbm>>) target(%arg16 : memref<80x128xf32, #tpu.memory_space<vmem>>) offsets(%arg14 : memref<80xi32, #tpu.memory_space<vmem>>) semaphore(%arg24 : memref<!tpu.dma_semaphore, #tpu.memory_space<semaphore_mem>>)
        %dma_start3A_203 = arith.constant 0 : i32
        %dma_start3A_204 = arith.constant 0 : i32
        %dma_start3A_205 = tpu.memref_slice %arg5[%dma_start3A_203, %dma_start3A_204] : memref<10000x128xf32, #tpu.memory_space<hbm>> -> memref<10000x128xf32, #tpu.memory_space<hbm>>
        tpu.enqueue_indirect_dma source(%dma_start3A_205 : memref<10000x128xf32, #tpu.memory_space<hbm>>) target(%arg17 : memref<80x128xf32, #tpu.memory_space<vmem>>) offsets(%arg15 : memref<80xi32, #tpu.memory_space<vmem>>) semaphore(%arg24 : memref<!tpu.dma_semaphore, #tpu.memory_space<semaphore_mem>>)
        %dma_wait3A = arith.constant 0 : i32
        %dma_wait3A_206 = arith.constant 0 : i32
        %dma_wait3A_207 = tpu.memref_slice %arg3[%dma_wait3A, %dma_wait3A_206] : memref<10000x128xf32, #tpu.memory_space<hbm>> -> memref<10000x128xf32, #tpu.memory_space<hbm>>
        tpu.wait_indirect_dma semaphore(%arg24 : memref<!tpu.dma_semaphore, #tpu.memory_space<semaphore_mem>>) src(%dma_wait3A_207 : memref<10000x128xf32, #tpu.memory_space<hbm>>) dst(%arg16 : memref<80x128xf32, #tpu.memory_space<vmem>>)
        %dma_wait3A_208 = arith.constant 0 : i32
        %dma_wait3A_209 = arith.constant 0 : i32
        %dma_wait3A_210 = tpu.memref_slice %arg5[%dma_wait3A_208, %dma_wait3A_209] : memref<10000x128xf32, #tpu.memory_space<hbm>> -> memref<10000x128xf32, #tpu.memory_space<hbm>>
        tpu.wait_indirect_dma semaphore(%arg24 : memref<!tpu.dma_semaphore, #tpu.memory_space<semaphore_mem>>) src(%dma_wait3A_210 : memref<10000x128xf32, #tpu.memory_space<hbm>>) dst(%arg17 : memref<80x128xf32, #tpu.memory_space<vmem>>)
      } else {
      }
      %broadcast_in_dim3A_192 = vector.broadcast %multiple_of3A : i32 to vector<16xi32>
      %scan3A_193 = arith.constant 0 : i32
      %scan3A_194 = arith.constant 0 : i32
      %scan3A_195 = arith.constant 80 : i32
      %scan3A_196 = arith.addi %scan3A_194, %scan3A_195 : i32
      %scan3A_197 = arith.constant 1 : i32
      %scan3A_198 = scf.for %scan3A_201 = %scan3A_194 to %scan3A_196 step %scan3A_197 iter_args(%scan3A_202 = %scan3A_193) -> (i32)  : i32 {
        %get3A_203 = arith.index_cast %scan3A_201 : i32 to index
        %get3A_204 = arith.constant 0 : index
        %get3A_205 = tpu.vector_load %arg16[%get3A_203, %get3A_204] {strides = array<i32>} : memref<80x128xf32, #tpu.memory_space<vmem>>, vector<16xf32>,
        %get3A_206 = arith.index_cast %scan3A_201 : i32 to index
        %get3A_207 = arith.constant 0 : index
        %get3A_208 = tpu.vector_load %arg17[%get3A_206, %get3A_207] {strides = array<i32>} : memref<80x128xf32, #tpu.memory_space<vmem>>, vector<16xf32>,
        %add3A_209 = arith.addf %get3A_205, %get3A_208 : vector<16xf32>
        %mul3A_210 = arith.constant 2.000000e-01 : f32
        %mul3A_211 = vector.broadcast %mul3A_210 : f32 to vector<16xf32>
        %mul3A_212 = arith.mulf %mul3A_211, %add3A_209 : vector<16xf32>
        %max3A = arith.maximumf %add3A_209, %mul3A_212 : vector<16xf32>
        %mul3A_213 = arith.mulf %max3A, %get3A_95 : vector<16xf32>
        %add3A_214 = arith.addf %broadcast_in_dim3A_0, %mul3A_213 : vector<16xf32>
        %get3A_215 = arith.index_cast %scan3A_201 : i32 to index
        %get3A_216 = arith.constant 16 : index
        %get3A_217 = tpu.vector_load %arg16[%get3A_215, %get3A_216] {strides = array<i32>} : memref<80x128xf32, #tpu.memory_space<vmem>>, vector<16xf32>,
        %get3A_218 = arith.index_cast %scan3A_201 : i32 to index
        %get3A_219 = arith.constant 16 : index
        %get3A_220 = tpu.vector_load %arg17[%get3A_218, %get3A_219] {strides = array<i32>} : memref<80x128xf32, #tpu.memory_space<vmem>>, vector<16xf32>,
        %add3A_221 = arith.addf %get3A_217, %get3A_220 : vector<16xf32>
        %mul3A_222 = arith.constant 2.000000e-01 : f32
        %mul3A_223 = vector.broadcast %mul3A_222 : f32 to vector<16xf32>
        %mul3A_224 = arith.mulf %mul3A_223, %add3A_221 : vector<16xf32>
        %max3A_225 = arith.maximumf %add3A_221, %mul3A_224 : vector<16xf32>
        %mul3A_226 = arith.mulf %max3A_225, %get3A_97 : vector<16xf32>
        %add3A_227 = arith.addf %add3A_214, %mul3A_226 : vector<16xf32>
        %get3A_228 = arith.index_cast %scan3A_201 : i32 to index
        %get3A_229 = arith.constant 32 : index
        %get3A_230 = tpu.vector_load %arg16[%get3A_228, %get3A_229] {strides = array<i32>} : memref<80x128xf32, #tpu.memory_space<vmem>>, vector<16xf32>,
        %get3A_231 = arith.index_cast %scan3A_201 : i32 to index
        %get3A_232 = arith.constant 32 : index
        %get3A_233 = tpu.vector_load %arg17[%get3A_231, %get3A_232] {strides = array<i32>} : memref<80x128xf32, #tpu.memory_space<vmem>>, vector<16xf32>,
        %add3A_234 = arith.addf %get3A_230, %get3A_233 : vector<16xf32>
        %mul3A_235 = arith.constant 2.000000e-01 : f32
        %mul3A_236 = vector.broadcast %mul3A_235 : f32 to vector<16xf32>
        %mul3A_237 = arith.mulf %mul3A_236, %add3A_234 : vector<16xf32>
        %max3A_238 = arith.maximumf %add3A_234, %mul3A_237 : vector<16xf32>
        %mul3A_239 = arith.mulf %max3A_238, %get3A_99 : vector<16xf32>
        %add3A_240 = arith.addf %add3A_227, %mul3A_239 : vector<16xf32>
        %get3A_241 = arith.index_cast %scan3A_201 : i32 to index
        %get3A_242 = arith.constant 48 : index
        %get3A_243 = tpu.vector_load %arg16[%get3A_241, %get3A_242] {strides = array<i32>} : memref<80x128xf32, #tpu.memory_space<vmem>>, vector<16xf32>,
        %get3A_244 = arith.index_cast %scan3A_201 : i32 to index
        %get3A_245 = arith.constant 48 : index
        %get3A_246 = tpu.vector_load %arg17[%get3A_244, %get3A_245] {strides = array<i32>} : memref<80x128xf32, #tpu.memory_space<vmem>>, vector<16xf32>,
        %add3A_247 = arith.addf %get3A_243, %get3A_246 : vector<16xf32>
        %mul3A_248 = arith.constant 2.000000e-01 : f32
        %mul3A_249 = vector.broadcast %mul3A_248 : f32 to vector<16xf32>
        %mul3A_250 = arith.mulf %mul3A_249, %add3A_247 : vector<16xf32>
        %max3A_251 = arith.maximumf %add3A_247, %mul3A_250 : vector<16xf32>
        %mul3A_252 = arith.mulf %max3A_251, %get3A_101 : vector<16xf32>
        %add3A_253 = arith.addf %add3A_240, %mul3A_252 : vector<16xf32>
        %get3A_254 = arith.index_cast %scan3A_201 : i32 to index
        %get3A_255 = arith.constant 64 : index
        %get3A_256 = tpu.vector_load %arg16[%get3A_254, %get3A_255] {strides = array<i32>} : memref<80x128xf32, #tpu.memory_space<vmem>>, vector<16xf32>,
        %get3A_257 = arith.index_cast %scan3A_201 : i32 to index
        %get3A_258 = arith.constant 64 : index
        %get3A_259 = tpu.vector_load %arg17[%get3A_257, %get3A_258] {strides = array<i32>} : memref<80x128xf32, #tpu.memory_space<vmem>>, vector<16xf32>,
        %add3A_260 = arith.addf %get3A_256, %get3A_259 : vector<16xf32>
        %mul3A_261 = arith.constant 2.000000e-01 : f32
        %mul3A_262 = vector.broadcast %mul3A_261 : f32 to vector<16xf32>
        %mul3A_263 = arith.mulf %mul3A_262, %add3A_260 : vector<16xf32>
        %max3A_264 = arith.maximumf %add3A_260, %mul3A_263 : vector<16xf32>
        %mul3A_265 = arith.mulf %max3A_264, %get3A_103 : vector<16xf32>
        %add3A_266 = arith.addf %add3A_253, %mul3A_265 : vector<16xf32>
        %get3A_267 = arith.index_cast %scan3A_201 : i32 to index
        %get3A_268 = arith.constant 80 : index
        %get3A_269 = tpu.vector_load %arg16[%get3A_267, %get3A_268] {strides = array<i32>} : memref<80x128xf32, #tpu.memory_space<vmem>>, vector<16xf32>,
        %get3A_270 = arith.index_cast %scan3A_201 : i32 to index
        %get3A_271 = arith.constant 80 : index
        %get3A_272 = tpu.vector_load %arg17[%get3A_270, %get3A_271] {strides = array<i32>} : memref<80x128xf32, #tpu.memory_space<vmem>>, vector<16xf32>,
        %add3A_273 = arith.addf %get3A_269, %get3A_272 : vector<16xf32>
        %mul3A_274 = arith.constant 2.000000e-01 : f32
        %mul3A_275 = vector.broadcast %mul3A_274 : f32 to vector<16xf32>
        %mul3A_276 = arith.mulf %mul3A_275, %add3A_273 : vector<16xf32>
        %max3A_277 = arith.maximumf %add3A_273, %mul3A_276 : vector<16xf32>
        %mul3A_278 = arith.mulf %max3A_277, %get3A_105 : vector<16xf32>
        %add3A_279 = arith.addf %add3A_266, %mul3A_278 : vector<16xf32>
        %get3A_280 = arith.index_cast %scan3A_201 : i32 to index
        %get3A_281 = arith.constant 96 : index
        %get3A_282 = tpu.vector_load %arg16[%get3A_280, %get3A_281] {strides = array<i32>} : memref<80x128xf32, #tpu.memory_space<vmem>>, vector<16xf32>,
        %get3A_283 = arith.index_cast %scan3A_201 : i32 to index
        %get3A_284 = arith.constant 96 : index
        %get3A_285 = tpu.vector_load %arg17[%get3A_283, %get3A_284] {strides = array<i32>} : memref<80x128xf32, #tpu.memory_space<vmem>>, vector<16xf32>,
        %add3A_286 = arith.addf %get3A_282, %get3A_285 : vector<16xf32>
        %mul3A_287 = arith.constant 2.000000e-01 : f32
        %mul3A_288 = vector.broadcast %mul3A_287 : f32 to vector<16xf32>
        %mul3A_289 = arith.mulf %mul3A_288, %add3A_286 : vector<16xf32>
        %max3A_290 = arith.maximumf %add3A_286, %mul3A_289 : vector<16xf32>
        %mul3A_291 = arith.mulf %max3A_290, %get3A_107 : vector<16xf32>
        %add3A_292 = arith.addf %add3A_279, %mul3A_291 : vector<16xf32>
        %get3A_293 = arith.index_cast %scan3A_201 : i32 to index
        %get3A_294 = arith.constant 112 : index
        %get3A_295 = tpu.vector_load %arg16[%get3A_293, %get3A_294] {strides = array<i32>} : memref<80x128xf32, #tpu.memory_space<vmem>>, vector<16xf32>,
        %get3A_296 = arith.index_cast %scan3A_201 : i32 to index
        %get3A_297 = arith.constant 112 : index
        %get3A_298 = tpu.vector_load %arg17[%get3A_296, %get3A_297] {strides = array<i32>} : memref<80x128xf32, #tpu.memory_space<vmem>>, vector<16xf32>,
        %add3A_299 = arith.addf %get3A_295, %get3A_298 : vector<16xf32>
        %mul3A_300 = arith.constant 2.000000e-01 : f32
        %mul3A_301 = vector.broadcast %mul3A_300 : f32 to vector<16xf32>
        %mul3A_302 = arith.mulf %mul3A_301, %add3A_299 : vector<16xf32>
        %max3A_303 = arith.maximumf %add3A_299, %mul3A_302 : vector<16xf32>
        %mul3A_304 = arith.mulf %max3A_303, %get3A_109 : vector<16xf32>
        %add3A_305 = arith.addf %add3A_292, %mul3A_304 : vector<16xf32>
        %reduce_sum3A_306 = arith.constant true
        %reduce_sum3A_307 = vector.broadcast %reduce_sum3A_306 : i1 to vector<16xi1>
        %reduce_sum3A_308 = tpu.scan <sum>, %add3A_305 masked %reduce_sum3A_307 : vector<16xf32>, vector<16xi1> -> vector<16xf32>
        %reduce_sum3A_309 = vector.extract %reduce_sum3A_308[15] : f32 from vector<16xf32>
        %broadcast_in_dim3A_310 = vector.broadcast %reduce_sum3A_309 : f32 to vector<16xf32>
        %exp3A = math.exp %broadcast_in_dim3A_310 : vector<16xf32>
        %add3A_311 = vector.broadcast %scan3A_201 : i32 to vector<16xi32>
        %add3A_312 = arith.addi %broadcast_in_dim3A_192, %add3A_311 : vector<16xi32>
        %ge3A = arith.cmpi sge, %add3A_312, %broadcast_in_dim3A_155 : vector<16xi32>
        %lt3A = arith.cmpi slt, %add3A_312, %broadcast_in_dim3A_156 : vector<16xi32>
        %and3A_313 = arith.andi %ge3A, %lt3A : vector<16xi1>
        %broadcast_in_dim3A_314 = vector.broadcast %scan3A_201 : i32 to vector<16xi32>
        %gather3A = tpu.vector_load_idx %arg15[%broadcast_in_dim3A_314] : memref<80xi32, #tpu.memory_space<vmem>>[vector<16xi32>], vector<16xi32>,
        %sub3A_315 = arith.subi %gather3A, %broadcast_in_dim3A_154 : vector<16xi32>
        %select_n3A_316 = arith.select %and3A_313, %sub3A_315, %broadcast_in_dim3A_158 : vector<16xi1>, vector<16xi32>
        %add3A_317 = arith.constant 0 : i32
        %add3A_318 = vector.broadcast %add3A_317 : i32 to vector<16xi32>
        %add3A_319 = arith.addi %iota3A, %add3A_318 : vector<16xi32>
        %mul3A_320 = arith.mulf %exp3A, %get3A_205 : vector<16xf32>
        tpu.vector_store_idx %arg21[%select_n3A_316, %add3A_319], %mul3A_320 {add = true} : memref<626x128xf32, #tpu.memory_space<vmem>>[vector<16xi32>, vector<16xi32>], vector<16xf32>,
        %add3A_321 = arith.constant 16 : i32
        %add3A_322 = vector.broadcast %add3A_321 : i32 to vector<16xi32>
        %add3A_323 = arith.addi %iota3A, %add3A_322 : vector<16xi32>
        %mul3A_324 = arith.mulf %exp3A, %get3A_217 : vector<16xf32>
        tpu.vector_store_idx %arg21[%select_n3A_316, %add3A_323], %mul3A_324 {add = true} : memref<626x128xf32, #tpu.memory_space<vmem>>[vector<16xi32>, vector<16xi32>], vector<16xf32>,
        %add3A_325 = arith.constant 32 : i32
        %add3A_326 = vector.broadcast %add3A_325 : i32 to vector<16xi32>
        %add3A_327 = arith.addi %iota3A, %add3A_326 : vector<16xi32>
        %mul3A_328 = arith.mulf %exp3A, %get3A_230 : vector<16xf32>
        tpu.vector_store_idx %arg21[%select_n3A_316, %add3A_327], %mul3A_328 {add = true} : memref<626x128xf32, #tpu.memory_space<vmem>>[vector<16xi32>, vector<16xi32>], vector<16xf32>,
        %add3A_329 = arith.constant 48 : i32
        %add3A_330 = vector.broadcast %add3A_329 : i32 to vector<16xi32>
        %add3A_331 = arith.addi %iota3A, %add3A_330 : vector<16xi32>
        %mul3A_332 = arith.mulf %exp3A, %get3A_243 : vector<16xf32>
        tpu.vector_store_idx %arg21[%select_n3A_316, %add3A_331], %mul3A_332 {add = true} : memref<626x128xf32, #tpu.memory_space<vmem>>[vector<16xi32>, vector<16xi32>], vector<16xf32>,
        %add3A_333 = arith.constant 64 : i32
        %add3A_334 = vector.broadcast %add3A_333 : i32 to vector<16xi32>
        %add3A_335 = arith.addi %iota3A, %add3A_334 : vector<16xi32>
        %mul3A_336 = arith.mulf %exp3A, %get3A_256 : vector<16xf32>
        tpu.vector_store_idx %arg21[%select_n3A_316, %add3A_335], %mul3A_336 {add = true} : memref<626x128xf32, #tpu.memory_space<vmem>>[vector<16xi32>, vector<16xi32>], vector<16xf32>,
        %add3A_337 = arith.constant 80 : i32
        %add3A_338 = vector.broadcast %add3A_337 : i32 to vector<16xi32>
        %add3A_339 = arith.addi %iota3A, %add3A_338 : vector<16xi32>
        %mul3A_340 = arith.mulf %exp3A, %get3A_269 : vector<16xf32>
        tpu.vector_store_idx %arg21[%select_n3A_316, %add3A_339], %mul3A_340 {add = true} : memref<626x128xf32, #tpu.memory_space<vmem>>[vector<16xi32>, vector<16xi32>], vector<16xf32>,
        %add3A_341 = arith.constant 96 : i32
        %add3A_342 = vector.broadcast %add3A_341 : i32 to vector<16xi32>
        %add3A_343 = arith.addi %iota3A, %add3A_342 : vector<16xi32>
        %mul3A_344 = arith.mulf %exp3A, %get3A_282 : vector<16xf32>
        tpu.vector_store_idx %arg21[%select_n3A_316, %add3A_343], %mul3A_344 {add = true} : memref<626x128xf32, #tpu.memory_space<vmem>>[vector<16xi32>, vector<16xi32>], vector<16xf32>,
        %add3A_345 = arith.constant 112 : i32
        %add3A_346 = vector.broadcast %add3A_345 : i32 to vector<16xi32>
        %add3A_347 = arith.addi %iota3A, %add3A_346 : vector<16xi32>
        %mul3A_348 = arith.mulf %exp3A, %get3A_295 : vector<16xf32>
        tpu.vector_store_idx %arg21[%select_n3A_316, %add3A_347], %mul3A_348 {add = true} : memref<626x128xf32, #tpu.memory_space<vmem>>[vector<16xi32>, vector<16xi32>], vector<16xf32>,
        tpu.vector_store_idx %arg22[%select_n3A_316], %exp3A masked %eq3A_112 {add = true} : memref<640xf32, #tpu.memory_space<vmem>>[vector<16xi32>], vector<16xf32>, vector<16xi1>
        %scan3A_349 = arith.constant 0 : i32
        scf.yield %scan3A_349 : i32
      }
      %scan3A_199 = arith.constant 80 : i32
      %while3A_200 = arith.constant 0 : i32
      scf.yield %while3A_200 : i32
    }
    %scan3A_170 = arith.constant 0 : i32
    %scan3A_171 = arith.constant 0 : i32
    %scan3A_172 = arith.constant 5 : i32
    %scan3A_173 = arith.addi %scan3A_171, %scan3A_172 : i32
    %scan3A_174 = arith.constant 1 : i32
    %scan3A_175 = scf.for %scan3A_177 = %scan3A_171 to %scan3A_173 step %scan3A_174 iter_args(%scan3A_178 = %scan3A_170) -> (i32)  : i32 {
      %mul3A_179 = arith.constant 125 : i32
      %mul3A_180 = arith.muli %scan3A_177, %mul3A_179 : i32
      %scan3A_181 = arith.constant 0 : i32
      %scan3A_182 = arith.constant 0 : i32
      %scan3A_183 = arith.constant 125 : i32
      %scan3A_184 = arith.addi %scan3A_182, %scan3A_183 : i32
      %scan3A_185 = arith.constant 1 : i32
      %scan3A_186 = scf.for %scan3A_204 = %scan3A_182 to %scan3A_184 step %scan3A_185 iter_args(%scan3A_205 = %scan3A_181) -> (i32)  : i32 {
        %add3A_206 = arith.addi %mul3A_180, %scan3A_204 : i32
        %broadcast_in_dim3A_207 = vector.broadcast %add3A_206 : i32 to vector<16xi32>
        %gather3A = tpu.vector_load_idx %arg22[%broadcast_in_dim3A_207] : memref<640xf32, #tpu.memory_space<vmem>>[vector<16xi32>], vector<16xf32>,
        %add3A_208 = arith.constant 1.000000e-16 : f32
        %add3A_209 = vector.broadcast %add3A_208 : f32 to vector<16xf32>
        %add3A_210 = arith.addf %gather3A, %add3A_209 : vector<16xf32>
        %mul3A_211 = arith.constant 128 : i32
        %mul3A_212 = arith.muli %scan3A_204, %mul3A_211 : i32
        %scan3A_213 = arith.constant 0 : i32
        %scan3A_214 = arith.constant 0 : i32
        %scan3A_215 = arith.constant 8 : i32
        %scan3A_216 = arith.addi %scan3A_214, %scan3A_215 : i32
        %scan3A_217 = arith.constant 1 : i32
        %scan3A_218 = scf.for %scan3A_220 = %scan3A_214 to %scan3A_216 step %scan3A_217 iter_args(%scan3A_221 = %scan3A_213) -> (i32)  : i32 {
          %mul3A_222 = arith.constant 16 : i32
          %mul3A_223 = arith.muli %scan3A_220, %mul3A_222 : i32
          %multiple_of3A_224 = tpu.assume_multiple %mul3A_223, 16 : i32
          %get3A_225 = arith.index_cast %add3A_206 : i32 to index
          %get3A_226 = arith.index_cast %multiple_of3A_224 : i32 to index
          %get3A_227 = tpu.vector_load %arg21[%get3A_225, %get3A_226] {strides = array<i32>} : memref<626x128xf32, #tpu.memory_space<vmem>>, vector<16xf32>,
          %div3A_228 = arith.divf %get3A_227, %add3A_210 : vector<16xf32>
          %mul3A_229 = arith.constant 16 : i32
          %mul3A_230 = arith.muli %scan3A_220, %mul3A_229 : i32
          %add3A_231 = arith.addi %mul3A_212, %mul3A_230 : i32
          %multiple_of3A_232 = tpu.assume_multiple %add3A_231, 16 : i32
          %swap3A_233 = arith.index_cast %multiple_of3A_232 : i32 to index
          %swap3A_234 = tpu.vector_load %arg23[%swap3A_233] {strides = array<i32>} : memref<16000xf32, #tpu.memory_space<vmem>>, vector<16xf32>,
          tpu.vector_store %arg23[%swap3A_233], %div3A_228 {strides = array<i32>} : memref<16000xf32, #tpu.memory_space<vmem>>, vector<16xf32>,
          %scan3A_235 = arith.constant 0 : i32
          scf.yield %scan3A_235 : i32
        }
        %scan3A_219 = arith.constant 8 : i32
        scf.yield %scan3A_218 : i32
      }
      %scan3A_187 = arith.constant 125 : i32
      %mul3A_188 = arith.constant 625 : i32
      %mul3A_189 = arith.muli %arg1, %mul3A_188 : i32
      %add3A_190 = arith.addi %mul3A_189, %mul3A_180 : i32
      %mul3A_191 = arith.constant 128 : i32
      %mul3A_192 = arith.muli %add3A_190, %mul3A_191 : i32
      %multiple_of3A = tpu.assume_multiple %mul3A_192, 8 : i32
      %eq3A_193 = arith.constant 0 : i32
      %eq3A_194 = arith.cmpi eq, %arg0, %eq3A_193 : i32
      %convert_element_type3A_195 = arith.extui %eq3A_194 : i1 to i32
      %cond3A_196 = arith.constant 0 : i32
      %cond3A_197 = arith.cmpi ne, %convert_element_type3A_195, %cond3A_196 : i32
      scf.if %cond3A_197 {
        "tpu.region"() ({
          %run_scoped3A = tpu.sem_alloc : memref<!tpu.dma_semaphore, #tpu.memory_space<semaphore_mem>>
          %dma_start3A = tpu.memref_slice %arg12[%multiple_of3A] : memref<1280000xf32, #tpu.memory_space<hbm>> -> memref<16000xf32, #tpu.memory_space<hbm>>
          %dma_start3A_204 = tpu.memref_slice %arg12[%multiple_of3A] : memref<1280000xf32, #tpu.memory_space<hbm>> -> memref<16000xf32, #tpu.memory_space<hbm>>
          tpu.enqueue_dma source(%arg23 : memref<16000xf32, #tpu.memory_space<vmem>>) target(%dma_start3A_204 : memref<16000xf32, #tpu.memory_space<hbm>>) target_semaphore(%run_scoped3A : memref<!tpu.dma_semaphore, #tpu.memory_space<semaphore_mem>>)
          %dma_wait3A = tpu.memref_slice %arg12[%multiple_of3A] : memref<1280000xf32, #tpu.memory_space<hbm>> -> memref<16000xf32, #tpu.memory_space<hbm>>
          %dma_wait3A_205 = tpu.memref_slice %arg12[%multiple_of3A] : memref<1280000xf32, #tpu.memory_space<hbm>> -> memref<16000xf32, #tpu.memory_space<hbm>>
          tpu.wait_dma2 semaphore(%run_scoped3A : memref<!tpu.dma_semaphore, #tpu.memory_space<semaphore_mem>>) src(%arg23 : memref<16000xf32, #tpu.memory_space<vmem>>) dst(%dma_wait3A_205 : memref<16000xf32, #tpu.memory_space<hbm>>)
          tpu.yield
        }) : () -> ()
      } else {
      }
      %eq3A_198 = arith.constant 1 : i32
      %eq3A_199 = arith.cmpi eq, %arg0, %eq3A_198 : i32
      %convert_element_type3A_200 = arith.extui %eq3A_199 : i1 to i32
      %cond3A_201 = arith.constant 0 : i32
      %cond3A_202 = arith.cmpi ne, %convert_element_type3A_200, %cond3A_201 : i32
      scf.if %cond3A_202 {
        "tpu.region"() ({
          %run_scoped3A = tpu.sem_alloc : memref<!tpu.dma_semaphore, #tpu.memory_space<semaphore_mem>>
          %dma_start3A = tpu.memref_slice %arg13[%multiple_of3A] : memref<1280000xf32, #tpu.memory_space<hbm>> -> memref<16000xf32, #tpu.memory_space<hbm>>
          %dma_start3A_204 = tpu.memref_slice %arg13[%multiple_of3A] : memref<1280000xf32, #tpu.memory_space<hbm>> -> memref<16000xf32, #tpu.memory_space<hbm>>
          tpu.enqueue_dma source(%arg23 : memref<16000xf32, #tpu.memory_space<vmem>>) target(%dma_start3A_204 : memref<16000xf32, #tpu.memory_space<hbm>>) target_semaphore(%run_scoped3A : memref<!tpu.dma_semaphore, #tpu.memory_space<semaphore_mem>>)
          %dma_wait3A = tpu.memref_slice %arg13[%multiple_of3A] : memref<1280000xf32, #tpu.memory_space<hbm>> -> memref<16000xf32, #tpu.memory_space<hbm>>
          %dma_wait3A_205 = tpu.memref_slice %arg13[%multiple_of3A] : memref<1280000xf32, #tpu.memory_space<hbm>> -> memref<16000xf32, #tpu.memory_space<hbm>>
          tpu.wait_dma2 semaphore(%run_scoped3A : memref<!tpu.dma_semaphore, #tpu.memory_space<semaphore_mem>>) src(%arg23 : memref<16000xf32, #tpu.memory_space<vmem>>) dst(%dma_wait3A_205 : memref<16000xf32, #tpu.memory_space<hbm>>)
          tpu.yield
        }) : () -> ()
      } else {
      }
      %scan3A_203 = arith.constant 0 : i32
      scf.yield %scan3A_203 : i32
    }
    %scan3A_176 = arith.constant 5 : i32
    return
  }
}

module attributes {stable_mosaic.version = 14 : i64} {
  func.func @_proj_body(%arg0: i32, %arg1: memref<1000x128xf32, #tpu.memory_space<vmem>>, %arg2: memref<128x512xf32, #tpu.memory_space<vmem>>, %arg3: memref<1000x128xf32, #tpu.memory_space<vmem>>, %arg4: memref<1000x128xf32, #tpu.memory_space<vmem>>, %arg5: memref<1000x128xf32, #tpu.memory_space<vmem>>, %arg6: memref<1000x128xf32, #tpu.memory_space<vmem>>) attributes {dimension_semantics = [#tpu.dimension_semantics<arbitrary>], iteration_bounds = array<i64: 10>, scalar_prefetch = 0 : i64, scratch_operands = 0 : i64, tpu.core_type = #tpu.core_type<tc>, window_params = [{transform_indices = @transform_0, window_bounds = array<i64: 1000, 128>}, {pipeline_mode = #tpu.pipeline_mode<synchronous>, transform_indices = @transform_1, window_bounds = array<i64: 128, 512>}, {transform_indices = @transform_2, window_bounds = array<i64: 1000, 128>}, {transform_indices = @transform_3, window_bounds = array<i64: 1000, 128>}, {transform_indices = @transform_4, window_bounds = array<i64: 1000, 128>}, {transform_indices = @transform_5, window_bounds = array<i64: 1000, 128>}]} {
    %get3A = arith.constant 0 : index
    %get3A_0 = arith.constant 0 : index
    %get3A_1 = vector.load %arg1[%get3A, %get3A_0] : memref<1000x128xf32, #tpu.memory_space<vmem>>, vector<1000x128xf32>
    %get3A_2 = arith.constant 0 : index
    %get3A_3 = arith.constant 0 : index
    %get3A_4 = vector.load %arg2[%get3A_2, %get3A_3] : memref<128x512xf32, #tpu.memory_space<vmem>>, vector<128x512xf32>
    %dot_general3A = arith.constant dense<0.000000e+00> : vector<1000x512xf32>
    %dot_general3A_5 = tpu.matmul %get3A_1, %get3A_4, %dot_general3A {dimension_numbers = #tpu.dot_dimension_numbers<[1], [0], [0], [1], [0, 0, 1, 1], [], []>, transpose_lhs_hint = false} : vector<1000x128xf32>, vector<128x512xf32>, vector<1000x512xf32> -> vector<1000x512xf32>
    %slice3A = vector.extract_strided_slice %dot_general3A_5 {offsets = [0, 0], sizes = [1000, 128], strides = [1, 1]} : vector<1000x512xf32> to vector<1000x128xf32>
    %swap3A = arith.constant 0 : index
    %swap3A_6 = arith.constant 0 : index
    %swap3A_7 = vector.load %arg3[%swap3A, %swap3A_6] : memref<1000x128xf32, #tpu.memory_space<vmem>>, vector<1000x128xf32>
    tpu.vector_store %arg3[%swap3A, %swap3A_6], %slice3A {strides = array<i32>} : memref<1000x128xf32, #tpu.memory_space<vmem>>, vector<1000x128xf32>,
    %slice3A_8 = vector.extract_strided_slice %dot_general3A_5 {offsets = [0, 128], sizes = [1000, 128], strides = [1, 1]} : vector<1000x512xf32> to vector<1000x128xf32>
    %swap3A_9 = arith.constant 0 : index
    %swap3A_10 = arith.constant 0 : index
    %swap3A_11 = vector.load %arg4[%swap3A_9, %swap3A_10] : memref<1000x128xf32, #tpu.memory_space<vmem>>, vector<1000x128xf32>
    tpu.vector_store %arg4[%swap3A_9, %swap3A_10], %slice3A_8 {strides = array<i32>} : memref<1000x128xf32, #tpu.memory_space<vmem>>, vector<1000x128xf32>,
    %slice3A_12 = vector.extract_strided_slice %dot_general3A_5 {offsets = [0, 256], sizes = [1000, 128], strides = [1, 1]} : vector<1000x512xf32> to vector<1000x128xf32>
    %swap3A_13 = arith.constant 0 : index
    %swap3A_14 = arith.constant 0 : index
    %swap3A_15 = vector.load %arg5[%swap3A_13, %swap3A_14] : memref<1000x128xf32, #tpu.memory_space<vmem>>, vector<1000x128xf32>
    tpu.vector_store %arg5[%swap3A_13, %swap3A_14], %slice3A_12 {strides = array<i32>} : memref<1000x128xf32, #tpu.memory_space<vmem>>, vector<1000x128xf32>,
    %slice3A_16 = vector.extract_strided_slice %dot_general3A_5 {offsets = [0, 384], sizes = [1000, 128], strides = [1, 1]} : vector<1000x512xf32> to vector<1000x128xf32>
    %swap3A_17 = arith.constant 0 : index
    %swap3A_18 = arith.constant 0 : index
    %swap3A_19 = vector.load %arg6[%swap3A_17, %swap3A_18] : memref<1000x128xf32, #tpu.memory_space<vmem>>, vector<1000x128xf32>
    tpu.vector_store %arg6[%swap3A_17, %swap3A_18], %slice3A_16 {strides = array<i32>} : memref<1000x128xf32, #tpu.memory_space<vmem>>, vector<1000x128xf32>,
    return
  }
  func.func @transform_0(%arg0: i32) -> (i32, i32) {
    %c0_i32 = arith.constant 0 : i32
    %c0_i32_0 = arith.constant 0 : i32
    return %arg0, %c0_i32 : i32, i32
  }
  func.func @transform_1(%arg0: i32) -> (i32, i32) {
    %c0_i32 = arith.constant 0 : i32
    %c0_i32_0 = arith.constant 0 : i32
    %c0_i32_1 = arith.constant 0 : i32
    return %c0_i32, %c0_i32_0 : i32, i32
  }
  func.func @transform_2(%arg0: i32) -> (i32, i32) {
    %c0_i32 = arith.constant 0 : i32
    %c0_i32_0 = arith.constant 0 : i32
    return %arg0, %c0_i32 : i32, i32
  }
  func.func @transform_3(%arg0: i32) -> (i32, i32) {
    %c0_i32 = arith.constant 0 : i32
    %c0_i32_0 = arith.constant 0 : i32
    return %arg0, %c0_i32 : i32, i32
  }
  func.func @transform_4(%arg0: i32) -> (i32, i32) {
    %c0_i32 = arith.constant 0 : i32
    %c0_i32_0 = arith.constant 0 : i32
    return %arg0, %c0_i32 : i32, i32
  }
  func.func @transform_5(%arg0: i32) -> (i32, i32) {
    %c0_i32 = arith.constant 0 : i32
    %c0_i32_0 = arith.constant 0 : i32
    return %arg0, %c0_i32 : i32, i32
  }
}

module attributes {stable_mosaic.version = 14 : i64} {
  func.func @_epilogue_body(%arg0: i32, %arg1: memref<1000x128xf32, #tpu.memory_space<vmem>>, %arg2: memref<1000x128xf32, #tpu.memory_space<vmem>>, %arg3: memref<1x128xf32, #tpu.memory_space<vmem>>, %arg4: memref<1000x128xf32, #tpu.memory_space<vmem>>) attributes {dimension_semantics = [#tpu.dimension_semantics<arbitrary>], iteration_bounds = array<i64: 10>, scalar_prefetch = 0 : i64, scratch_operands = 0 : i64, tpu.core_type = #tpu.core_type<tc>, window_params = [{transform_indices = @transform_0, window_bounds = array<i64: 1000, 128>}, {transform_indices = @transform_1, window_bounds = array<i64: 1000, 128>}, {pipeline_mode = #tpu.pipeline_mode<synchronous>, transform_indices = @transform_2, window_bounds = array<i64: 1, 128>}, {transform_indices = @transform_3, window_bounds = array<i64: 1000, 128>}]} {
    %get3A = arith.constant 0 : index
    %get3A_0 = arith.constant 0 : index
    %get3A_1 = vector.load %arg1[%get3A, %get3A_0] : memref<1000x128xf32, #tpu.memory_space<vmem>>, vector<1000x128xf32>
    %get3A_2 = arith.constant 0 : index
    %get3A_3 = arith.constant 0 : index
    %get3A_4 = vector.load %arg2[%get3A_2, %get3A_3] : memref<1000x128xf32, #tpu.memory_space<vmem>>, vector<1000x128xf32>
    %add3A = arith.addf %get3A_1, %get3A_4 : vector<1000x128xf32>
    %mul3A = arith.constant 5.000000e-01 : f32
    %mul3A_5 = vector.broadcast %mul3A : f32 to vector<1000x128xf32>
    %mul3A_6 = arith.mulf %add3A, %mul3A_5 : vector<1000x128xf32>
    %get3A_7 = arith.constant 0 : index
    %get3A_8 = arith.constant 0 : index
    %get3A_9 = vector.load %arg3[%get3A_7, %get3A_8] : memref<1x128xf32, #tpu.memory_space<vmem>>, vector<1x128xf32>
    %add3A_10 = vector.broadcast %get3A_9 : vector<1x128xf32> to vector<1000x128xf32>
    %add3A_11 = arith.addf %mul3A_6, %add3A_10 : vector<1000x128xf32>
    %mul3A_12 = arith.constant 0.00999999977 : f32
    %mul3A_13 = vector.broadcast %mul3A_12 : f32 to vector<1000x128xf32>
    %mul3A_14 = arith.mulf %mul3A_13, %add3A_11 : vector<1000x128xf32>
    %max3A = arith.maximumf %add3A_11, %mul3A_14 : vector<1000x128xf32>
    %swap3A = arith.constant 0 : index
    %swap3A_15 = arith.constant 0 : index
    %swap3A_16 = vector.load %arg4[%swap3A, %swap3A_15] : memref<1000x128xf32, #tpu.memory_space<vmem>>, vector<1000x128xf32>
    tpu.vector_store %arg4[%swap3A, %swap3A_15], %max3A {strides = array<i32>} : memref<1000x128xf32, #tpu.memory_space<vmem>>, vector<1000x128xf32>,
    return
  }
  func.func @transform_0(%arg0: i32) -> (i32, i32) {
    %c0_i32 = arith.constant 0 : i32
    %c0_i32_0 = arith.constant 0 : i32
    return %arg0, %c0_i32 : i32, i32
  }
  func.func @transform_1(%arg0: i32) -> (i32, i32) {
    %c0_i32 = arith.constant 0 : i32
    %c0_i32_0 = arith.constant 0 : i32
    return %arg0, %c0_i32 : i32, i32
  }
  func.func @transform_2(%arg0: i32) -> (i32, i32) {
    %c0_i32 = arith.constant 0 : i32
    %c0_i32_0 = arith.constant 0 : i32
    %c0_i32_1 = arith.constant 0 : i32
    return %c0_i32, %c0_i32_0 : i32, i32
  }
  func.func @transform_3(%arg0: i32) -> (i32, i32) {
    %c0_i32 = arith.constant 0 : i32
    %c0_i32_0 = arith.constant 0 : i32
    return %arg0, %c0_i32 : i32, i32
  }
}

module attributes {stable_mosaic.version = 14 : i64} {
  func.func @_final_body(%arg0: i32, %arg1: memref<1000x128xf32, #tpu.memory_space<vmem>>, %arg2: memref<128x128xf32, #tpu.memory_space<vmem>>, %arg3: memref<1x128xf32, #tpu.memory_space<vmem>>, %arg4: memref<1000x128xf32, #tpu.memory_space<vmem>>) attributes {dimension_semantics = [#tpu.dimension_semantics<arbitrary>], iteration_bounds = array<i64: 10>, scalar_prefetch = 0 : i64, scratch_operands = 0 : i64, tpu.core_type = #tpu.core_type<tc>, window_params = [{transform_indices = @transform_0, window_bounds = array<i64: 1000, 128>}, {pipeline_mode = #tpu.pipeline_mode<synchronous>, transform_indices = @transform_1, window_bounds = array<i64: 128, 128>}, {pipeline_mode = #tpu.pipeline_mode<synchronous>, transform_indices = @transform_2, window_bounds = array<i64: 1, 128>}, {transform_indices = @transform_3, window_bounds = array<i64: 1000, 128>}]} {
    %get3A = arith.constant 0 : index
    %get3A_0 = arith.constant 0 : index
    %get3A_1 = vector.load %arg1[%get3A, %get3A_0] : memref<1000x128xf32, #tpu.memory_space<vmem>>, vector<1000x128xf32>
    %get3A_2 = arith.constant 0 : index
    %get3A_3 = arith.constant 0 : index
    %get3A_4 = vector.load %arg2[%get3A_2, %get3A_3] : memref<128x128xf32, #tpu.memory_space<vmem>>, vector<128x128xf32>
    %dot_general3A = arith.constant dense<0.000000e+00> : vector<1000x128xf32>
    %dot_general3A_5 = tpu.matmul %get3A_1, %get3A_4, %dot_general3A {dimension_numbers = #tpu.dot_dimension_numbers<[1], [0], [0], [1], [0, 0, 1, 1], [], []>, transpose_lhs_hint = false} : vector<1000x128xf32>, vector<128x128xf32>, vector<1000x128xf32> -> vector<1000x128xf32>
    %get3A_6 = arith.constant 0 : index
    %get3A_7 = arith.constant 0 : index
    %get3A_8 = vector.load %arg3[%get3A_6, %get3A_7] : memref<1x128xf32, #tpu.memory_space<vmem>>, vector<1x128xf32>
    %add3A = vector.broadcast %get3A_8 : vector<1x128xf32> to vector<1000x128xf32>
    %add3A_9 = arith.addf %dot_general3A_5, %add3A : vector<1000x128xf32>
    %mul3A = arith.constant 0.00999999977 : f32
    %mul3A_10 = vector.broadcast %mul3A : f32 to vector<1000x128xf32>
    %mul3A_11 = arith.mulf %mul3A_10, %add3A_9 : vector<1000x128xf32>
    %max3A = arith.maximumf %add3A_9, %mul3A_11 : vector<1000x128xf32>
    %swap3A = arith.constant 0 : index
    %swap3A_12 = arith.constant 0 : index
    %swap3A_13 = vector.load %arg4[%swap3A, %swap3A_12] : memref<1000x128xf32, #tpu.memory_space<vmem>>, vector<1000x128xf32>
    tpu.vector_store %arg4[%swap3A, %swap3A_12], %max3A {strides = array<i32>} : memref<1000x128xf32, #tpu.memory_space<vmem>>, vector<1000x128xf32>,
    return
  }
  func.func @transform_0(%arg0: i32) -> (i32, i32) {
    %c0_i32 = arith.constant 0 : i32
    %c0_i32_0 = arith.constant 0 : i32
    return %arg0, %c0_i32 : i32, i32
  }
  func.func @transform_1(%arg0: i32) -> (i32, i32) {
    %c0_i32 = arith.constant 0 : i32
    %c0_i32_0 = arith.constant 0 : i32
    %c0_i32_1 = arith.constant 0 : i32
    return %c0_i32, %c0_i32_0 : i32, i32
  }
  func.func @transform_2(%arg0: i32) -> (i32, i32) {
    %c0_i32 = arith.constant 0 : i32
    %c0_i32_0 = arith.constant 0 : i32
    %c0_i32_1 = arith.constant 0 : i32
    return %c0_i32, %c0_i32_0 : i32, i32
  }
  func.func @transform_3(%arg0: i32) -> (i32, i32) {
    %c0_i32 = arith.constant 0 : i32
    %c0_i32_0 = arith.constant 0 : i32
    return %arg0, %c0_i32 : i32, i32
  }
}

</mosaic_0001>

<sc_bundles>
// kernel: gather_offload_async_start.1
scs
__scs_entry_jumppad:
0x0: {  	(pc) =	sbr.rel $0x88, $3  }
0x1: {  	(tag) =	ssettag $0x0;
	lr =	simm.s32 $0x1  }
0x2: {  	[smem:$0x3F99] =	sst lr;
	_ =	strace $0xD0000000  }
0x3: {  	_ = 	snop  }
0x4: {  	_ = 	snop  }
0x5: {  	_ = 	snop  }
0x6: {  	_ = 	snop  }
0x7: {  	_ = 	snop  }
__scs_overlays_trampoline_lowered:
0x8: {  	[smem:$0x3FA8] =	sst s0  }
0x9: {  	[smem:$0x3FA9] =	sst s1  }
0xa: {  	[smem:$0x3FAA] =	sst s2  }
0xb: {  	[smem:$0x3FAB] =	sst s3  }
0xc: {  	[smem:$0x3FAC] =	sst s4  }
0xd: {  	[smem:$0x3FAD] =	sst s5  }
0xe: {  	[smem:$0x3FAE] =	sst s6  }
0xf: {  	[smem:$0x3FAF] =	sst s7  }
0x10: {  	[smem:$0x3FB0] =	sst s8  }
0x11: {  	[smem:$0x3FB1] =	sst s9;
	s0 =	simm.s32 @!p0 $0x0  }
0x12: {  	s1 =	sld [smem:$0x3F97];
	s0 =	simm.s32 @p0 $0x1  }
0x13: {  	[smem:$0x3FB2] =	sst s0;
	s0 =	simm.s32 @!p1 $0x0  }
0x14: {  	s2 =	sld [smem:$0x3F96];
	s0 =	simm.s32 @p1 $0x1  }
0x15: {  	[smem:$0x3FB3] =	sst s0;
	s0 =	simm.s32 @!p2 $0x0  }
0x16: {  	s3 =	sld [smem:$0x3FDB];
	s0 =	simm.s32 @p2 $0x1  }
0x17: {  	s4 =	simm.s32 $0x1BF5;
	[smem:$0x3FB5] =	sst s0  }
0x18: {  	s0 =	sld [smem:$0x3F98];
	_ =	swait.ge [sflag:s4], $0x0  }
0x19: {  	s7 =	sld [smem:$0x3F99]  }
0x1a: {  	s8 =	sadd.s32 $0xFFFFE003, lr  }
0x1b: {  	s9 =	sadd.s32 $0xFFFFFEF7, lr;
	s5 =	simm.s32 $0xFFFFFFFF;
	p2 =	slt.u32 s8, $0xFFFFF086  }
0x1c: {  	p1 =	slt.u32 s9, $0xF7A;
	s5 =	simm.s32 @!p2 $0x0  }
0x1d: {  	s5 =	simm.s32 @p1 $0x1;
	p0 =	seq.s32 s7, s2  }
0x1e: {  	s7 =	smul.u32 @!p0 $0xF7A, s2;
	p2 =	seq.s32 @!p0 s5, $0x0  }
0x1f: {  	s9 =	smul.u32 $0xF7A, s1;
	s8 =	simm.s32 @!p0 $0x1BF5;
	p2 =	por !p2, p0  }
0x20: {  	[sflag:s8] =	ssyncset.s32 @!p0 $0xFFFFF086;
	s6 =	sadd.s32 @!p0 s3, s7;
	s7 =	simm.s32 @!p0 $0x108  }
0x21: {  	s3 =	sadd.s32 s3, s9;
	s6 =	sadd.s32 @!p0 $0x88, s6;
	s7 =	simm.s32 @p2 $0x1082  }
0x22: {  	[simem:s7], [sflag:s8] =	dma.local @!p0 [hbm:s6], $0xF7A  }
0x23: {  	s9 =	sor.u32 $0xD0000000, s2;
	s6 =	simm.s32 $0x108;
	_ =	swait.ge @!p0 [sflag:s8], $0x0  }
0x24: {  	s3 =	sadd.s32 $0x88, s3;
	s6 =	simm.s32 @!p1 $0x1082;
	[sflag:s4] =	ssyncset.s32 $0xFFFFF086  }
0x25: {  	[simem:s6], [sflag:s4] =	dma.local [hbm:s3], $0xF7A  }
0x26: {  	[smem:$0x3F99] =	sst s1;
	(tag) =	ssettag s2;
	_ =	strace s9  }
0x27: {  	s1 =	sld [smem:$0x3FA9]  }
0x28: {  	s2 =	sld [smem:$0x3FAA]  }
0x29: {  	s4 =	sld [smem:$0x3FAC]  }
0x2a: {  	p0 =	seq.s32 s5, $0x0;
	s5 =	sld [smem:$0x3FAD]  }
0x2b: {  	s6 =	sld [smem:$0x3FAE]  }
0x2c: {  	s7 =	sld [smem:$0x3FAF]  }
0x2d: {  	s3 =	simm.s32 $0x108;
	s8 =	sld [smem:$0x3FB0]  }
0x2e: {  	s3 =	simm.s32 @!p0 $0x1082;
	s9 =	sld [smem:$0x3FB1]  }
0x2f: {  	lr =	sadd.s32 s0, s3;
	s0 =	sld [smem:$0x3FA8]  }
0x30: {  	s3 =	sld [smem:$0x3FAB]  }
0x31: {  	[smem:$0x3FB4] =	sst s10  }
0x32: {  	s10 =	sld [smem:$0x3FB2];
	_ =	sdelay $0x3  }
0x33: {  	p0 =	seq.s32 s10, $0x1;
	s10 =	sld [smem:$0x3FB4];
	_ =	sdelay $0x3  }
0x34: {  	[smem:$0x3FB4] =	sst s10  }
0x35: {  	s10 =	sld [smem:$0x3FB3];
	_ =	sdelay $0x3  }
0x36: {  	p1 =	seq.s32 s10, $0x1;
	s10 =	sld [smem:$0x3FB4];
	_ =	sdelay $0x3  }
0x37: {  	[smem:$0x3FB4] =	sst s10  }
0x38: {  	s10 =	sld [smem:$0x3FB5]  }
0x39: {  	_ = 	snop;
	(pc) =	sbr.ind lr, $3  }
0x3a: {  	_ = 	snop  }
0x3b: {  	_ = 	snop  }
0x3c: {  	p2 =	seq.s32 s10, $0x1;
	s10 =	sld [smem:$0x3FB4]  }
0x3d: {  	_ =	shalt  }
0x3e: {  	_ =	shalt  }
0x3f: {  	_ =	shalt  }
0x40: {  	_ =	shalt  }
0x41: {  	_ =	shalt  }
0x42: {  	_ =	shalt  }
0x43: {  	_ =	shalt  }
0x44: {  	_ =	shalt  }
0x45: {  	_ =	shalt  }
0x46: {  	_ =	shalt  }
0x47: {  	_ =	shalt  }
0x48: {  	_ =	shalt  }
0x49: {  	_ =	shalt  }
0x4a: {  	_ =	shalt  }
0x4b: {  	_ =	shalt  }
0x4c: {  	_ =	shalt  }
0x4d: {  	_ =	shalt  }
0x4e: {  	_ =	shalt  }
0x4f: {  	_ =	shalt  }
0x50: {  	_ =	shalt  }
0x51: {  	_ =	shalt  }
0x52: {  	_ =	shalt  }
0x53: {  	_ =	shalt  }
0x54: {  	_ =	shalt  }
0x55: {  	_ =	shalt  }
0x56: {  	_ =	shalt  }
0x57: {  	_ =	shalt  }
0x58: {  	_ =	shalt  }
0x59: {  	_ =	shalt  }
0x5a: {  	_ =	shalt  }
0x5b: {  	_ =	shalt  }
0x5c: {  	_ =	shalt  }
0x5d: {  	_ =	shalt  }
0x5e: {  	_ =	shalt  }
0x5f: {  	_ =	shalt  }
0x60: {  	_ =	shalt  }
0x61: {  	_ =	shalt  }
0x62: {  	_ =	shalt  }
0x63: {  	_ =	shalt  }
0x64: {  	_ =	shalt  }
0x65: {  	_ =	shalt  }
0x66: {  	_ =	shalt  }
0x67: {  	_ =	shalt  }
0x68: {  	_ =	shalt  }
0x69: {  	_ =	shalt  }
0x6a: {  	_ =	shalt  }
0x6b: {  	_ =	shalt  }
0x6c: {  	_ =	shalt  }
0x6d: {  	_ =	shalt  }
0x6e: {  	_ =	shalt  }
0x6f: {  	_ =	shalt  }
0x70: {  	_ =	shalt  }
0x71: {  	_ =	shalt  }
0x72: {  	_ =	shalt  }
0x73: {  	_ =	shalt  }
0x74: {  	_ =	shalt  }
0x75: {  	_ =	shalt  }
0x76: {  	_ =	shalt  }
0x77: {  	_ =	shalt  }
0x78: {  	_ =	shalt  }
0x79: {  	_ =	shalt  }
0x7a: {  	_ =	shalt  }
0x7b: {  	_ =	shalt  }
0x7c: {  	_ =	shalt  }
0x7d: {  	_ =	shalt  }
0x7e: {  	_ =	shalt  }
0x7f: {  	_ =	shalt  }
0x80: {  	_ =	shalt  }
0x81: {  	_ =	shalt  }
0x82: {  	_ =	shalt  }
0x83: {  	_ =	shalt  }
0x84: {  	_ =	shalt  }
0x85: {  	_ =	shalt  }
0x86: {  	_ =	shalt  }
0x87: {  	_ =	shalt  }
.Lfunc_end0:
.L_simem_size_0:
called_computation.1_lowered:
.L_overlay_start_0:
0x88: {  	s2 =	sld [smem:$0x3FD9]  }
0x89: {  	s3 =	sld [smem:$0x3FFE];
	_ =	sdelay $0x1  }
0x8a: {  	s1 =	srdreg.scid  }
0x8b: {  	s0 =	sand.u32 $0x1, s1  }
0x8c: {  	s16 =	sshll.u32 s0, $0xA;
	s2 =	sadd.s32 s3, s2  }
0x8d: {  	s2 =	sadd.s32 s2, s16  }
0x8e: {  	[smem:$0x3FC0] =	sst s2  }
0x8f: {  	_ = 	snop  }
0x90: {  	(tm) =	ssettm $0x1  }
0x91: {  	s17 =	sld [smem:$0x3FFB];
	_ =	sdelay $0x3  }
0x92: {  	_ =	strace s17  }
0x93: {  	s2 =	sld [smem:$0x3FFC];
	_ =	sdelay $0x3  }
0x94: {  	_ =	strace s2  }
0x95: {  	s2 =	sld [smem:$0x3FFD];
	_ =	sdelay $0x3  }
0x96: {  	_ =	strace s2  }
0x97: {  	_ =	strace $0x8FFFFFFF  }
0x98: {  	s18 =	sld [smem:$0x3FDB];
	_ =	sdelay $0x1  }
0x99: {  	s19 =	simm.s32 $_scs_section_size  }
0x9a: {  	s4 =	simm.s32 $_size__tile_overlayer_lowered;
	s5 =	simm.s32 $_tile_overlayer_lowered  }
0x9b: {  	s22 =	simm.s32 $0x1BFF;
	s21 =	sshll.u32 s5, $0x1;
	s2 =	sadd.s32 s19, s18  }
0x9c: {  	s6 =	simm.s32 $0x0;
	s20 =	sshll.u32 s4, $0x1;
	s4 =	sadd.s32 s21, s2  }
0x9d: {  	[timem:s6], [sflag:s22] =	dma.local [hbm:s4], s20  }
0x9e: {  	_ =	swait.ge [sflag:s22], s20  }
0x9f: {  	s3 =	ssub.s32 $0x0, s20;
	[sflag:s22] =	ssyncset.done $0x0  }
0xa0: {  	[sflag:s22] =	ssyncadd.s32 s3;
	_ =	sdelay $0x1  }
0xa1: {  	s23 =	simm.s32 $0x1B8B  }
0xa2: {  	_ =	swait.ge [sflag:s23], $0x1  }
0xa3: {  	[sflag:s23] =	ssyncset.done $0x0  }
0xa4: {  	s25 =	simm.s32 $0x1B8E;
	s24 =	sld [smem:$0x3FFE];
	[sflag:s23] =	ssyncadd.s32 $0xFFFFFFFF  }
0xa5: {  	s26 =	simm.s32 $execute0_lowered;
	[smem:$0x3FD2] =	sst s25  }
0xa6: {  	s4 =	sshll.u32 s26, $0x1;
	_ =	strace $0x80000046;
	[dreg:$0x1] =	wrdreg $0xFFFFFFFF  }
0xa7: {  	s28 =	simm.s32 $_size_execute0_lowered;
	s2 =	sadd.s32 s2, s4;
	[dreg:$0x0] =	wrdreg $0x0  }
0xa8: {  	s4 =	sshll.u32 s28, $0x1;
	[dreg:$0x2] =	wrdreg s2  }
0xa9: {  	[dreg:$0x3] =	wrdreg s4  }
0xaa: {  	[dreg:$0x4] =	wrdreg $0xC0  }
0xab: {  	_ =	task [dreg:s6], $0x5FFFF  }
0xac: {  	[dreg:$0x1] =	wrdreg $0xFFFFFFFF  }
0xad: {  	[dreg:$0x0] =	wrdreg $0x60  }
0xae: {  	[dreg:$0x2] =	wrdreg s24  }
0xaf: {  	[dreg:$0x3] =	wrdreg $0x9  }
0xb0: {  	_ =	task.clear_ibuf [dreg:s6], $0x4FFFF;
	_ =	strace $0x90000046  }
0xb1: {  	s29 =	simm.s32 $0x9;
	_ =	strace $0x80000048  }
0xb2: {  	_ =	swait.ge [sflag:s29], $0x1  }
0xb3: {  	[sflag:s29] =	ssyncadd.s32 $0xFFFFFFFF  }
0xb4: {  	_ =	strace $0x90000048  }
0xb5: {  	_ =	sfence  }
0xb6: {  	s30 =	sld [smem:$0x0];
	_ =	sdelay $0x2  }
0xb7: {  	s31 =	sshll.u32 s1, $0xD;
	s1 =	sshrl.u32 s1, $0x2  }
0xb8: {  	s3 =	sand.u32 $0x4000, s31;
	s1 =	sadd.s32 s1, s30  }
0xb9: {  	s0 =	sor.u32 s3, s0;
	s1 =	sshll.u32 s1, $0x11  }
0xba: {  	s0 =	sor.u32 s1, s0  }
0xbb: {  	s0 =	sadd.s32 $0x8F2B, s0  }
0xbc: {  	[sflag:s0] =	ssyncadd.remote.s32 $0x1  }
0xbd: {  	_ =	sfence.sel $0xFFFF  }
0xbe: {  	[dreg:$0x0] =	wrdreg $0xFFFFFFFF;
	(pc) =	sbr.abs _section_cstart, $3  }
0xbf: {  	[dreg:$0x1] =	wrdreg $0xFFFFFFFF  }
0xc0: {  	_ =	task.clear_ibuf [dreg:s6], $0x2FFFF;
	_ =	strace $0x9FFFFFFF  }
0xc1: {  	(tm) =	ssettm $0x7FFFFFFF  }
tec
execute0_lowered:
.L_overlay_start_1:
0x0: {  	(tag) =	ssettag $0x1  }
0x1: {  	s8 =	rddreg [dreg:$0x0]  }
0x2: {  	s0 =	rddreg [dreg:$0x1];
	_ =	strace $0x80000047;
	s1 =	stileid.u32  }
0x3: {  	s3 =	srdreg.scid;
	s4 =	simm.s32 $0x1;
	s7 =	simm.s32 $0x1  }
0x4: {  	s9 =	simm.s32 $0x1;
	s10 =	simm.s32 $0x3;
	s13 =	simm.s32 $0x0  }
0x5: {  	s12 =	simm.s32 $0x0;
	s5 =	sand.u32 $0x1, s3;
	s6 =	sshll.u32 s1, $0x1  }
0x6: {  	s2 =	sadd.s32 $0xD800, s8;
	s3 =	sadd.s32 $0x12800, s8;
	s5 =	sor.u32 s6, s5  }
.Ltmp0:
0x7: {  	[sflag:s4] =	ssyncpa.u1 $0x0;
	p0 =	slt.u32 s5, $0x9;
	(pc) =	sbr.rel .LBB2_1-.Ltmp0, $4  }
0x8: {  	s6 =	simm.s32 $0x2;
	s7 =	simm.s32 @!p0 $0x0;
	p0 =	sne.s32 s5, $0x8  }
0x9: {  	[sflag:s6] =	ssyncpa.u1 $0x0;
	s5 =	smul.u32 $0xFA0, s5;
	s9 =	simm.s32 @!p0 $0x0  }
0xa: {  	s8 =	sadd.s32 $0x1E800, s8;
	[sflag:s10] =	ssyncpa.u1 $0x0;
	s7 =	sadd.s32 s9, s7  }
0xb: {  	vm0 =	vmmov $0xffff;
	s10 =	simm.s32 $0x0;
	s11 =	smov.u32 s5;
	s9 =	sadd.s32 $0x1, s7  }
.LBB2_4:
0xc: {  	v2 =	vnsel vm1, $0x0, v2  }
0xd: {  	vm1 =	vgt.s32 v0, $0x0;
	v2 =	vmin.u32 v2, $0x270FF  }
0xe: {  	v0 =	vnsel vm1, $0x0, v0  }
0xf: {  	v0 =	vmin.u32 v0, $0x270FF  }
0x10: {  	[tilespmem:s18], [sflag:$0x1] =	stream.indirect_vreg.gather [hbm4b:s2+s10], $0x1, v1, vm0, $0x4038;
	[tilespmem:$0x3E80] =	vst v63  }
0x11: {  	(ifvalue) =	ssetifvalue $0x7FFFFFFF  }
0x12: {  	[tilespmem:s15], [sflag:$0x1] =	stream.indirect_vreg.gather [hbm4b:s2+s10], $0x1, v2, vm0, $0x4038;
	[tilespmem:$0x3E80] =	vst v63  }
0x13: {  	s29 =	sadd.s32 $0x10, s15;
	(ifvalue) =	ssetifvalue $0x7FFFFFFF  }
0x14: {  	[tilespmem:s29], [sflag:$0x1] =	stream.indirect_vreg.gather [hbm4b:s2+s10], $0x1, v0, vm0, $0x4038;
	[tilespmem:$0x3E80] =	vst v63  }
0x15: {  	_ =	swait.ge [sflag:s4], $0xFA0  }
0x16: {  	s30 =	sshrl.u32 s13, $0x3;
	[sflag:s4] =	ssyncset.done $0x0  }
0x17: {  	s31 =	sand.u32 $0x7, s13;
	s15 =	sadd.s32 s8, s30;
	[sflag:s4] =	ssyncadd.s32 $0xFFFFF060  }
0x18: {  	[hbm4b:s15+s31] =	stream.linear.scatter [tilespmem:s14], [sflag:$0x3], $0xFA0, $0x38;
	[tilespmem:$0x3E80] =	vst v63  }
.LBB2_5:
0x19: {  	s15 =	sadd.s32 $0x1F400, s11  }
0x1a: {  	p1 =	sgt.s32 s15, $0x270FF  }
0x1b: {  	s15 =	smov.u32 @p1 s5;
	p1 =	sne.s32 s12, s9  }
.Ltmp1:
0x1c: {  	p0 =	slt.u32 s12, $0x2;
	(pc) =	sbr.rel @!p1 .LBB2_6-.Ltmp1, $4  }
0x1d: {  	s14 =	simm.s32 @!p0 $0x3  }
0x1e: {  	_ =	swait.ge @!p0 [sflag:s14], $0xFA0  }
0x1f: {  	s16 =	sadd.s32 $0x1, s12;
	s13 =	smov.u32 s11;
	[sflag:s14] =	ssyncset.done @!p0 $0x0  }
0x20: {  	s12 =	smov.u32 s16;
	s11 =	smov.u32 s15;
	[sflag:s14] =	ssyncadd.s32 @!p0 $0xFFFFF060  }
.LBB2_1:
0x21: {  	p0 =	sge.u32 s12, s7  }
0x22: {  	s14 =	sxor.u32 @!p0 $0x1, s12  }
0x23: {  	s14 =	smul.u32 @!p0 $0x3E80, s14  }
0x24: {  	s31 =	sadd.s32 $0xFFFFFFFF, s12;
	s15 =	sshrl.u32 @!p0 s11, $0x3  }
0x25: {  	s16 =	sand.u32 @!p0 $0x7, s11;
	s15 =	sadd.s32 @!p0 s3, s15;
	s14 =	sshra.s32 @!p0 s14, $0x2  }
0x26: {  	[tilespmem:s14], [sflag:$0x2] =	stream.linear.gather @!p0 [hbm4b:s15+s16], $0xFA0, $0x38;
	[tilespmem:$0x3E80] =	vst v63  }
0x27: {  	p0 =	sge.u32 s31, s7  }
.Ltmp2:
0x28: {  	_ = 	snop;
	(pc) =	sbr.rel @p0 .LBB2_5-.Ltmp2, $1  }
0x29: {  	_ =	sdelay $0x3  }
0x2a: {  	s14 =	sand.u32 $0x1, s12  }
0x2b: {  	_ =	swait.ge [sflag:s6], $0xFA0;
	p0 =	seq.s32 s14, $0x1;
	s14 =	simm.s32 $0xFA0  }
0x2c: {  	[sflag:s6] =	ssyncset.done $0x0;
	s14 =	simm.s32 @!p0 $0x0  }
0x2d: {  	[sflag:s6] =	ssyncadd.s32 $0xFFFFF060;
	(ifvalue) =	ssetifvalue $0x7FFFFFFF;
	v0 =	vld.msk [tilespmem:s14+$0x0 ss:$0x1], $0xffff;
	_ =	sdelay $0x4  }
0x2e: {  	s15 =	sadd.s32 $0x10, s14;
	vm1 =	vgt.s32 v0, $0x0  }
0x2f: {  	v2 =	vld.msk [tilespmem:s15+$0x0 ss:$0x1], $0xffff;
	v1 =	vnsel vm1, $0x0, v0  }
0x30: {  	v1 =	vmin.u32 v1, $0x270FF;
	_ =	sdelay $0x2  }
0x31: {  	s17 =	simm.s32 $0x20;
	s14 =	sadd.s32 $0x1F40, s14;
	s16 =	sadd.s32 $0x10, s15  }
0x32: {  	s15 =	sadd.s32 $0x10, s14;
	s18 =	smov.u32 s14;
	v0 =	vld.msk [tilespmem:s16+$0x0 ss:$0x1], $0xffff;
	vm1 =	vgt.s32 v2, $0x0;
	(ifvalue) =	ssetifvalue $0x7FFFFFFF  }
.LBB2_3:
0x33: {  	[tilespmem:s18], [sflag:$0x1] =	stream.indirect_vreg.gather [hbm4b:s2+s10], $0x1, v1, vm0, $0x4038;
	[tilespmem:$0x3E80] =	vst v63  }
0x34: {  	s17 =	sadd.s32 $0x10, s17  }
0x35: {  	v2 =	vnsel vm1, $0x0, v2;
	p0 =	slt.u32 s17, $0xF90  }
.Ltmp3:
0x36: {  	s18 =	smov.u32 s15;
	v1 =	vmin.u32 v2, $0x270FF;
	(pc) =	sbr.rel @p0 .LBB2_3-.Ltmp3, $3  }
0x37: {  	_ =	sdelay $0x1  }
0x38: {  	s16 =	sadd.s32 $0x10, s16  }
0x39: {  	vm1 =	vgt.s32 v0, $0x0;
	s15 =	sadd.s32 $0x10, s15;
	v2 =	vmov v0;
	(ifvalue) =	ssetifvalue $0x7FFFFFFF;
	v0 =	vld.msk [tilespmem:s16+$0x0 ss:$0x1], $0xffff  }
.Ltmp4:
0x3a: {  	_ = 	snop;
	(pc) =	sbr.rel .LBB2_4-.Ltmp4, $1  }
0x3b: {  	_ =	sdelay $0x3  }
.LBB2_6:
0x3c: {  	_ =	sfence.sel $0x180000  }
0x3d: {  	s2 =	simm.s32 $0x2;
	[bflag:$0x0] =	sbarrier.arrive $0xFFFF  }
0x3e: {  	s30 =	simm.s32 $0x3;
	[sflag:s2] =	ssyncpa.u1 $0x1  }
0x3f: {  	s31 =	simm.s32 $0x1;
	[sflag:s30] =	ssyncpa.u1 $0x1  }
0x40: {  	[sflag:s31] =	ssyncpa.u1 $0x1  }
0x41: {  	p0 =	sne.s32 s1, $0x0;
	_ =	strace $0x90000047  }
0x42: {  	s0 =	sadd.s32 @!p0 $0x100000, s0;
	[bflag:$0x2] =	sbarrier.arrive $0xFFFF  }
0x43: {  	[sflag:s0] =	ssyncadd.tile.s32 @!p0 $0x1;
	_ =	shalt  }
.Lfunc_end2:
_tile_overlayer_lowered:
.L_overlay_start_2:
0x44: {  	(tag) =	ssettag $0x2  }
0x45: {  	s0 =	rddreg [dreg:$0x0];
	s2 =	stileid.u32  }
0x46: {  	s1 =	rddreg [dreg:$0x1];
	p0 =	sne.s32 s2, $0x0  }
0x47: {  	s3 =	rddreg [dreg:$0x2];
	[bflag:$0x3] =	sbarrier.arrive $0xFFFF;
	s2 =	simm.s32 @!p0 $0x1C01  }
0x48: {  	[timem:s3], [sflag:s2] =	dma.local @!p0 [hbm:s0], s1  }
0x49: {  	s0 =	simm.s32 @!p0 $0x1  }
0x4a: {  	_ =	swait.ge @!p0 [sflag:s0], s1  }
0x4b: {  	s1 =	ssub.s32 @!p0 $0x0, s1;
	[sflag:s0] =	ssyncset.done @!p0 $0x0  }
0x4c: {  	[sflag:s0] =	ssyncadd.s32 @!p0 s1  }
0x4d: {  	[bflag:$0x3] =	sbarrier.arrive $0xFFFF  }
0x4e: {  	_ =	shalt  }

// kernel: gather_offload_async_start
scs
__scs_entry_jumppad:
0x0: {  	(pc) =	sbr.rel $0x88, $3  }
0x1: {  	(tag) =	ssettag $0x0;
	lr =	simm.s32 $0x1  }
0x2: {  	[smem:$0x3F99] =	sst lr;
	_ =	strace $0xD0000000  }
0x3: {  	_ = 	snop  }
0x4: {  	_ = 	snop  }
0x5: {  	_ = 	snop  }
0x6: {  	_ = 	snop  }
0x7: {  	_ = 	snop  }
__scs_overlays_trampoline_lowered:
0x8: {  	[smem:$0x3FA8] =	sst s0  }
0x9: {  	[smem:$0x3FA9] =	sst s1  }
0xa: {  	[smem:$0x3FAA] =	sst s2  }
0xb: {  	[smem:$0x3FAB] =	sst s3  }
0xc: {  	[smem:$0x3FAC] =	sst s4  }
0xd: {  	[smem:$0x3FAD] =	sst s5  }
0xe: {  	[smem:$0x3FAE] =	sst s6  }
0xf: {  	[smem:$0x3FAF] =	sst s7  }
0x10: {  	[smem:$0x3FB0] =	sst s8  }
0x11: {  	[smem:$0x3FB1] =	sst s9;
	s0 =	simm.s32 @!p0 $0x0  }
0x12: {  	s1 =	sld [smem:$0x3F97];
	s0 =	simm.s32 @p0 $0x1  }
0x13: {  	[smem:$0x3FB2] =	sst s0;
	s0 =	simm.s32 @!p1 $0x0  }
0x14: {  	s2 =	sld [smem:$0x3F96];
	s0 =	simm.s32 @p1 $0x1  }
0x15: {  	[smem:$0x3FB3] =	sst s0;
	s0 =	simm.s32 @!p2 $0x0  }
0x16: {  	s3 =	sld [smem:$0x3FDB];
	s0 =	simm.s32 @p2 $0x1  }
0x17: {  	s4 =	simm.s32 $0x1BF5;
	[smem:$0x3FB5] =	sst s0  }
0x18: {  	s0 =	sld [smem:$0x3F98];
	_ =	swait.ge [sflag:s4], $0x0  }
0x19: {  	s7 =	sld [smem:$0x3F99]  }
0x1a: {  	s8 =	sadd.s32 $0xFFFFE003, lr  }
0x1b: {  	s9 =	sadd.s32 $0xFFFFFEF7, lr;
	s5 =	simm.s32 $0xFFFFFFFF;
	p2 =	slt.u32 s8, $0xFFFFF086  }
0x1c: {  	p1 =	slt.u32 s9, $0xF7A;
	s5 =	simm.s32 @!p2 $0x0  }
0x1d: {  	s5 =	simm.s32 @p1 $0x1;
	p0 =	seq.s32 s7, s2  }
0x1e: {  	s7 =	smul.u32 @!p0 $0xF7A, s2;
	p2 =	seq.s32 @!p0 s5, $0x0  }
0x1f: {  	s9 =	smul.u32 $0xF7A, s1;
	s8 =	simm.s32 @!p0 $0x1BF5;
	p2 =	por !p2, p0  }
0x20: {  	[sflag:s8] =	ssyncset.s32 @!p0 $0xFFFFF086;
	s6 =	sadd.s32 @!p0 s3, s7;
	s7 =	simm.s32 @!p0 $0x108  }
0x21: {  	s3 =	sadd.s32 s3, s9;
	s6 =	sadd.s32 @!p0 $0x88, s6;
	s7 =	simm.s32 @p2 $0x1082  }
0x22: {  	[simem:s7], [sflag:s8] =	dma.local @!p0 [hbm:s6], $0xF7A  }
0x23: {  	s9 =	sor.u32 $0xD0000000, s2;
	s6 =	simm.s32 $0x108;
	_ =	swait.ge @!p0 [sflag:s8], $0x0  }
0x24: {  	s3 =	sadd.s32 $0x88, s3;
	s6 =	simm.s32 @!p1 $0x1082;
	[sflag:s4] =	ssyncset.s32 $0xFFFFF086  }
0x25: {  	[simem:s6], [sflag:s4] =	dma.local [hbm:s3], $0xF7A  }
0x26: {  	[smem:$0x3F99] =	sst s1;
	(tag) =	ssettag s2;
	_ =	strace s9  }
0x27: {  	s1 =	sld [smem:$0x3FA9]  }
0x28: {  	s2 =	sld [smem:$0x3FAA]  }
0x29: {  	s4 =	sld [smem:$0x3FAC]  }
0x2a: {  	p0 =	seq.s32 s5, $0x0;
	s5 =	sld [smem:$0x3FAD]  }
0x2b: {  	s6 =	sld [smem:$0x3FAE]  }
0x2c: {  	s7 =	sld [smem:$0x3FAF]  }
0x2d: {  	s3 =	simm.s32 $0x108;
	s8 =	sld [smem:$0x3FB0]  }
0x2e: {  	s3 =	simm.s32 @!p0 $0x1082;
	s9 =	sld [smem:$0x3FB1]  }
0x2f: {  	lr =	sadd.s32 s0, s3;
	s0 =	sld [smem:$0x3FA8]  }
0x30: {  	s3 =	sld [smem:$0x3FAB]  }
0x31: {  	[smem:$0x3FB4] =	sst s10  }
0x32: {  	s10 =	sld [smem:$0x3FB2];
	_ =	sdelay $0x3  }
0x33: {  	p0 =	seq.s32 s10, $0x1;
	s10 =	sld [smem:$0x3FB4];
	_ =	sdelay $0x3  }
0x34: {  	[smem:$0x3FB4] =	sst s10  }
0x35: {  	s10 =	sld [smem:$0x3FB3];
	_ =	sdelay $0x3  }
0x36: {  	p1 =	seq.s32 s10, $0x1;
	s10 =	sld [smem:$0x3FB4];
	_ =	sdelay $0x3  }
0x37: {  	[smem:$0x3FB4] =	sst s10  }
0x38: {  	s10 =	sld [smem:$0x3FB5]  }
0x39: {  	_ = 	snop;
	(pc) =	sbr.ind lr, $3  }
0x3a: {  	_ = 	snop  }
0x3b: {  	_ = 	snop  }
0x3c: {  	p2 =	seq.s32 s10, $0x1;
	s10 =	sld [smem:$0x3FB4]  }
0x3d: {  	_ =	shalt  }
0x3e: {  	_ =	shalt  }
0x3f: {  	_ =	shalt  }
0x40: {  	_ =	shalt  }
0x41: {  	_ =	shalt  }
0x42: {  	_ =	shalt  }
0x43: {  	_ =	shalt  }
0x44: {  	_ =	shalt  }
0x45: {  	_ =	shalt  }
0x46: {  	_ =	shalt  }
0x47: {  	_ =	shalt  }
0x48: {  	_ =	shalt  }
0x49: {  	_ =	shalt  }
0x4a: {  	_ =	shalt  }
0x4b: {  	_ =	shalt  }
0x4c: {  	_ =	shalt  }
0x4d: {  	_ =	shalt  }
0x4e: {  	_ =	shalt  }
0x4f: {  	_ =	shalt  }
0x50: {  	_ =	shalt  }
0x51: {  	_ =	shalt  }
0x52: {  	_ =	shalt  }
0x53: {  	_ =	shalt  }
0x54: {  	_ =	shalt  }
0x55: {  	_ =	shalt  }
0x56: {  	_ =	shalt  }
0x57: {  	_ =	shalt  }
0x58: {  	_ =	shalt  }
0x59: {  	_ =	shalt  }
0x5a: {  	_ =	shalt  }
0x5b: {  	_ =	shalt  }
0x5c: {  	_ =	shalt  }
0x5d: {  	_ =	shalt  }
0x5e: {  	_ =	shalt  }
0x5f: {  	_ =	shalt  }
0x60: {  	_ =	shalt  }
0x61: {  	_ =	shalt  }
0x62: {  	_ =	shalt  }
0x63: {  	_ =	shalt  }
0x64: {  	_ =	shalt  }
0x65: {  	_ =	shalt  }
0x66: {  	_ =	shalt  }
0x67: {  	_ =	shalt  }
0x68: {  	_ =	shalt  }
0x69: {  	_ =	shalt  }
0x6a: {  	_ =	shalt  }
0x6b: {  	_ =	shalt  }
0x6c: {  	_ =	shalt  }
0x6d: {  	_ =	shalt  }
0x6e: {  	_ =	shalt  }
0x6f: {  	_ =	shalt  }
0x70: {  	_ =	shalt  }
0x71: {  	_ =	shalt  }
0x72: {  	_ =	shalt  }
0x73: {  	_ =	shalt  }
0x74: {  	_ =	shalt  }
0x75: {  	_ =	shalt  }
0x76: {  	_ =	shalt  }
0x77: {  	_ =	shalt  }
0x78: {  	_ =	shalt  }
0x79: {  	_ =	shalt  }
0x7a: {  	_ =	shalt  }
0x7b: {  	_ =	shalt  }
0x7c: {  	_ =	shalt  }
0x7d: {  	_ =	shalt  }
0x7e: {  	_ =	shalt  }
0x7f: {  	_ =	shalt  }
0x80: {  	_ =	shalt  }
0x81: {  	_ =	shalt  }
0x82: {  	_ =	shalt  }
0x83: {  	_ =	shalt  }
0x84: {  	_ =	shalt  }
0x85: {  	_ =	shalt  }
0x86: {  	_ =	shalt  }
0x87: {  	_ =	shalt  }
.Lfunc_end0:
.L_simem_size_0:
called_computation_lowered:
.L_overlay_start_0:
0x88: {  	s2 =	sld [smem:$0x3FD9]  }
0x89: {  	s3 =	sld [smem:$0x3FFE];
	_ =	sdelay $0x1  }
0x8a: {  	s1 =	srdreg.scid  }
0x8b: {  	s0 =	sand.u32 $0x1, s1  }
0x8c: {  	s16 =	sshll.u32 s0, $0xA;
	s2 =	sadd.s32 s3, s2  }
0x8d: {  	s2 =	sadd.s32 s2, s16  }
0x8e: {  	[smem:$0x3FC0] =	sst s2  }
0x8f: {  	_ = 	snop  }
0x90: {  	(tm) =	ssettm $0x1  }
0x91: {  	s17 =	sld [smem:$0x3FFB];
	_ =	sdelay $0x3  }
0x92: {  	_ =	strace s17  }
0x93: {  	s2 =	sld [smem:$0x3FFC];
	_ =	sdelay $0x3  }
0x94: {  	_ =	strace s2  }
0x95: {  	s2 =	sld [smem:$0x3FFD];
	_ =	sdelay $0x3  }
0x96: {  	_ =	strace s2  }
0x97: {  	_ =	strace $0x8FFFFFFF  }
0x98: {  	s18 =	sld [smem:$0x3FDB];
	_ =	sdelay $0x1  }
0x99: {  	s19 =	simm.s32 $_scs_section_size  }
0x9a: {  	s4 =	simm.s32 $_size__tile_overlayer_lowered;
	s5 =	simm.s32 $_tile_overlayer_lowered  }
0x9b: {  	s22 =	simm.s32 $0x1BFF;
	s21 =	sshll.u32 s5, $0x1;
	s2 =	sadd.s32 s19, s18  }
0x9c: {  	s6 =	simm.s32 $0x0;
	s20 =	sshll.u32 s4, $0x1;
	s4 =	sadd.s32 s21, s2  }
0x9d: {  	[timem:s6], [sflag:s22] =	dma.local [hbm:s4], s20  }
0x9e: {  	_ =	swait.ge [sflag:s22], s20  }
0x9f: {  	s3 =	ssub.s32 $0x0, s20;
	[sflag:s22] =	ssyncset.done $0x0  }
0xa0: {  	[sflag:s22] =	ssyncadd.s32 s3;
	_ =	sdelay $0x1  }
0xa1: {  	s23 =	simm.s32 $0x1B8B  }
0xa2: {  	_ =	swait.ge [sflag:s23], $0x1  }
0xa3: {  	[sflag:s23] =	ssyncset.done $0x0  }
0xa4: {  	s25 =	simm.s32 $0x1B8E;
	s24 =	sld [smem:$0x3FFE];
	[sflag:s23] =	ssyncadd.s32 $0xFFFFFFFF  }
0xa5: {  	s26 =	simm.s32 $execute0_lowered;
	[smem:$0x3FD2] =	sst s25  }
0xa6: {  	s4 =	sshll.u32 s26, $0x1;
	_ =	strace $0x80000049;
	[dreg:$0x1] =	wrdreg $0xFFFFFFFF  }
0xa7: {  	s28 =	simm.s32 $_size_execute0_lowered;
	s2 =	sadd.s32 s2, s4;
	[dreg:$0x0] =	wrdreg $0x0  }
0xa8: {  	s4 =	sshll.u32 s28, $0x1;
	[dreg:$0x2] =	wrdreg s2  }
0xa9: {  	[dreg:$0x3] =	wrdreg s4  }
0xaa: {  	[dreg:$0x4] =	wrdreg $0xC0  }
0xab: {  	_ =	task [dreg:s6], $0x5FFFF  }
0xac: {  	[dreg:$0x1] =	wrdreg $0xFFFFFFFF  }
0xad: {  	[dreg:$0x0] =	wrdreg $0x60  }
0xae: {  	[dreg:$0x2] =	wrdreg s24  }
0xaf: {  	[dreg:$0x3] =	wrdreg $0x9  }
0xb0: {  	_ =	task.clear_ibuf [dreg:s6], $0x4FFFF;
	_ =	strace $0x90000049  }
0xb1: {  	s29 =	simm.s32 $0x9;
	_ =	strace $0x8000004B  }
0xb2: {  	_ =	swait.ge [sflag:s29], $0x1  }
0xb3: {  	[sflag:s29] =	ssyncadd.s32 $0xFFFFFFFF  }
0xb4: {  	_ =	strace $0x9000004B  }
0xb5: {  	_ =	sfence  }
0xb6: {  	s30 =	sld [smem:$0x0];
	_ =	sdelay $0x2  }
0xb7: {  	s31 =	sshll.u32 s1, $0xD;
	s1 =	sshrl.u32 s1, $0x2  }
0xb8: {  	s3 =	sand.u32 $0x4000, s31;
	s1 =	sadd.s32 s1, s30  }
0xb9: {  	s0 =	sor.u32 s3, s0;
	s1 =	sshll.u32 s1, $0x11  }
0xba: {  	s0 =	sor.u32 s1, s0  }
0xbb: {  	s0 =	sadd.s32 $0x8F2B, s0  }
0xbc: {  	[sflag:s0] =	ssyncadd.remote.s32 $0x1  }
0xbd: {  	_ =	sfence.sel $0xFFFF  }
0xbe: {  	[dreg:$0x0] =	wrdreg $0xFFFFFFFF;
	(pc) =	sbr.abs _section_cstart, $3  }
0xbf: {  	[dreg:$0x1] =	wrdreg $0xFFFFFFFF  }
0xc0: {  	_ =	task.clear_ibuf [dreg:s6], $0x2FFFF;
	_ =	strace $0x9FFFFFFF  }
0xc1: {  	(tm) =	ssettm $0x7FFFFFFF  }
tec
execute0_lowered:
.L_overlay_start_1:
0x0: {  	(tag) =	ssettag $0x1  }
0x1: {  	s8 =	rddreg [dreg:$0x0]  }
0x2: {  	s0 =	rddreg [dreg:$0x1];
	_ =	strace $0x8000004A;
	s1 =	stileid.u32  }
0x3: {  	s3 =	srdreg.scid;
	s4 =	simm.s32 $0x1;
	s7 =	simm.s32 $0x1  }
0x4: {  	s9 =	simm.s32 $0x1;
	s10 =	simm.s32 $0x3;
	s13 =	simm.s32 $0x0  }
0x5: {  	s12 =	simm.s32 $0x0;
	s5 =	sand.u32 $0x1, s3;
	s6 =	sshll.u32 s1, $0x1  }
0x6: {  	s2 =	sadd.s32 $0x8800, s8;
	s3 =	sadd.s32 $0x12800, s8;
	s5 =	sor.u32 s6, s5  }
.Ltmp0:
0x7: {  	[sflag:s4] =	ssyncpa.u1 $0x0;
	p0 =	slt.u32 s5, $0x9;
	(pc) =	sbr.rel .LBB2_1-.Ltmp0, $4  }
0x8: {  	s6 =	simm.s32 $0x2;
	s7 =	simm.s32 @!p0 $0x0;
	p0 =	sne.s32 s5, $0x8  }
0x9: {  	[sflag:s6] =	ssyncpa.u1 $0x0;
	s5 =	smul.u32 $0xFA0, s5;
	s9 =	simm.s32 @!p0 $0x0  }
0xa: {  	s8 =	sadd.s32 $0xD800, s8;
	[sflag:s10] =	ssyncpa.u1 $0x0;
	s7 =	sadd.s32 s9, s7  }
0xb: {  	vm0 =	vmmov $0xffff;
	s10 =	simm.s32 $0x0;
	s11 =	smov.u32 s5;
	s9 =	sadd.s32 $0x1, s7  }
.LBB2_4:
0xc: {  	v2 =	vnsel vm1, $0x0, v2  }
0xd: {  	vm1 =	vgt.s32 v0, $0x0;
	v2 =	vmin.u32 v2, $0x270FF  }
0xe: {  	v0 =	vnsel vm1, $0x0, v0  }
0xf: {  	v0 =	vmin.u32 v0, $0x270FF  }
0x10: {  	[tilespmem:s18], [sflag:$0x1] =	stream.indirect_vreg.gather [hbm4b:s2+s10], $0x1, v1, vm0, $0x4038;
	[tilespmem:$0x3E80] =	vst v63  }
0x11: {  	(ifvalue) =	ssetifvalue $0x7FFFFFFF  }
0x12: {  	[tilespmem:s15], [sflag:$0x1] =	stream.indirect_vreg.gather [hbm4b:s2+s10], $0x1, v2, vm0, $0x4038;
	[tilespmem:$0x3E80] =	vst v63  }
0x13: {  	s29 =	sadd.s32 $0x10, s15;
	(ifvalue) =	ssetifvalue $0x7FFFFFFF  }
0x14: {  	[tilespmem:s29], [sflag:$0x1] =	stream.indirect_vreg.gather [hbm4b:s2+s10], $0x1, v0, vm0, $0x4038;
	[tilespmem:$0x3E80] =	vst v63  }
0x15: {  	_ =	swait.ge [sflag:s4], $0xFA0  }
0x16: {  	s30 =	sshrl.u32 s13, $0x3;
	[sflag:s4] =	ssyncset.done $0x0  }
0x17: {  	s31 =	sand.u32 $0x7, s13;
	s15 =	sadd.s32 s8, s30;
	[sflag:s4] =	ssyncadd.s32 $0xFFFFF060  }
0x18: {  	[hbm4b:s15+s31] =	stream.linear.scatter [tilespmem:s14], [sflag:$0x3], $0xFA0, $0x38;
	[tilespmem:$0x3E80] =	vst v63  }
.LBB2_5:
0x19: {  	s15 =	sadd.s32 $0x1F400, s11  }
0x1a: {  	p1 =	sgt.s32 s15, $0x270FF  }
0x1b: {  	s15 =	smov.u32 @p1 s5;
	p1 =	sne.s32 s12, s9  }
.Ltmp1:
0x1c: {  	p0 =	slt.u32 s12, $0x2;
	(pc) =	sbr.rel @!p1 .LBB2_6-.Ltmp1, $4  }
0x1d: {  	s14 =	simm.s32 @!p0 $0x3  }
0x1e: {  	_ =	swait.ge @!p0 [sflag:s14], $0xFA0  }
0x1f: {  	s16 =	sadd.s32 $0x1, s12;
	s13 =	smov.u32 s11;
	[sflag:s14] =	ssyncset.done @!p0 $0x0  }
0x20: {  	s12 =	smov.u32 s16;
	s11 =	smov.u32 s15;
	[sflag:s14] =	ssyncadd.s32 @!p0 $0xFFFFF060  }
.LBB2_1:
0x21: {  	p0 =	sge.u32 s12, s7  }
0x22: {  	s14 =	sxor.u32 @!p0 $0x1, s12  }
0x23: {  	s14 =	smul.u32 @!p0 $0x3E80, s14  }
0x24: {  	s31 =	sadd.s32 $0xFFFFFFFF, s12;
	s15 =	sshrl.u32 @!p0 s11, $0x3  }
0x25: {  	s16 =	sand.u32 @!p0 $0x7, s11;
	s15 =	sadd.s32 @!p0 s3, s15;
	s14 =	sshra.s32 @!p0 s14, $0x2  }
0x26: {  	[tilespmem:s14], [sflag:$0x2] =	stream.linear.gather @!p0 [hbm4b:s15+s16], $0xFA0, $0x38;
	[tilespmem:$0x3E80] =	vst v63  }
0x27: {  	p0 =	sge.u32 s31, s7  }
.Ltmp2:
0x28: {  	_ = 	snop;
	(pc) =	sbr.rel @p0 .LBB2_5-.Ltmp2, $1  }
0x29: {  	_ =	sdelay $0x3  }
0x2a: {  	s14 =	sand.u32 $0x1, s12  }
0x2b: {  	_ =	swait.ge [sflag:s6], $0xFA0;
	p0 =	seq.s32 s14, $0x1;
	s14 =	simm.s32 $0xFA0  }
0x2c: {  	[sflag:s6] =	ssyncset.done $0x0;
	s14 =	simm.s32 @!p0 $0x0  }
0x2d: {  	[sflag:s6] =	ssyncadd.s32 $0xFFFFF060;
	(ifvalue) =	ssetifvalue $0x7FFFFFFF;
	v0 =	vld.msk [tilespmem:s14+$0x0 ss:$0x1], $0xffff;
	_ =	sdelay $0x4  }
0x2e: {  	s15 =	sadd.s32 $0x10, s14;
	vm1 =	vgt.s32 v0, $0x0  }
0x2f: {  	v2 =	vld.msk [tilespmem:s15+$0x0 ss:$0x1], $0xffff;
	v1 =	vnsel vm1, $0x0, v0  }
0x30: {  	v1 =	vmin.u32 v1, $0x270FF;
	_ =	sdelay $0x2  }
0x31: {  	s17 =	simm.s32 $0x20;
	s14 =	sadd.s32 $0x1F40, s14;
	s16 =	sadd.s32 $0x10, s15  }
0x32: {  	s15 =	sadd.s32 $0x10, s14;
	s18 =	smov.u32 s14;
	v0 =	vld.msk [tilespmem:s16+$0x0 ss:$0x1], $0xffff;
	vm1 =	vgt.s32 v2, $0x0;
	(ifvalue) =	ssetifvalue $0x7FFFFFFF  }
.LBB2_3:
0x33: {  	[tilespmem:s18], [sflag:$0x1] =	stream.indirect_vreg.gather [hbm4b:s2+s10], $0x1, v1, vm0, $0x4038;
	[tilespmem:$0x3E80] =	vst v63  }
0x34: {  	s17 =	sadd.s32 $0x10, s17  }
0x35: {  	v2 =	vnsel vm1, $0x0, v2;
	p0 =	slt.u32 s17, $0xF90  }
.Ltmp3:
0x36: {  	s18 =	smov.u32 s15;
	v1 =	vmin.u32 v2, $0x270FF;
	(pc) =	sbr.rel @p0 .LBB2_3-.Ltmp3, $3  }
0x37: {  	_ =	sdelay $0x1  }
0x38: {  	s16 =	sadd.s32 $0x10, s16  }
0x39: {  	vm1 =	vgt.s32 v0, $0x0;
	s15 =	sadd.s32 $0x10, s15;
	v2 =	vmov v0;
	(ifvalue) =	ssetifvalue $0x7FFFFFFF;
	v0 =	vld.msk [tilespmem:s16+$0x0 ss:$0x1], $0xffff  }
.Ltmp4:
0x3a: {  	_ = 	snop;
	(pc) =	sbr.rel .LBB2_4-.Ltmp4, $1  }
0x3b: {  	_ =	sdelay $0x3  }
.LBB2_6:
0x3c: {  	_ =	sfence.sel $0x180000  }
0x3d: {  	s2 =	simm.s32 $0x2;
	[bflag:$0x0] =	sbarrier.arrive $0xFFFF  }
0x3e: {  	s30 =	simm.s32 $0x3;
	[sflag:s2] =	ssyncpa.u1 $0x1  }
0x3f: {  	s31 =	simm.s32 $0x1;
	[sflag:s30] =	ssyncpa.u1 $0x1  }
0x40: {  	[sflag:s31] =	ssyncpa.u1 $0x1  }
0x41: {  	p0 =	sne.s32 s1, $0x0;
	_ =	strace $0x9000004A  }
0x42: {  	s0 =	sadd.s32 @!p0 $0x100000, s0;
	[bflag:$0x2] =	sbarrier.arrive $0xFFFF  }
0x43: {  	[sflag:s0] =	ssyncadd.tile.s32 @!p0 $0x1;
	_ =	shalt  }
.Lfunc_end2:
_tile_overlayer_lowered:
.L_overlay_start_2:
0x44: {  	(tag) =	ssettag $0x2  }
0x45: {  	s0 =	rddreg [dreg:$0x0];
	s2 =	stileid.u32  }
0x46: {  	s1 =	rddreg [dreg:$0x1];
	p0 =	sne.s32 s2, $0x0  }
0x47: {  	s3 =	rddreg [dreg:$0x2];
	[bflag:$0x3] =	sbarrier.arrive $0xFFFF;
	s2 =	simm.s32 @!p0 $0x1C01  }
0x48: {  	[timem:s3], [sflag:s2] =	dma.local @!p0 [hbm:s0], s1  }
0x49: {  	s0 =	simm.s32 @!p0 $0x1  }
0x4a: {  	_ =	swait.ge @!p0 [sflag:s0], s1  }
0x4b: {  	s1 =	ssub.s32 @!p0 $0x0, s1;
	[sflag:s0] =	ssyncset.done @!p0 $0x0  }
0x4c: {  	[sflag:s0] =	ssyncadd.s32 @!p0 s1  }
0x4d: {  	[bflag:$0x3] =	sbarrier.arrive $0xFFFF  }
0x4e: {  	_ =	shalt  }

// kernel: kernel.15.cloned.1.call-start
scs
__scs_entry_jumppad:
0x0: {  	(pc) =	sbr.rel $0x88, $3  }
0x1: {  	(tag) =	ssettag $0x0;
	lr =	simm.s32 $0x1  }
0x2: {  	[smem:$0x3F99] =	sst lr;
	_ =	strace $0xD0000000  }
0x3: {  	_ = 	snop  }
0x4: {  	_ = 	snop  }
0x5: {  	_ = 	snop  }
0x6: {  	_ = 	snop  }
0x7: {  	_ = 	snop  }
__scs_overlays_trampoline_lowered:
0x8: {  	[smem:$0x3FA8] =	sst s0  }
0x9: {  	[smem:$0x3FA9] =	sst s1  }
0xa: {  	[smem:$0x3FAA] =	sst s2  }
0xb: {  	[smem:$0x3FAB] =	sst s3  }
0xc: {  	[smem:$0x3FAC] =	sst s4  }
0xd: {  	[smem:$0x3FAD] =	sst s5  }
0xe: {  	[smem:$0x3FAE] =	sst s6  }
0xf: {  	[smem:$0x3FAF] =	sst s7  }
0x10: {  	[smem:$0x3FB0] =	sst s8  }
0x11: {  	[smem:$0x3FB1] =	sst s9;
	s0 =	simm.s32 @!p0 $0x0  }
0x12: {  	s1 =	sld [smem:$0x3F97];
	s0 =	simm.s32 @p0 $0x1  }
0x13: {  	[smem:$0x3FB2] =	sst s0;
	s0 =	simm.s32 @!p1 $0x0  }
0x14: {  	s2 =	sld [smem:$0x3F96];
	s0 =	simm.s32 @p1 $0x1  }
0x15: {  	[smem:$0x3FB3] =	sst s0;
	s0 =	simm.s32 @!p2 $0x0  }
0x16: {  	s3 =	sld [smem:$0x3FDB];
	s0 =	simm.s32 @p2 $0x1  }
0x17: {  	s4 =	simm.s32 $0x1BF5;
	[smem:$0x3FB5] =	sst s0  }
0x18: {  	s0 =	sld [smem:$0x3F98];
	_ =	swait.ge [sflag:s4], $0x0  }
0x19: {  	s7 =	sld [smem:$0x3F99]  }
0x1a: {  	s8 =	sadd.s32 $0xFFFFE003, lr  }
0x1b: {  	s9 =	sadd.s32 $0xFFFFFEF7, lr;
	s5 =	simm.s32 $0xFFFFFFFF;
	p2 =	slt.u32 s8, $0xFFFFF086  }
0x1c: {  	p1 =	slt.u32 s9, $0xF7A;
	s5 =	simm.s32 @!p2 $0x0  }
0x1d: {  	s5 =	simm.s32 @p1 $0x1;
	p0 =	seq.s32 s7, s2  }
0x1e: {  	s7 =	smul.u32 @!p0 $0xF7A, s2;
	p2 =	seq.s32 @!p0 s5, $0x0  }
0x1f: {  	s9 =	smul.u32 $0xF7A, s1;
	s8 =	simm.s32 @!p0 $0x1BF5;
	p2 =	por !p2, p0  }
0x20: {  	[sflag:s8] =	ssyncset.s32 @!p0 $0xFFFFF086;
	s6 =	sadd.s32 @!p0 s3, s7;
	s7 =	simm.s32 @!p0 $0x108  }
0x21: {  	s3 =	sadd.s32 s3, s9;
	s6 =	sadd.s32 @!p0 $0x88, s6;
	s7 =	simm.s32 @p2 $0x1082  }
0x22: {  	[simem:s7], [sflag:s8] =	dma.local @!p0 [hbm:s6], $0xF7A  }
0x23: {  	s9 =	sor.u32 $0xD0000000, s2;
	s6 =	simm.s32 $0x108;
	_ =	swait.ge @!p0 [sflag:s8], $0x0  }
0x24: {  	s3 =	sadd.s32 $0x88, s3;
	s6 =	simm.s32 @!p1 $0x1082;
	[sflag:s4] =	ssyncset.s32 $0xFFFFF086  }
0x25: {  	[simem:s6], [sflag:s4] =	dma.local [hbm:s3], $0xF7A  }
0x26: {  	[smem:$0x3F99] =	sst s1;
	(tag) =	ssettag s2;
	_ =	strace s9  }
0x27: {  	s1 =	sld [smem:$0x3FA9]  }
0x28: {  	s2 =	sld [smem:$0x3FAA]  }
0x29: {  	s4 =	sld [smem:$0x3FAC]  }
0x2a: {  	p0 =	seq.s32 s5, $0x0;
	s5 =	sld [smem:$0x3FAD]  }
0x2b: {  	s6 =	sld [smem:$0x3FAE]  }
0x2c: {  	s7 =	sld [smem:$0x3FAF]  }
0x2d: {  	s3 =	simm.s32 $0x108;
	s8 =	sld [smem:$0x3FB0]  }
0x2e: {  	s3 =	simm.s32 @!p0 $0x1082;
	s9 =	sld [smem:$0x3FB1]  }
0x2f: {  	lr =	sadd.s32 s0, s3;
	s0 =	sld [smem:$0x3FA8]  }
0x30: {  	s3 =	sld [smem:$0x3FAB]  }
0x31: {  	[smem:$0x3FB4] =	sst s10  }
0x32: {  	s10 =	sld [smem:$0x3FB2];
	_ =	sdelay $0x3  }
0x33: {  	p0 =	seq.s32 s10, $0x1;
	s10 =	sld [smem:$0x3FB4];
	_ =	sdelay $0x3  }
0x34: {  	[smem:$0x3FB4] =	sst s10  }
0x35: {  	s10 =	sld [smem:$0x3FB3];
	_ =	sdelay $0x3  }
0x36: {  	p1 =	seq.s32 s10, $0x1;
	s10 =	sld [smem:$0x3FB4];
	_ =	sdelay $0x3  }
0x37: {  	[smem:$0x3FB4] =	sst s10  }
0x38: {  	s10 =	sld [smem:$0x3FB5]  }
0x39: {  	_ = 	snop;
	(pc) =	sbr.ind lr, $3  }
0x3a: {  	_ = 	snop  }
0x3b: {  	_ = 	snop  }
0x3c: {  	p2 =	seq.s32 s10, $0x1;
	s10 =	sld [smem:$0x3FB4]  }
0x3d: {  	_ =	shalt  }
0x3e: {  	_ =	shalt  }
0x3f: {  	_ =	shalt  }
0x40: {  	_ =	shalt  }
0x41: {  	_ =	shalt  }
0x42: {  	_ =	shalt  }
0x43: {  	_ =	shalt  }
0x44: {  	_ =	shalt  }
0x45: {  	_ =	shalt  }
0x46: {  	_ =	shalt  }
0x47: {  	_ =	shalt  }
0x48: {  	_ =	shalt  }
0x49: {  	_ =	shalt  }
0x4a: {  	_ =	shalt  }
0x4b: {  	_ =	shalt  }
0x4c: {  	_ =	shalt  }
0x4d: {  	_ =	shalt  }
0x4e: {  	_ =	shalt  }
0x4f: {  	_ =	shalt  }
0x50: {  	_ =	shalt  }
0x51: {  	_ =	shalt  }
0x52: {  	_ =	shalt  }
0x53: {  	_ =	shalt  }
0x54: {  	_ =	shalt  }
0x55: {  	_ =	shalt  }
0x56: {  	_ =	shalt  }
0x57: {  	_ =	shalt  }
0x58: {  	_ =	shalt  }
0x59: {  	_ =	shalt  }
0x5a: {  	_ =	shalt  }
0x5b: {  	_ =	shalt  }
0x5c: {  	_ =	shalt  }
0x5d: {  	_ =	shalt  }
0x5e: {  	_ =	shalt  }
0x5f: {  	_ =	shalt  }
0x60: {  	_ =	shalt  }
0x61: {  	_ =	shalt  }
0x62: {  	_ =	shalt  }
0x63: {  	_ =	shalt  }
0x64: {  	_ =	shalt  }
0x65: {  	_ =	shalt  }
0x66: {  	_ =	shalt  }
0x67: {  	_ =	shalt  }
0x68: {  	_ =	shalt  }
0x69: {  	_ =	shalt  }
0x6a: {  	_ =	shalt  }
0x6b: {  	_ =	shalt  }
0x6c: {  	_ =	shalt  }
0x6d: {  	_ =	shalt  }
0x6e: {  	_ =	shalt  }
0x6f: {  	_ =	shalt  }
0x70: {  	_ =	shalt  }
0x71: {  	_ =	shalt  }
0x72: {  	_ =	shalt  }
0x73: {  	_ =	shalt  }
0x74: {  	_ =	shalt  }
0x75: {  	_ =	shalt  }
0x76: {  	_ =	shalt  }
0x77: {  	_ =	shalt  }
0x78: {  	_ =	shalt  }
0x79: {  	_ =	shalt  }
0x7a: {  	_ =	shalt  }
0x7b: {  	_ =	shalt  }
0x7c: {  	_ =	shalt  }
0x7d: {  	_ =	shalt  }
0x7e: {  	_ =	shalt  }
0x7f: {  	_ =	shalt  }
0x80: {  	_ =	shalt  }
0x81: {  	_ =	shalt  }
0x82: {  	_ =	shalt  }
0x83: {  	_ =	shalt  }
0x84: {  	_ =	shalt  }
0x85: {  	_ =	shalt  }
0x86: {  	_ =	shalt  }
0x87: {  	_ =	shalt  }
.Lfunc_end0:
.L_simem_size_0:
called_computation.2_lowered:
.L_overlay_start_0:
0x88: {  	s2 =	sld [smem:$0x3FD9]  }
0x89: {  	s3 =	sld [smem:$0x3FFE];
	_ =	sdelay $0x1  }
0x8a: {  	s1 =	srdreg.scid  }
0x8b: {  	s0 =	sand.u32 $0x1, s1  }
0x8c: {  	s17 =	sshll.u32 s0, $0xA;
	s2 =	sadd.s32 s3, s2  }
0x8d: {  	s2 =	sadd.s32 s2, s17  }
0x8e: {  	[smem:$0x3FC0] =	sst s2  }
0x8f: {  	_ = 	snop  }
0x90: {  	s2 =	sld [smem:$0x3FD0];
	(tm) =	ssettm $0x1  }
0x91: {  	s18 =	sld [smem:$0x3FFB];
	_ =	sdelay $0x3  }
0x92: {  	_ =	strace s18  }
0x93: {  	s3 =	sld [smem:$0x3FFC];
	_ =	sdelay $0x3  }
0x94: {  	_ =	strace s3  }
0x95: {  	s3 =	sld [smem:$0x3FFD];
	_ =	sdelay $0x3  }
0x96: {  	_ =	strace s3  }
0x97: {  	_ =	strace $0x8FFFFFFF  }
0x98: {  	s19 =	sld [smem:$0x3FDB];
	_ =	sdelay $0x1  }
0x99: {  	s4 =	simm.s32 $_scs_section_size  }
0x9a: {  	s5 =	simm.s32 $_size__tile_overlayer_lowered;
	s6 =	simm.s32 $_tile_overlayer_lowered  }
0x9b: {  	s22 =	simm.s32 $0x1BFF;
	s21 =	sshll.u32 s6, $0x1;
	s3 =	sadd.s32 s4, s19  }
0x9c: {  	s7 =	simm.s32 $0x0;
	s20 =	sshll.u32 s5, $0x1;
	s5 =	sadd.s32 s21, s3  }
0x9d: {  	[timem:s7], [sflag:s22] =	dma.local [hbm:s5], s20  }
0x9e: {  	_ =	swait.ge [sflag:s22], s20  }
0x9f: {  	s4 =	ssub.s32 $0x0, s20;
	[sflag:s22] =	ssyncset.done $0x0  }
0xa0: {  	[sflag:s22] =	ssyncadd.s32 s4;
	_ =	sdelay $0x1  }
0xa1: {  	s23 =	simm.s32 $0x1B8B  }
0xa2: {  	_ =	swait.ge [sflag:s23], $0x1  }
0xa3: {  	[sflag:s23] =	ssyncset.done $0x0  }
0xa4: {  	s25 =	simm.s32 $0x1B8E;
	s24 =	sld [smem:$0x3FFE];
	[sflag:s23] =	ssyncadd.s32 $0xFFFFFFFF  }
0xa5: {  	s26 =	simm.s32 $execute0_lowered;
	[smem:$0x3FD2] =	sst s25  }
0xa6: {  	s5 =	sshll.u32 s26, $0x1;
	_ =	strace $0x8000004C;
	[dreg:$0x1] =	wrdreg $0xFFFFFFFF  }
0xa7: {  	s28 =	simm.s32 $_size_execute0_lowered;
	s3 =	sadd.s32 s3, s5;
	[dreg:$0x0] =	wrdreg $0x0  }
0xa8: {  	s5 =	sshll.u32 s28, $0x1;
	[dreg:$0x2] =	wrdreg s3  }
0xa9: {  	[dreg:$0x3] =	wrdreg s5  }
0xaa: {  	[dreg:$0x4] =	wrdreg $0xC0  }
0xab: {  	_ =	task [dreg:s7], $0x5FFFF  }
0xac: {  	[dreg:$0x1] =	wrdreg $0xFFFFFFFF  }
0xad: {  	[dreg:$0x0] =	wrdreg $0x60  }
0xae: {  	[dreg:$0x2] =	wrdreg s2  }
0xaf: {  	[dreg:$0x3] =	wrdreg s24  }
0xb0: {  	[dreg:$0x4] =	wrdreg $0x9  }
0xb1: {  	_ =	task.clear_ibuf [dreg:s7], $0x5FFFF;
	_ =	strace $0x9000004C  }
0xb2: {  	s29 =	simm.s32 $0x9;
	_ =	strace $0x8000004E  }
0xb3: {  	_ =	swait.ge [sflag:s29], $0x1  }
0xb4: {  	[sflag:s29] =	ssyncadd.s32 $0xFFFFFFFF  }
0xb5: {  	_ =	strace $0x9000004E  }
0xb6: {  	_ =	sfence  }
0xb7: {  	s30 =	sld [smem:$0x0];
	_ =	sdelay $0x2  }
0xb8: {  	s31 =	sshll.u32 s1, $0xD;
	s1 =	sshrl.u32 s1, $0x2  }
0xb9: {  	s3 =	sand.u32 $0x4000, s31;
	s1 =	sadd.s32 s1, s30  }
0xba: {  	s0 =	sor.u32 s3, s0;
	s1 =	sshll.u32 s1, $0x11  }
0xbb: {  	s0 =	sor.u32 s1, s0  }
0xbc: {  	s0 =	sadd.s32 $0x8F2B, s0  }
0xbd: {  	[sflag:s0] =	ssyncadd.remote.s32 $0x1  }
0xbe: {  	_ =	sfence.sel $0xFFFF  }
0xbf: {  	[dreg:$0x0] =	wrdreg $0xFFFFFFFF;
	(pc) =	sbr.abs _section_cstart, $3  }
0xc0: {  	[dreg:$0x1] =	wrdreg $0xFFFFFFFF  }
0xc1: {  	_ =	task.clear_ibuf [dreg:s7], $0x2FFFF;
	_ =	strace $0x9FFFFFFF  }
0xc2: {  	(tm) =	ssettm $0x7FFFFFFF  }
0xc3: {  	_ =	shalt  }
tec
execute0_lowered:
.L_overlay_start_1:
0x0: {  	(tag) =	ssettag $0x1  }
0x1: {  	s0 =	rddreg [dreg:$0x0]  }
0x2: {  	s9 =	rddreg [dreg:$0x1]  }
0x3: {  	s1 =	simm.s32 $0x0;
	s10 =	srdreg.scid;
	s16 =	stileid.u32  }
0x4: {  	s17 =	simm.s32 $0x1;
	s18 =	simm.s32 $0x80;
	s19 =	simm.s32 $0x50  }
0x5: {  	s20 =	simm.s32 $0x100;
	s21 =	simm.s32 $0x2900;
	s22 =	simm.s32 $0x5280  }
0x6: {  	s23 =	simm.s32 $0x18E80;
	s24 =	simm.s32 $0x19100;
	s25 =	simm.s32 $0x0  }
0x7: {  	[smem:$0x7FF] =	sst s1;
	s2 =	sadd.s32 $0x23800, s9;
	s13 =	sadd.s32 $0x4AA00, s9  }
0x8: {  	s3 =	sadd.s32 $0x71C00, s9;
	s4 =	sadd.s32 $0x12800, s9;
	s5 =	sadd.s32 $0x1E800, s9  }
0x9: {  	s12 =	sadd.s32 $0x17A00, s9;
	s6 =	sadd.s32 $0x17800, s9;
	s7 =	sadd.s32 $0x7C00, s9  }
0xa: {  	s8 =	sadd.s32 $0x7E00, s9;
	s15 =	sand.u32 $0x1, s10;
	s10 =	sadd.s32 $0x98E00, s9  }
0xb: {  	s9 =	sadd.s32 $0xC0000, s9;
	s11 =	ssub.s32 $0x2, s15;
	p0 =	seq.s32 s15, $0x0  }
0xc: {  	v1 =	vlaneseq.u32;
	v2 =	vimm.f32 $0.0e+00;
	v3 =	vmov s16;
	_ =	strace $0x8000004D;
	s14 =	sshrl.u32 s11, $0x1;
	s6 =	smov.u32 @p0 s12  }
0xd: {  	v4 =	vor.u32 $0x20, v1;
	v5 =	vor.u32 $0x30, v1;
	v6 =	vor.u32 $0x40, v1;
	s2 =	smov.u32 @p0 s0;
	s14 =	ssub.s32 s11, s14;
	s11 =	smul.u32 $0x271, s16  }
0xe: {  	v7 =	vor.u32 $0x50, v1;
	v8 =	vor.u32 $0x60, v1;
	v9 =	vor.u32 $0x70, v1;
	s3 =	smov.u32 @p0 s13;
	p0 =	sne.s32 s15, $0x0;
	s16 =	simm.s32 $0x5200  }
0xf: {  	vm0 =	veq.s32 v3, v1;
	v3 =	vor.u32 $0x10, v1;
	s10 =	smov.u32 @p0 s9;
	s12 =	smax.u32 s14, $0x1;
	s14 =	simm.s32 $0x2;
	v0 =	vmov s11  }
.LBB2_1:
0x10: {  	s0 =	simm.s32 $0x70;
	s9 =	simm.s32 $0x3C0  }
.LBB2_2:
0x11: {  	p1 =	sne.s32 s9, $0x4E3C0;
	[tilespmem:s0+$0x5280] =	vst v2  }
0x12: {  	[tilespmem:s0+$0x5210] =	vst v2  }
0x13: {  	[tilespmem:s0+$0x5220] =	vst v2  }
.Ltmp0:
0x14: {  	[tilespmem:s0+$0x5230] =	vst v2;
	(pc) =	sbr.rel @p1 .LBB2_2-.Ltmp0, $4  }
0x15: {  	[tilespmem:s0+$0x5240] =	vst v2  }
0x16: {  	[tilespmem:s0+$0x5250] =	vst v2  }
0x17: {  	[tilespmem:s0+$0x5260] =	vst v2  }
0x18: {  	[tilespmem:s0+$0x5270] =	vst v2;
	s0 =	sshra.s32 s9, $0x2;
	s9 =	sadd.s32 $0x200, s9  }
0x19: {  	[tilespmem:s0+$0x5280] =	vst v2  }
0x1a: {  	[tilespmem:s0+$0x5210] =	vst v2  }
0x1b: {  	[tilespmem:s0+$0x5220] =	vst v2  }
0x1c: {  	[tilespmem:s0+$0x5230] =	vst v2  }
0x1d: {  	[tilespmem:s0+$0x5240] =	vst v2  }
0x1e: {  	[tilespmem:s0+$0x5250] =	vst v2  }
0x1f: {  	[tilespmem:s0+$0x5260] =	vst v2  }
0x20: {  	[tilespmem:s0+$0x5270] =	vst v2  }
0x21: {  	[tilespmem:$0x18E80] =	vst v2  }
0x22: {  	[tilespmem:$0x18E90] =	vst v2  }
0x23: {  	[tilespmem:$0x18EA0] =	vst v2  }
0x24: {  	[tilespmem:$0x18EB0] =	vst v2  }
0x25: {  	[tilespmem:$0x18EC0] =	vst v2  }
0x26: {  	[tilespmem:$0x18ED0] =	vst v2  }
0x27: {  	[tilespmem:$0x18EE0] =	vst v2  }
0x28: {  	[tilespmem:$0x18EF0] =	vst v2  }
0x29: {  	[tilespmem:$0x18F00] =	vst v2  }
0x2a: {  	[tilespmem:$0x18F10] =	vst v2  }
0x2b: {  	[tilespmem:$0x18F20] =	vst v2  }
0x2c: {  	[tilespmem:$0x18F30] =	vst v2  }
0x2d: {  	[tilespmem:$0x18F40] =	vst v2  }
0x2e: {  	[tilespmem:$0x18F50] =	vst v2  }
0x2f: {  	[tilespmem:$0x18F60] =	vst v2  }
0x30: {  	[tilespmem:$0x18F70] =	vst v2  }
0x31: {  	[tilespmem:$0x18F80] =	vst v2  }
0x32: {  	[tilespmem:$0x18F90] =	vst v2  }
0x33: {  	[tilespmem:$0x18FA0] =	vst v2  }
0x34: {  	[tilespmem:$0x18FB0] =	vst v2  }
0x35: {  	[tilespmem:$0x18FC0] =	vst v2  }
0x36: {  	[tilespmem:$0x18FD0] =	vst v2  }
0x37: {  	[tilespmem:$0x18FE0] =	vst v2  }
0x38: {  	[tilespmem:$0x18FF0] =	vst v2  }
0x39: {  	[tilespmem:$0x19000] =	vst v2  }
0x3a: {  	[tilespmem:$0x19010] =	vst v2  }
0x3b: {  	[tilespmem:$0x19020] =	vst v2  }
0x3c: {  	[tilespmem:$0x19030] =	vst v2  }
0x3d: {  	[tilespmem:$0x19040] =	vst v2  }
0x3e: {  	[tilespmem:$0x19050] =	vst v2  }
0x3f: {  	[tilespmem:$0x19060] =	vst v2  }
0x40: {  	[tilespmem:$0x19070] =	vst v2  }
0x41: {  	[tilespmem:$0x19080] =	vst v2  }
0x42: {  	[tilespmem:$0x19090] =	vst v2  }
0x43: {  	[tilespmem:$0x190A0] =	vst v2  }
0x44: {  	[tilespmem:$0x190B0] =	vst v2  }
0x45: {  	[tilespmem:$0x190C0] =	vst v2  }
0x46: {  	[tilespmem:$0x190D0] =	vst v2  }
0x47: {  	[tilespmem:$0x190E0] =	vst v2  }
0x48: {  	s26 =	simm.s32 $0x0;
	s15 =	simm.s32 $0x5100;
	[tilespmem:$0x190F0] =	vst v2  }
0x49: {  	[tilespmem:s15], [sflag:$0x2] =	stream.linear.gather [hbm4b:s6+s26], $0x80, $0x38;
	[tilespmem:$0x1CF80] =	vst v63  }
0x4a: {  	_ =	swait.ge [sflag:s14], $0x80  }
0x4b: {  	[sflag:s14] =	ssyncset.done $0x0  }
0x4c: {  	s30 =	simm.s32 $0x5180;
	[sflag:s14] =	ssyncadd.s32 $0xFFFFFF80  }
0x4d: {  	[tilespmem:s30], [sflag:$0x2] =	stream.linear.gather [hbm4b:s7+s26], $0x80, $0x38;
	[tilespmem:$0x1CF80] =	vst v63  }
0x4e: {  	_ =	swait.ge [sflag:s14], $0x80  }
0x4f: {  	[sflag:s14] =	ssyncset.done $0x0  }
0x50: {  	[sflag:s14] =	ssyncadd.s32 $0xFFFFFF80  }
0x51: {  	[tilespmem:s16], [sflag:$0x2] =	stream.linear.gather [hbm4b:s8+s26], $0x80, $0x38;
	[tilespmem:$0x1CF80] =	vst v63  }
0x52: {  	_ =	swait.ge [sflag:s14], $0x80  }
0x53: {  	[sflag:s14] =	ssyncset.done $0x0  }
0x54: {  	[sflag:s14] =	ssyncadd.s32 $0xFFFFFF80  }
0x55: {  	v10 =	vld [tilespmem:$0x5180]  }
0x56: {  	v11 =	vld [tilespmem:$0x5200];
	_ =	sdelay $0x3  }
0x57: {  	v10 =	vnsel vm0, $0x0, v10  }
0x58: {  	(xrf0) =	vadd.scan.msk.s32 $0xffff, v10;
	v10 =	vnsel vm0, $0x0, v11  }
0x59: {  	(xrf0) =	vadd.scan.msk.s32 $0xffff, v10;
	_ =	sdelay $0x4  }
0x5a: {  	v18, _, _ =	vpop (xrf0)  }
0x5b: {  	(v2sf) =	vpush v18, $0xF;
	v19, _, _ =	vpop (xrf0)  }
0x5c: {  	(v2sf) =	vpush v19, $0xF;
	_ =	sdelay $0xd  }
0x5d: {  	s31 =	spop (v2sf)  }
0x5e: {  	s9 =	spop (v2sf);
	s28 =	sand.u32 $0xFFFFFFF8, s31  }
0x5f: {  	s0 =	ssub.s32 s9, s28  }
0x60: {  	s9 =	sadd.s32 $0x4F, s0  }
0x61: {  	s13 =	smulhi.u32 $0x66666667, s9;
	s15 =	sshra.s32 s9, $0x1F  }
0x62: {  	s15 =	smul.u32 $0x66666667, s15;
	_ =	sdelay $0x1  }
0x63: {  	s13 =	sadd.s32 s15, s13  }
0x64: {  	s15 =	sshrl.u32 s13, $0x1F;
	s13 =	sshra.s32 s13, $0x5  }
0x65: {  	s13 =	sadd.s32 s15, s13  }
0x66: {  	s15 =	smul.u32 $0xFFFFFFB0, s13  }
0x67: {  	s0 =	ssub.s32 $0xFFFFFFB1, s0  }
0x68: {  	p1 =	slt.s32 s9, $0x1;
	p2 =	sne.s32 s15, s0  }
0x69: {  	p1 =	por !p1, !p2  }
0x6a: {  	s0 =	simm.s32 $0x1;
	p1 =	por !p1, !p1  }
0x6b: {  	v12 =	vld [tilespmem:$0x5120];
	s0 =	simm.s32 @!p1 $0x0  }
0x6c: {  	v13 =	vld [tilespmem:$0x5130];
	s29 =	ssub.s32 s13, s0  }
0x6d: {  	v14 =	vld [tilespmem:$0x5140];
	p1 =	slt.s32 s29, $0x1  }
.Ltmp1:
0x6e: {  	v15 =	vld [tilespmem:$0x5150];
	(pc) =	sbr.rel @p1 .LBB2_8-.Ltmp1, $4  }
0x6f: {  	v16 =	vld [tilespmem:$0x5160]  }
0x70: {  	v17 =	vld [tilespmem:$0x5170]  }
0x71: {  	v11 =	vld [tilespmem:$0x5110]  }
0x72: {  	v10 =	vld [tilespmem:$0x5100]  }
0x73: {  	v18 =	vbroadcast v18, $0xF;
	v19 =	vbroadcast v19, $0xF;
	s30 =	simm.s32 $0x0  }
.LBB2_5:
0x74: {  	s0 =	smul.u32 $0x50, s30;
	_ =	sdelay $0x1  }
0x75: {  	s31 =	sadd.s32 s28, s0  }
0x76: {  	s0 =	sshrl.u32 s31, $0x3  }
0x77: {  	s9 =	sadd.s32 s4, s0  }
0x78: {  	[tilespmem:s26], [sflag:$0x2] =	stream.linear.gather [hbm4b:s9+s26], $0x50, $0x38;
	[tilespmem:$0x1CF80] =	vst v63  }
0x79: {  	_ =	swait.ge [sflag:s14], $0x50  }
0x7a: {  	[sflag:s14] =	ssyncset.done $0x0  }
0x7b: {  	s0 =	sadd.s32 s5, s0;
	[sflag:s14] =	ssyncadd.s32 $0xFFFFFFB0  }
0x7c: {  	[tilespmem:s18], [sflag:$0x2] =	stream.linear.gather [hbm4b:s0+s26], $0x50, $0x38;
	[tilespmem:$0x1CF80] =	vst v63  }
0x7d: {  	_ =	swait.ge [sflag:s14], $0x50  }
0x7e: {  	[sflag:s14] =	ssyncset.done $0x0  }
0x7f: {  	[sflag:s14] =	ssyncadd.s32 $0xFFFFFFB0  }
0x80: {  	[tilespmem:s20], [sflag:$0x1] =	stream.indirect.gather [hbm4b:s2+s19], $0x80, s26, s19, $0xb8;
	[tilespmem:$0x1CF80] =	vst v63  }
0x81: {  	_ = 	snop  }
0x82: {  	[tilespmem:s21], [sflag:$0x1] =	stream.indirect.gather [hbm4b:s3+s19], $0x80, s18, s19, $0xb8;
	[tilespmem:$0x1CF80] =	vst v63  }
0x83: {  	_ =	swait.ge [sflag:s17], $0x2800  }
0x84: {  	[sflag:s17] =	ssyncset.done $0x0  }
0x85: {  	[sflag:s17] =	ssyncadd.s32 $0xFFFFD800  }
0x86: {  	_ =	swait.ge [sflag:s17], $0x2800  }
0x87: {  	[sflag:s17] =	ssyncset.done $0x0  }
0x88: {  	s0 =	simm.s32 $0x140;
	[sflag:s17] =	ssyncadd.s32 $0xFFFFD800  }
0x89: {  	s9 =	simm.s32 $0x2940;
	v20 =	vld [tilespmem:s0+$0xFFFFFFC0]  }
0x8a: {  	v21 =	vld [tilespmem:s9+$0xFFFFFFC0]  }
0x8b: {  	v22 =	vld [tilespmem:s9+$0xFFFFFFD0]  }
0x8c: {  	v23 =	vld [tilespmem:s0+$0xFFFFFFD0]  }
0x8d: {  	v24 =	vld [tilespmem:s9+$0xFFFFFFE0]  }
0x8e: {  	v25 =	vld [tilespmem:s0+$0xFFFFFFE0]  }
0x8f: {  	v26 =	vld [tilespmem:s9+$0xFFFFFFF0];
	v21 =	vadd.f32 v21, v20  }
0x90: {  	v27 =	vld [tilespmem:s0+$0xFFFFFFF0]  }
0x91: {  	v29 =	vld [tilespmem:s9+$0x0];
	v22 =	vadd.f32 v22, v23;
	v28 =	vmul.f32 $2.000000030e-01, v21  }
0x92: {  	v30 =	vld [tilespmem:s0+$0x0]  }
0x93: {  	v31 =	vld [tilespmem:s9+$0x10];
	v24 =	vadd.f32 v24, v25;
	v42 =	vmul.f32 $2.000000030e-01, v22;
	v21 =	vmax.f32 v21, v28  }
0x94: {  	v32 =	vld [tilespmem:s0+$0x10];
	v21 =	vmul.f32 v21, v10  }
0x95: {  	v33 =	vld [tilespmem:s9+$0x20];
	v26 =	vadd.f32 v26, v27;
	v43 =	vmul.f32 $2.000000030e-01, v24;
	v22 =	vmax.f32 v22, v42  }
0x96: {  	v34 =	vld [tilespmem:s0+$0x20];
	v22 =	vmul.f32 v22, v11;
	v21 =	vadd.f32 $0.0e+00, v21  }
0x97: {  	v35 =	vld [tilespmem:s9+$0x30];
	v29 =	vadd.f32 v29, v30;
	v44 =	vmul.f32 $2.000000030e-01, v26;
	v24 =	vmax.f32 v24, v43  }
0x98: {  	v45 =	vld [tilespmem:s0+$0x30];
	v21 =	vadd.f32 v22, v21;
	v22 =	vmul.f32 v24, v12  }
0x99: {  	v31 =	vadd.f32 v31, v32;
	v46 =	vmul.f32 $2.000000030e-01, v29;
	v26 =	vmax.f32 v26, v44  }
0x9a: {  	v21 =	vadd.f32 v22, v21;
	v22 =	vmul.f32 v26, v13  }
0x9b: {  	v49 =	vadd.f32 v33, v34;
	v48 =	vmul.f32 $2.000000030e-01, v31;
	v47 =	vmax.f32 v29, v46  }
0x9c: {  	v21 =	vadd.f32 v22, v21;
	v22 =	vmul.f32 v47, v14  }
0x9d: {  	v52 =	vadd.f32 v35, v45;
	v51 =	vmul.f32 $2.000000030e-01, v49;
	v50 =	vmax.f32 v31, v48  }
0x9e: {  	v21 =	vadd.f32 v22, v21;
	v22 =	vmul.f32 v50, v15  }
0x9f: {  	v54 =	vmul.f32 $2.000000030e-01, v52;
	v53 =	vmax.f32 v49, v51  }
0xa0: {  	v21 =	vadd.f32 v22, v21;
	v22 =	vmul.f32 v53, v16  }
0xa1: {  	v55 =	vmax.f32 v52, v54  }
0xa2: {  	v21 =	vadd.f32 v22, v21;
	v22 =	vmul.f32 v55, v17;
	_ =	sdelay $0x1  }
0xa3: {  	v21 =	vadd.f32 v22, v21;
	_ =	sdelay $0x1  }
0xa4: {  	(xrf2) =	vadd.scan.msk.f32 $0xffff, v21;
	_ =	sdelay $0x8  }
0xa5: {  	v21 =	vmov s26  }
0xa6: {  	v22, _, _ =	vpop (xrf2)  }
0xa7: {  	v22 =	vmul.f32 $1.442695020e+00, v22;
	_ =	sdelay $0x1  }
0xa8: {  	v22 =	vbroadcast v22, $0xF  }
0xa9: {  	v21 =	vld.idx.msk [tilespmem:v21+s18+$0x0], $0xffff  }
0xaa: {  	(erf) = vpow2.f32 v22  }
0xab: {  	s13 =	sadd.s32 $0x0, s31  }
0xac: {  	v22 =	vmov s13  }
0xad: {  	vm1 =	vge.s32 v22, v18;
	vm2 =	vlt.s32 v22, v19  }
0xae: {  	v21 =	vsub.s32 v21, v0;
	vm1 =	vmand vm1, vm2  }
0xaf: {  	v21 =	vnsel vm1, $0x271, v21  }
0xb0: {  	v56 =	vshll.u32 v21, $0x7  }
0xb1: {  	v57 =	vor.u32 v1, v56  }
0xb2: {  	v58 =	vor.u32 v3, v56  }
0xb3: {  	v59 =	vor.u32 v4, v56;
	v22 =	vpop (erf)  }
0xb4: {  	v60 =	vor.u32 v5, v56;
	v20 =	vmul.f32 v22, v20  }
0xb5: {  	v61 =	vor.u32 v6, v56;
	v23 =	vmul.f32 v22, v23  }
0xb6: {  	v62 =	vor.u32 v7, v56;
	[tilespmem:v57+s22+$0x0] =	vst.idx.add.f32.msk $0xffff, v20;
	v20 =	vmul.f32 v22, v25  }
0xb7: {  	v63 =	vor.u32 v8, v56;
	[tilespmem:v58+s22+$0x0] =	vst.idx.add.f32.msk $0xffff, v23;
	v23 =	vmul.f32 v22, v27  }
0xb8: {  	v26 =	vor.u32 v9, v56;
	[tilespmem:v59+s22+$0x0] =	vst.idx.add.f32.msk $0xffff, v20;
	v20 =	vmul.f32 v22, v30  }
0xb9: {  	[tilespmem:v60+s22+$0x0] =	vst.idx.add.f32.msk $0xffff, v23;
	v23 =	vmul.f32 v22, v32  }
0xba: {  	[tilespmem:v61+s22+$0x0] =	vst.idx.add.f32.msk $0xffff, v20;
	v20 =	vmul.f32 v22, v34  }
0xbb: {  	[tilespmem:v62+s22+$0x0] =	vst.idx.add.f32.msk $0xffff, v23;
	v23 =	vmul.f32 v22, v45  }
0xbc: {  	[tilespmem:v63+s22+$0x0] =	vst.idx.add.f32.msk $0xffff, v20  }
0xbd: {  	s13 =	simm.s32 $0x1;
	[tilespmem:v26+s22+$0x0] =	vst.idx.add.f32.msk $0xffff, v23  }
.LBB2_6:
0xbe: {  	p1 =	sne.s32 s13, $0x4F;
	[tilespmem:v21+s23+$0x0] =	vst.idx.add.f32.msk $0x1, v22;
	s0 =	sadd.s32 $0x80, s0;
	s9 =	sadd.s32 $0x80, s9  }
0xbf: {  	s15 =	smov.u32 s13;
	s13 =	sadd.s32 $0x1, s13;
	v20 =	vld [tilespmem:s0+$0xFFFFFFC0]  }
0xc0: {  	v21 =	vld [tilespmem:s9+$0xFFFFFFC0]  }
0xc1: {  	v22 =	vld [tilespmem:s9+$0xFFFFFFD0]  }
0xc2: {  	v23 =	vld [tilespmem:s0+$0xFFFFFFD0]  }
0xc3: {  	v24 =	vld [tilespmem:s9+$0xFFFFFFE0]  }
0xc4: {  	v25 =	vld [tilespmem:s0+$0xFFFFFFE0]  }
0xc5: {  	v21 =	vadd.f32 v21, v20;
	v26 =	vld [tilespmem:s9+$0xFFFFFFF0]  }
0xc6: {  	v27 =	vld [tilespmem:s0+$0xFFFFFFF0]  }
0xc7: {  	v28 =	vmul.f32 $2.000000030e-01, v21;
	v22 =	vadd.f32 v22, v23;
	v29 =	vld [tilespmem:s9+$0x0]  }
0xc8: {  	v30 =	vld [tilespmem:s0+$0x0]  }
0xc9: {  	v21 =	vmax.f32 v21, v28;
	v28 =	vmul.f32 $2.000000030e-01, v22;
	v24 =	vadd.f32 v24, v25;
	v31 =	vld [tilespmem:s9+$0x10]  }
0xca: {  	v21 =	vmul.f32 v21, v10;
	v32 =	vld [tilespmem:s0+$0x10]  }
0xcb: {  	v22 =	vmax.f32 v22, v28;
	v28 =	vmul.f32 $2.000000030e-01, v24;
	v26 =	vadd.f32 v26, v27;
	v33 =	vld [tilespmem:s9+$0x20]  }
0xcc: {  	v21 =	vadd.f32 $0.0e+00, v21;
	v22 =	vmul.f32 v22, v11;
	v34 =	vld [tilespmem:s0+$0x20]  }
0xcd: {  	v24 =	vmax.f32 v24, v28;
	v28 =	vmul.f32 $2.000000030e-01, v26;
	v29 =	vadd.f32 v29, v30;
	v35 =	vld [tilespmem:s9+$0x30]  }
0xce: {  	v21 =	vadd.f32 v22, v21;
	v22 =	vmul.f32 v24, v12;
	v24 =	vld [tilespmem:s0+$0x30]  }
0xcf: {  	v26 =	vmax.f32 v26, v28;
	v28 =	vmul.f32 $2.000000030e-01, v29;
	v31 =	vadd.f32 v31, v32  }
0xd0: {  	v21 =	vadd.f32 v22, v21;
	v22 =	vmul.f32 v26, v13  }
0xd1: {  	v26 =	vmax.f32 v29, v28;
	v28 =	vmul.f32 $2.000000030e-01, v31;
	v29 =	vadd.f32 v33, v34  }
0xd2: {  	v21 =	vadd.f32 v22, v21;
	v22 =	vmul.f32 v26, v14  }
0xd3: {  	v26 =	vmax.f32 v31, v28;
	v28 =	vmul.f32 $2.000000030e-01, v29;
	v31 =	vadd.f32 v35, v24  }
0xd4: {  	v21 =	vadd.f32 v22, v21;
	v22 =	vmul.f32 v26, v15  }
0xd5: {  	v26 =	vmax.f32 v29, v28;
	v28 =	vmul.f32 $2.000000030e-01, v31  }
0xd6: {  	v21 =	vadd.f32 v22, v21;
	v22 =	vmul.f32 v26, v16  }
0xd7: {  	v26 =	vmax.f32 v31, v28  }
0xd8: {  	v21 =	vadd.f32 v22, v21;
	v22 =	vmul.f32 v26, v17;
	_ =	sdelay $0x1  }
0xd9: {  	v21 =	vadd.f32 v22, v21;
	_ =	sdelay $0x1  }
0xda: {  	(xrf2) =	vadd.scan.msk.f32 $0xffff, v21;
	_ =	sdelay $0x7  }
0xdb: {  	v21 =	vmov s15;
	_ =	sdelay $0x1  }
0xdc: {  	v22, _, _ =	vpop (xrf2)  }
0xdd: {  	v22 =	vmul.f32 $1.442695020e+00, v22;
	_ =	sdelay $0x1  }
0xde: {  	v22 =	vbroadcast v22, $0xF;
	v21 =	vld.idx.msk [tilespmem:v21+s18+$0x0], $0xffff;
	_ =	sdelay $0x1  }
0xdf: {  	(erf) = vpow2.f32 v22  }
0xe0: {  	s15 =	sadd.s32 s31, s15  }
0xe1: {  	v22 =	vmov s15  }
0xe2: {  	vm1 =	vge.s32 v22, v18;
	vm2 =	vlt.s32 v22, v19  }
0xe3: {  	vm1 =	vmand vm1, vm2;
	v21 =	vsub.s32 v21, v0  }
0xe4: {  	v21 =	vnsel vm1, $0x271, v21  }
0xe5: {  	v26 =	vshll.u32 v21, $0x7  }
0xe6: {  	v28 =	vor.u32 v1, v26  }
0xe7: {  	v29 =	vor.u32 v3, v26  }
0xe8: {  	v31 =	vor.u32 v4, v26;
	v22 =	vpop (erf)  }
0xe9: {  	v33 =	vor.u32 v5, v26;
	v20 =	vmul.f32 v22, v20  }
0xea: {  	v35 =	vor.u32 v6, v26;
	v23 =	vmul.f32 v22, v23  }
0xeb: {  	[tilespmem:v28+s22+$0x0] =	vst.idx.add.f32.msk $0xffff, v20;
	v20 =	vmul.f32 v22, v25;
	v25 =	vor.u32 v7, v26  }
0xec: {  	[tilespmem:v29+s22+$0x0] =	vst.idx.add.f32.msk $0xffff, v23;
	v23 =	vmul.f32 v22, v27;
	v27 =	vor.u32 v8, v26  }
0xed: {  	v26 =	vor.u32 v9, v26;
	[tilespmem:v31+s22+$0x0] =	vst.idx.add.f32.msk $0xffff, v20;
	v20 =	vmul.f32 v22, v30  }
.Ltmp2:
0xee: {  	[tilespmem:v33+s22+$0x0] =	vst.idx.add.f32.msk $0xffff, v23;
	v23 =	vmul.f32 v22, v32;
	(pc) =	sbr.rel @p1 .LBB2_6-.Ltmp2, $4  }
0xef: {  	[tilespmem:v35+s22+$0x0] =	vst.idx.add.f32.msk $0xffff, v20;
	v20 =	vmul.f32 v22, v34  }
0xf0: {  	[tilespmem:v25+s22+$0x0] =	vst.idx.add.f32.msk $0xffff, v23;
	v23 =	vmul.f32 v22, v24  }
0xf1: {  	[tilespmem:v27+s22+$0x0] =	vst.idx.add.f32.msk $0xffff, v20  }
0xf2: {  	[tilespmem:v26+s22+$0x0] =	vst.idx.add.f32.msk $0xffff, v23  }
0xf3: {  	s30 =	sadd.s32 $0x1, s30  }
0xf4: {  	p1 =	sne.s32 s30, s29  }
.Ltmp3:
0xf5: {  	_ = 	snop;
	(pc) =	sbr.rel @p1 .LBB2_5-.Ltmp3, $2  }
0xf6: {  	_ =	sdelay $0x2  }
0xf7: {  	[tilespmem:v21+s23+$0x0] =	vst.idx.add.f32.msk $0x1, v22  }
.LBB2_8:
0xf8: {  	s0 =	simm.s32 $0x0;
	s9 =	simm.s32 $0x52C0;
	s26 =	simm.s32 $0x0  }
.LBB2_9:
0xf9: {  	v10 =	vmov s0;
	_ =	sdelay $0x4  }
0xfa: {  	v10 =	vld.idx.msk [tilespmem:v10+s23+$0x0], $0xffff;
	_ =	sdelay $0x4  }
0xfb: {  	v11 =	vadd.f32 $1.000000020e-16, v10;
	_ =	sdelay $0x1  }
0xfc: {  	v10 =	vmov s9;
	(erf) = vrcp.f32 v11;
	_ =	sdelay $0x3  }
0xfd: {  	s28 =	simm.s32 $0x0  }
0xfe: {  	v12 =	vld.idx.msk [tilespmem:v10+s28+$0xFFFFFFC0 ss:$0x1], $0xffff;
	_ =	sdelay $0x3  }
0xff: {  	v11 =	vpop (erf)  }
0x100: {  	v12 =	vmul.f32 v12, v11;
	_ =	sdelay $0x1  }
0x101: {  	[tilespmem:s28+$0x19100] =	vst v12  }
0x102: {  	v12 =	vld.idx.msk [tilespmem:v10+s28+$0xFFFFFFD0 ss:$0x1], $0xffff;
	_ =	sdelay $0x4  }
0x103: {  	v12 =	vmul.f32 v12, v11;
	_ =	sdelay $0x1  }
0x104: {  	[tilespmem:s28+$0x19110] =	vst v12  }
0x105: {  	v12 =	vld.idx.msk [tilespmem:v10+s28+$0xFFFFFFE0 ss:$0x1], $0xffff;
	_ =	sdelay $0x4  }
0x106: {  	v12 =	vmul.f32 v12, v11;
	_ =	sdelay $0x1  }
0x107: {  	[tilespmem:s28+$0x19120] =	vst v12  }
0x108: {  	v12 =	vld.idx.msk [tilespmem:v10+s28+$0xFFFFFFF0 ss:$0x1], $0xffff;
	_ =	sdelay $0x4  }
0x109: {  	v12 =	vmul.f32 v12, v11;
	_ =	sdelay $0x1  }
0x10a: {  	[tilespmem:s28+$0x19130] =	vst v12  }
0x10b: {  	v12 =	vld.idx.msk [tilespmem:v10+s28+$0x0 ss:$0x1], $0xffff;
	_ =	sdelay $0x4  }
0x10c: {  	v12 =	vmul.f32 v12, v11;
	_ =	sdelay $0x1  }
0x10d: {  	[tilespmem:s28+$0x19140] =	vst v12  }
0x10e: {  	v12 =	vld.idx.msk [tilespmem:v10+s28+$0x10 ss:$0x1], $0xffff;
	_ =	sdelay $0x4  }
0x10f: {  	v12 =	vmul.f32 v12, v11;
	_ =	sdelay $0x1  }
0x110: {  	[tilespmem:s28+$0x19150] =	vst v12  }
0x111: {  	v12 =	vld.idx.msk [tilespmem:v10+s28+$0x20 ss:$0x1], $0xffff;
	_ =	sdelay $0x4  }
0x112: {  	v12 =	vmul.f32 v12, v11;
	_ =	sdelay $0x1  }
0x113: {  	[tilespmem:s28+$0x19160] =	vst v12  }
0x114: {  	v12 =	vld.idx.msk [tilespmem:v10+s28+$0x30 ss:$0x1], $0xffff;
	_ =	sdelay $0x1  }
0x115: {  	s30 =	sadd.s32 $0x1, s0  }
0x116: {  	s13 =	smul.u32 $0x7D, s26;
	s29 =	simm.s32 $0x200;
	s31 =	simm.s32 $0x400;
	v13 =	vmov s30  }
.LBB2_10:
0x117: {  	p1 =	sne.s32 s31, $0xF800  }
0x118: {  	v11 =	vmul.f32 v12, v11;
	_ =	sdelay $0x1  }
0x119: {  	[tilespmem:s28+$0x19170] =	vst v11  }
0x11a: {  	s28 =	sshra.s32 s29, $0x2;
	s29 =	smov.u32 s31;
	v11 =	vld.idx.msk [tilespmem:v13+s23+$0x0], $0xffff  }
0x11b: {  	v12 =	vld.idx.msk [tilespmem:v10+s28+$0xFFFFFFC0 ss:$0x1], $0xffff;
	_ =	sdelay $0x4  }
0x11c: {  	v11 =	vadd.f32 $1.000000020e-16, v11;
	_ =	sdelay $0x1  }
0x11d: {  	(erf) = vrcp.f32 v11;
	_ =	sdelay $0x8  }
0x11e: {  	v11 =	vpop (erf)  }
0x11f: {  	v12 =	vmul.f32 v12, v11;
	_ =	sdelay $0x1  }
0x120: {  	[tilespmem:s28+$0x19100] =	vst v12  }
0x121: {  	v12 =	vld.idx.msk [tilespmem:v10+s28+$0xFFFFFFD0 ss:$0x1], $0xffff;
	_ =	sdelay $0x5  }
0x122: {  	v12 =	vmul.f32 v12, v11;
	_ =	sdelay $0x1  }
0x123: {  	[tilespmem:s28+$0x19110] =	vst v12  }
0x124: {  	v12 =	vld.idx.msk [tilespmem:v10+s28+$0xFFFFFFE0 ss:$0x1], $0xffff;
	_ =	sdelay $0x5  }
0x125: {  	v12 =	vmul.f32 v12, v11;
	_ =	sdelay $0x1  }
0x126: {  	[tilespmem:s28+$0x19120] =	vst v12  }
0x127: {  	v12 =	vld.idx.msk [tilespmem:v10+s28+$0xFFFFFFF0 ss:$0x1], $0xffff;
	_ =	sdelay $0x5  }
0x128: {  	v12 =	vmul.f32 v12, v11;
	_ =	sdelay $0x1  }
0x129: {  	[tilespmem:s28+$0x19130] =	vst v12  }
0x12a: {  	v12 =	vld.idx.msk [tilespmem:v10+s28+$0x0 ss:$0x1], $0xffff;
	_ =	sdelay $0x5  }
0x12b: {  	v12 =	vmul.f32 v12, v11;
	_ =	sdelay $0x1  }
0x12c: {  	[tilespmem:s28+$0x19140] =	vst v12  }
0x12d: {  	v12 =	vld.idx.msk [tilespmem:v10+s28+$0x10 ss:$0x1], $0xffff;
	_ =	sdelay $0x5  }
0x12e: {  	v12 =	vmul.f32 v12, v11;
	_ =	sdelay $0x1  }
0x12f: {  	[tilespmem:s28+$0x19150] =	vst v12  }
0x130: {  	v12 =	vld.idx.msk [tilespmem:v10+s28+$0x20 ss:$0x1], $0xffff;
	_ =	sdelay $0x5  }
0x131: {  	v12 =	vmul.f32 v12, v11;
	_ =	sdelay $0x1  }
0x132: {  	[tilespmem:s28+$0x19160] =	vst v12  }
.Ltmp4:
0x133: {  	v12 =	vld.idx.msk [tilespmem:v10+s28+$0x30 ss:$0x1], $0xffff;
	(pc) =	sbr.rel @p1 .LBB2_10-.Ltmp4, $3  }
0x134: {  	_ =	sdelay $0x1  }
0x135: {  	s30 =	sadd.s32 $0x1, s30  }
0x136: {  	s31 =	sadd.s32 $0x200, s31;
	v13 =	vmov s30  }
0x137: {  	_ = 	snop  }
0x138: {  	v11 =	vmul.f32 v12, v11;
	_ =	sdelay $0x1  }
0x139: {  	[tilespmem:s28+$0x19170] =	vst v11  }
0x13a: {  	v11 =	vld.idx.msk [tilespmem:v13+s23+$0x0], $0xffff;
	_ =	sdelay $0x4  }
0x13b: {  	v11 =	vadd.f32 $1.000000020e-16, v11;
	_ =	sdelay $0x1  }
0x13c: {  	(erf) = vrcp.f32 v11;
	_ =	sdelay $0x3  }
0x13d: {  	s15 =	sshra.s32 s29, $0x2  }
0x13e: {  	v11 =	vld.idx.msk [tilespmem:v10+s15+$0xFFFFFFC0 ss:$0x1], $0xffff;
	_ =	sdelay $0x3  }
0x13f: {  	v63 =	vpop (erf)  }
0x140: {  	v11 =	vmul.f32 v11, v63;
	_ =	sdelay $0x1  }
0x141: {  	[tilespmem:s15+$0x19100] =	vst v11  }
0x142: {  	v11 =	vld.idx.msk [tilespmem:v10+s15+$0xFFFFFFD0 ss:$0x1], $0xffff;
	_ =	sdelay $0x4  }
0x143: {  	v11 =	vmul.f32 v11, v63;
	_ =	sdelay $0x1  }
0x144: {  	[tilespmem:s15+$0x19110] =	vst v11  }
0x145: {  	v11 =	vld.idx.msk [tilespmem:v10+s15+$0xFFFFFFE0 ss:$0x1], $0xffff;
	_ =	sdelay $0x4  }
0x146: {  	v11 =	vmul.f32 v11, v63;
	_ =	sdelay $0x1  }
0x147: {  	[tilespmem:s15+$0x19120] =	vst v11  }
0x148: {  	v11 =	vld.idx.msk [tilespmem:v10+s15+$0xFFFFFFF0 ss:$0x1], $0xffff;
	_ =	sdelay $0x4  }
0x149: {  	v11 =	vmul.f32 v11, v63;
	_ =	sdelay $0x1  }
0x14a: {  	[tilespmem:s15+$0x19130] =	vst v11  }
0x14b: {  	v11 =	vld.idx.msk [tilespmem:v10+s15+$0x0 ss:$0x1], $0xffff;
	_ =	sdelay $0x4  }
0x14c: {  	v11 =	vmul.f32 v11, v63;
	_ =	sdelay $0x1  }
0x14d: {  	[tilespmem:s15+$0x19140] =	vst v11  }
0x14e: {  	v11 =	vld.idx.msk [tilespmem:v10+s15+$0x10 ss:$0x1], $0xffff;
	_ =	sdelay $0x4  }
0x14f: {  	v11 =	vmul.f32 v11, v63;
	_ =	sdelay $0x1  }
0x150: {  	[tilespmem:s15+$0x19150] =	vst v11  }
0x151: {  	v11 =	vld.idx.msk [tilespmem:v10+s15+$0x20 ss:$0x1], $0xffff;
	_ =	sdelay $0x4  }
0x152: {  	v11 =	vmul.f32 v11, v63;
	_ =	sdelay $0x1  }
0x153: {  	[tilespmem:s15+$0x19160] =	vst v11  }
0x154: {  	v10 =	vld.idx.msk [tilespmem:v10+s15+$0x30 ss:$0x1], $0xffff;
	_ =	sdelay $0x4  }
0x155: {  	s13 =	sadd.s32 s11, s13;
	s26 =	sadd.s32 $0x1, s26;
	v10 =	vmul.f32 v10, v63  }
0x156: {  	s13 =	sshll.u32 s13, $0x4;
	p1 =	sne.s32 s26, $0x5;
	s28 =	simm.s32 @!p0 $0x3  }
.Ltmp5:
0x157: {  	s13 =	sadd.s32 s10, s13;
	s28 =	simm.s32 @p0 $0x2;
	[tilespmem:s15+$0x19170] =	vst v10;
	(pc) =	sbr.rel @p1 .LBB2_9-.Ltmp5, $4  }
0x158: {  	[hbm4b:s13+s1] =	stream.linear.scatter [tilespmem:s24], [sflag:s28], $0x3E80, $0x38;
	[tilespmem:$0x1CF80] =	vst v63  }
0x159: {  	_ =	swait.ge [sflag:s28], $0x3E80  }
0x15a: {  	[sflag:s28] =	ssyncset.done $0x0  }
0x15b: {  	s0 =	sadd.s32 $0x7D, s0;
	s9 =	sadd.s32 $0x3E80, s9;
	[sflag:s28] =	ssyncadd.s32 $0xFFFFC180  }
0x15c: {  	s25 =	sadd.s32 $0x1, s25  }
0x15d: {  	p1 =	sne.s32 s25, s12  }
.Ltmp6:
0x15e: {  	_ = 	snop;
	(pc) =	sbr.rel @p1 .LBB2_1-.Ltmp6, $1  }
0x15f: {  	_ =	sdelay $0x3  }
0x160: {  	_ =	sfence.sel $0x180000  }
0x161: {  	[bflag:$0x0] =	sbarrier.arrive $0xFFFF  }
0x162: {  	_ =	strace $0x9000004D  }
0x163: {  	s0 =	stileid.u32;
	[bflag:$0x2] =	sbarrier.arrive $0xFFFF  }
0x164: {  	p0 =	sne.s32 s0, $0x0;
	s0 =	rddreg [dreg:$0x2]  }
0x165: {  	s0 =	sadd.s32 @!p0 $0x100000, s0  }
0x166: {  	[sflag:s0] =	ssyncadd.tile.s32 @!p0 $0x1;
	_ =	shalt  }
.Lfunc_end2:
_tile_overlayer_lowered:
.L_overlay_start_2:
0x167: {  	(tag) =	ssettag $0x2  }
0x168: {  	s0 =	rddreg [dreg:$0x0];
	s2 =	stileid.u32  }
0x169: {  	s1 =	rddreg [dreg:$0x1];
	p0 =	sne.s32 s2, $0x0  }
0x16a: {  	s3 =	rddreg [dreg:$0x2];
	[bflag:$0x3] =	sbarrier.arrive $0xFFFF;
	s2 =	simm.s32 @!p0 $0x1C02  }
0x16b: {  	[timem:s3], [sflag:s2] =	dma.local @!p0 [hbm:s0], s1  }
0x16c: {  	s0 =	simm.s32 @!p0 $0x2  }
0x16d: {  	_ =	swait.ge @!p0 [sflag:s0], s1  }
0x16e: {  	s1 =	ssub.s32 @!p0 $0x0, s1;
	[sflag:s0] =	ssyncset.done @!p0 $0x0  }
0x16f: {  	[sflag:s0] =	ssyncadd.s32 @!p0 s1  }
0x170: {  	[bflag:$0x3] =	sbarrier.arrive $0xFFFF  }
0x171: {  	_ =	shalt  }

// kernel: kernel.18.cloned.1.call-start
scs
__scs_entry_jumppad:
0x0: {  	(pc) =	sbr.rel $0x88, $3  }
0x1: {  	(tag) =	ssettag $0x0;
	lr =	simm.s32 $0x1  }
0x2: {  	[smem:$0x3F99] =	sst lr;
	_ =	strace $0xD0000000  }
0x3: {  	_ = 	snop  }
0x4: {  	_ = 	snop  }
0x5: {  	_ = 	snop  }
0x6: {  	_ = 	snop  }
0x7: {  	_ = 	snop  }
__scs_overlays_trampoline_lowered:
0x8: {  	[smem:$0x3FA8] =	sst s0  }
0x9: {  	[smem:$0x3FA9] =	sst s1  }
0xa: {  	[smem:$0x3FAA] =	sst s2  }
0xb: {  	[smem:$0x3FAB] =	sst s3  }
0xc: {  	[smem:$0x3FAC] =	sst s4  }
0xd: {  	[smem:$0x3FAD] =	sst s5  }
0xe: {  	[smem:$0x3FAE] =	sst s6  }
0xf: {  	[smem:$0x3FAF] =	sst s7  }
0x10: {  	[smem:$0x3FB0] =	sst s8  }
0x11: {  	[smem:$0x3FB1] =	sst s9;
	s0 =	simm.s32 @!p0 $0x0  }
0x12: {  	s1 =	sld [smem:$0x3F97];
	s0 =	simm.s32 @p0 $0x1  }
0x13: {  	[smem:$0x3FB2] =	sst s0;
	s0 =	simm.s32 @!p1 $0x0  }
0x14: {  	s2 =	sld [smem:$0x3F96];
	s0 =	simm.s32 @p1 $0x1  }
0x15: {  	[smem:$0x3FB3] =	sst s0;
	s0 =	simm.s32 @!p2 $0x0  }
0x16: {  	s3 =	sld [smem:$0x3FDB];
	s0 =	simm.s32 @p2 $0x1  }
0x17: {  	s4 =	simm.s32 $0x1BF5;
	[smem:$0x3FB5] =	sst s0  }
0x18: {  	s0 =	sld [smem:$0x3F98];
	_ =	swait.ge [sflag:s4], $0x0  }
0x19: {  	s7 =	sld [smem:$0x3F99]  }
0x1a: {  	s8 =	sadd.s32 $0xFFFFE003, lr  }
0x1b: {  	s9 =	sadd.s32 $0xFFFFFEF7, lr;
	s5 =	simm.s32 $0xFFFFFFFF;
	p2 =	slt.u32 s8, $0xFFFFF086  }
0x1c: {  	p1 =	slt.u32 s9, $0xF7A;
	s5 =	simm.s32 @!p2 $0x0  }
0x1d: {  	s5 =	simm.s32 @p1 $0x1;
	p0 =	seq.s32 s7, s2  }
0x1e: {  	s7 =	smul.u32 @!p0 $0xF7A, s2;
	p2 =	seq.s32 @!p0 s5, $0x0  }
0x1f: {  	s9 =	smul.u32 $0xF7A, s1;
	s8 =	simm.s32 @!p0 $0x1BF5;
	p2 =	por !p2, p0  }
0x20: {  	[sflag:s8] =	ssyncset.s32 @!p0 $0xFFFFF086;
	s6 =	sadd.s32 @!p0 s3, s7;
	s7 =	simm.s32 @!p0 $0x108  }
0x21: {  	s3 =	sadd.s32 s3, s9;
	s6 =	sadd.s32 @!p0 $0x88, s6;
	s7 =	simm.s32 @p2 $0x1082  }
0x22: {  	[simem:s7], [sflag:s8] =	dma.local @!p0 [hbm:s6], $0xF7A  }
0x23: {  	s9 =	sor.u32 $0xD0000000, s2;
	s6 =	simm.s32 $0x108;
	_ =	swait.ge @!p0 [sflag:s8], $0x0  }
0x24: {  	s3 =	sadd.s32 $0x88, s3;
	s6 =	simm.s32 @!p1 $0x1082;
	[sflag:s4] =	ssyncset.s32 $0xFFFFF086  }
0x25: {  	[simem:s6], [sflag:s4] =	dma.local [hbm:s3], $0xF7A  }
0x26: {  	[smem:$0x3F99] =	sst s1;
	(tag) =	ssettag s2;
	_ =	strace s9  }
0x27: {  	s1 =	sld [smem:$0x3FA9]  }
0x28: {  	s2 =	sld [smem:$0x3FAA]  }
0x29: {  	s4 =	sld [smem:$0x3FAC]  }
0x2a: {  	p0 =	seq.s32 s5, $0x0;
	s5 =	sld [smem:$0x3FAD]  }
0x2b: {  	s6 =	sld [smem:$0x3FAE]  }
0x2c: {  	s7 =	sld [smem:$0x3FAF]  }
0x2d: {  	s3 =	simm.s32 $0x108;
	s8 =	sld [smem:$0x3FB0]  }
0x2e: {  	s3 =	simm.s32 @!p0 $0x1082;
	s9 =	sld [smem:$0x3FB1]  }
0x2f: {  	lr =	sadd.s32 s0, s3;
	s0 =	sld [smem:$0x3FA8]  }
0x30: {  	s3 =	sld [smem:$0x3FAB]  }
0x31: {  	[smem:$0x3FB4] =	sst s10  }
0x32: {  	s10 =	sld [smem:$0x3FB2];
	_ =	sdelay $0x3  }
0x33: {  	p0 =	seq.s32 s10, $0x1;
	s10 =	sld [smem:$0x3FB4];
	_ =	sdelay $0x3  }
0x34: {  	[smem:$0x3FB4] =	sst s10  }
0x35: {  	s10 =	sld [smem:$0x3FB3];
	_ =	sdelay $0x3  }
0x36: {  	p1 =	seq.s32 s10, $0x1;
	s10 =	sld [smem:$0x3FB4];
	_ =	sdelay $0x3  }
0x37: {  	[smem:$0x3FB4] =	sst s10  }
0x38: {  	s10 =	sld [smem:$0x3FB5]  }
0x39: {  	_ = 	snop;
	(pc) =	sbr.ind lr, $3  }
0x3a: {  	_ = 	snop  }
0x3b: {  	_ = 	snop  }
0x3c: {  	p2 =	seq.s32 s10, $0x1;
	s10 =	sld [smem:$0x3FB4]  }
0x3d: {  	_ =	shalt  }
0x3e: {  	_ =	shalt  }
0x3f: {  	_ =	shalt  }
0x40: {  	_ =	shalt  }
0x41: {  	_ =	shalt  }
0x42: {  	_ =	shalt  }
0x43: {  	_ =	shalt  }
0x44: {  	_ =	shalt  }
0x45: {  	_ =	shalt  }
0x46: {  	_ =	shalt  }
0x47: {  	_ =	shalt  }
0x48: {  	_ =	shalt  }
0x49: {  	_ =	shalt  }
0x4a: {  	_ =	shalt  }
0x4b: {  	_ =	shalt  }
0x4c: {  	_ =	shalt  }
0x4d: {  	_ =	shalt  }
0x4e: {  	_ =	shalt  }
0x4f: {  	_ =	shalt  }
0x50: {  	_ =	shalt  }
0x51: {  	_ =	shalt  }
0x52: {  	_ =	shalt  }
0x53: {  	_ =	shalt  }
0x54: {  	_ =	shalt  }
0x55: {  	_ =	shalt  }
0x56: {  	_ =	shalt  }
0x57: {  	_ =	shalt  }
0x58: {  	_ =	shalt  }
0x59: {  	_ =	shalt  }
0x5a: {  	_ =	shalt  }
0x5b: {  	_ =	shalt  }
0x5c: {  	_ =	shalt  }
0x5d: {  	_ =	shalt  }
0x5e: {  	_ =	shalt  }
0x5f: {  	_ =	shalt  }
0x60: {  	_ =	shalt  }
0x61: {  	_ =	shalt  }
0x62: {  	_ =	shalt  }
0x63: {  	_ =	shalt  }
0x64: {  	_ =	shalt  }
0x65: {  	_ =	shalt  }
0x66: {  	_ =	shalt  }
0x67: {  	_ =	shalt  }
0x68: {  	_ =	shalt  }
0x69: {  	_ =	shalt  }
0x6a: {  	_ =	shalt  }
0x6b: {  	_ =	shalt  }
0x6c: {  	_ =	shalt  }
0x6d: {  	_ =	shalt  }
0x6e: {  	_ =	shalt  }
0x6f: {  	_ =	shalt  }
0x70: {  	_ =	shalt  }
0x71: {  	_ =	shalt  }
0x72: {  	_ =	shalt  }
0x73: {  	_ =	shalt  }
0x74: {  	_ =	shalt  }
0x75: {  	_ =	shalt  }
0x76: {  	_ =	shalt  }
0x77: {  	_ =	shalt  }
0x78: {  	_ =	shalt  }
0x79: {  	_ =	shalt  }
0x7a: {  	_ =	shalt  }
0x7b: {  	_ =	shalt  }
0x7c: {  	_ =	shalt  }
0x7d: {  	_ =	shalt  }
0x7e: {  	_ =	shalt  }
0x7f: {  	_ =	shalt  }
0x80: {  	_ =	shalt  }
0x81: {  	_ =	shalt  }
0x82: {  	_ =	shalt  }
0x83: {  	_ =	shalt  }
0x84: {  	_ =	shalt  }
0x85: {  	_ =	shalt  }
0x86: {  	_ =	shalt  }
0x87: {  	_ =	shalt  }
.Lfunc_end0:
.L_simem_size_0:
called_computation.3_lowered:
.L_overlay_start_0:
0x88: {  	s2 =	sld [smem:$0x3FD9]  }
0x89: {  	s3 =	sld [smem:$0x3FFE];
	_ =	sdelay $0x1  }
0x8a: {  	s1 =	srdreg.scid  }
0x8b: {  	s0 =	sand.u32 $0x1, s1  }
0x8c: {  	s17 =	sshll.u32 s0, $0xA;
	s2 =	sadd.s32 s3, s2  }
0x8d: {  	s2 =	sadd.s32 s2, s17  }
0x8e: {  	[smem:$0x3FC0] =	sst s2  }
0x8f: {  	_ = 	snop  }
0x90: {  	s2 =	sld [smem:$0x3FD0];
	(tm) =	ssettm $0x1  }
0x91: {  	s18 =	sld [smem:$0x3FFB];
	_ =	sdelay $0x3  }
0x92: {  	_ =	strace s18  }
0x93: {  	s3 =	sld [smem:$0x3FFC];
	_ =	sdelay $0x3  }
0x94: {  	_ =	strace s3  }
0x95: {  	s3 =	sld [smem:$0x3FFD];
	_ =	sdelay $0x3  }
0x96: {  	_ =	strace s3  }
0x97: {  	_ =	strace $0x8FFFFFFF  }
0x98: {  	s19 =	sld [smem:$0x3FDB];
	_ =	sdelay $0x1  }
0x99: {  	s4 =	simm.s32 $_scs_section_size  }
0x9a: {  	s5 =	simm.s32 $_size__tile_overlayer_lowered;
	s6 =	simm.s32 $_tile_overlayer_lowered  }
0x9b: {  	s22 =	simm.s32 $0x1BFF;
	s21 =	sshll.u32 s6, $0x1;
	s3 =	sadd.s32 s4, s19  }
0x9c: {  	s7 =	simm.s32 $0x0;
	s20 =	sshll.u32 s5, $0x1;
	s5 =	sadd.s32 s21, s3  }
0x9d: {  	[timem:s7], [sflag:s22] =	dma.local [hbm:s5], s20  }
0x9e: {  	_ =	swait.ge [sflag:s22], s20  }
0x9f: {  	s4 =	ssub.s32 $0x0, s20;
	[sflag:s22] =	ssyncset.done $0x0  }
0xa0: {  	[sflag:s22] =	ssyncadd.s32 s4;
	_ =	sdelay $0x1  }
0xa1: {  	s23 =	simm.s32 $0x1B8B  }
0xa2: {  	_ =	swait.ge [sflag:s23], $0x1  }
0xa3: {  	[sflag:s23] =	ssyncset.done $0x0  }
0xa4: {  	s25 =	simm.s32 $0x1B8E;
	s24 =	sld [smem:$0x3FFE];
	[sflag:s23] =	ssyncadd.s32 $0xFFFFFFFF  }
0xa5: {  	s26 =	simm.s32 $execute0_lowered;
	[smem:$0x3FD2] =	sst s25  }
0xa6: {  	s5 =	sshll.u32 s26, $0x1;
	_ =	strace $0x8000004F;
	[dreg:$0x1] =	wrdreg $0xFFFFFFFF  }
0xa7: {  	s28 =	simm.s32 $_size_execute0_lowered;
	s3 =	sadd.s32 s3, s5;
	[dreg:$0x0] =	wrdreg $0x0  }
0xa8: {  	s5 =	sshll.u32 s28, $0x1;
	[dreg:$0x2] =	wrdreg s3  }
0xa9: {  	[dreg:$0x3] =	wrdreg s5  }
0xaa: {  	[dreg:$0x4] =	wrdreg $0xC0  }
0xab: {  	_ =	task [dreg:s7], $0x5FFFF  }
0xac: {  	[dreg:$0x1] =	wrdreg $0xFFFFFFFF  }
0xad: {  	[dreg:$0x0] =	wrdreg $0x60  }
0xae: {  	[dreg:$0x2] =	wrdreg s2  }
0xaf: {  	[dreg:$0x3] =	wrdreg s24  }
0xb0: {  	[dreg:$0x4] =	wrdreg $0x9  }
0xb1: {  	_ =	task.clear_ibuf [dreg:s7], $0x5FFFF;
	_ =	strace $0x9000004F  }
0xb2: {  	s29 =	simm.s32 $0x9;
	_ =	strace $0x80000051  }
0xb3: {  	_ =	swait.ge [sflag:s29], $0x1  }
0xb4: {  	[sflag:s29] =	ssyncadd.s32 $0xFFFFFFFF  }
0xb5: {  	_ =	strace $0x90000051  }
0xb6: {  	_ =	sfence  }
0xb7: {  	s30 =	sld [smem:$0x0];
	_ =	sdelay $0x2  }
0xb8: {  	s31 =	sshll.u32 s1, $0xD;
	s1 =	sshrl.u32 s1, $0x2  }
0xb9: {  	s3 =	sand.u32 $0x4000, s31;
	s1 =	sadd.s32 s1, s30  }
0xba: {  	s0 =	sor.u32 s3, s0;
	s1 =	sshll.u32 s1, $0x11  }
0xbb: {  	s0 =	sor.u32 s1, s0  }
0xbc: {  	s0 =	sadd.s32 $0x8F2B, s0  }
0xbd: {  	[sflag:s0] =	ssyncadd.remote.s32 $0x1  }
0xbe: {  	_ =	sfence.sel $0xFFFF  }
0xbf: {  	[dreg:$0x0] =	wrdreg $0xFFFFFFFF;
	(pc) =	sbr.abs _section_cstart, $3  }
0xc0: {  	[dreg:$0x1] =	wrdreg $0xFFFFFFFF  }
0xc1: {  	_ =	task.clear_ibuf [dreg:s7], $0x2FFFF;
	_ =	strace $0x9FFFFFFF  }
0xc2: {  	(tm) =	ssettm $0x7FFFFFFF  }
0xc3: {  	_ =	shalt  }
tec
execute0_lowered:
.L_overlay_start_1:
0x0: {  	(tag) =	ssettag $0x1  }
0x1: {  	s0 =	rddreg [dreg:$0x0]  }
0x2: {  	s9 =	rddreg [dreg:$0x1]  }
0x3: {  	s1 =	simm.s32 $0x0;
	s10 =	srdreg.scid;
	s16 =	stileid.u32  }
0x4: {  	s17 =	simm.s32 $0x1;
	s18 =	simm.s32 $0x80;
	s19 =	simm.s32 $0x50  }
0x5: {  	s20 =	simm.s32 $0x100;
	s21 =	simm.s32 $0x2900;
	s22 =	simm.s32 $0x5280  }
0x6: {  	s23 =	simm.s32 $0x18E80;
	s24 =	simm.s32 $0x19100;
	s25 =	simm.s32 $0x0  }
0x7: {  	[smem:$0x7FF] =	sst s1;
	s2 =	sadd.s32 $0x23800, s9;
	s13 =	sadd.s32 $0x4AA00, s9  }
0x8: {  	s3 =	sadd.s32 $0x71C00, s9;
	s4 =	sadd.s32 $0x12800, s9;
	s5 =	sadd.s32 $0x1E800, s9  }
0x9: {  	s12 =	sadd.s32 $0x17E00, s9;
	s6 =	sadd.s32 $0x17C00, s9;
	s7 =	sadd.s32 $0x7C00, s9  }
0xa: {  	s8 =	sadd.s32 $0x7E00, s9;
	s15 =	sand.u32 $0x1, s10;
	s10 =	sadd.s32 $0x98E00, s9  }
0xb: {  	s9 =	sadd.s32 $0xC0000, s9;
	s11 =	ssub.s32 $0x2, s15;
	p0 =	seq.s32 s15, $0x0  }
0xc: {  	v1 =	vlaneseq.u32;
	v2 =	vimm.f32 $0.0e+00;
	v3 =	vmov s16;
	_ =	strace $0x80000050;
	s14 =	sshrl.u32 s11, $0x1;
	s6 =	smov.u32 @p0 s12  }
0xd: {  	v4 =	vor.u32 $0x20, v1;
	v5 =	vor.u32 $0x30, v1;
	v6 =	vor.u32 $0x40, v1;
	s2 =	smov.u32 @p0 s0;
	s14 =	ssub.s32 s11, s14;
	s11 =	smul.u32 $0x271, s16  }
0xe: {  	v7 =	vor.u32 $0x50, v1;
	v8 =	vor.u32 $0x60, v1;
	v9 =	vor.u32 $0x70, v1;
	s3 =	smov.u32 @p0 s13;
	p0 =	sne.s32 s15, $0x0;
	s16 =	simm.s32 $0x5200  }
0xf: {  	vm0 =	veq.s32 v3, v1;
	v3 =	vor.u32 $0x10, v1;
	s10 =	smov.u32 @p0 s9;
	s12 =	smax.u32 s14, $0x1;
	s14 =	simm.s32 $0x2;
	v0 =	vmov s11  }
.LBB2_1:
0x10: {  	s0 =	simm.s32 $0x70;
	s9 =	simm.s32 $0x3C0  }
.LBB2_2:
0x11: {  	p1 =	sne.s32 s9, $0x4E3C0;
	[tilespmem:s0+$0x5280] =	vst v2  }
0x12: {  	[tilespmem:s0+$0x5210] =	vst v2  }
0x13: {  	[tilespmem:s0+$0x5220] =	vst v2  }
.Ltmp0:
0x14: {  	[tilespmem:s0+$0x5230] =	vst v2;
	(pc) =	sbr.rel @p1 .LBB2_2-.Ltmp0, $4  }
0x15: {  	[tilespmem:s0+$0x5240] =	vst v2  }
0x16: {  	[tilespmem:s0+$0x5250] =	vst v2  }
0x17: {  	[tilespmem:s0+$0x5260] =	vst v2  }
0x18: {  	[tilespmem:s0+$0x5270] =	vst v2;
	s0 =	sshra.s32 s9, $0x2;
	s9 =	sadd.s32 $0x200, s9  }
0x19: {  	[tilespmem:s0+$0x5280] =	vst v2  }
0x1a: {  	[tilespmem:s0+$0x5210] =	vst v2  }
0x1b: {  	[tilespmem:s0+$0x5220] =	vst v2  }
0x1c: {  	[tilespmem:s0+$0x5230] =	vst v2  }
0x1d: {  	[tilespmem:s0+$0x5240] =	vst v2  }
0x1e: {  	[tilespmem:s0+$0x5250] =	vst v2  }
0x1f: {  	[tilespmem:s0+$0x5260] =	vst v2  }
0x20: {  	[tilespmem:s0+$0x5270] =	vst v2  }
0x21: {  	[tilespmem:$0x18E80] =	vst v2  }
0x22: {  	[tilespmem:$0x18E90] =	vst v2  }
0x23: {  	[tilespmem:$0x18EA0] =	vst v2  }
0x24: {  	[tilespmem:$0x18EB0] =	vst v2  }
0x25: {  	[tilespmem:$0x18EC0] =	vst v2  }
0x26: {  	[tilespmem:$0x18ED0] =	vst v2  }
0x27: {  	[tilespmem:$0x18EE0] =	vst v2  }
0x28: {  	[tilespmem:$0x18EF0] =	vst v2  }
0x29: {  	[tilespmem:$0x18F00] =	vst v2  }
0x2a: {  	[tilespmem:$0x18F10] =	vst v2  }
0x2b: {  	[tilespmem:$0x18F20] =	vst v2  }
0x2c: {  	[tilespmem:$0x18F30] =	vst v2  }
0x2d: {  	[tilespmem:$0x18F40] =	vst v2  }
0x2e: {  	[tilespmem:$0x18F50] =	vst v2  }
0x2f: {  	[tilespmem:$0x18F60] =	vst v2  }
0x30: {  	[tilespmem:$0x18F70] =	vst v2  }
0x31: {  	[tilespmem:$0x18F80] =	vst v2  }
0x32: {  	[tilespmem:$0x18F90] =	vst v2  }
0x33: {  	[tilespmem:$0x18FA0] =	vst v2  }
0x34: {  	[tilespmem:$0x18FB0] =	vst v2  }
0x35: {  	[tilespmem:$0x18FC0] =	vst v2  }
0x36: {  	[tilespmem:$0x18FD0] =	vst v2  }
0x37: {  	[tilespmem:$0x18FE0] =	vst v2  }
0x38: {  	[tilespmem:$0x18FF0] =	vst v2  }
0x39: {  	[tilespmem:$0x19000] =	vst v2  }
0x3a: {  	[tilespmem:$0x19010] =	vst v2  }
0x3b: {  	[tilespmem:$0x19020] =	vst v2  }
0x3c: {  	[tilespmem:$0x19030] =	vst v2  }
0x3d: {  	[tilespmem:$0x19040] =	vst v2  }
0x3e: {  	[tilespmem:$0x19050] =	vst v2  }
0x3f: {  	[tilespmem:$0x19060] =	vst v2  }
0x40: {  	[tilespmem:$0x19070] =	vst v2  }
0x41: {  	[tilespmem:$0x19080] =	vst v2  }
0x42: {  	[tilespmem:$0x19090] =	vst v2  }
0x43: {  	[tilespmem:$0x190A0] =	vst v2  }
0x44: {  	[tilespmem:$0x190B0] =	vst v2  }
0x45: {  	[tilespmem:$0x190C0] =	vst v2  }
0x46: {  	[tilespmem:$0x190D0] =	vst v2  }
0x47: {  	[tilespmem:$0x190E0] =	vst v2  }
0x48: {  	s26 =	simm.s32 $0x0;
	s15 =	simm.s32 $0x5100;
	[tilespmem:$0x190F0] =	vst v2  }
0x49: {  	[tilespmem:s15], [sflag:$0x2] =	stream.linear.gather [hbm4b:s6+s26], $0x80, $0x38;
	[tilespmem:$0x1CF80] =	vst v63  }
0x4a: {  	_ =	swait.ge [sflag:s14], $0x80  }
0x4b: {  	[sflag:s14] =	ssyncset.done $0x0  }
0x4c: {  	s30 =	simm.s32 $0x5180;
	[sflag:s14] =	ssyncadd.s32 $0xFFFFFF80  }
0x4d: {  	[tilespmem:s30], [sflag:$0x2] =	stream.linear.gather [hbm4b:s7+s26], $0x80, $0x38;
	[tilespmem:$0x1CF80] =	vst v63  }
0x4e: {  	_ =	swait.ge [sflag:s14], $0x80  }
0x4f: {  	[sflag:s14] =	ssyncset.done $0x0  }
0x50: {  	[sflag:s14] =	ssyncadd.s32 $0xFFFFFF80  }
0x51: {  	[tilespmem:s16], [sflag:$0x2] =	stream.linear.gather [hbm4b:s8+s26], $0x80, $0x38;
	[tilespmem:$0x1CF80] =	vst v63  }
0x52: {  	_ =	swait.ge [sflag:s14], $0x80  }
0x53: {  	[sflag:s14] =	ssyncset.done $0x0  }
0x54: {  	[sflag:s14] =	ssyncadd.s32 $0xFFFFFF80  }
0x55: {  	v10 =	vld [tilespmem:$0x5180]  }
0x56: {  	v11 =	vld [tilespmem:$0x5200];
	_ =	sdelay $0x3  }
0x57: {  	v10 =	vnsel vm0, $0x0, v10  }
0x58: {  	(xrf0) =	vadd.scan.msk.s32 $0xffff, v10;
	v10 =	vnsel vm0, $0x0, v11  }
0x59: {  	(xrf0) =	vadd.scan.msk.s32 $0xffff, v10;
	_ =	sdelay $0x4  }
0x5a: {  	v18, _, _ =	vpop (xrf0)  }
0x5b: {  	(v2sf) =	vpush v18, $0xF;
	v19, _, _ =	vpop (xrf0)  }
0x5c: {  	(v2sf) =	vpush v19, $0xF;
	_ =	sdelay $0xd  }
0x5d: {  	s31 =	spop (v2sf)  }
0x5e: {  	s9 =	spop (v2sf);
	s28 =	sand.u32 $0xFFFFFFF8, s31  }
0x5f: {  	s0 =	ssub.s32 s9, s28  }
0x60: {  	s9 =	sadd.s32 $0x4F, s0  }
0x61: {  	s13 =	smulhi.u32 $0x66666667, s9;
	s15 =	sshra.s32 s9, $0x1F  }
0x62: {  	s15 =	smul.u32 $0x66666667, s15;
	_ =	sdelay $0x1  }
0x63: {  	s13 =	sadd.s32 s15, s13  }
0x64: {  	s15 =	sshrl.u32 s13, $0x1F;
	s13 =	sshra.s32 s13, $0x5  }
0x65: {  	s13 =	sadd.s32 s15, s13  }
0x66: {  	s15 =	smul.u32 $0xFFFFFFB0, s13  }
0x67: {  	s0 =	ssub.s32 $0xFFFFFFB1, s0  }
0x68: {  	p1 =	slt.s32 s9, $0x1;
	p2 =	sne.s32 s15, s0  }
0x69: {  	p1 =	por !p1, !p2  }
0x6a: {  	s0 =	simm.s32 $0x1;
	p1 =	por !p1, !p1  }
0x6b: {  	v12 =	vld [tilespmem:$0x5120];
	s0 =	simm.s32 @!p1 $0x0  }
0x6c: {  	v13 =	vld [tilespmem:$0x5130];
	s29 =	ssub.s32 s13, s0  }
0x6d: {  	v14 =	vld [tilespmem:$0x5140];
	p1 =	slt.s32 s29, $0x1  }
.Ltmp1:
0x6e: {  	v15 =	vld [tilespmem:$0x5150];
	(pc) =	sbr.rel @p1 .LBB2_8-.Ltmp1, $4  }
0x6f: {  	v16 =	vld [tilespmem:$0x5160]  }
0x70: {  	v17 =	vld [tilespmem:$0x5170]  }
0x71: {  	v11 =	vld [tilespmem:$0x5110]  }
0x72: {  	v10 =	vld [tilespmem:$0x5100]  }
0x73: {  	v18 =	vbroadcast v18, $0xF;
	v19 =	vbroadcast v19, $0xF;
	s30 =	simm.s32 $0x0  }
.LBB2_5:
0x74: {  	s0 =	smul.u32 $0x50, s30;
	_ =	sdelay $0x1  }
0x75: {  	s31 =	sadd.s32 s28, s0  }
0x76: {  	s0 =	sshrl.u32 s31, $0x3  }
0x77: {  	s9 =	sadd.s32 s4, s0  }
0x78: {  	[tilespmem:s26], [sflag:$0x2] =	stream.linear.gather [hbm4b:s9+s26], $0x50, $0x38;
	[tilespmem:$0x1CF80] =	vst v63  }
0x79: {  	_ =	swait.ge [sflag:s14], $0x50  }
0x7a: {  	[sflag:s14] =	ssyncset.done $0x0  }
0x7b: {  	s0 =	sadd.s32 s5, s0;
	[sflag:s14] =	ssyncadd.s32 $0xFFFFFFB0  }
0x7c: {  	[tilespmem:s18], [sflag:$0x2] =	stream.linear.gather [hbm4b:s0+s26], $0x50, $0x38;
	[tilespmem:$0x1CF80] =	vst v63  }
0x7d: {  	_ =	swait.ge [sflag:s14], $0x50  }
0x7e: {  	[sflag:s14] =	ssyncset.done $0x0  }
0x7f: {  	[sflag:s14] =	ssyncadd.s32 $0xFFFFFFB0  }
0x80: {  	[tilespmem:s20], [sflag:$0x1] =	stream.indirect.gather [hbm4b:s2+s19], $0x80, s26, s19, $0xb8;
	[tilespmem:$0x1CF80] =	vst v63  }
0x81: {  	_ = 	snop  }
0x82: {  	[tilespmem:s21], [sflag:$0x1] =	stream.indirect.gather [hbm4b:s3+s19], $0x80, s18, s19, $0xb8;
	[tilespmem:$0x1CF80] =	vst v63  }
0x83: {  	_ =	swait.ge [sflag:s17], $0x2800  }
0x84: {  	[sflag:s17] =	ssyncset.done $0x0  }
0x85: {  	[sflag:s17] =	ssyncadd.s32 $0xFFFFD800  }
0x86: {  	_ =	swait.ge [sflag:s17], $0x2800  }
0x87: {  	[sflag:s17] =	ssyncset.done $0x0  }
0x88: {  	s0 =	simm.s32 $0x140;
	[sflag:s17] =	ssyncadd.s32 $0xFFFFD800  }
0x89: {  	s9 =	simm.s32 $0x2940;
	v20 =	vld [tilespmem:s0+$0xFFFFFFC0]  }
0x8a: {  	v21 =	vld [tilespmem:s9+$0xFFFFFFC0]  }
0x8b: {  	v22 =	vld [tilespmem:s9+$0xFFFFFFD0]  }
0x8c: {  	v23 =	vld [tilespmem:s0+$0xFFFFFFD0]  }
0x8d: {  	v24 =	vld [tilespmem:s9+$0xFFFFFFE0]  }
0x8e: {  	v25 =	vld [tilespmem:s0+$0xFFFFFFE0]  }
0x8f: {  	v26 =	vld [tilespmem:s9+$0xFFFFFFF0];
	v21 =	vadd.f32 v21, v20  }
0x90: {  	v27 =	vld [tilespmem:s0+$0xFFFFFFF0]  }
0x91: {  	v29 =	vld [tilespmem:s9+$0x0];
	v22 =	vadd.f32 v22, v23;
	v28 =	vmul.f32 $2.000000030e-01, v21  }
0x92: {  	v30 =	vld [tilespmem:s0+$0x0]  }
0x93: {  	v31 =	vld [tilespmem:s9+$0x10];
	v24 =	vadd.f32 v24, v25;
	v42 =	vmul.f32 $2.000000030e-01, v22;
	v21 =	vmax.f32 v21, v28  }
0x94: {  	v32 =	vld [tilespmem:s0+$0x10];
	v21 =	vmul.f32 v21, v10  }
0x95: {  	v33 =	vld [tilespmem:s9+$0x20];
	v26 =	vadd.f32 v26, v27;
	v43 =	vmul.f32 $2.000000030e-01, v24;
	v22 =	vmax.f32 v22, v42  }
0x96: {  	v34 =	vld [tilespmem:s0+$0x20];
	v22 =	vmul.f32 v22, v11;
	v21 =	vadd.f32 $0.0e+00, v21  }
0x97: {  	v35 =	vld [tilespmem:s9+$0x30];
	v29 =	vadd.f32 v29, v30;
	v44 =	vmul.f32 $2.000000030e-01, v26;
	v24 =	vmax.f32 v24, v43  }
0x98: {  	v45 =	vld [tilespmem:s0+$0x30];
	v21 =	vadd.f32 v22, v21;
	v22 =	vmul.f32 v24, v12  }
0x99: {  	v31 =	vadd.f32 v31, v32;
	v46 =	vmul.f32 $2.000000030e-01, v29;
	v26 =	vmax.f32 v26, v44  }
0x9a: {  	v21 =	vadd.f32 v22, v21;
	v22 =	vmul.f32 v26, v13  }
0x9b: {  	v49 =	vadd.f32 v33, v34;
	v48 =	vmul.f32 $2.000000030e-01, v31;
	v47 =	vmax.f32 v29, v46  }
0x9c: {  	v21 =	vadd.f32 v22, v21;
	v22 =	vmul.f32 v47, v14  }
0x9d: {  	v52 =	vadd.f32 v35, v45;
	v51 =	vmul.f32 $2.000000030e-01, v49;
	v50 =	vmax.f32 v31, v48  }
0x9e: {  	v21 =	vadd.f32 v22, v21;
	v22 =	vmul.f32 v50, v15  }
0x9f: {  	v54 =	vmul.f32 $2.000000030e-01, v52;
	v53 =	vmax.f32 v49, v51  }
0xa0: {  	v21 =	vadd.f32 v22, v21;
	v22 =	vmul.f32 v53, v16  }
0xa1: {  	v55 =	vmax.f32 v52, v54  }
0xa2: {  	v21 =	vadd.f32 v22, v21;
	v22 =	vmul.f32 v55, v17;
	_ =	sdelay $0x1  }
0xa3: {  	v21 =	vadd.f32 v22, v21;
	_ =	sdelay $0x1  }
0xa4: {  	(xrf2) =	vadd.scan.msk.f32 $0xffff, v21;
	_ =	sdelay $0x8  }
0xa5: {  	v21 =	vmov s26  }
0xa6: {  	v22, _, _ =	vpop (xrf2)  }
0xa7: {  	v22 =	vmul.f32 $1.442695020e+00, v22;
	_ =	sdelay $0x1  }
0xa8: {  	v22 =	vbroadcast v22, $0xF  }
0xa9: {  	v21 =	vld.idx.msk [tilespmem:v21+s18+$0x0], $0xffff  }
0xaa: {  	(erf) = vpow2.f32 v22  }
0xab: {  	s13 =	sadd.s32 $0x0, s31  }
0xac: {  	v22 =	vmov s13  }
0xad: {  	vm1 =	vge.s32 v22, v18;
	vm2 =	vlt.s32 v22, v19  }
0xae: {  	v21 =	vsub.s32 v21, v0;
	vm1 =	vmand vm1, vm2  }
0xaf: {  	v21 =	vnsel vm1, $0x271, v21  }
0xb0: {  	v56 =	vshll.u32 v21, $0x7  }
0xb1: {  	v57 =	vor.u32 v1, v56  }
0xb2: {  	v58 =	vor.u32 v3, v56  }
0xb3: {  	v59 =	vor.u32 v4, v56;
	v22 =	vpop (erf)  }
0xb4: {  	v60 =	vor.u32 v5, v56;
	v20 =	vmul.f32 v22, v20  }
0xb5: {  	v61 =	vor.u32 v6, v56;
	v23 =	vmul.f32 v22, v23  }
0xb6: {  	v62 =	vor.u32 v7, v56;
	[tilespmem:v57+s22+$0x0] =	vst.idx.add.f32.msk $0xffff, v20;
	v20 =	vmul.f32 v22, v25  }
0xb7: {  	v63 =	vor.u32 v8, v56;
	[tilespmem:v58+s22+$0x0] =	vst.idx.add.f32.msk $0xffff, v23;
	v23 =	vmul.f32 v22, v27  }
0xb8: {  	v26 =	vor.u32 v9, v56;
	[tilespmem:v59+s22+$0x0] =	vst.idx.add.f32.msk $0xffff, v20;
	v20 =	vmul.f32 v22, v30  }
0xb9: {  	[tilespmem:v60+s22+$0x0] =	vst.idx.add.f32.msk $0xffff, v23;
	v23 =	vmul.f32 v22, v32  }
0xba: {  	[tilespmem:v61+s22+$0x0] =	vst.idx.add.f32.msk $0xffff, v20;
	v20 =	vmul.f32 v22, v34  }
0xbb: {  	[tilespmem:v62+s22+$0x0] =	vst.idx.add.f32.msk $0xffff, v23;
	v23 =	vmul.f32 v22, v45  }
0xbc: {  	[tilespmem:v63+s22+$0x0] =	vst.idx.add.f32.msk $0xffff, v20  }
0xbd: {  	s13 =	simm.s32 $0x1;
	[tilespmem:v26+s22+$0x0] =	vst.idx.add.f32.msk $0xffff, v23  }
.LBB2_6:
0xbe: {  	p1 =	sne.s32 s13, $0x4F;
	[tilespmem:v21+s23+$0x0] =	vst.idx.add.f32.msk $0x1, v22;
	s0 =	sadd.s32 $0x80, s0;
	s9 =	sadd.s32 $0x80, s9  }
0xbf: {  	s15 =	smov.u32 s13;
	s13 =	sadd.s32 $0x1, s13;
	v20 =	vld [tilespmem:s0+$0xFFFFFFC0]  }
0xc0: {  	v21 =	vld [tilespmem:s9+$0xFFFFFFC0]  }
0xc1: {  	v22 =	vld [tilespmem:s9+$0xFFFFFFD0]  }
0xc2: {  	v23 =	vld [tilespmem:s0+$0xFFFFFFD0]  }
0xc3: {  	v24 =	vld [tilespmem:s9+$0xFFFFFFE0]  }
0xc4: {  	v25 =	vld [tilespmem:s0+$0xFFFFFFE0]  }
0xc5: {  	v21 =	vadd.f32 v21, v20;
	v26 =	vld [tilespmem:s9+$0xFFFFFFF0]  }
0xc6: {  	v27 =	vld [tilespmem:s0+$0xFFFFFFF0]  }
0xc7: {  	v28 =	vmul.f32 $2.000000030e-01, v21;
	v22 =	vadd.f32 v22, v23;
	v29 =	vld [tilespmem:s9+$0x0]  }
0xc8: {  	v30 =	vld [tilespmem:s0+$0x0]  }
0xc9: {  	v21 =	vmax.f32 v21, v28;
	v28 =	vmul.f32 $2.000000030e-01, v22;
	v24 =	vadd.f32 v24, v25;
	v31 =	vld [tilespmem:s9+$0x10]  }
0xca: {  	v21 =	vmul.f32 v21, v10;
	v32 =	vld [tilespmem:s0+$0x10]  }
0xcb: {  	v22 =	vmax.f32 v22, v28;
	v28 =	vmul.f32 $2.000000030e-01, v24;
	v26 =	vadd.f32 v26, v27;
	v33 =	vld [tilespmem:s9+$0x20]  }
0xcc: {  	v21 =	vadd.f32 $0.0e+00, v21;
	v22 =	vmul.f32 v22, v11;
	v34 =	vld [tilespmem:s0+$0x20]  }
0xcd: {  	v24 =	vmax.f32 v24, v28;
	v28 =	vmul.f32 $2.000000030e-01, v26;
	v29 =	vadd.f32 v29, v30;
	v35 =	vld [tilespmem:s9+$0x30]  }
0xce: {  	v21 =	vadd.f32 v22, v21;
	v22 =	vmul.f32 v24, v12;
	v24 =	vld [tilespmem:s0+$0x30]  }
0xcf: {  	v26 =	vmax.f32 v26, v28;
	v28 =	vmul.f32 $2.000000030e-01, v29;
	v31 =	vadd.f32 v31, v32  }
0xd0: {  	v21 =	vadd.f32 v22, v21;
	v22 =	vmul.f32 v26, v13  }
0xd1: {  	v26 =	vmax.f32 v29, v28;
	v28 =	vmul.f32 $2.000000030e-01, v31;
	v29 =	vadd.f32 v33, v34  }
0xd2: {  	v21 =	vadd.f32 v22, v21;
	v22 =	vmul.f32 v26, v14  }
0xd3: {  	v26 =	vmax.f32 v31, v28;
	v28 =	vmul.f32 $2.000000030e-01, v29;
	v31 =	vadd.f32 v35, v24  }
0xd4: {  	v21 =	vadd.f32 v22, v21;
	v22 =	vmul.f32 v26, v15  }
0xd5: {  	v26 =	vmax.f32 v29, v28;
	v28 =	vmul.f32 $2.000000030e-01, v31  }
0xd6: {  	v21 =	vadd.f32 v22, v21;
	v22 =	vmul.f32 v26, v16  }
0xd7: {  	v26 =	vmax.f32 v31, v28  }
0xd8: {  	v21 =	vadd.f32 v22, v21;
	v22 =	vmul.f32 v26, v17;
	_ =	sdelay $0x1  }
0xd9: {  	v21 =	vadd.f32 v22, v21;
	_ =	sdelay $0x1  }
0xda: {  	(xrf2) =	vadd.scan.msk.f32 $0xffff, v21;
	_ =	sdelay $0x7  }
0xdb: {  	v21 =	vmov s15;
	_ =	sdelay $0x1  }
0xdc: {  	v22, _, _ =	vpop (xrf2)  }
0xdd: {  	v22 =	vmul.f32 $1.442695020e+00, v22;
	_ =	sdelay $0x1  }
0xde: {  	v22 =	vbroadcast v22, $0xF;
	v21 =	vld.idx.msk [tilespmem:v21+s18+$0x0], $0xffff;
	_ =	sdelay $0x1  }
0xdf: {  	(erf) = vpow2.f32 v22  }
0xe0: {  	s15 =	sadd.s32 s31, s15  }
0xe1: {  	v22 =	vmov s15  }
0xe2: {  	vm1 =	vge.s32 v22, v18;
	vm2 =	vlt.s32 v22, v19  }
0xe3: {  	vm1 =	vmand vm1, vm2;
	v21 =	vsub.s32 v21, v0  }
0xe4: {  	v21 =	vnsel vm1, $0x271, v21  }
0xe5: {  	v26 =	vshll.u32 v21, $0x7  }
0xe6: {  	v28 =	vor.u32 v1, v26  }
0xe7: {  	v29 =	vor.u32 v3, v26  }
0xe8: {  	v31 =	vor.u32 v4, v26;
	v22 =	vpop (erf)  }
0xe9: {  	v33 =	vor.u32 v5, v26;
	v20 =	vmul.f32 v22, v20  }
0xea: {  	v35 =	vor.u32 v6, v26;
	v23 =	vmul.f32 v22, v23  }
0xeb: {  	[tilespmem:v28+s22+$0x0] =	vst.idx.add.f32.msk $0xffff, v20;
	v20 =	vmul.f32 v22, v25;
	v25 =	vor.u32 v7, v26  }
0xec: {  	[tilespmem:v29+s22+$0x0] =	vst.idx.add.f32.msk $0xffff, v23;
	v23 =	vmul.f32 v22, v27;
	v27 =	vor.u32 v8, v26  }
0xed: {  	v26 =	vor.u32 v9, v26;
	[tilespmem:v31+s22+$0x0] =	vst.idx.add.f32.msk $0xffff, v20;
	v20 =	vmul.f32 v22, v30  }
.Ltmp2:
0xee: {  	[tilespmem:v33+s22+$0x0] =	vst.idx.add.f32.msk $0xffff, v23;
	v23 =	vmul.f32 v22, v32;
	(pc) =	sbr.rel @p1 .LBB2_6-.Ltmp2, $4  }
0xef: {  	[tilespmem:v35+s22+$0x0] =	vst.idx.add.f32.msk $0xffff, v20;
	v20 =	vmul.f32 v22, v34  }
0xf0: {  	[tilespmem:v25+s22+$0x0] =	vst.idx.add.f32.msk $0xffff, v23;
	v23 =	vmul.f32 v22, v24  }
0xf1: {  	[tilespmem:v27+s22+$0x0] =	vst.idx.add.f32.msk $0xffff, v20  }
0xf2: {  	[tilespmem:v26+s22+$0x0] =	vst.idx.add.f32.msk $0xffff, v23  }
0xf3: {  	s30 =	sadd.s32 $0x1, s30  }
0xf4: {  	p1 =	sne.s32 s30, s29  }
.Ltmp3:
0xf5: {  	_ = 	snop;
	(pc) =	sbr.rel @p1 .LBB2_5-.Ltmp3, $2  }
0xf6: {  	_ =	sdelay $0x2  }
0xf7: {  	[tilespmem:v21+s23+$0x0] =	vst.idx.add.f32.msk $0x1, v22  }
.LBB2_8:
0xf8: {  	s0 =	simm.s32 $0x0;
	s9 =	simm.s32 $0x52C0;
	s26 =	simm.s32 $0x0  }
.LBB2_9:
0xf9: {  	v10 =	vmov s0;
	_ =	sdelay $0x4  }
0xfa: {  	v10 =	vld.idx.msk [tilespmem:v10+s23+$0x0], $0xffff;
	_ =	sdelay $0x4  }
0xfb: {  	v11 =	vadd.f32 $1.000000020e-16, v10;
	_ =	sdelay $0x1  }
0xfc: {  	v10 =	vmov s9;
	(erf) = vrcp.f32 v11;
	_ =	sdelay $0x3  }
0xfd: {  	s28 =	simm.s32 $0x0  }
0xfe: {  	v12 =	vld.idx.msk [tilespmem:v10+s28+$0xFFFFFFC0 ss:$0x1], $0xffff;
	_ =	sdelay $0x3  }
0xff: {  	v11 =	vpop (erf)  }
0x100: {  	v12 =	vmul.f32 v12, v11;
	_ =	sdelay $0x1  }
0x101: {  	[tilespmem:s28+$0x19100] =	vst v12  }
0x102: {  	v12 =	vld.idx.msk [tilespmem:v10+s28+$0xFFFFFFD0 ss:$0x1], $0xffff;
	_ =	sdelay $0x4  }
0x103: {  	v12 =	vmul.f32 v12, v11;
	_ =	sdelay $0x1  }
0x104: {  	[tilespmem:s28+$0x19110] =	vst v12  }
0x105: {  	v12 =	vld.idx.msk [tilespmem:v10+s28+$0xFFFFFFE0 ss:$0x1], $0xffff;
	_ =	sdelay $0x4  }
0x106: {  	v12 =	vmul.f32 v12, v11;
	_ =	sdelay $0x1  }
0x107: {  	[tilespmem:s28+$0x19120] =	vst v12  }
0x108: {  	v12 =	vld.idx.msk [tilespmem:v10+s28+$0xFFFFFFF0 ss:$0x1], $0xffff;
	_ =	sdelay $0x4  }
0x109: {  	v12 =	vmul.f32 v12, v11;
	_ =	sdelay $0x1  }
0x10a: {  	[tilespmem:s28+$0x19130] =	vst v12  }
0x10b: {  	v12 =	vld.idx.msk [tilespmem:v10+s28+$0x0 ss:$0x1], $0xffff;
	_ =	sdelay $0x4  }
0x10c: {  	v12 =	vmul.f32 v12, v11;
	_ =	sdelay $0x1  }
0x10d: {  	[tilespmem:s28+$0x19140] =	vst v12  }
0x10e: {  	v12 =	vld.idx.msk [tilespmem:v10+s28+$0x10 ss:$0x1], $0xffff;
	_ =	sdelay $0x4  }
0x10f: {  	v12 =	vmul.f32 v12, v11;
	_ =	sdelay $0x1  }
0x110: {  	[tilespmem:s28+$0x19150] =	vst v12  }
0x111: {  	v12 =	vld.idx.msk [tilespmem:v10+s28+$0x20 ss:$0x1], $0xffff;
	_ =	sdelay $0x4  }
0x112: {  	v12 =	vmul.f32 v12, v11;
	_ =	sdelay $0x1  }
0x113: {  	[tilespmem:s28+$0x19160] =	vst v12  }
0x114: {  	v12 =	vld.idx.msk [tilespmem:v10+s28+$0x30 ss:$0x1], $0xffff;
	_ =	sdelay $0x1  }
0x115: {  	s30 =	sadd.s32 $0x1, s0  }
0x116: {  	s13 =	smul.u32 $0x7D, s26;
	s29 =	simm.s32 $0x200;
	s31 =	simm.s32 $0x400;
	v13 =	vmov s30  }
.LBB2_10:
0x117: {  	p1 =	sne.s32 s31, $0xF800  }
0x118: {  	v11 =	vmul.f32 v12, v11;
	_ =	sdelay $0x1  }
0x119: {  	[tilespmem:s28+$0x19170] =	vst v11  }
0x11a: {  	s28 =	sshra.s32 s29, $0x2;
	s29 =	smov.u32 s31;
	v11 =	vld.idx.msk [tilespmem:v13+s23+$0x0], $0xffff  }
0x11b: {  	v12 =	vld.idx.msk [tilespmem:v10+s28+$0xFFFFFFC0 ss:$0x1], $0xffff;
	_ =	sdelay $0x4  }
0x11c: {  	v11 =	vadd.f32 $1.000000020e-16, v11;
	_ =	sdelay $0x1  }
0x11d: {  	(erf) = vrcp.f32 v11;
	_ =	sdelay $0x8  }
0x11e: {  	v11 =	vpop (erf)  }
0x11f: {  	v12 =	vmul.f32 v12, v11;
	_ =	sdelay $0x1  }
0x120: {  	[tilespmem:s28+$0x19100] =	vst v12  }
0x121: {  	v12 =	vld.idx.msk [tilespmem:v10+s28+$0xFFFFFFD0 ss:$0x1], $0xffff;
	_ =	sdelay $0x5  }
0x122: {  	v12 =	vmul.f32 v12, v11;
	_ =	sdelay $0x1  }
0x123: {  	[tilespmem:s28+$0x19110] =	vst v12  }
0x124: {  	v12 =	vld.idx.msk [tilespmem:v10+s28+$0xFFFFFFE0 ss:$0x1], $0xffff;
	_ =	sdelay $0x5  }
0x125: {  	v12 =	vmul.f32 v12, v11;
	_ =	sdelay $0x1  }
0x126: {  	[tilespmem:s28+$0x19120] =	vst v12  }
0x127: {  	v12 =	vld.idx.msk [tilespmem:v10+s28+$0xFFFFFFF0 ss:$0x1], $0xffff;
	_ =	sdelay $0x5  }
0x128: {  	v12 =	vmul.f32 v12, v11;
	_ =	sdelay $0x1  }
0x129: {  	[tilespmem:s28+$0x19130] =	vst v12  }
0x12a: {  	v12 =	vld.idx.msk [tilespmem:v10+s28+$0x0 ss:$0x1], $0xffff;
	_ =	sdelay $0x5  }
0x12b: {  	v12 =	vmul.f32 v12, v11;
	_ =	sdelay $0x1  }
0x12c: {  	[tilespmem:s28+$0x19140] =	vst v12  }
0x12d: {  	v12 =	vld.idx.msk [tilespmem:v10+s28+$0x10 ss:$0x1], $0xffff;
	_ =	sdelay $0x5  }
0x12e: {  	v12 =	vmul.f32 v12, v11;
	_ =	sdelay $0x1  }
0x12f: {  	[tilespmem:s28+$0x19150] =	vst v12  }
0x130: {  	v12 =	vld.idx.msk [tilespmem:v10+s28+$0x20 ss:$0x1], $0xffff;
	_ =	sdelay $0x5  }
0x131: {  	v12 =	vmul.f32 v12, v11;
	_ =	sdelay $0x1  }
0x132: {  	[tilespmem:s28+$0x19160] =	vst v12  }
.Ltmp4:
0x133: {  	v12 =	vld.idx.msk [tilespmem:v10+s28+$0x30 ss:$0x1], $0xffff;
	(pc) =	sbr.rel @p1 .LBB2_10-.Ltmp4, $3  }
0x134: {  	_ =	sdelay $0x1  }
0x135: {  	s30 =	sadd.s32 $0x1, s30  }
0x136: {  	s31 =	sadd.s32 $0x200, s31;
	v13 =	vmov s30  }
0x137: {  	_ = 	snop  }
0x138: {  	v11 =	vmul.f32 v12, v11;
	_ =	sdelay $0x1  }
0x139: {  	[tilespmem:s28+$0x19170] =	vst v11  }
0x13a: {  	v11 =	vld.idx.msk [tilespmem:v13+s23+$0x0], $0xffff;
	_ =	sdelay $0x4  }
0x13b: {  	v11 =	vadd.f32 $1.000000020e-16, v11;
	_ =	sdelay $0x1  }
0x13c: {  	(erf) = vrcp.f32 v11;
	_ =	sdelay $0x3  }
0x13d: {  	s15 =	sshra.s32 s29, $0x2  }
0x13e: {  	v11 =	vld.idx.msk [tilespmem:v10+s15+$0xFFFFFFC0 ss:$0x1], $0xffff;
	_ =	sdelay $0x3  }
0x13f: {  	v63 =	vpop (erf)  }
0x140: {  	v11 =	vmul.f32 v11, v63;
	_ =	sdelay $0x1  }
0x141: {  	[tilespmem:s15+$0x19100] =	vst v11  }
0x142: {  	v11 =	vld.idx.msk [tilespmem:v10+s15+$0xFFFFFFD0 ss:$0x1], $0xffff;
	_ =	sdelay $0x4  }
0x143: {  	v11 =	vmul.f32 v11, v63;
	_ =	sdelay $0x1  }
0x144: {  	[tilespmem:s15+$0x19110] =	vst v11  }
0x145: {  	v11 =	vld.idx.msk [tilespmem:v10+s15+$0xFFFFFFE0 ss:$0x1], $0xffff;
	_ =	sdelay $0x4  }
0x146: {  	v11 =	vmul.f32 v11, v63;
	_ =	sdelay $0x1  }
0x147: {  	[tilespmem:s15+$0x19120] =	vst v11  }
0x148: {  	v11 =	vld.idx.msk [tilespmem:v10+s15+$0xFFFFFFF0 ss:$0x1], $0xffff;
	_ =	sdelay $0x4  }
0x149: {  	v11 =	vmul.f32 v11, v63;
	_ =	sdelay $0x1  }
0x14a: {  	[tilespmem:s15+$0x19130] =	vst v11  }
0x14b: {  	v11 =	vld.idx.msk [tilespmem:v10+s15+$0x0 ss:$0x1], $0xffff;
	_ =	sdelay $0x4  }
0x14c: {  	v11 =	vmul.f32 v11, v63;
	_ =	sdelay $0x1  }
0x14d: {  	[tilespmem:s15+$0x19140] =	vst v11  }
0x14e: {  	v11 =	vld.idx.msk [tilespmem:v10+s15+$0x10 ss:$0x1], $0xffff;
	_ =	sdelay $0x4  }
0x14f: {  	v11 =	vmul.f32 v11, v63;
	_ =	sdelay $0x1  }
0x150: {  	[tilespmem:s15+$0x19150] =	vst v11  }
0x151: {  	v11 =	vld.idx.msk [tilespmem:v10+s15+$0x20 ss:$0x1], $0xffff;
	_ =	sdelay $0x4  }
0x152: {  	v11 =	vmul.f32 v11, v63;
	_ =	sdelay $0x1  }
0x153: {  	[tilespmem:s15+$0x19160] =	vst v11  }
0x154: {  	v10 =	vld.idx.msk [tilespmem:v10+s15+$0x30 ss:$0x1], $0xffff;
	_ =	sdelay $0x4  }
0x155: {  	s13 =	sadd.s32 s11, s13;
	s26 =	sadd.s32 $0x1, s26;
	v10 =	vmul.f32 v10, v63  }
0x156: {  	s13 =	sshll.u32 s13, $0x4;
	p1 =	sne.s32 s26, $0x5;
	s28 =	simm.s32 @!p0 $0x3  }
.Ltmp5:
0x157: {  	s13 =	sadd.s32 s10, s13;
	s28 =	simm.s32 @p0 $0x2;
	[tilespmem:s15+$0x19170] =	vst v10;
	(pc) =	sbr.rel @p1 .LBB2_9-.Ltmp5, $4  }
0x158: {  	[hbm4b:s13+s1] =	stream.linear.scatter [tilespmem:s24], [sflag:s28], $0x3E80, $0x38;
	[tilespmem:$0x1CF80] =	vst v63  }
0x159: {  	_ =	swait.ge [sflag:s28], $0x3E80  }
0x15a: {  	[sflag:s28] =	ssyncset.done $0x0  }
0x15b: {  	s0 =	sadd.s32 $0x7D, s0;
	s9 =	sadd.s32 $0x3E80, s9;
	[sflag:s28] =	ssyncadd.s32 $0xFFFFC180  }
0x15c: {  	s25 =	sadd.s32 $0x1, s25  }
0x15d: {  	p1 =	sne.s32 s25, s12  }
.Ltmp6:
0x15e: {  	_ = 	snop;
	(pc) =	sbr.rel @p1 .LBB2_1-.Ltmp6, $1  }
0x15f: {  	_ =	sdelay $0x3  }
0x160: {  	_ =	sfence.sel $0x180000  }
0x161: {  	[bflag:$0x0] =	sbarrier.arrive $0xFFFF  }
0x162: {  	_ =	strace $0x90000050  }
0x163: {  	s0 =	stileid.u32;
	[bflag:$0x2] =	sbarrier.arrive $0xFFFF  }
0x164: {  	p0 =	sne.s32 s0, $0x0;
	s0 =	rddreg [dreg:$0x2]  }
0x165: {  	s0 =	sadd.s32 @!p0 $0x100000, s0  }
0x166: {  	[sflag:s0] =	ssyncadd.tile.s32 @!p0 $0x1;
	_ =	shalt  }
.Lfunc_end2:
_tile_overlayer_lowered:
.L_overlay_start_2:
0x167: {  	(tag) =	ssettag $0x2  }
0x168: {  	s0 =	rddreg [dreg:$0x0];
	s2 =	stileid.u32  }
0x169: {  	s1 =	rddreg [dreg:$0x1];
	p0 =	sne.s32 s2, $0x0  }
0x16a: {  	s3 =	rddreg [dreg:$0x2];
	[bflag:$0x3] =	sbarrier.arrive $0xFFFF;
	s2 =	simm.s32 @!p0 $0x1C02  }
0x16b: {  	[timem:s3], [sflag:s2] =	dma.local @!p0 [hbm:s0], s1  }
0x16c: {  	s0 =	simm.s32 @!p0 $0x2  }
0x16d: {  	_ =	swait.ge @!p0 [sflag:s0], s1  }
0x16e: {  	s1 =	ssub.s32 @!p0 $0x0, s1;
	[sflag:s0] =	ssyncset.done @!p0 $0x0  }
0x16f: {  	[sflag:s0] =	ssyncadd.s32 @!p0 s1  }
0x170: {  	[bflag:$0x3] =	sbarrier.arrive $0xFFFF  }
0x171: {  	_ =	shalt  }

// kernel: kernel.21.cloned.1.call-start
scs
__scs_entry_jumppad:
0x0: {  	(pc) =	sbr.rel $0x88, $3  }
0x1: {  	(tag) =	ssettag $0x0;
	lr =	simm.s32 $0x1  }
0x2: {  	[smem:$0x3F99] =	sst lr;
	_ =	strace $0xD0000000  }
0x3: {  	_ = 	snop  }
0x4: {  	_ = 	snop  }
0x5: {  	_ = 	snop  }
0x6: {  	_ = 	snop  }
0x7: {  	_ = 	snop  }
__scs_overlays_trampoline_lowered:
0x8: {  	[smem:$0x3FA8] =	sst s0  }
0x9: {  	[smem:$0x3FA9] =	sst s1  }
0xa: {  	[smem:$0x3FAA] =	sst s2  }
0xb: {  	[smem:$0x3FAB] =	sst s3  }
0xc: {  	[smem:$0x3FAC] =	sst s4  }
0xd: {  	[smem:$0x3FAD] =	sst s5  }
0xe: {  	[smem:$0x3FAE] =	sst s6  }
0xf: {  	[smem:$0x3FAF] =	sst s7  }
0x10: {  	[smem:$0x3FB0] =	sst s8  }
0x11: {  	[smem:$0x3FB1] =	sst s9;
	s0 =	simm.s32 @!p0 $0x0  }
0x12: {  	s1 =	sld [smem:$0x3F97];
	s0 =	simm.s32 @p0 $0x1  }
0x13: {  	[smem:$0x3FB2] =	sst s0;
	s0 =	simm.s32 @!p1 $0x0  }
0x14: {  	s2 =	sld [smem:$0x3F96];
	s0 =	simm.s32 @p1 $0x1  }
0x15: {  	[smem:$0x3FB3] =	sst s0;
	s0 =	simm.s32 @!p2 $0x0  }
0x16: {  	s3 =	sld [smem:$0x3FDB];
	s0 =	simm.s32 @p2 $0x1  }
0x17: {  	s4 =	simm.s32 $0x1BF5;
	[smem:$0x3FB5] =	sst s0  }
0x18: {  	s0 =	sld [smem:$0x3F98];
	_ =	swait.ge [sflag:s4], $0x0  }
0x19: {  	s7 =	sld [smem:$0x3F99]  }
0x1a: {  	s8 =	sadd.s32 $0xFFFFE003, lr  }
0x1b: {  	s9 =	sadd.s32 $0xFFFFFEF7, lr;
	s5 =	simm.s32 $0xFFFFFFFF;
	p2 =	slt.u32 s8, $0xFFFFF086  }
0x1c: {  	p1 =	slt.u32 s9, $0xF7A;
	s5 =	simm.s32 @!p2 $0x0  }
0x1d: {  	s5 =	simm.s32 @p1 $0x1;
	p0 =	seq.s32 s7, s2  }
0x1e: {  	s7 =	smul.u32 @!p0 $0xF7A, s2;
	p2 =	seq.s32 @!p0 s5, $0x0  }
0x1f: {  	s9 =	smul.u32 $0xF7A, s1;
	s8 =	simm.s32 @!p0 $0x1BF5;
	p2 =	por !p2, p0  }
0x20: {  	[sflag:s8] =	ssyncset.s32 @!p0 $0xFFFFF086;
	s6 =	sadd.s32 @!p0 s3, s7;
	s7 =	simm.s32 @!p0 $0x108  }
0x21: {  	s3 =	sadd.s32 s3, s9;
	s6 =	sadd.s32 @!p0 $0x88, s6;
	s7 =	simm.s32 @p2 $0x1082  }
0x22: {  	[simem:s7], [sflag:s8] =	dma.local @!p0 [hbm:s6], $0xF7A  }
0x23: {  	s9 =	sor.u32 $0xD0000000, s2;
	s6 =	simm.s32 $0x108;
	_ =	swait.ge @!p0 [sflag:s8], $0x0  }
0x24: {  	s3 =	sadd.s32 $0x88, s3;
	s6 =	simm.s32 @!p1 $0x1082;
	[sflag:s4] =	ssyncset.s32 $0xFFFFF086  }
0x25: {  	[simem:s6], [sflag:s4] =	dma.local [hbm:s3], $0xF7A  }
0x26: {  	[smem:$0x3F99] =	sst s1;
	(tag) =	ssettag s2;
	_ =	strace s9  }
0x27: {  	s1 =	sld [smem:$0x3FA9]  }
0x28: {  	s2 =	sld [smem:$0x3FAA]  }
0x29: {  	s4 =	sld [smem:$0x3FAC]  }
0x2a: {  	p0 =	seq.s32 s5, $0x0;
	s5 =	sld [smem:$0x3FAD]  }
0x2b: {  	s6 =	sld [smem:$0x3FAE]  }
0x2c: {  	s7 =	sld [smem:$0x3FAF]  }
0x2d: {  	s3 =	simm.s32 $0x108;
	s8 =	sld [smem:$0x3FB0]  }
0x2e: {  	s3 =	simm.s32 @!p0 $0x1082;
	s9 =	sld [smem:$0x3FB1]  }
0x2f: {  	lr =	sadd.s32 s0, s3;
	s0 =	sld [smem:$0x3FA8]  }
0x30: {  	s3 =	sld [smem:$0x3FAB]  }
0x31: {  	[smem:$0x3FB4] =	sst s10  }
0x32: {  	s10 =	sld [smem:$0x3FB2];
	_ =	sdelay $0x3  }
0x33: {  	p0 =	seq.s32 s10, $0x1;
	s10 =	sld [smem:$0x3FB4];
	_ =	sdelay $0x3  }
0x34: {  	[smem:$0x3FB4] =	sst s10  }
0x35: {  	s10 =	sld [smem:$0x3FB3];
	_ =	sdelay $0x3  }
0x36: {  	p1 =	seq.s32 s10, $0x1;
	s10 =	sld [smem:$0x3FB4];
	_ =	sdelay $0x3  }
0x37: {  	[smem:$0x3FB4] =	sst s10  }
0x38: {  	s10 =	sld [smem:$0x3FB5]  }
0x39: {  	_ = 	snop;
	(pc) =	sbr.ind lr, $3  }
0x3a: {  	_ = 	snop  }
0x3b: {  	_ = 	snop  }
0x3c: {  	p2 =	seq.s32 s10, $0x1;
	s10 =	sld [smem:$0x3FB4]  }
0x3d: {  	_ =	shalt  }
0x3e: {  	_ =	shalt  }
0x3f: {  	_ =	shalt  }
0x40: {  	_ =	shalt  }
0x41: {  	_ =	shalt  }
0x42: {  	_ =	shalt  }
0x43: {  	_ =	shalt  }
0x44: {  	_ =	shalt  }
0x45: {  	_ =	shalt  }
0x46: {  	_ =	shalt  }
0x47: {  	_ =	shalt  }
0x48: {  	_ =	shalt  }
0x49: {  	_ =	shalt  }
0x4a: {  	_ =	shalt  }
0x4b: {  	_ =	shalt  }
0x4c: {  	_ =	shalt  }
0x4d: {  	_ =	shalt  }
0x4e: {  	_ =	shalt  }
0x4f: {  	_ =	shalt  }
0x50: {  	_ =	shalt  }
0x51: {  	_ =	shalt  }
0x52: {  	_ =	shalt  }
0x53: {  	_ =	shalt  }
0x54: {  	_ =	shalt  }
0x55: {  	_ =	shalt  }
0x56: {  	_ =	shalt  }
0x57: {  	_ =	shalt  }
0x58: {  	_ =	shalt  }
0x59: {  	_ =	shalt  }
0x5a: {  	_ =	shalt  }
0x5b: {  	_ =	shalt  }
0x5c: {  	_ =	shalt  }
0x5d: {  	_ =	shalt  }
0x5e: {  	_ =	shalt  }
0x5f: {  	_ =	shalt  }
0x60: {  	_ =	shalt  }
0x61: {  	_ =	shalt  }
0x62: {  	_ =	shalt  }
0x63: {  	_ =	shalt  }
0x64: {  	_ =	shalt  }
0x65: {  	_ =	shalt  }
0x66: {  	_ =	shalt  }
0x67: {  	_ =	shalt  }
0x68: {  	_ =	shalt  }
0x69: {  	_ =	shalt  }
0x6a: {  	_ =	shalt  }
0x6b: {  	_ =	shalt  }
0x6c: {  	_ =	shalt  }
0x6d: {  	_ =	shalt  }
0x6e: {  	_ =	shalt  }
0x6f: {  	_ =	shalt  }
0x70: {  	_ =	shalt  }
0x71: {  	_ =	shalt  }
0x72: {  	_ =	shalt  }
0x73: {  	_ =	shalt  }
0x74: {  	_ =	shalt  }
0x75: {  	_ =	shalt  }
0x76: {  	_ =	shalt  }
0x77: {  	_ =	shalt  }
0x78: {  	_ =	shalt  }
0x79: {  	_ =	shalt  }
0x7a: {  	_ =	shalt  }
0x7b: {  	_ =	shalt  }
0x7c: {  	_ =	shalt  }
0x7d: {  	_ =	shalt  }
0x7e: {  	_ =	shalt  }
0x7f: {  	_ =	shalt  }
0x80: {  	_ =	shalt  }
0x81: {  	_ =	shalt  }
0x82: {  	_ =	shalt  }
0x83: {  	_ =	shalt  }
0x84: {  	_ =	shalt  }
0x85: {  	_ =	shalt  }
0x86: {  	_ =	shalt  }
0x87: {  	_ =	shalt  }
.Lfunc_end0:
.L_simem_size_0:
called_computation.4_lowered:
.L_overlay_start_0:
0x88: {  	s2 =	sld [smem:$0x3FD9]  }
0x89: {  	s3 =	sld [smem:$0x3FFE];
	_ =	sdelay $0x1  }
0x8a: {  	s1 =	srdreg.scid  }
0x8b: {  	s0 =	sand.u32 $0x1, s1  }
0x8c: {  	s17 =	sshll.u32 s0, $0xA;
	s2 =	sadd.s32 s3, s2  }
0x8d: {  	s2 =	sadd.s32 s2, s17  }
0x8e: {  	[smem:$0x3FC0] =	sst s2  }
0x8f: {  	_ = 	snop  }
0x90: {  	s2 =	sld [smem:$0x3FD0];
	(tm) =	ssettm $0x1  }
0x91: {  	s18 =	sld [smem:$0x3FFB];
	_ =	sdelay $0x3  }
0x92: {  	_ =	strace s18  }
0x93: {  	s3 =	sld [smem:$0x3FFC];
	_ =	sdelay $0x3  }
0x94: {  	_ =	strace s3  }
0x95: {  	s3 =	sld [smem:$0x3FFD];
	_ =	sdelay $0x3  }
0x96: {  	_ =	strace s3  }
0x97: {  	_ =	strace $0x8FFFFFFF  }
0x98: {  	s19 =	sld [smem:$0x3FDB];
	_ =	sdelay $0x1  }
0x99: {  	s4 =	simm.s32 $_scs_section_size  }
0x9a: {  	s5 =	simm.s32 $_size__tile_overlayer_lowered;
	s6 =	simm.s32 $_tile_overlayer_lowered  }
0x9b: {  	s22 =	simm.s32 $0x1BFF;
	s21 =	sshll.u32 s6, $0x1;
	s3 =	sadd.s32 s4, s19  }
0x9c: {  	s7 =	simm.s32 $0x0;
	s20 =	sshll.u32 s5, $0x1;
	s5 =	sadd.s32 s21, s3  }
0x9d: {  	[timem:s7], [sflag:s22] =	dma.local [hbm:s5], s20  }
0x9e: {  	_ =	swait.ge [sflag:s22], s20  }
0x9f: {  	s4 =	ssub.s32 $0x0, s20;
	[sflag:s22] =	ssyncset.done $0x0  }
0xa0: {  	[sflag:s22] =	ssyncadd.s32 s4;
	_ =	sdelay $0x1  }
0xa1: {  	s23 =	simm.s32 $0x1B8B  }
0xa2: {  	_ =	swait.ge [sflag:s23], $0x1  }
0xa3: {  	[sflag:s23] =	ssyncset.done $0x0  }
0xa4: {  	s25 =	simm.s32 $0x1B8E;
	s24 =	sld [smem:$0x3FFE];
	[sflag:s23] =	ssyncadd.s32 $0xFFFFFFFF  }
0xa5: {  	s26 =	simm.s32 $execute0_lowered;
	[smem:$0x3FD2] =	sst s25  }
0xa6: {  	s5 =	sshll.u32 s26, $0x1;
	_ =	strace $0x80000052;
	[dreg:$0x1] =	wrdreg $0xFFFFFFFF  }
0xa7: {  	s28 =	simm.s32 $_size_execute0_lowered;
	s3 =	sadd.s32 s3, s5;
	[dreg:$0x0] =	wrdreg $0x0  }
0xa8: {  	s5 =	sshll.u32 s28, $0x1;
	[dreg:$0x2] =	wrdreg s3  }
0xa9: {  	[dreg:$0x3] =	wrdreg s5  }
0xaa: {  	[dreg:$0x4] =	wrdreg $0xC0  }
0xab: {  	_ =	task [dreg:s7], $0x5FFFF  }
0xac: {  	[dreg:$0x1] =	wrdreg $0xFFFFFFFF  }
0xad: {  	[dreg:$0x0] =	wrdreg $0x60  }
0xae: {  	[dreg:$0x2] =	wrdreg s2  }
0xaf: {  	[dreg:$0x3] =	wrdreg s24  }
0xb0: {  	[dreg:$0x4] =	wrdreg $0x9  }
0xb1: {  	_ =	task.clear_ibuf [dreg:s7], $0x5FFFF;
	_ =	strace $0x90000052  }
0xb2: {  	s29 =	simm.s32 $0x9;
	_ =	strace $0x80000054  }
0xb3: {  	_ =	swait.ge [sflag:s29], $0x1  }
0xb4: {  	[sflag:s29] =	ssyncadd.s32 $0xFFFFFFFF  }
0xb5: {  	_ =	strace $0x90000054  }
0xb6: {  	_ =	sfence  }
0xb7: {  	s30 =	sld [smem:$0x0];
	_ =	sdelay $0x2  }
0xb8: {  	s31 =	sshll.u32 s1, $0xD;
	s1 =	sshrl.u32 s1, $0x2  }
0xb9: {  	s3 =	sand.u32 $0x4000, s31;
	s1 =	sadd.s32 s1, s30  }
0xba: {  	s0 =	sor.u32 s3, s0;
	s1 =	sshll.u32 s1, $0x11  }
0xbb: {  	s0 =	sor.u32 s1, s0  }
0xbc: {  	s0 =	sadd.s32 $0x8F2B, s0  }
0xbd: {  	[sflag:s0] =	ssyncadd.remote.s32 $0x1  }
0xbe: {  	_ =	sfence.sel $0xFFFF  }
0xbf: {  	[dreg:$0x0] =	wrdreg $0xFFFFFFFF;
	(pc) =	sbr.abs _section_cstart, $3  }
0xc0: {  	[dreg:$0x1] =	wrdreg $0xFFFFFFFF  }
0xc1: {  	_ =	task.clear_ibuf [dreg:s7], $0x2FFFF;
	_ =	strace $0x9FFFFFFF  }
0xc2: {  	(tm) =	ssettm $0x7FFFFFFF  }
0xc3: {  	_ =	shalt  }
tec
execute0_lowered:
.L_overlay_start_1:
0x0: {  	(tag) =	ssettag $0x1  }
0x1: {  	s0 =	rddreg [dreg:$0x0]  }
0x2: {  	s9 =	rddreg [dreg:$0x1]  }
0x3: {  	s1 =	simm.s32 $0x0;
	s10 =	srdreg.scid;
	s16 =	stileid.u32  }
0x4: {  	s17 =	simm.s32 $0x1;
	s18 =	simm.s32 $0x80;
	s19 =	simm.s32 $0x50  }
0x5: {  	s20 =	simm.s32 $0x100;
	s21 =	simm.s32 $0x2900;
	s22 =	simm.s32 $0x5280  }
0x6: {  	s23 =	simm.s32 $0x18E80;
	s24 =	simm.s32 $0x19100;
	s25 =	simm.s32 $0x0  }
0x7: {  	[smem:$0x7FF] =	sst s1;
	s2 =	sadd.s32 $0x23800, s9;
	s13 =	sadd.s32 $0x4AA00, s9  }
0x8: {  	s3 =	sadd.s32 $0x71C00, s9;
	s4 =	sadd.s32 $0x12800, s9;
	s5 =	sadd.s32 $0x1E800, s9  }
0x9: {  	s12 =	sadd.s32 $0x18200, s9;
	s6 =	sadd.s32 $0x18000, s9;
	s7 =	sadd.s32 $0x7C00, s9  }
0xa: {  	s8 =	sadd.s32 $0x7E00, s9;
	s15 =	sand.u32 $0x1, s10;
	s10 =	sadd.s32 $0x98E00, s9  }
0xb: {  	s9 =	sadd.s32 $0xC0000, s9;
	s11 =	ssub.s32 $0x2, s15;
	p0 =	seq.s32 s15, $0x0  }
0xc: {  	v1 =	vlaneseq.u32;
	v2 =	vimm.f32 $0.0e+00;
	v3 =	vmov s16;
	_ =	strace $0x80000053;
	s14 =	sshrl.u32 s11, $0x1;
	s6 =	smov.u32 @p0 s12  }
0xd: {  	v4 =	vor.u32 $0x20, v1;
	v5 =	vor.u32 $0x30, v1;
	v6 =	vor.u32 $0x40, v1;
	s2 =	smov.u32 @p0 s0;
	s14 =	ssub.s32 s11, s14;
	s11 =	smul.u32 $0x271, s16  }
0xe: {  	v7 =	vor.u32 $0x50, v1;
	v8 =	vor.u32 $0x60, v1;
	v9 =	vor.u32 $0x70, v1;
	s3 =	smov.u32 @p0 s13;
	p0 =	sne.s32 s15, $0x0;
	s16 =	simm.s32 $0x5200  }
0xf: {  	vm0 =	veq.s32 v3, v1;
	v3 =	vor.u32 $0x10, v1;
	s10 =	smov.u32 @p0 s9;
	s12 =	smax.u32 s14, $0x1;
	s14 =	simm.s32 $0x2;
	v0 =	vmov s11  }
.LBB2_1:
0x10: {  	s0 =	simm.s32 $0x70;
	s9 =	simm.s32 $0x3C0  }
.LBB2_2:
0x11: {  	p1 =	sne.s32 s9, $0x4E3C0;
	[tilespmem:s0+$0x5280] =	vst v2  }
0x12: {  	[tilespmem:s0+$0x5210] =	vst v2  }
0x13: {  	[tilespmem:s0+$0x5220] =	vst v2  }
.Ltmp0:
0x14: {  	[tilespmem:s0+$0x5230] =	vst v2;
	(pc) =	sbr.rel @p1 .LBB2_2-.Ltmp0, $4  }
0x15: {  	[tilespmem:s0+$0x5240] =	vst v2  }
0x16: {  	[tilespmem:s0+$0x5250] =	vst v2  }
0x17: {  	[tilespmem:s0+$0x5260] =	vst v2  }
0x18: {  	[tilespmem:s0+$0x5270] =	vst v2;
	s0 =	sshra.s32 s9, $0x2;
	s9 =	sadd.s32 $0x200, s9  }
0x19: {  	[tilespmem:s0+$0x5280] =	vst v2  }
0x1a: {  	[tilespmem:s0+$0x5210] =	vst v2  }
0x1b: {  	[tilespmem:s0+$0x5220] =	vst v2  }
0x1c: {  	[tilespmem:s0+$0x5230] =	vst v2  }
0x1d: {  	[tilespmem:s0+$0x5240] =	vst v2  }
0x1e: {  	[tilespmem:s0+$0x5250] =	vst v2  }
0x1f: {  	[tilespmem:s0+$0x5260] =	vst v2  }
0x20: {  	[tilespmem:s0+$0x5270] =	vst v2  }
0x21: {  	[tilespmem:$0x18E80] =	vst v2  }
0x22: {  	[tilespmem:$0x18E90] =	vst v2  }
0x23: {  	[tilespmem:$0x18EA0] =	vst v2  }
0x24: {  	[tilespmem:$0x18EB0] =	vst v2  }
0x25: {  	[tilespmem:$0x18EC0] =	vst v2  }
0x26: {  	[tilespmem:$0x18ED0] =	vst v2  }
0x27: {  	[tilespmem:$0x18EE0] =	vst v2  }
0x28: {  	[tilespmem:$0x18EF0] =	vst v2  }
0x29: {  	[tilespmem:$0x18F00] =	vst v2  }
0x2a: {  	[tilespmem:$0x18F10] =	vst v2  }
0x2b: {  	[tilespmem:$0x18F20] =	vst v2  }
0x2c: {  	[tilespmem:$0x18F30] =	vst v2  }
0x2d: {  	[tilespmem:$0x18F40] =	vst v2  }
0x2e: {  	[tilespmem:$0x18F50] =	vst v2  }
0x2f: {  	[tilespmem:$0x18F60] =	vst v2  }
0x30: {  	[tilespmem:$0x18F70] =	vst v2  }
0x31: {  	[tilespmem:$0x18F80] =	vst v2  }
0x32: {  	[tilespmem:$0x18F90] =	vst v2  }
0x33: {  	[tilespmem:$0x18FA0] =	vst v2  }
0x34: {  	[tilespmem:$0x18FB0] =	vst v2  }
0x35: {  	[tilespmem:$0x18FC0] =	vst v2  }
0x36: {  	[tilespmem:$0x18FD0] =	vst v2  }
0x37: {  	[tilespmem:$0x18FE0] =	vst v2  }
0x38: {  	[tilespmem:$0x18FF0] =	vst v2  }
0x39: {  	[tilespmem:$0x19000] =	vst v2  }
0x3a: {  	[tilespmem:$0x19010] =	vst v2  }
0x3b: {  	[tilespmem:$0x19020] =	vst v2  }
0x3c: {  	[tilespmem:$0x19030] =	vst v2  }
0x3d: {  	[tilespmem:$0x19040] =	vst v2  }
0x3e: {  	[tilespmem:$0x19050] =	vst v2  }
0x3f: {  	[tilespmem:$0x19060] =	vst v2  }
0x40: {  	[tilespmem:$0x19070] =	vst v2  }
0x41: {  	[tilespmem:$0x19080] =	vst v2  }
0x42: {  	[tilespmem:$0x19090] =	vst v2  }
0x43: {  	[tilespmem:$0x190A0] =	vst v2  }
0x44: {  	[tilespmem:$0x190B0] =	vst v2  }
0x45: {  	[tilespmem:$0x190C0] =	vst v2  }
0x46: {  	[tilespmem:$0x190D0] =	vst v2  }
0x47: {  	[tilespmem:$0x190E0] =	vst v2  }
0x48: {  	s26 =	simm.s32 $0x0;
	s15 =	simm.s32 $0x5100;
	[tilespmem:$0x190F0] =	vst v2  }
0x49: {  	[tilespmem:s15], [sflag:$0x2] =	stream.linear.gather [hbm4b:s6+s26], $0x80, $0x38;
	[tilespmem:$0x1CF80] =	vst v63  }
0x4a: {  	_ =	swait.ge [sflag:s14], $0x80  }
0x4b: {  	[sflag:s14] =	ssyncset.done $0x0  }
0x4c: {  	s30 =	simm.s32 $0x5180;
	[sflag:s14] =	ssyncadd.s32 $0xFFFFFF80  }
0x4d: {  	[tilespmem:s30], [sflag:$0x2] =	stream.linear.gather [hbm4b:s7+s26], $0x80, $0x38;
	[tilespmem:$0x1CF80] =	vst v63  }
0x4e: {  	_ =	swait.ge [sflag:s14], $0x80  }
0x4f: {  	[sflag:s14] =	ssyncset.done $0x0  }
0x50: {  	[sflag:s14] =	ssyncadd.s32 $0xFFFFFF80  }
0x51: {  	[tilespmem:s16], [sflag:$0x2] =	stream.linear.gather [hbm4b:s8+s26], $0x80, $0x38;
	[tilespmem:$0x1CF80] =	vst v63  }
0x52: {  	_ =	swait.ge [sflag:s14], $0x80  }
0x53: {  	[sflag:s14] =	ssyncset.done $0x0  }
0x54: {  	[sflag:s14] =	ssyncadd.s32 $0xFFFFFF80  }
0x55: {  	v10 =	vld [tilespmem:$0x5180]  }
0x56: {  	v11 =	vld [tilespmem:$0x5200];
	_ =	sdelay $0x3  }
0x57: {  	v10 =	vnsel vm0, $0x0, v10  }
0x58: {  	(xrf0) =	vadd.scan.msk.s32 $0xffff, v10;
	v10 =	vnsel vm0, $0x0, v11  }
0x59: {  	(xrf0) =	vadd.scan.msk.s32 $0xffff, v10;
	_ =	sdelay $0x4  }
0x5a: {  	v18, _, _ =	vpop (xrf0)  }
0x5b: {  	(v2sf) =	vpush v18, $0xF;
	v19, _, _ =	vpop (xrf0)  }
0x5c: {  	(v2sf) =	vpush v19, $0xF;
	_ =	sdelay $0xd  }
0x5d: {  	s31 =	spop (v2sf)  }
0x5e: {  	s9 =	spop (v2sf);
	s28 =	sand.u32 $0xFFFFFFF8, s31  }
0x5f: {  	s0 =	ssub.s32 s9, s28  }
0x60: {  	s9 =	sadd.s32 $0x4F, s0  }
0x61: {  	s13 =	smulhi.u32 $0x66666667, s9;
	s15 =	sshra.s32 s9, $0x1F  }
0x62: {  	s15 =	smul.u32 $0x66666667, s15;
	_ =	sdelay $0x1  }
0x63: {  	s13 =	sadd.s32 s15, s13  }
0x64: {  	s15 =	sshrl.u32 s13, $0x1F;
	s13 =	sshra.s32 s13, $0x5  }
0x65: {  	s13 =	sadd.s32 s15, s13  }
0x66: {  	s15 =	smul.u32 $0xFFFFFFB0, s13  }
0x67: {  	s0 =	ssub.s32 $0xFFFFFFB1, s0  }
0x68: {  	p1 =	slt.s32 s9, $0x1;
	p2 =	sne.s32 s15, s0  }
0x69: {  	p1 =	por !p1, !p2  }
0x6a: {  	s0 =	simm.s32 $0x1;
	p1 =	por !p1, !p1  }
0x6b: {  	v12 =	vld [tilespmem:$0x5120];
	s0 =	simm.s32 @!p1 $0x0  }
0x6c: {  	v13 =	vld [tilespmem:$0x5130];
	s29 =	ssub.s32 s13, s0  }
0x6d: {  	v14 =	vld [tilespmem:$0x5140];
	p1 =	slt.s32 s29, $0x1  }
.Ltmp1:
0x6e: {  	v15 =	vld [tilespmem:$0x5150];
	(pc) =	sbr.rel @p1 .LBB2_8-.Ltmp1, $4  }
0x6f: {  	v16 =	vld [tilespmem:$0x5160]  }
0x70: {  	v17 =	vld [tilespmem:$0x5170]  }
0x71: {  	v11 =	vld [tilespmem:$0x5110]  }
0x72: {  	v10 =	vld [tilespmem:$0x5100]  }
0x73: {  	v18 =	vbroadcast v18, $0xF;
	v19 =	vbroadcast v19, $0xF;
	s30 =	simm.s32 $0x0  }
.LBB2_5:
0x74: {  	s0 =	smul.u32 $0x50, s30;
	_ =	sdelay $0x1  }
0x75: {  	s31 =	sadd.s32 s28, s0  }
0x76: {  	s0 =	sshrl.u32 s31, $0x3  }
0x77: {  	s9 =	sadd.s32 s4, s0  }
0x78: {  	[tilespmem:s26], [sflag:$0x2] =	stream.linear.gather [hbm4b:s9+s26], $0x50, $0x38;
	[tilespmem:$0x1CF80] =	vst v63  }
0x79: {  	_ =	swait.ge [sflag:s14], $0x50  }
0x7a: {  	[sflag:s14] =	ssyncset.done $0x0  }
0x7b: {  	s0 =	sadd.s32 s5, s0;
	[sflag:s14] =	ssyncadd.s32 $0xFFFFFFB0  }
0x7c: {  	[tilespmem:s18], [sflag:$0x2] =	stream.linear.gather [hbm4b:s0+s26], $0x50, $0x38;
	[tilespmem:$0x1CF80] =	vst v63  }
0x7d: {  	_ =	swait.ge [sflag:s14], $0x50  }
0x7e: {  	[sflag:s14] =	ssyncset.done $0x0  }
0x7f: {  	[sflag:s14] =	ssyncadd.s32 $0xFFFFFFB0  }
0x80: {  	[tilespmem:s20], [sflag:$0x1] =	stream.indirect.gather [hbm4b:s2+s19], $0x80, s26, s19, $0xb8;
	[tilespmem:$0x1CF80] =	vst v63  }
0x81: {  	_ = 	snop  }
0x82: {  	[tilespmem:s21], [sflag:$0x1] =	stream.indirect.gather [hbm4b:s3+s19], $0x80, s18, s19, $0xb8;
	[tilespmem:$0x1CF80] =	vst v63  }
0x83: {  	_ =	swait.ge [sflag:s17], $0x2800  }
0x84: {  	[sflag:s17] =	ssyncset.done $0x0  }
0x85: {  	[sflag:s17] =	ssyncadd.s32 $0xFFFFD800  }
0x86: {  	_ =	swait.ge [sflag:s17], $0x2800  }
0x87: {  	[sflag:s17] =	ssyncset.done $0x0  }
0x88: {  	s0 =	simm.s32 $0x140;
	[sflag:s17] =	ssyncadd.s32 $0xFFFFD800  }
0x89: {  	s9 =	simm.s32 $0x2940;
	v20 =	vld [tilespmem:s0+$0xFFFFFFC0]  }
0x8a: {  	v21 =	vld [tilespmem:s9+$0xFFFFFFC0]  }
0x8b: {  	v22 =	vld [tilespmem:s9+$0xFFFFFFD0]  }
0x8c: {  	v23 =	vld [tilespmem:s0+$0xFFFFFFD0]  }
0x8d: {  	v24 =	vld [tilespmem:s9+$0xFFFFFFE0]  }
0x8e: {  	v25 =	vld [tilespmem:s0+$0xFFFFFFE0]  }
0x8f: {  	v26 =	vld [tilespmem:s9+$0xFFFFFFF0];
	v21 =	vadd.f32 v21, v20  }
0x90: {  	v27 =	vld [tilespmem:s0+$0xFFFFFFF0]  }
0x91: {  	v29 =	vld [tilespmem:s9+$0x0];
	v22 =	vadd.f32 v22, v23;
	v28 =	vmul.f32 $2.000000030e-01, v21  }
0x92: {  	v30 =	vld [tilespmem:s0+$0x0]  }
0x93: {  	v31 =	vld [tilespmem:s9+$0x10];
	v24 =	vadd.f32 v24, v25;
	v42 =	vmul.f32 $2.000000030e-01, v22;
	v21 =	vmax.f32 v21, v28  }
0x94: {  	v32 =	vld [tilespmem:s0+$0x10];
	v21 =	vmul.f32 v21, v10  }
0x95: {  	v33 =	vld [tilespmem:s9+$0x20];
	v26 =	vadd.f32 v26, v27;
	v43 =	vmul.f32 $2.000000030e-01, v24;
	v22 =	vmax.f32 v22, v42  }
0x96: {  	v34 =	vld [tilespmem:s0+$0x20];
	v22 =	vmul.f32 v22, v11;
	v21 =	vadd.f32 $0.0e+00, v21  }
0x97: {  	v35 =	vld [tilespmem:s9+$0x30];
	v29 =	vadd.f32 v29, v30;
	v44 =	vmul.f32 $2.000000030e-01, v26;
	v24 =	vmax.f32 v24, v43  }
0x98: {  	v45 =	vld [tilespmem:s0+$0x30];
	v21 =	vadd.f32 v22, v21;
	v22 =	vmul.f32 v24, v12  }
0x99: {  	v31 =	vadd.f32 v31, v32;
	v46 =	vmul.f32 $2.000000030e-01, v29;
	v26 =	vmax.f32 v26, v44  }
0x9a: {  	v21 =	vadd.f32 v22, v21;
	v22 =	vmul.f32 v26, v13  }
0x9b: {  	v49 =	vadd.f32 v33, v34;
	v48 =	vmul.f32 $2.000000030e-01, v31;
	v47 =	vmax.f32 v29, v46  }
0x9c: {  	v21 =	vadd.f32 v22, v21;
	v22 =	vmul.f32 v47, v14  }
0x9d: {  	v52 =	vadd.f32 v35, v45;
	v51 =	vmul.f32 $2.000000030e-01, v49;
	v50 =	vmax.f32 v31, v48  }
0x9e: {  	v21 =	vadd.f32 v22, v21;
	v22 =	vmul.f32 v50, v15  }
0x9f: {  	v54 =	vmul.f32 $2.000000030e-01, v52;
	v53 =	vmax.f32 v49, v51  }
0xa0: {  	v21 =	vadd.f32 v22, v21;
	v22 =	vmul.f32 v53, v16  }
0xa1: {  	v55 =	vmax.f32 v52, v54  }
0xa2: {  	v21 =	vadd.f32 v22, v21;
	v22 =	vmul.f32 v55, v17;
	_ =	sdelay $0x1  }
0xa3: {  	v21 =	vadd.f32 v22, v21;
	_ =	sdelay $0x1  }
0xa4: {  	(xrf2) =	vadd.scan.msk.f32 $0xffff, v21;
	_ =	sdelay $0x8  }
0xa5: {  	v21 =	vmov s26  }
0xa6: {  	v22, _, _ =	vpop (xrf2)  }
0xa7: {  	v22 =	vmul.f32 $1.442695020e+00, v22;
	_ =	sdelay $0x1  }
0xa8: {  	v22 =	vbroadcast v22, $0xF  }
0xa9: {  	v21 =	vld.idx.msk [tilespmem:v21+s18+$0x0], $0xffff  }
0xaa: {  	(erf) = vpow2.f32 v22  }
0xab: {  	s13 =	sadd.s32 $0x0, s31  }
0xac: {  	v22 =	vmov s13  }
0xad: {  	vm1 =	vge.s32 v22, v18;
	vm2 =	vlt.s32 v22, v19  }
0xae: {  	v21 =	vsub.s32 v21, v0;
	vm1 =	vmand vm1, vm2  }
0xaf: {  	v21 =	vnsel vm1, $0x271, v21  }
0xb0: {  	v56 =	vshll.u32 v21, $0x7  }
0xb1: {  	v57 =	vor.u32 v1, v56  }
0xb2: {  	v58 =	vor.u32 v3, v56  }
0xb3: {  	v59 =	vor.u32 v4, v56;
	v22 =	vpop (erf)  }
0xb4: {  	v60 =	vor.u32 v5, v56;
	v20 =	vmul.f32 v22, v20  }
0xb5: {  	v61 =	vor.u32 v6, v56;
	v23 =	vmul.f32 v22, v23  }
0xb6: {  	v62 =	vor.u32 v7, v56;
	[tilespmem:v57+s22+$0x0] =	vst.idx.add.f32.msk $0xffff, v20;
	v20 =	vmul.f32 v22, v25  }
0xb7: {  	v63 =	vor.u32 v8, v56;
	[tilespmem:v58+s22+$0x0] =	vst.idx.add.f32.msk $0xffff, v23;
	v23 =	vmul.f32 v22, v27  }
0xb8: {  	v26 =	vor.u32 v9, v56;
	[tilespmem:v59+s22+$0x0] =	vst.idx.add.f32.msk $0xffff, v20;
	v20 =	vmul.f32 v22, v30  }
0xb9: {  	[tilespmem:v60+s22+$0x0] =	vst.idx.add.f32.msk $0xffff, v23;
	v23 =	vmul.f32 v22, v32  }
0xba: {  	[tilespmem:v61+s22+$0x0] =	vst.idx.add.f32.msk $0xffff, v20;
	v20 =	vmul.f32 v22, v34  }
0xbb: {  	[tilespmem:v62+s22+$0x0] =	vst.idx.add.f32.msk $0xffff, v23;
	v23 =	vmul.f32 v22, v45  }
0xbc: {  	[tilespmem:v63+s22+$0x0] =	vst.idx.add.f32.msk $0xffff, v20  }
0xbd: {  	s13 =	simm.s32 $0x1;
	[tilespmem:v26+s22+$0x0] =	vst.idx.add.f32.msk $0xffff, v23  }
.LBB2_6:
0xbe: {  	p1 =	sne.s32 s13, $0x4F;
	[tilespmem:v21+s23+$0x0] =	vst.idx.add.f32.msk $0x1, v22;
	s0 =	sadd.s32 $0x80, s0;
	s9 =	sadd.s32 $0x80, s9  }
0xbf: {  	s15 =	smov.u32 s13;
	s13 =	sadd.s32 $0x1, s13;
	v20 =	vld [tilespmem:s0+$0xFFFFFFC0]  }
0xc0: {  	v21 =	vld [tilespmem:s9+$0xFFFFFFC0]  }
0xc1: {  	v22 =	vld [tilespmem:s9+$0xFFFFFFD0]  }
0xc2: {  	v23 =	vld [tilespmem:s0+$0xFFFFFFD0]  }
0xc3: {  	v24 =	vld [tilespmem:s9+$0xFFFFFFE0]  }
0xc4: {  	v25 =	vld [tilespmem:s0+$0xFFFFFFE0]  }
0xc5: {  	v21 =	vadd.f32 v21, v20;
	v26 =	vld [tilespmem:s9+$0xFFFFFFF0]  }
0xc6: {  	v27 =	vld [tilespmem:s0+$0xFFFFFFF0]  }
0xc7: {  	v28 =	vmul.f32 $2.000000030e-01, v21;
	v22 =	vadd.f32 v22, v23;
	v29 =	vld [tilespmem:s9+$0x0]  }
0xc8: {  	v30 =	vld [tilespmem:s0+$0x0]  }
0xc9: {  	v21 =	vmax.f32 v21, v28;
	v28 =	vmul.f32 $2.000000030e-01, v22;
	v24 =	vadd.f32 v24, v25;
	v31 =	vld [tilespmem:s9+$0x10]  }
0xca: {  	v21 =	vmul.f32 v21, v10;
	v32 =	vld [tilespmem:s0+$0x10]  }
0xcb: {  	v22 =	vmax.f32 v22, v28;
	v28 =	vmul.f32 $2.000000030e-01, v24;
	v26 =	vadd.f32 v26, v27;
	v33 =	vld [tilespmem:s9+$0x20]  }
0xcc: {  	v21 =	vadd.f32 $0.0e+00, v21;
	v22 =	vmul.f32 v22, v11;
	v34 =	vld [tilespmem:s0+$0x20]  }
0xcd: {  	v24 =	vmax.f32 v24, v28;
	v28 =	vmul.f32 $2.000000030e-01, v26;
	v29 =	vadd.f32 v29, v30;
	v35 =	vld [tilespmem:s9+$0x30]  }
0xce: {  	v21 =	vadd.f32 v22, v21;
	v22 =	vmul.f32 v24, v12;
	v24 =	vld [tilespmem:s0+$0x30]  }
0xcf: {  	v26 =	vmax.f32 v26, v28;
	v28 =	vmul.f32 $2.000000030e-01, v29;
	v31 =	vadd.f32 v31, v32  }
0xd0: {  	v21 =	vadd.f32 v22, v21;
	v22 =	vmul.f32 v26, v13  }
0xd1: {  	v26 =	vmax.f32 v29, v28;
	v28 =	vmul.f32 $2.000000030e-01, v31;
	v29 =	vadd.f32 v33, v34  }
0xd2: {  	v21 =	vadd.f32 v22, v21;
	v22 =	vmul.f32 v26, v14  }
0xd3: {  	v26 =	vmax.f32 v31, v28;
	v28 =	vmul.f32 $2.000000030e-01, v29;
	v31 =	vadd.f32 v35, v24  }
0xd4: {  	v21 =	vadd.f32 v22, v21;
	v22 =	vmul.f32 v26, v15  }
0xd5: {  	v26 =	vmax.f32 v29, v28;
	v28 =	vmul.f32 $2.000000030e-01, v31  }
0xd6: {  	v21 =	vadd.f32 v22, v21;
	v22 =	vmul.f32 v26, v16  }
0xd7: {  	v26 =	vmax.f32 v31, v28  }
0xd8: {  	v21 =	vadd.f32 v22, v21;
	v22 =	vmul.f32 v26, v17;
	_ =	sdelay $0x1  }
0xd9: {  	v21 =	vadd.f32 v22, v21;
	_ =	sdelay $0x1  }
0xda: {  	(xrf2) =	vadd.scan.msk.f32 $0xffff, v21;
	_ =	sdelay $0x7  }
0xdb: {  	v21 =	vmov s15;
	_ =	sdelay $0x1  }
0xdc: {  	v22, _, _ =	vpop (xrf2)  }
0xdd: {  	v22 =	vmul.f32 $1.442695020e+00, v22;
	_ =	sdelay $0x1  }
0xde: {  	v22 =	vbroadcast v22, $0xF;
	v21 =	vld.idx.msk [tilespmem:v21+s18+$0x0], $0xffff;
	_ =	sdelay $0x1  }
0xdf: {  	(erf) = vpow2.f32 v22  }
0xe0: {  	s15 =	sadd.s32 s31, s15  }
0xe1: {  	v22 =	vmov s15  }
0xe2: {  	vm1 =	vge.s32 v22, v18;
	vm2 =	vlt.s32 v22, v19  }
0xe3: {  	vm1 =	vmand vm1, vm2;
	v21 =	vsub.s32 v21, v0  }
0xe4: {  	v21 =	vnsel vm1, $0x271, v21  }
0xe5: {  	v26 =	vshll.u32 v21, $0x7  }
0xe6: {  	v28 =	vor.u32 v1, v26  }
0xe7: {  	v29 =	vor.u32 v3, v26  }
0xe8: {  	v31 =	vor.u32 v4, v26;
	v22 =	vpop (erf)  }
0xe9: {  	v33 =	vor.u32 v5, v26;
	v20 =	vmul.f32 v22, v20  }
0xea: {  	v35 =	vor.u32 v6, v26;
	v23 =	vmul.f32 v22, v23  }
0xeb: {  	[tilespmem:v28+s22+$0x0] =	vst.idx.add.f32.msk $0xffff, v20;
	v20 =	vmul.f32 v22, v25;
	v25 =	vor.u32 v7, v26  }
0xec: {  	[tilespmem:v29+s22+$0x0] =	vst.idx.add.f32.msk $0xffff, v23;
	v23 =	vmul.f32 v22, v27;
	v27 =	vor.u32 v8, v26  }
0xed: {  	v26 =	vor.u32 v9, v26;
	[tilespmem:v31+s22+$0x0] =	vst.idx.add.f32.msk $0xffff, v20;
	v20 =	vmul.f32 v22, v30  }
.Ltmp2:
0xee: {  	[tilespmem:v33+s22+$0x0] =	vst.idx.add.f32.msk $0xffff, v23;
	v23 =	vmul.f32 v22, v32;
	(pc) =	sbr.rel @p1 .LBB2_6-.Ltmp2, $4  }
0xef: {  	[tilespmem:v35+s22+$0x0] =	vst.idx.add.f32.msk $0xffff, v20;
	v20 =	vmul.f32 v22, v34  }
0xf0: {  	[tilespmem:v25+s22+$0x0] =	vst.idx.add.f32.msk $0xffff, v23;
	v23 =	vmul.f32 v22, v24  }
0xf1: {  	[tilespmem:v27+s22+$0x0] =	vst.idx.add.f32.msk $0xffff, v20  }
0xf2: {  	[tilespmem:v26+s22+$0x0] =	vst.idx.add.f32.msk $0xffff, v23  }
0xf3: {  	s30 =	sadd.s32 $0x1, s30  }
0xf4: {  	p1 =	sne.s32 s30, s29  }
.Ltmp3:
0xf5: {  	_ = 	snop;
	(pc) =	sbr.rel @p1 .LBB2_5-.Ltmp3, $2  }
0xf6: {  	_ =	sdelay $0x2  }
0xf7: {  	[tilespmem:v21+s23+$0x0] =	vst.idx.add.f32.msk $0x1, v22  }
.LBB2_8:
0xf8: {  	s0 =	simm.s32 $0x0;
	s9 =	simm.s32 $0x52C0;
	s26 =	simm.s32 $0x0  }
.LBB2_9:
0xf9: {  	v10 =	vmov s0;
	_ =	sdelay $0x4  }
0xfa: {  	v10 =	vld.idx.msk [tilespmem:v10+s23+$0x0], $0xffff;
	_ =	sdelay $0x4  }
0xfb: {  	v11 =	vadd.f32 $1.000000020e-16, v10;
	_ =	sdelay $0x1  }
0xfc: {  	v10 =	vmov s9;
	(erf) = vrcp.f32 v11;
	_ =	sdelay $0x3  }
0xfd: {  	s28 =	simm.s32 $0x0  }
0xfe: {  	v12 =	vld.idx.msk [tilespmem:v10+s28+$0xFFFFFFC0 ss:$0x1], $0xffff;
	_ =	sdelay $0x3  }
0xff: {  	v11 =	vpop (erf)  }
0x100: {  	v12 =	vmul.f32 v12, v11;
	_ =	sdelay $0x1  }
0x101: {  	[tilespmem:s28+$0x19100] =	vst v12  }
0x102: {  	v12 =	vld.idx.msk [tilespmem:v10+s28+$0xFFFFFFD0 ss:$0x1], $0xffff;
	_ =	sdelay $0x4  }
0x103: {  	v12 =	vmul.f32 v12, v11;
	_ =	sdelay $0x1  }
0x104: {  	[tilespmem:s28+$0x19110] =	vst v12  }
0x105: {  	v12 =	vld.idx.msk [tilespmem:v10+s28+$0xFFFFFFE0 ss:$0x1], $0xffff;
	_ =	sdelay $0x4  }
0x106: {  	v12 =	vmul.f32 v12, v11;
	_ =	sdelay $0x1  }
0x107: {  	[tilespmem:s28+$0x19120] =	vst v12  }
0x108: {  	v12 =	vld.idx.msk [tilespmem:v10+s28+$0xFFFFFFF0 ss:$0x1], $0xffff;
	_ =	sdelay $0x4  }
0x109: {  	v12 =	vmul.f32 v12, v11;
	_ =	sdelay $0x1  }
0x10a: {  	[tilespmem:s28+$0x19130] =	vst v12  }
0x10b: {  	v12 =	vld.idx.msk [tilespmem:v10+s28+$0x0 ss:$0x1], $0xffff;
	_ =	sdelay $0x4  }
0x10c: {  	v12 =	vmul.f32 v12, v11;
	_ =	sdelay $0x1  }
0x10d: {  	[tilespmem:s28+$0x19140] =	vst v12  }
0x10e: {  	v12 =	vld.idx.msk [tilespmem:v10+s28+$0x10 ss:$0x1], $0xffff;
	_ =	sdelay $0x4  }
0x10f: {  	v12 =	vmul.f32 v12, v11;
	_ =	sdelay $0x1  }
0x110: {  	[tilespmem:s28+$0x19150] =	vst v12  }
0x111: {  	v12 =	vld.idx.msk [tilespmem:v10+s28+$0x20 ss:$0x1], $0xffff;
	_ =	sdelay $0x4  }
0x112: {  	v12 =	vmul.f32 v12, v11;
	_ =	sdelay $0x1  }
0x113: {  	[tilespmem:s28+$0x19160] =	vst v12  }
0x114: {  	v12 =	vld.idx.msk [tilespmem:v10+s28+$0x30 ss:$0x1], $0xffff;
	_ =	sdelay $0x1  }
0x115: {  	s30 =	sadd.s32 $0x1, s0  }
0x116: {  	s13 =	smul.u32 $0x7D, s26;
	s29 =	simm.s32 $0x200;
	s31 =	simm.s32 $0x400;
	v13 =	vmov s30  }
.LBB2_10:
0x117: {  	p1 =	sne.s32 s31, $0xF800  }
0x118: {  	v11 =	vmul.f32 v12, v11;
	_ =	sdelay $0x1  }
0x119: {  	[tilespmem:s28+$0x19170] =	vst v11  }
0x11a: {  	s28 =	sshra.s32 s29, $0x2;
	s29 =	smov.u32 s31;
	v11 =	vld.idx.msk [tilespmem:v13+s23+$0x0], $0xffff  }
0x11b: {  	v12 =	vld.idx.msk [tilespmem:v10+s28+$0xFFFFFFC0 ss:$0x1], $0xffff;
	_ =	sdelay $0x4  }
0x11c: {  	v11 =	vadd.f32 $1.000000020e-16, v11;
	_ =	sdelay $0x1  }
0x11d: {  	(erf) = vrcp.f32 v11;
	_ =	sdelay $0x8  }
0x11e: {  	v11 =	vpop (erf)  }
0x11f: {  	v12 =	vmul.f32 v12, v11;
	_ =	sdelay $0x1  }
0x120: {  	[tilespmem:s28+$0x19100] =	vst v12  }
0x121: {  	v12 =	vld.idx.msk [tilespmem:v10+s28+$0xFFFFFFD0 ss:$0x1], $0xffff;
	_ =	sdelay $0x5  }
0x122: {  	v12 =	vmul.f32 v12, v11;
	_ =	sdelay $0x1  }
0x123: {  	[tilespmem:s28+$0x19110] =	vst v12  }
0x124: {  	v12 =	vld.idx.msk [tilespmem:v10+s28+$0xFFFFFFE0 ss:$0x1], $0xffff;
	_ =	sdelay $0x5  }
0x125: {  	v12 =	vmul.f32 v12, v11;
	_ =	sdelay $0x1  }
0x126: {  	[tilespmem:s28+$0x19120] =	vst v12  }
0x127: {  	v12 =	vld.idx.msk [tilespmem:v10+s28+$0xFFFFFFF0 ss:$0x1], $0xffff;
	_ =	sdelay $0x5  }
0x128: {  	v12 =	vmul.f32 v12, v11;
	_ =	sdelay $0x1  }
0x129: {  	[tilespmem:s28+$0x19130] =	vst v12  }
0x12a: {  	v12 =	vld.idx.msk [tilespmem:v10+s28+$0x0 ss:$0x1], $0xffff;
	_ =	sdelay $0x5  }
0x12b: {  	v12 =	vmul.f32 v12, v11;
	_ =	sdelay $0x1  }
0x12c: {  	[tilespmem:s28+$0x19140] =	vst v12  }
0x12d: {  	v12 =	vld.idx.msk [tilespmem:v10+s28+$0x10 ss:$0x1], $0xffff;
	_ =	sdelay $0x5  }
0x12e: {  	v12 =	vmul.f32 v12, v11;
	_ =	sdelay $0x1  }
0x12f: {  	[tilespmem:s28+$0x19150] =	vst v12  }
0x130: {  	v12 =	vld.idx.msk [tilespmem:v10+s28+$0x20 ss:$0x1], $0xffff;
	_ =	sdelay $0x5  }
0x131: {  	v12 =	vmul.f32 v12, v11;
	_ =	sdelay $0x1  }
0x132: {  	[tilespmem:s28+$0x19160] =	vst v12  }
.Ltmp4:
0x133: {  	v12 =	vld.idx.msk [tilespmem:v10+s28+$0x30 ss:$0x1], $0xffff;
	(pc) =	sbr.rel @p1 .LBB2_10-.Ltmp4, $3  }
0x134: {  	_ =	sdelay $0x1  }
0x135: {  	s30 =	sadd.s32 $0x1, s30  }
0x136: {  	s31 =	sadd.s32 $0x200, s31;
	v13 =	vmov s30  }
0x137: {  	_ = 	snop  }
0x138: {  	v11 =	vmul.f32 v12, v11;
	_ =	sdelay $0x1  }
0x139: {  	[tilespmem:s28+$0x19170] =	vst v11  }
0x13a: {  	v11 =	vld.idx.msk [tilespmem:v13+s23+$0x0], $0xffff;
	_ =	sdelay $0x4  }
0x13b: {  	v11 =	vadd.f32 $1.000000020e-16, v11;
	_ =	sdelay $0x1  }
0x13c: {  	(erf) = vrcp.f32 v11;
	_ =	sdelay $0x3  }
0x13d: {  	s15 =	sshra.s32 s29, $0x2  }
0x13e: {  	v11 =	vld.idx.msk [tilespmem:v10+s15+$0xFFFFFFC0 ss:$0x1], $0xffff;
	_ =	sdelay $0x3  }
0x13f: {  	v63 =	vpop (erf)  }
0x140: {  	v11 =	vmul.f32 v11, v63;
	_ =	sdelay $0x1  }
0x141: {  	[tilespmem:s15+$0x19100] =	vst v11  }
0x142: {  	v11 =	vld.idx.msk [tilespmem:v10+s15+$0xFFFFFFD0 ss:$0x1], $0xffff;
	_ =	sdelay $0x4  }
0x143: {  	v11 =	vmul.f32 v11, v63;
	_ =	sdelay $0x1  }
0x144: {  	[tilespmem:s15+$0x19110] =	vst v11  }
0x145: {  	v11 =	vld.idx.msk [tilespmem:v10+s15+$0xFFFFFFE0 ss:$0x1], $0xffff;
	_ =	sdelay $0x4  }
0x146: {  	v11 =	vmul.f32 v11, v63;
	_ =	sdelay $0x1  }
0x147: {  	[tilespmem:s15+$0x19120] =	vst v11  }
0x148: {  	v11 =	vld.idx.msk [tilespmem:v10+s15+$0xFFFFFFF0 ss:$0x1], $0xffff;
	_ =	sdelay $0x4  }
0x149: {  	v11 =	vmul.f32 v11, v63;
	_ =	sdelay $0x1  }
0x14a: {  	[tilespmem:s15+$0x19130] =	vst v11  }
0x14b: {  	v11 =	vld.idx.msk [tilespmem:v10+s15+$0x0 ss:$0x1], $0xffff;
	_ =	sdelay $0x4  }
0x14c: {  	v11 =	vmul.f32 v11, v63;
	_ =	sdelay $0x1  }
0x14d: {  	[tilespmem:s15+$0x19140] =	vst v11  }
0x14e: {  	v11 =	vld.idx.msk [tilespmem:v10+s15+$0x10 ss:$0x1], $0xffff;
	_ =	sdelay $0x4  }
0x14f: {  	v11 =	vmul.f32 v11, v63;
	_ =	sdelay $0x1  }
0x150: {  	[tilespmem:s15+$0x19150] =	vst v11  }
0x151: {  	v11 =	vld.idx.msk [tilespmem:v10+s15+$0x20 ss:$0x1], $0xffff;
	_ =	sdelay $0x4  }
0x152: {  	v11 =	vmul.f32 v11, v63;
	_ =	sdelay $0x1  }
0x153: {  	[tilespmem:s15+$0x19160] =	vst v11  }
0x154: {  	v10 =	vld.idx.msk [tilespmem:v10+s15+$0x30 ss:$0x1], $0xffff;
	_ =	sdelay $0x4  }
0x155: {  	s13 =	sadd.s32 s11, s13;
	s26 =	sadd.s32 $0x1, s26;
	v10 =	vmul.f32 v10, v63  }
0x156: {  	s13 =	sshll.u32 s13, $0x4;
	p1 =	sne.s32 s26, $0x5;
	s28 =	simm.s32 @!p0 $0x3  }
.Ltmp5:
0x157: {  	s13 =	sadd.s32 s10, s13;
	s28 =	simm.s32 @p0 $0x2;
	[tilespmem:s15+$0x19170] =	vst v10;
	(pc) =	sbr.rel @p1 .LBB2_9-.Ltmp5, $4  }
0x158: {  	[hbm4b:s13+s1] =	stream.linear.scatter [tilespmem:s24], [sflag:s28], $0x3E80, $0x38;
	[tilespmem:$0x1CF80] =	vst v63  }
0x159: {  	_ =	swait.ge [sflag:s28], $0x3E80  }
0x15a: {  	[sflag:s28] =	ssyncset.done $0x0  }
0x15b: {  	s0 =	sadd.s32 $0x7D, s0;
	s9 =	sadd.s32 $0x3E80, s9;
	[sflag:s28] =	ssyncadd.s32 $0xFFFFC180  }
0x15c: {  	s25 =	sadd.s32 $0x1, s25  }
0x15d: {  	p1 =	sne.s32 s25, s12  }
.Ltmp6:
0x15e: {  	_ = 	snop;
	(pc) =	sbr.rel @p1 .LBB2_1-.Ltmp6, $1  }
0x15f: {  	_ =	sdelay $0x3  }
0x160: {  	_ =	sfence.sel $0x180000  }
0x161: {  	[bflag:$0x0] =	sbarrier.arrive $0xFFFF  }
0x162: {  	_ =	strace $0x90000053  }
0x163: {  	s0 =	stileid.u32;
	[bflag:$0x2] =	sbarrier.arrive $0xFFFF  }
0x164: {  	p0 =	sne.s32 s0, $0x0;
	s0 =	rddreg [dreg:$0x2]  }
0x165: {  	s0 =	sadd.s32 @!p0 $0x100000, s0  }
0x166: {  	[sflag:s0] =	ssyncadd.tile.s32 @!p0 $0x1;
	_ =	shalt  }
.Lfunc_end2:
_tile_overlayer_lowered:
.L_overlay_start_2:
0x167: {  	(tag) =	ssettag $0x2  }
0x168: {  	s0 =	rddreg [dreg:$0x0];
	s2 =	stileid.u32  }
0x169: {  	s1 =	rddreg [dreg:$0x1];
	p0 =	sne.s32 s2, $0x0  }
0x16a: {  	s3 =	rddreg [dreg:$0x2];
	[bflag:$0x3] =	sbarrier.arrive $0xFFFF;
	s2 =	simm.s32 @!p0 $0x1C02  }
0x16b: {  	[timem:s3], [sflag:s2] =	dma.local @!p0 [hbm:s0], s1  }
0x16c: {  	s0 =	simm.s32 @!p0 $0x2  }
0x16d: {  	_ =	swait.ge @!p0 [sflag:s0], s1  }
0x16e: {  	s1 =	ssub.s32 @!p0 $0x0, s1;
	[sflag:s0] =	ssyncset.done @!p0 $0x0  }
0x16f: {  	[sflag:s0] =	ssyncadd.s32 @!p0 s1  }
0x170: {  	[bflag:$0x3] =	sbarrier.arrive $0xFFFF  }
0x171: {  	_ =	shalt  }

// kernel: kernel.24.cloned.1.call-start
scs
__scs_entry_jumppad:
0x0: {  	(pc) =	sbr.rel $0x88, $3  }
0x1: {  	(tag) =	ssettag $0x0;
	lr =	simm.s32 $0x1  }
0x2: {  	[smem:$0x3F99] =	sst lr;
	_ =	strace $0xD0000000  }
0x3: {  	_ = 	snop  }
0x4: {  	_ = 	snop  }
0x5: {  	_ = 	snop  }
0x6: {  	_ = 	snop  }
0x7: {  	_ = 	snop  }
__scs_overlays_trampoline_lowered:
0x8: {  	[smem:$0x3FA8] =	sst s0  }
0x9: {  	[smem:$0x3FA9] =	sst s1  }
0xa: {  	[smem:$0x3FAA] =	sst s2  }
0xb: {  	[smem:$0x3FAB] =	sst s3  }
0xc: {  	[smem:$0x3FAC] =	sst s4  }
0xd: {  	[smem:$0x3FAD] =	sst s5  }
0xe: {  	[smem:$0x3FAE] =	sst s6  }
0xf: {  	[smem:$0x3FAF] =	sst s7  }
0x10: {  	[smem:$0x3FB0] =	sst s8  }
0x11: {  	[smem:$0x3FB1] =	sst s9;
	s0 =	simm.s32 @!p0 $0x0  }
0x12: {  	s1 =	sld [smem:$0x3F97];
	s0 =	simm.s32 @p0 $0x1  }
0x13: {  	[smem:$0x3FB2] =	sst s0;
	s0 =	simm.s32 @!p1 $0x0  }
0x14: {  	s2 =	sld [smem:$0x3F96];
	s0 =	simm.s32 @p1 $0x1  }
0x15: {  	[smem:$0x3FB3] =	sst s0;
	s0 =	simm.s32 @!p2 $0x0  }
0x16: {  	s3 =	sld [smem:$0x3FDB];
	s0 =	simm.s32 @p2 $0x1  }
0x17: {  	s4 =	simm.s32 $0x1BF5;
	[smem:$0x3FB5] =	sst s0  }
0x18: {  	s0 =	sld [smem:$0x3F98];
	_ =	swait.ge [sflag:s4], $0x0  }
0x19: {  	s7 =	sld [smem:$0x3F99]  }
0x1a: {  	s8 =	sadd.s32 $0xFFFFE003, lr  }
0x1b: {  	s9 =	sadd.s32 $0xFFFFFEF7, lr;
	s5 =	simm.s32 $0xFFFFFFFF;
	p2 =	slt.u32 s8, $0xFFFFF086  }
0x1c: {  	p1 =	slt.u32 s9, $0xF7A;
	s5 =	simm.s32 @!p2 $0x0  }
0x1d: {  	s5 =	simm.s32 @p1 $0x1;
	p0 =	seq.s32 s7, s2  }
0x1e: {  	s7 =	smul.u32 @!p0 $0xF7A, s2;
	p2 =	seq.s32 @!p0 s5, $0x0  }
0x1f: {  	s9 =	smul.u32 $0xF7A, s1;
	s8 =	simm.s32 @!p0 $0x1BF5;
	p2 =	por !p2, p0  }
0x20: {  	[sflag:s8] =	ssyncset.s32 @!p0 $0xFFFFF086;
	s6 =	sadd.s32 @!p0 s3, s7;
	s7 =	simm.s32 @!p0 $0x108  }
0x21: {  	s3 =	sadd.s32 s3, s9;
	s6 =	sadd.s32 @!p0 $0x88, s6;
	s7 =	simm.s32 @p2 $0x1082  }
0x22: {  	[simem:s7], [sflag:s8] =	dma.local @!p0 [hbm:s6], $0xF7A  }
0x23: {  	s9 =	sor.u32 $0xD0000000, s2;
	s6 =	simm.s32 $0x108;
	_ =	swait.ge @!p0 [sflag:s8], $0x0  }
0x24: {  	s3 =	sadd.s32 $0x88, s3;
	s6 =	simm.s32 @!p1 $0x1082;
	[sflag:s4] =	ssyncset.s32 $0xFFFFF086  }
0x25: {  	[simem:s6], [sflag:s4] =	dma.local [hbm:s3], $0xF7A  }
0x26: {  	[smem:$0x3F99] =	sst s1;
	(tag) =	ssettag s2;
	_ =	strace s9  }
0x27: {  	s1 =	sld [smem:$0x3FA9]  }
0x28: {  	s2 =	sld [smem:$0x3FAA]  }
0x29: {  	s4 =	sld [smem:$0x3FAC]  }
0x2a: {  	p0 =	seq.s32 s5, $0x0;
	s5 =	sld [smem:$0x3FAD]  }
0x2b: {  	s6 =	sld [smem:$0x3FAE]  }
0x2c: {  	s7 =	sld [smem:$0x3FAF]  }
0x2d: {  	s3 =	simm.s32 $0x108;
	s8 =	sld [smem:$0x3FB0]  }
0x2e: {  	s3 =	simm.s32 @!p0 $0x1082;
	s9 =	sld [smem:$0x3FB1]  }
0x2f: {  	lr =	sadd.s32 s0, s3;
	s0 =	sld [smem:$0x3FA8]  }
0x30: {  	s3 =	sld [smem:$0x3FAB]  }
0x31: {  	[smem:$0x3FB4] =	sst s10  }
0x32: {  	s10 =	sld [smem:$0x3FB2];
	_ =	sdelay $0x3  }
0x33: {  	p0 =	seq.s32 s10, $0x1;
	s10 =	sld [smem:$0x3FB4];
	_ =	sdelay $0x3  }
0x34: {  	[smem:$0x3FB4] =	sst s10  }
0x35: {  	s10 =	sld [smem:$0x3FB3];
	_ =	sdelay $0x3  }
0x36: {  	p1 =	seq.s32 s10, $0x1;
	s10 =	sld [smem:$0x3FB4];
	_ =	sdelay $0x3  }
0x37: {  	[smem:$0x3FB4] =	sst s10  }
0x38: {  	s10 =	sld [smem:$0x3FB5]  }
0x39: {  	_ = 	snop;
	(pc) =	sbr.ind lr, $3  }
0x3a: {  	_ = 	snop  }
0x3b: {  	_ = 	snop  }
0x3c: {  	p2 =	seq.s32 s10, $0x1;
	s10 =	sld [smem:$0x3FB4]  }
0x3d: {  	_ =	shalt  }
0x3e: {  	_ =	shalt  }
0x3f: {  	_ =	shalt  }
0x40: {  	_ =	shalt  }
0x41: {  	_ =	shalt  }
0x42: {  	_ =	shalt  }
0x43: {  	_ =	shalt  }
0x44: {  	_ =	shalt  }
0x45: {  	_ =	shalt  }
0x46: {  	_ =	shalt  }
0x47: {  	_ =	shalt  }
0x48: {  	_ =	shalt  }
0x49: {  	_ =	shalt  }
0x4a: {  	_ =	shalt  }
0x4b: {  	_ =	shalt  }
0x4c: {  	_ =	shalt  }
0x4d: {  	_ =	shalt  }
0x4e: {  	_ =	shalt  }
0x4f: {  	_ =	shalt  }
0x50: {  	_ =	shalt  }
0x51: {  	_ =	shalt  }
0x52: {  	_ =	shalt  }
0x53: {  	_ =	shalt  }
0x54: {  	_ =	shalt  }
0x55: {  	_ =	shalt  }
0x56: {  	_ =	shalt  }
0x57: {  	_ =	shalt  }
0x58: {  	_ =	shalt  }
0x59: {  	_ =	shalt  }
0x5a: {  	_ =	shalt  }
0x5b: {  	_ =	shalt  }
0x5c: {  	_ =	shalt  }
0x5d: {  	_ =	shalt  }
0x5e: {  	_ =	shalt  }
0x5f: {  	_ =	shalt  }
0x60: {  	_ =	shalt  }
0x61: {  	_ =	shalt  }
0x62: {  	_ =	shalt  }
0x63: {  	_ =	shalt  }
0x64: {  	_ =	shalt  }
0x65: {  	_ =	shalt  }
0x66: {  	_ =	shalt  }
0x67: {  	_ =	shalt  }
0x68: {  	_ =	shalt  }
0x69: {  	_ =	shalt  }
0x6a: {  	_ =	shalt  }
0x6b: {  	_ =	shalt  }
0x6c: {  	_ =	shalt  }
0x6d: {  	_ =	shalt  }
0x6e: {  	_ =	shalt  }
0x6f: {  	_ =	shalt  }
0x70: {  	_ =	shalt  }
0x71: {  	_ =	shalt  }
0x72: {  	_ =	shalt  }
0x73: {  	_ =	shalt  }
0x74: {  	_ =	shalt  }
0x75: {  	_ =	shalt  }
0x76: {  	_ =	shalt  }
0x77: {  	_ =	shalt  }
0x78: {  	_ =	shalt  }
0x79: {  	_ =	shalt  }
0x7a: {  	_ =	shalt  }
0x7b: {  	_ =	shalt  }
0x7c: {  	_ =	shalt  }
0x7d: {  	_ =	shalt  }
0x7e: {  	_ =	shalt  }
0x7f: {  	_ =	shalt  }
0x80: {  	_ =	shalt  }
0x81: {  	_ =	shalt  }
0x82: {  	_ =	shalt  }
0x83: {  	_ =	shalt  }
0x84: {  	_ =	shalt  }
0x85: {  	_ =	shalt  }
0x86: {  	_ =	shalt  }
0x87: {  	_ =	shalt  }
.Lfunc_end0:
.L_simem_size_0:
called_computation.5_lowered:
.L_overlay_start_0:
0x88: {  	s2 =	sld [smem:$0x3FD9]  }
0x89: {  	s3 =	sld [smem:$0x3FFE];
	_ =	sdelay $0x1  }
0x8a: {  	s1 =	srdreg.scid  }
0x8b: {  	s0 =	sand.u32 $0x1, s1  }
0x8c: {  	s17 =	sshll.u32 s0, $0xA;
	s2 =	sadd.s32 s3, s2  }
0x8d: {  	s2 =	sadd.s32 s2, s17  }
0x8e: {  	[smem:$0x3FC0] =	sst s2  }
0x8f: {  	_ = 	snop  }
0x90: {  	s2 =	sld [smem:$0x3FD0];
	(tm) =	ssettm $0x1  }
0x91: {  	s18 =	sld [smem:$0x3FFB];
	_ =	sdelay $0x3  }
0x92: {  	_ =	strace s18  }
0x93: {  	s3 =	sld [smem:$0x3FFC];
	_ =	sdelay $0x3  }
0x94: {  	_ =	strace s3  }
0x95: {  	s3 =	sld [smem:$0x3FFD];
	_ =	sdelay $0x3  }
0x96: {  	_ =	strace s3  }
0x97: {  	_ =	strace $0x8FFFFFFF  }
0x98: {  	s19 =	sld [smem:$0x3FDB];
	_ =	sdelay $0x1  }
0x99: {  	s4 =	simm.s32 $_scs_section_size  }
0x9a: {  	s5 =	simm.s32 $_size__tile_overlayer_lowered;
	s6 =	simm.s32 $_tile_overlayer_lowered  }
0x9b: {  	s22 =	simm.s32 $0x1BFF;
	s21 =	sshll.u32 s6, $0x1;
	s3 =	sadd.s32 s4, s19  }
0x9c: {  	s7 =	simm.s32 $0x0;
	s20 =	sshll.u32 s5, $0x1;
	s5 =	sadd.s32 s21, s3  }
0x9d: {  	[timem:s7], [sflag:s22] =	dma.local [hbm:s5], s20  }
0x9e: {  	_ =	swait.ge [sflag:s22], s20  }
0x9f: {  	s4 =	ssub.s32 $0x0, s20;
	[sflag:s22] =	ssyncset.done $0x0  }
0xa0: {  	[sflag:s22] =	ssyncadd.s32 s4;
	_ =	sdelay $0x1  }
0xa1: {  	s23 =	simm.s32 $0x1B8B  }
0xa2: {  	_ =	swait.ge [sflag:s23], $0x1  }
0xa3: {  	[sflag:s23] =	ssyncset.done $0x0  }
0xa4: {  	s25 =	simm.s32 $0x1B8E;
	s24 =	sld [smem:$0x3FFE];
	[sflag:s23] =	ssyncadd.s32 $0xFFFFFFFF  }
0xa5: {  	s26 =	simm.s32 $execute0_lowered;
	[smem:$0x3FD2] =	sst s25  }
0xa6: {  	s5 =	sshll.u32 s26, $0x1;
	_ =	strace $0x80000055;
	[dreg:$0x1] =	wrdreg $0xFFFFFFFF  }
0xa7: {  	s28 =	simm.s32 $_size_execute0_lowered;
	s3 =	sadd.s32 s3, s5;
	[dreg:$0x0] =	wrdreg $0x0  }
0xa8: {  	s5 =	sshll.u32 s28, $0x1;
	[dreg:$0x2] =	wrdreg s3  }
0xa9: {  	[dreg:$0x3] =	wrdreg s5  }
0xaa: {  	[dreg:$0x4] =	wrdreg $0xC0  }
0xab: {  	_ =	task [dreg:s7], $0x5FFFF  }
0xac: {  	[dreg:$0x1] =	wrdreg $0xFFFFFFFF  }
0xad: {  	[dreg:$0x0] =	wrdreg $0x60  }
0xae: {  	[dreg:$0x2] =	wrdreg s2  }
0xaf: {  	[dreg:$0x3] =	wrdreg s24  }
0xb0: {  	[dreg:$0x4] =	wrdreg $0x9  }
0xb1: {  	_ =	task.clear_ibuf [dreg:s7], $0x5FFFF;
	_ =	strace $0x90000055  }
0xb2: {  	s29 =	simm.s32 $0x9;
	_ =	strace $0x80000057  }
0xb3: {  	_ =	swait.ge [sflag:s29], $0x1  }
0xb4: {  	[sflag:s29] =	ssyncadd.s32 $0xFFFFFFFF  }
0xb5: {  	_ =	strace $0x90000057  }
0xb6: {  	_ =	sfence  }
0xb7: {  	s30 =	sld [smem:$0x0];
	_ =	sdelay $0x2  }
0xb8: {  	s31 =	sshll.u32 s1, $0xD;
	s1 =	sshrl.u32 s1, $0x2  }
0xb9: {  	s3 =	sand.u32 $0x4000, s31;
	s1 =	sadd.s32 s1, s30  }
0xba: {  	s0 =	sor.u32 s3, s0;
	s1 =	sshll.u32 s1, $0x11  }
0xbb: {  	s0 =	sor.u32 s1, s0  }
0xbc: {  	s0 =	sadd.s32 $0x8F2B, s0  }
0xbd: {  	[sflag:s0] =	ssyncadd.remote.s32 $0x1  }
0xbe: {  	_ =	sfence.sel $0xFFFF  }
0xbf: {  	[dreg:$0x0] =	wrdreg $0xFFFFFFFF;
	(pc) =	sbr.abs _section_cstart, $3  }
0xc0: {  	[dreg:$0x1] =	wrdreg $0xFFFFFFFF  }
0xc1: {  	_ =	task.clear_ibuf [dreg:s7], $0x2FFFF;
	_ =	strace $0x9FFFFFFF  }
0xc2: {  	(tm) =	ssettm $0x7FFFFFFF  }
0xc3: {  	_ =	shalt  }
tec
execute0_lowered:
.L_overlay_start_1:
0x0: {  	(tag) =	ssettag $0x1  }
0x1: {  	s0 =	rddreg [dreg:$0x0]  }
0x2: {  	s9 =	rddreg [dreg:$0x1]  }
0x3: {  	s1 =	simm.s32 $0x0;
	s10 =	srdreg.scid;
	s16 =	stileid.u32  }
0x4: {  	s17 =	simm.s32 $0x1;
	s18 =	simm.s32 $0x80;
	s19 =	simm.s32 $0x50  }
0x5: {  	s20 =	simm.s32 $0x100;
	s21 =	simm.s32 $0x2900;
	s22 =	simm.s32 $0x5280  }
0x6: {  	s23 =	simm.s32 $0x18E80;
	s24 =	simm.s32 $0x19100;
	s25 =	simm.s32 $0x0  }
0x7: {  	[smem:$0x7FF] =	sst s1;
	s2 =	sadd.s32 $0x23800, s9;
	s13 =	sadd.s32 $0x4AA00, s9  }
0x8: {  	s3 =	sadd.s32 $0x71C00, s9;
	s4 =	sadd.s32 $0x12800, s9;
	s5 =	sadd.s32 $0x1E800, s9  }
0x9: {  	s12 =	sadd.s32 $0x18600, s9;
	s6 =	sadd.s32 $0x18400, s9;
	s7 =	sadd.s32 $0x7C00, s9  }
0xa: {  	s8 =	sadd.s32 $0x7E00, s9;
	s15 =	sand.u32 $0x1, s10;
	s10 =	sadd.s32 $0x98E00, s9  }
0xb: {  	s9 =	sadd.s32 $0xC0000, s9;
	s11 =	ssub.s32 $0x2, s15;
	p0 =	seq.s32 s15, $0x0  }
0xc: {  	v1 =	vlaneseq.u32;
	v2 =	vimm.f32 $0.0e+00;
	v3 =	vmov s16;
	_ =	strace $0x80000056;
	s14 =	sshrl.u32 s11, $0x1;
	s6 =	smov.u32 @p0 s12  }
0xd: {  	v4 =	vor.u32 $0x20, v1;
	v5 =	vor.u32 $0x30, v1;
	v6 =	vor.u32 $0x40, v1;
	s2 =	smov.u32 @p0 s0;
	s14 =	ssub.s32 s11, s14;
	s11 =	smul.u32 $0x271, s16  }
0xe: {  	v7 =	vor.u32 $0x50, v1;
	v8 =	vor.u32 $0x60, v1;
	v9 =	vor.u32 $0x70, v1;
	s3 =	smov.u32 @p0 s13;
	p0 =	sne.s32 s15, $0x0;
	s16 =	simm.s32 $0x5200  }
0xf: {  	vm0 =	veq.s32 v3, v1;
	v3 =	vor.u32 $0x10, v1;
	s10 =	smov.u32 @p0 s9;
	s12 =	smax.u32 s14, $0x1;
	s14 =	simm.s32 $0x2;
	v0 =	vmov s11  }
.LBB2_1:
0x10: {  	s0 =	simm.s32 $0x70;
	s9 =	simm.s32 $0x3C0  }
.LBB2_2:
0x11: {  	p1 =	sne.s32 s9, $0x4E3C0;
	[tilespmem:s0+$0x5280] =	vst v2  }
0x12: {  	[tilespmem:s0+$0x5210] =	vst v2  }
0x13: {  	[tilespmem:s0+$0x5220] =	vst v2  }
.Ltmp0:
0x14: {  	[tilespmem:s0+$0x5230] =	vst v2;
	(pc) =	sbr.rel @p1 .LBB2_2-.Ltmp0, $4  }
0x15: {  	[tilespmem:s0+$0x5240] =	vst v2  }
0x16: {  	[tilespmem:s0+$0x5250] =	vst v2  }
0x17: {  	[tilespmem:s0+$0x5260] =	vst v2  }
0x18: {  	[tilespmem:s0+$0x5270] =	vst v2;
	s0 =	sshra.s32 s9, $0x2;
	s9 =	sadd.s32 $0x200, s9  }
0x19: {  	[tilespmem:s0+$0x5280] =	vst v2  }
0x1a: {  	[tilespmem:s0+$0x5210] =	vst v2  }
0x1b: {  	[tilespmem:s0+$0x5220] =	vst v2  }
0x1c: {  	[tilespmem:s0+$0x5230] =	vst v2  }
0x1d: {  	[tilespmem:s0+$0x5240] =	vst v2  }
0x1e: {  	[tilespmem:s0+$0x5250] =	vst v2  }
0x1f: {  	[tilespmem:s0+$0x5260] =	vst v2  }
0x20: {  	[tilespmem:s0+$0x5270] =	vst v2  }
0x21: {  	[tilespmem:$0x18E80] =	vst v2  }
0x22: {  	[tilespmem:$0x18E90] =	vst v2  }
0x23: {  	[tilespmem:$0x18EA0] =	vst v2  }
0x24: {  	[tilespmem:$0x18EB0] =	vst v2  }
0x25: {  	[tilespmem:$0x18EC0] =	vst v2  }
0x26: {  	[tilespmem:$0x18ED0] =	vst v2  }
0x27: {  	[tilespmem:$0x18EE0] =	vst v2  }
0x28: {  	[tilespmem:$0x18EF0] =	vst v2  }
0x29: {  	[tilespmem:$0x18F00] =	vst v2  }
0x2a: {  	[tilespmem:$0x18F10] =	vst v2  }
0x2b: {  	[tilespmem:$0x18F20] =	vst v2  }
0x2c: {  	[tilespmem:$0x18F30] =	vst v2  }
0x2d: {  	[tilespmem:$0x18F40] =	vst v2  }
0x2e: {  	[tilespmem:$0x18F50] =	vst v2  }
0x2f: {  	[tilespmem:$0x18F60] =	vst v2  }
0x30: {  	[tilespmem:$0x18F70] =	vst v2  }
0x31: {  	[tilespmem:$0x18F80] =	vst v2  }
0x32: {  	[tilespmem:$0x18F90] =	vst v2  }
0x33: {  	[tilespmem:$0x18FA0] =	vst v2  }
0x34: {  	[tilespmem:$0x18FB0] =	vst v2  }
0x35: {  	[tilespmem:$0x18FC0] =	vst v2  }
0x36: {  	[tilespmem:$0x18FD0] =	vst v2  }
0x37: {  	[tilespmem:$0x18FE0] =	vst v2  }
0x38: {  	[tilespmem:$0x18FF0] =	vst v2  }
0x39: {  	[tilespmem:$0x19000] =	vst v2  }
0x3a: {  	[tilespmem:$0x19010] =	vst v2  }
0x3b: {  	[tilespmem:$0x19020] =	vst v2  }
0x3c: {  	[tilespmem:$0x19030] =	vst v2  }
0x3d: {  	[tilespmem:$0x19040] =	vst v2  }
0x3e: {  	[tilespmem:$0x19050] =	vst v2  }
0x3f: {  	[tilespmem:$0x19060] =	vst v2  }
0x40: {  	[tilespmem:$0x19070] =	vst v2  }
0x41: {  	[tilespmem:$0x19080] =	vst v2  }
0x42: {  	[tilespmem:$0x19090] =	vst v2  }
0x43: {  	[tilespmem:$0x190A0] =	vst v2  }
0x44: {  	[tilespmem:$0x190B0] =	vst v2  }
0x45: {  	[tilespmem:$0x190C0] =	vst v2  }
0x46: {  	[tilespmem:$0x190D0] =	vst v2  }
0x47: {  	[tilespmem:$0x190E0] =	vst v2  }
0x48: {  	s26 =	simm.s32 $0x0;
	s15 =	simm.s32 $0x5100;
	[tilespmem:$0x190F0] =	vst v2  }
0x49: {  	[tilespmem:s15], [sflag:$0x2] =	stream.linear.gather [hbm4b:s6+s26], $0x80, $0x38;
	[tilespmem:$0x1CF80] =	vst v63  }
0x4a: {  	_ =	swait.ge [sflag:s14], $0x80  }
0x4b: {  	[sflag:s14] =	ssyncset.done $0x0  }
0x4c: {  	s30 =	simm.s32 $0x5180;
	[sflag:s14] =	ssyncadd.s32 $0xFFFFFF80  }
0x4d: {  	[tilespmem:s30], [sflag:$0x2] =	stream.linear.gather [hbm4b:s7+s26], $0x80, $0x38;
	[tilespmem:$0x1CF80] =	vst v63  }
0x4e: {  	_ =	swait.ge [sflag:s14], $0x80  }
0x4f: {  	[sflag:s14] =	ssyncset.done $0x0  }
0x50: {  	[sflag:s14] =	ssyncadd.s32 $0xFFFFFF80  }
0x51: {  	[tilespmem:s16], [sflag:$0x2] =	stream.linear.gather [hbm4b:s8+s26], $0x80, $0x38;
	[tilespmem:$0x1CF80] =	vst v63  }
0x52: {  	_ =	swait.ge [sflag:s14], $0x80  }
0x53: {  	[sflag:s14] =	ssyncset.done $0x0  }
0x54: {  	[sflag:s14] =	ssyncadd.s32 $0xFFFFFF80  }
0x55: {  	v10 =	vld [tilespmem:$0x5180]  }
0x56: {  	v11 =	vld [tilespmem:$0x5200];
	_ =	sdelay $0x3  }
0x57: {  	v10 =	vnsel vm0, $0x0, v10  }
0x58: {  	(xrf0) =	vadd.scan.msk.s32 $0xffff, v10;
	v10 =	vnsel vm0, $0x0, v11  }
0x59: {  	(xrf0) =	vadd.scan.msk.s32 $0xffff, v10;
	_ =	sdelay $0x4  }
0x5a: {  	v18, _, _ =	vpop (xrf0)  }
0x5b: {  	(v2sf) =	vpush v18, $0xF;
	v19, _, _ =	vpop (xrf0)  }
0x5c: {  	(v2sf) =	vpush v19, $0xF;
	_ =	sdelay $0xd  }
0x5d: {  	s31 =	spop (v2sf)  }
0x5e: {  	s9 =	spop (v2sf);
	s28 =	sand.u32 $0xFFFFFFF8, s31  }
0x5f: {  	s0 =	ssub.s32 s9, s28  }
0x60: {  	s9 =	sadd.s32 $0x4F, s0  }
0x61: {  	s13 =	smulhi.u32 $0x66666667, s9;
	s15 =	sshra.s32 s9, $0x1F  }
0x62: {  	s15 =	smul.u32 $0x66666667, s15;
	_ =	sdelay $0x1  }
0x63: {  	s13 =	sadd.s32 s15, s13  }
0x64: {  	s15 =	sshrl.u32 s13, $0x1F;
	s13 =	sshra.s32 s13, $0x5  }
0x65: {  	s13 =	sadd.s32 s15, s13  }
0x66: {  	s15 =	smul.u32 $0xFFFFFFB0, s13  }
0x67: {  	s0 =	ssub.s32 $0xFFFFFFB1, s0  }
0x68: {  	p1 =	slt.s32 s9, $0x1;
	p2 =	sne.s32 s15, s0  }
0x69: {  	p1 =	por !p1, !p2  }
0x6a: {  	s0 =	simm.s32 $0x1;
	p1 =	por !p1, !p1  }
0x6b: {  	v12 =	vld [tilespmem:$0x5120];
	s0 =	simm.s32 @!p1 $0x0  }
0x6c: {  	v13 =	vld [tilespmem:$0x5130];
	s29 =	ssub.s32 s13, s0  }
0x6d: {  	v14 =	vld [tilespmem:$0x5140];
	p1 =	slt.s32 s29, $0x1  }
.Ltmp1:
0x6e: {  	v15 =	vld [tilespmem:$0x5150];
	(pc) =	sbr.rel @p1 .LBB2_8-.Ltmp1, $4  }
0x6f: {  	v16 =	vld [tilespmem:$0x5160]  }
0x70: {  	v17 =	vld [tilespmem:$0x5170]  }
0x71: {  	v11 =	vld [tilespmem:$0x5110]  }
0x72: {  	v10 =	vld [tilespmem:$0x5100]  }
0x73: {  	v18 =	vbroadcast v18, $0xF;
	v19 =	vbroadcast v19, $0xF;
	s30 =	simm.s32 $0x0  }
.LBB2_5:
0x74: {  	s0 =	smul.u32 $0x50, s30;
	_ =	sdelay $0x1  }
0x75: {  	s31 =	sadd.s32 s28, s0  }
0x76: {  	s0 =	sshrl.u32 s31, $0x3  }
0x77: {  	s9 =	sadd.s32 s4, s0  }
0x78: {  	[tilespmem:s26], [sflag:$0x2] =	stream.linear.gather [hbm4b:s9+s26], $0x50, $0x38;
	[tilespmem:$0x1CF80] =	vst v63  }
0x79: {  	_ =	swait.ge [sflag:s14], $0x50  }
0x7a: {  	[sflag:s14] =	ssyncset.done $0x0  }
0x7b: {  	s0 =	sadd.s32 s5, s0;
	[sflag:s14] =	ssyncadd.s32 $0xFFFFFFB0  }
0x7c: {  	[tilespmem:s18], [sflag:$0x2] =	stream.linear.gather [hbm4b:s0+s26], $0x50, $0x38;
	[tilespmem:$0x1CF80] =	vst v63  }
0x7d: {  	_ =	swait.ge [sflag:s14], $0x50  }
0x7e: {  	[sflag:s14] =	ssyncset.done $0x0  }
0x7f: {  	[sflag:s14] =	ssyncadd.s32 $0xFFFFFFB0  }
0x80: {  	[tilespmem:s20], [sflag:$0x1] =	stream.indirect.gather [hbm4b:s2+s19], $0x80, s26, s19, $0xb8;
	[tilespmem:$0x1CF80] =	vst v63  }
0x81: {  	_ = 	snop  }
0x82: {  	[tilespmem:s21], [sflag:$0x1] =	stream.indirect.gather [hbm4b:s3+s19], $0x80, s18, s19, $0xb8;
	[tilespmem:$0x1CF80] =	vst v63  }
0x83: {  	_ =	swait.ge [sflag:s17], $0x2800  }
0x84: {  	[sflag:s17] =	ssyncset.done $0x0  }
0x85: {  	[sflag:s17] =	ssyncadd.s32 $0xFFFFD800  }
0x86: {  	_ =	swait.ge [sflag:s17], $0x2800  }
0x87: {  	[sflag:s17] =	ssyncset.done $0x0  }
0x88: {  	s0 =	simm.s32 $0x140;
	[sflag:s17] =	ssyncadd.s32 $0xFFFFD800  }
0x89: {  	s9 =	simm.s32 $0x2940;
	v20 =	vld [tilespmem:s0+$0xFFFFFFC0]  }
0x8a: {  	v21 =	vld [tilespmem:s9+$0xFFFFFFC0]  }
0x8b: {  	v22 =	vld [tilespmem:s9+$0xFFFFFFD0]  }
0x8c: {  	v23 =	vld [tilespmem:s0+$0xFFFFFFD0]  }
0x8d: {  	v24 =	vld [tilespmem:s9+$0xFFFFFFE0]  }
0x8e: {  	v25 =	vld [tilespmem:s0+$0xFFFFFFE0]  }
0x8f: {  	v26 =	vld [tilespmem:s9+$0xFFFFFFF0];
	v21 =	vadd.f32 v21, v20  }
0x90: {  	v27 =	vld [tilespmem:s0+$0xFFFFFFF0]  }
0x91: {  	v29 =	vld [tilespmem:s9+$0x0];
	v22 =	vadd.f32 v22, v23;
	v28 =	vmul.f32 $2.000000030e-01, v21  }
0x92: {  	v30 =	vld [tilespmem:s0+$0x0]  }
0x93: {  	v31 =	vld [tilespmem:s9+$0x10];
	v24 =	vadd.f32 v24, v25;
	v42 =	vmul.f32 $2.000000030e-01, v22;
	v21 =	vmax.f32 v21, v28  }
0x94: {  	v32 =	vld [tilespmem:s0+$0x10];
	v21 =	vmul.f32 v21, v10  }
0x95: {  	v33 =	vld [tilespmem:s9+$0x20];
	v26 =	vadd.f32 v26, v27;
	v43 =	vmul.f32 $2.000000030e-01, v24;
	v22 =	vmax.f32 v22, v42  }
0x96: {  	v34 =	vld [tilespmem:s0+$0x20];
	v22 =	vmul.f32 v22, v11;
	v21 =	vadd.f32 $0.0e+00, v21  }
0x97: {  	v35 =	vld [tilespmem:s9+$0x30];
	v29 =	vadd.f32 v29, v30;
	v44 =	vmul.f32 $2.000000030e-01, v26;
	v24 =	vmax.f32 v24, v43  }
0x98: {  	v45 =	vld [tilespmem:s0+$0x30];
	v21 =	vadd.f32 v22, v21;
	v22 =	vmul.f32 v24, v12  }
0x99: {  	v31 =	vadd.f32 v31, v32;
	v46 =	vmul.f32 $2.000000030e-01, v29;
	v26 =	vmax.f32 v26, v44  }
0x9a: {  	v21 =	vadd.f32 v22, v21;
	v22 =	vmul.f32 v26, v13  }
0x9b: {  	v49 =	vadd.f32 v33, v34;
	v48 =	vmul.f32 $2.000000030e-01, v31;
	v47 =	vmax.f32 v29, v46  }
0x9c: {  	v21 =	vadd.f32 v22, v21;
	v22 =	vmul.f32 v47, v14  }
0x9d: {  	v52 =	vadd.f32 v35, v45;
	v51 =	vmul.f32 $2.000000030e-01, v49;
	v50 =	vmax.f32 v31, v48  }
0x9e: {  	v21 =	vadd.f32 v22, v21;
	v22 =	vmul.f32 v50, v15  }
0x9f: {  	v54 =	vmul.f32 $2.000000030e-01, v52;
	v53 =	vmax.f32 v49, v51  }
0xa0: {  	v21 =	vadd.f32 v22, v21;
	v22 =	vmul.f32 v53, v16  }
0xa1: {  	v55 =	vmax.f32 v52, v54  }
0xa2: {  	v21 =	vadd.f32 v22, v21;
	v22 =	vmul.f32 v55, v17;
	_ =	sdelay $0x1  }
0xa3: {  	v21 =	vadd.f32 v22, v21;
	_ =	sdelay $0x1  }
0xa4: {  	(xrf2) =	vadd.scan.msk.f32 $0xffff, v21;
	_ =	sdelay $0x8  }
0xa5: {  	v21 =	vmov s26  }
0xa6: {  	v22, _, _ =	vpop (xrf2)  }
0xa7: {  	v22 =	vmul.f32 $1.442695020e+00, v22;
	_ =	sdelay $0x1  }
0xa8: {  	v22 =	vbroadcast v22, $0xF  }
0xa9: {  	v21 =	vld.idx.msk [tilespmem:v21+s18+$0x0], $0xffff  }
0xaa: {  	(erf) = vpow2.f32 v22  }
0xab: {  	s13 =	sadd.s32 $0x0, s31  }
0xac: {  	v22 =	vmov s13  }
0xad: {  	vm1 =	vge.s32 v22, v18;
	vm2 =	vlt.s32 v22, v19  }
0xae: {  	v21 =	vsub.s32 v21, v0;
	vm1 =	vmand vm1, vm2  }
0xaf: {  	v21 =	vnsel vm1, $0x271, v21  }
0xb0: {  	v56 =	vshll.u32 v21, $0x7  }
0xb1: {  	v57 =	vor.u32 v1, v56  }
0xb2: {  	v58 =	vor.u32 v3, v56  }
0xb3: {  	v59 =	vor.u32 v4, v56;
	v22 =	vpop (erf)  }
0xb4: {  	v60 =	vor.u32 v5, v56;
	v20 =	vmul.f32 v22, v20  }
0xb5: {  	v61 =	vor.u32 v6, v56;
	v23 =	vmul.f32 v22, v23  }
0xb6: {  	v62 =	vor.u32 v7, v56;
	[tilespmem:v57+s22+$0x0] =	vst.idx.add.f32.msk $0xffff, v20;
	v20 =	vmul.f32 v22, v25  }
0xb7: {  	v63 =	vor.u32 v8, v56;
	[tilespmem:v58+s22+$0x0] =	vst.idx.add.f32.msk $0xffff, v23;
	v23 =	vmul.f32 v22, v27  }
0xb8: {  	v26 =	vor.u32 v9, v56;
	[tilespmem:v59+s22+$0x0] =	vst.idx.add.f32.msk $0xffff, v20;
	v20 =	vmul.f32 v22, v30  }
0xb9: {  	[tilespmem:v60+s22+$0x0] =	vst.idx.add.f32.msk $0xffff, v23;
	v23 =	vmul.f32 v22, v32  }
0xba: {  	[tilespmem:v61+s22+$0x0] =	vst.idx.add.f32.msk $0xffff, v20;
	v20 =	vmul.f32 v22, v34  }
0xbb: {  	[tilespmem:v62+s22+$0x0] =	vst.idx.add.f32.msk $0xffff, v23;
	v23 =	vmul.f32 v22, v45  }
0xbc: {  	[tilespmem:v63+s22+$0x0] =	vst.idx.add.f32.msk $0xffff, v20  }
0xbd: {  	s13 =	simm.s32 $0x1;
	[tilespmem:v26+s22+$0x0] =	vst.idx.add.f32.msk $0xffff, v23  }
.LBB2_6:
0xbe: {  	p1 =	sne.s32 s13, $0x4F;
	[tilespmem:v21+s23+$0x0] =	vst.idx.add.f32.msk $0x1, v22;
	s0 =	sadd.s32 $0x80, s0;
	s9 =	sadd.s32 $0x80, s9  }
0xbf: {  	s15 =	smov.u32 s13;
	s13 =	sadd.s32 $0x1, s13;
	v20 =	vld [tilespmem:s0+$0xFFFFFFC0]  }
0xc0: {  	v21 =	vld [tilespmem:s9+$0xFFFFFFC0]  }
0xc1: {  	v22 =	vld [tilespmem:s9+$0xFFFFFFD0]  }
0xc2: {  	v23 =	vld [tilespmem:s0+$0xFFFFFFD0]  }
0xc3: {  	v24 =	vld [tilespmem:s9+$0xFFFFFFE0]  }
0xc4: {  	v25 =	vld [tilespmem:s0+$0xFFFFFFE0]  }
0xc5: {  	v21 =	vadd.f32 v21, v20;
	v26 =	vld [tilespmem:s9+$0xFFFFFFF0]  }
0xc6: {  	v27 =	vld [tilespmem:s0+$0xFFFFFFF0]  }
0xc7: {  	v28 =	vmul.f32 $2.000000030e-01, v21;
	v22 =	vadd.f32 v22, v23;
	v29 =	vld [tilespmem:s9+$0x0]  }
0xc8: {  	v30 =	vld [tilespmem:s0+$0x0]  }
0xc9: {  	v21 =	vmax.f32 v21, v28;
	v28 =	vmul.f32 $2.000000030e-01, v22;
	v24 =	vadd.f32 v24, v25;
	v31 =	vld [tilespmem:s9+$0x10]  }
0xca: {  	v21 =	vmul.f32 v21, v10;
	v32 =	vld [tilespmem:s0+$0x10]  }
0xcb: {  	v22 =	vmax.f32 v22, v28;
	v28 =	vmul.f32 $2.000000030e-01, v24;
	v26 =	vadd.f32 v26, v27;
	v33 =	vld [tilespmem:s9+$0x20]  }
0xcc: {  	v21 =	vadd.f32 $0.0e+00, v21;
	v22 =	vmul.f32 v22, v11;
	v34 =	vld [tilespmem:s0+$0x20]  }
0xcd: {  	v24 =	vmax.f32 v24, v28;
	v28 =	vmul.f32 $2.000000030e-01, v26;
	v29 =	vadd.f32 v29, v30;
	v35 =	vld [tilespmem:s9+$0x30]  }
0xce: {  	v21 =	vadd.f32 v22, v21;
	v22 =	vmul.f32 v24, v12;
	v24 =	vld [tilespmem:s0+$0x30]  }
0xcf: {  	v26 =	vmax.f32 v26, v28;
	v28 =	vmul.f32 $2.000000030e-01, v29;
	v31 =	vadd.f32 v31, v32  }
0xd0: {  	v21 =	vadd.f32 v22, v21;
	v22 =	vmul.f32 v26, v13  }
0xd1: {  	v26 =	vmax.f32 v29, v28;
	v28 =	vmul.f32 $2.000000030e-01, v31;
	v29 =	vadd.f32 v33, v34  }
0xd2: {  	v21 =	vadd.f32 v22, v21;
	v22 =	vmul.f32 v26, v14  }
0xd3: {  	v26 =	vmax.f32 v31, v28;
	v28 =	vmul.f32 $2.000000030e-01, v29;
	v31 =	vadd.f32 v35, v24  }
0xd4: {  	v21 =	vadd.f32 v22, v21;
	v22 =	vmul.f32 v26, v15  }
0xd5: {  	v26 =	vmax.f32 v29, v28;
	v28 =	vmul.f32 $2.000000030e-01, v31  }
0xd6: {  	v21 =	vadd.f32 v22, v21;
	v22 =	vmul.f32 v26, v16  }
0xd7: {  	v26 =	vmax.f32 v31, v28  }
0xd8: {  	v21 =	vadd.f32 v22, v21;
	v22 =	vmul.f32 v26, v17;
	_ =	sdelay $0x1  }
0xd9: {  	v21 =	vadd.f32 v22, v21;
	_ =	sdelay $0x1  }
0xda: {  	(xrf2) =	vadd.scan.msk.f32 $0xffff, v21;
	_ =	sdelay $0x7  }
0xdb: {  	v21 =	vmov s15;
	_ =	sdelay $0x1  }
0xdc: {  	v22, _, _ =	vpop (xrf2)  }
0xdd: {  	v22 =	vmul.f32 $1.442695020e+00, v22;
	_ =	sdelay $0x1  }
0xde: {  	v22 =	vbroadcast v22, $0xF;
	v21 =	vld.idx.msk [tilespmem:v21+s18+$0x0], $0xffff;
	_ =	sdelay $0x1  }
0xdf: {  	(erf) = vpow2.f32 v22  }
0xe0: {  	s15 =	sadd.s32 s31, s15  }
0xe1: {  	v22 =	vmov s15  }
0xe2: {  	vm1 =	vge.s32 v22, v18;
	vm2 =	vlt.s32 v22, v19  }
0xe3: {  	vm1 =	vmand vm1, vm2;
	v21 =	vsub.s32 v21, v0  }
0xe4: {  	v21 =	vnsel vm1, $0x271, v21  }
0xe5: {  	v26 =	vshll.u32 v21, $0x7  }
0xe6: {  	v28 =	vor.u32 v1, v26  }
0xe7: {  	v29 =	vor.u32 v3, v26  }
0xe8: {  	v31 =	vor.u32 v4, v26;
	v22 =	vpop (erf)  }
0xe9: {  	v33 =	vor.u32 v5, v26;
	v20 =	vmul.f32 v22, v20  }
0xea: {  	v35 =	vor.u32 v6, v26;
	v23 =	vmul.f32 v22, v23  }
0xeb: {  	[tilespmem:v28+s22+$0x0] =	vst.idx.add.f32.msk $0xffff, v20;
	v20 =	vmul.f32 v22, v25;
	v25 =	vor.u32 v7, v26  }
0xec: {  	[tilespmem:v29+s22+$0x0] =	vst.idx.add.f32.msk $0xffff, v23;
	v23 =	vmul.f32 v22, v27;
	v27 =	vor.u32 v8, v26  }
0xed: {  	v26 =	vor.u32 v9, v26;
	[tilespmem:v31+s22+$0x0] =	vst.idx.add.f32.msk $0xffff, v20;
	v20 =	vmul.f32 v22, v30  }
.Ltmp2:
0xee: {  	[tilespmem:v33+s22+$0x0] =	vst.idx.add.f32.msk $0xffff, v23;
	v23 =	vmul.f32 v22, v32;
	(pc) =	sbr.rel @p1 .LBB2_6-.Ltmp2, $4  }
0xef: {  	[tilespmem:v35+s22+$0x0] =	vst.idx.add.f32.msk $0xffff, v20;
	v20 =	vmul.f32 v22, v34  }
0xf0: {  	[tilespmem:v25+s22+$0x0] =	vst.idx.add.f32.msk $0xffff, v23;
	v23 =	vmul.f32 v22, v24  }
0xf1: {  	[tilespmem:v27+s22+$0x0] =	vst.idx.add.f32.msk $0xffff, v20  }
0xf2: {  	[tilespmem:v26+s22+$0x0] =	vst.idx.add.f32.msk $0xffff, v23  }
0xf3: {  	s30 =	sadd.s32 $0x1, s30  }
0xf4: {  	p1 =	sne.s32 s30, s29  }
.Ltmp3:
0xf5: {  	_ = 	snop;
	(pc) =	sbr.rel @p1 .LBB2_5-.Ltmp3, $2  }
0xf6: {  	_ =	sdelay $0x2  }
0xf7: {  	[tilespmem:v21+s23+$0x0] =	vst.idx.add.f32.msk $0x1, v22  }
.LBB2_8:
0xf8: {  	s0 =	simm.s32 $0x0;
	s9 =	simm.s32 $0x52C0;
	s26 =	simm.s32 $0x0  }
.LBB2_9:
0xf9: {  	v10 =	vmov s0;
	_ =	sdelay $0x4  }
0xfa: {  	v10 =	vld.idx.msk [tilespmem:v10+s23+$0x0], $0xffff;
	_ =	sdelay $0x4  }
0xfb: {  	v11 =	vadd.f32 $1.000000020e-16, v10;
	_ =	sdelay $0x1  }
0xfc: {  	v10 =	vmov s9;
	(erf) = vrcp.f32 v11;
	_ =	sdelay $0x3  }
0xfd: {  	s28 =	simm.s32 $0x0  }
0xfe: {  	v12 =	vld.idx.msk [tilespmem:v10+s28+$0xFFFFFFC0 ss:$0x1], $0xffff;
	_ =	sdelay $0x3  }
0xff: {  	v11 =	vpop (erf)  }
0x100: {  	v12 =	vmul.f32 v12, v11;
	_ =	sdelay $0x1  }
0x101: {  	[tilespmem:s28+$0x19100] =	vst v12  }
0x102: {  	v12 =	vld.idx.msk [tilespmem:v10+s28+$0xFFFFFFD0 ss:$0x1], $0xffff;
	_ =	sdelay $0x4  }
0x103: {  	v12 =	vmul.f32 v12, v11;
	_ =	sdelay $0x1  }
0x104: {  	[tilespmem:s28+$0x19110] =	vst v12  }
0x105: {  	v12 =	vld.idx.msk [tilespmem:v10+s28+$0xFFFFFFE0 ss:$0x1], $0xffff;
	_ =	sdelay $0x4  }
0x106: {  	v12 =	vmul.f32 v12, v11;
	_ =	sdelay $0x1  }
0x107: {  	[tilespmem:s28+$0x19120] =	vst v12  }
0x108: {  	v12 =	vld.idx.msk [tilespmem:v10+s28+$0xFFFFFFF0 ss:$0x1], $0xffff;
	_ =	sdelay $0x4  }
0x109: {  	v12 =	vmul.f32 v12, v11;
	_ =	sdelay $0x1  }
0x10a: {  	[tilespmem:s28+$0x19130] =	vst v12  }
0x10b: {  	v12 =	vld.idx.msk [tilespmem:v10+s28+$0x0 ss:$0x1], $0xffff;
	_ =	sdelay $0x4  }
0x10c: {  	v12 =	vmul.f32 v12, v11;
	_ =	sdelay $0x1  }
0x10d: {  	[tilespmem:s28+$0x19140] =	vst v12  }
0x10e: {  	v12 =	vld.idx.msk [tilespmem:v10+s28+$0x10 ss:$0x1], $0xffff;
	_ =	sdelay $0x4  }
0x10f: {  	v12 =	vmul.f32 v12, v11;
	_ =	sdelay $0x1  }
0x110: {  	[tilespmem:s28+$0x19150] =	vst v12  }
0x111: {  	v12 =	vld.idx.msk [tilespmem:v10+s28+$0x20 ss:$0x1], $0xffff;
	_ =	sdelay $0x4  }
0x112: {  	v12 =	vmul.f32 v12, v11;
	_ =	sdelay $0x1  }
0x113: {  	[tilespmem:s28+$0x19160] =	vst v12  }
0x114: {  	v12 =	vld.idx.msk [tilespmem:v10+s28+$0x30 ss:$0x1], $0xffff;
	_ =	sdelay $0x1  }
0x115: {  	s30 =	sadd.s32 $0x1, s0  }
0x116: {  	s13 =	smul.u32 $0x7D, s26;
	s29 =	simm.s32 $0x200;
	s31 =	simm.s32 $0x400;
	v13 =	vmov s30  }
.LBB2_10:
0x117: {  	p1 =	sne.s32 s31, $0xF800  }
0x118: {  	v11 =	vmul.f32 v12, v11;
	_ =	sdelay $0x1  }
0x119: {  	[tilespmem:s28+$0x19170] =	vst v11  }
0x11a: {  	s28 =	sshra.s32 s29, $0x2;
	s29 =	smov.u32 s31;
	v11 =	vld.idx.msk [tilespmem:v13+s23+$0x0], $0xffff  }
0x11b: {  	v12 =	vld.idx.msk [tilespmem:v10+s28+$0xFFFFFFC0 ss:$0x1], $0xffff;
	_ =	sdelay $0x4  }
0x11c: {  	v11 =	vadd.f32 $1.000000020e-16, v11;
	_ =	sdelay $0x1  }
0x11d: {  	(erf) = vrcp.f32 v11;
	_ =	sdelay $0x8  }
0x11e: {  	v11 =	vpop (erf)  }
0x11f: {  	v12 =	vmul.f32 v12, v11;
	_ =	sdelay $0x1  }
0x120: {  	[tilespmem:s28+$0x19100] =	vst v12  }
0x121: {  	v12 =	vld.idx.msk [tilespmem:v10+s28+$0xFFFFFFD0 ss:$0x1], $0xffff;
	_ =	sdelay $0x5  }
0x122: {  	v12 =	vmul.f32 v12, v11;
	_ =	sdelay $0x1  }
0x123: {  	[tilespmem:s28+$0x19110] =	vst v12  }
0x124: {  	v12 =	vld.idx.msk [tilespmem:v10+s28+$0xFFFFFFE0 ss:$0x1], $0xffff;
	_ =	sdelay $0x5  }
0x125: {  	v12 =	vmul.f32 v12, v11;
	_ =	sdelay $0x1  }
0x126: {  	[tilespmem:s28+$0x19120] =	vst v12  }
0x127: {  	v12 =	vld.idx.msk [tilespmem:v10+s28+$0xFFFFFFF0 ss:$0x1], $0xffff;
	_ =	sdelay $0x5  }
0x128: {  	v12 =	vmul.f32 v12, v11;
	_ =	sdelay $0x1  }
0x129: {  	[tilespmem:s28+$0x19130] =	vst v12  }
0x12a: {  	v12 =	vld.idx.msk [tilespmem:v10+s28+$0x0 ss:$0x1], $0xffff;
	_ =	sdelay $0x5  }
0x12b: {  	v12 =	vmul.f32 v12, v11;
	_ =	sdelay $0x1  }
0x12c: {  	[tilespmem:s28+$0x19140] =	vst v12  }
0x12d: {  	v12 =	vld.idx.msk [tilespmem:v10+s28+$0x10 ss:$0x1], $0xffff;
	_ =	sdelay $0x5  }
0x12e: {  	v12 =	vmul.f32 v12, v11;
	_ =	sdelay $0x1  }
0x12f: {  	[tilespmem:s28+$0x19150] =	vst v12  }
0x130: {  	v12 =	vld.idx.msk [tilespmem:v10+s28+$0x20 ss:$0x1], $0xffff;
	_ =	sdelay $0x5  }
0x131: {  	v12 =	vmul.f32 v12, v11;
	_ =	sdelay $0x1  }
0x132: {  	[tilespmem:s28+$0x19160] =	vst v12  }
.Ltmp4:
0x133: {  	v12 =	vld.idx.msk [tilespmem:v10+s28+$0x30 ss:$0x1], $0xffff;
	(pc) =	sbr.rel @p1 .LBB2_10-.Ltmp4, $3  }
0x134: {  	_ =	sdelay $0x1  }
0x135: {  	s30 =	sadd.s32 $0x1, s30  }
0x136: {  	s31 =	sadd.s32 $0x200, s31;
	v13 =	vmov s30  }
0x137: {  	_ = 	snop  }
0x138: {  	v11 =	vmul.f32 v12, v11;
	_ =	sdelay $0x1  }
0x139: {  	[tilespmem:s28+$0x19170] =	vst v11  }
0x13a: {  	v11 =	vld.idx.msk [tilespmem:v13+s23+$0x0], $0xffff;
	_ =	sdelay $0x4  }
0x13b: {  	v11 =	vadd.f32 $1.000000020e-16, v11;
	_ =	sdelay $0x1  }
0x13c: {  	(erf) = vrcp.f32 v11;
	_ =	sdelay $0x3  }
0x13d: {  	s15 =	sshra.s32 s29, $0x2  }
0x13e: {  	v11 =	vld.idx.msk [tilespmem:v10+s15+$0xFFFFFFC0 ss:$0x1], $0xffff;
	_ =	sdelay $0x3  }
0x13f: {  	v63 =	vpop (erf)  }
0x140: {  	v11 =	vmul.f32 v11, v63;
	_ =	sdelay $0x1  }
0x141: {  	[tilespmem:s15+$0x19100] =	vst v11  }
0x142: {  	v11 =	vld.idx.msk [tilespmem:v10+s15+$0xFFFFFFD0 ss:$0x1], $0xffff;
	_ =	sdelay $0x4  }
0x143: {  	v11 =	vmul.f32 v11, v63;
	_ =	sdelay $0x1  }
0x144: {  	[tilespmem:s15+$0x19110] =	vst v11  }
0x145: {  	v11 =	vld.idx.msk [tilespmem:v10+s15+$0xFFFFFFE0 ss:$0x1], $0xffff;
	_ =	sdelay $0x4  }
0x146: {  	v11 =	vmul.f32 v11, v63;
	_ =	sdelay $0x1  }
0x147: {  	[tilespmem:s15+$0x19120] =	vst v11  }
0x148: {  	v11 =	vld.idx.msk [tilespmem:v10+s15+$0xFFFFFFF0 ss:$0x1], $0xffff;
	_ =	sdelay $0x4  }
0x149: {  	v11 =	vmul.f32 v11, v63;
	_ =	sdelay $0x1  }
0x14a: {  	[tilespmem:s15+$0x19130] =	vst v11  }
0x14b: {  	v11 =	vld.idx.msk [tilespmem:v10+s15+$0x0 ss:$0x1], $0xffff;
	_ =	sdelay $0x4  }
0x14c: {  	v11 =	vmul.f32 v11, v63;
	_ =	sdelay $0x1  }
0x14d: {  	[tilespmem:s15+$0x19140] =	vst v11  }
0x14e: {  	v11 =	vld.idx.msk [tilespmem:v10+s15+$0x10 ss:$0x1], $0xffff;
	_ =	sdelay $0x4  }
0x14f: {  	v11 =	vmul.f32 v11, v63;
	_ =	sdelay $0x1  }
0x150: {  	[tilespmem:s15+$0x19150] =	vst v11  }
0x151: {  	v11 =	vld.idx.msk [tilespmem:v10+s15+$0x20 ss:$0x1], $0xffff;
	_ =	sdelay $0x4  }
0x152: {  	v11 =	vmul.f32 v11, v63;
	_ =	sdelay $0x1  }
0x153: {  	[tilespmem:s15+$0x19160] =	vst v11  }
0x154: {  	v10 =	vld.idx.msk [tilespmem:v10+s15+$0x30 ss:$0x1], $0xffff;
	_ =	sdelay $0x4  }
0x155: {  	s13 =	sadd.s32 s11, s13;
	s26 =	sadd.s32 $0x1, s26;
	v10 =	vmul.f32 v10, v63  }
0x156: {  	s13 =	sshll.u32 s13, $0x4;
	p1 =	sne.s32 s26, $0x5;
	s28 =	simm.s32 @!p0 $0x3  }
.Ltmp5:
0x157: {  	s13 =	sadd.s32 s10, s13;
	s28 =	simm.s32 @p0 $0x2;
	[tilespmem:s15+$0x19170] =	vst v10;
	(pc) =	sbr.rel @p1 .LBB2_9-.Ltmp5, $4  }
0x158: {  	[hbm4b:s13+s1] =	stream.linear.scatter [tilespmem:s24], [sflag:s28], $0x3E80, $0x38;
	[tilespmem:$0x1CF80] =	vst v63  }
0x159: {  	_ =	swait.ge [sflag:s28], $0x3E80  }
0x15a: {  	[sflag:s28] =	ssyncset.done $0x0  }
0x15b: {  	s0 =	sadd.s32 $0x7D, s0;
	s9 =	sadd.s32 $0x3E80, s9;
	[sflag:s28] =	ssyncadd.s32 $0xFFFFC180  }
0x15c: {  	s25 =	sadd.s32 $0x1, s25  }
0x15d: {  	p1 =	sne.s32 s25, s12  }
.Ltmp6:
0x15e: {  	_ = 	snop;
	(pc) =	sbr.rel @p1 .LBB2_1-.Ltmp6, $1  }
0x15f: {  	_ =	sdelay $0x3  }
0x160: {  	_ =	sfence.sel $0x180000  }
0x161: {  	[bflag:$0x0] =	sbarrier.arrive $0xFFFF  }
0x162: {  	_ =	strace $0x90000056  }
0x163: {  	s0 =	stileid.u32;
	[bflag:$0x2] =	sbarrier.arrive $0xFFFF  }
0x164: {  	p0 =	sne.s32 s0, $0x0;
	s0 =	rddreg [dreg:$0x2]  }
0x165: {  	s0 =	sadd.s32 @!p0 $0x100000, s0  }
0x166: {  	[sflag:s0] =	ssyncadd.tile.s32 @!p0 $0x1;
	_ =	shalt  }
.Lfunc_end2:
_tile_overlayer_lowered:
.L_overlay_start_2:
0x167: {  	(tag) =	ssettag $0x2  }
0x168: {  	s0 =	rddreg [dreg:$0x0];
	s2 =	stileid.u32  }
0x169: {  	s1 =	rddreg [dreg:$0x1];
	p0 =	sne.s32 s2, $0x0  }
0x16a: {  	s3 =	rddreg [dreg:$0x2];
	[bflag:$0x3] =	sbarrier.arrive $0xFFFF;
	s2 =	simm.s32 @!p0 $0x1C02  }
0x16b: {  	[timem:s3], [sflag:s2] =	dma.local @!p0 [hbm:s0], s1  }
0x16c: {  	s0 =	simm.s32 @!p0 $0x2  }
0x16d: {  	_ =	swait.ge @!p0 [sflag:s0], s1  }
0x16e: {  	s1 =	ssub.s32 @!p0 $0x0, s1;
	[sflag:s0] =	ssyncset.done @!p0 $0x0  }
0x16f: {  	[sflag:s0] =	ssyncadd.s32 @!p0 s1  }
0x170: {  	[bflag:$0x3] =	sbarrier.arrive $0xFFFF  }
0x171: {  	_ =	shalt  }

</sc_bundles>
